<compile_context>
chip_gen: v7x
topology: tpu7x:2x2x1
jax: 0.10.2.dev20260603
libtpu: 0.0.44.dev20260713+nightly
codegen_flags: <defaults>
</compile_context>

<pallas_src>
import functools

import jax
import jax.numpy as jnp
from jax import lax
from jax.experimental import pallas as pl
from jax.experimental.pallas import tpu as pltpu
from jax.experimental.pallas import tpu_sc as plsc

NBINS = 20
LANES = 16
GRP = 16
NBUF = 4


def _make_sc_gather(V, E, B, nc, ns):
    nw = nc * ns
    rpw = B // nw
    mesh = plsc.VectorSubcoreMesh(core_axis_name="c", subcore_axis_name="s")

    @functools.partial(
        pl.kernel,
        mesh=mesh,
        compiler_params=pltpu.CompilerParams(needs_layout_passes=False),
        out_type=jax.ShapeDtypeStruct((E, B), jnp.float32),
        scratch_types=[
            pltpu.VMEM((rpw,), jnp.int32),
            pltpu.VMEM((NBUF * GRP * E, 128), jnp.float32),
            pltpu.VMEM((E, rpw), jnp.float32),
            pltpu.SemaphoreType.DMA,
            pltpu.SemaphoreType.DMA,
            pltpu.SemaphoreType.DMA,
            pltpu.SemaphoreType.DMA,
            pltpu.SemaphoreType.DMA,
        ],
    )
    def sc_gather(tab_t_hbm, idx_hbm, out_hbm, idx_v, slab_v, cols_v, sem_i,
                  s0, s1, s2, s3):
        sems = (s0, s1, s2, s3)
        wid = lax.axis_index("s") * nc + lax.axis_index("c")
        base = wid * rpw
        pltpu.async_copy(idx_hbm.at[pl.ds(base, rpw)], idx_v, sem_i).wait()
        lanes = lax.iota(jnp.int32, LANES)
        ngroups = rpw // GRP

        def fetch(g, parity):
            sem = sems[parity]
            chunk = idx_v[pl.ds(g * GRP, GRP)]
            tc = lax.shift_right_logical(chunk, 7)
            for j in range(GRP):
                off = pl.multiple_of(tc[j] * 128, 128)
                pltpu.async_copy(
                    tab_t_hbm.at[:, pl.ds(off, 128)],
                    slab_v.at[pl.ds((parity * GRP + j) * E, E)],
                    sem,
                )

        def drain(g, parity):
            sem = sems[parity]
            chunk = idx_v[pl.ds(g * GRP, GRP)]
            tc = lax.shift_right_logical(chunk, 7)
            for j in range(GRP):
                off = pl.multiple_of(tc[j] * 128, 128)
                pltpu.make_async_copy(
                    tab_t_hbm.at[:, pl.ds(off, 128)],
                    slab_v.at[pl.ds((parity * GRP + j) * E, E)],
                    sem,
                ).wait()

        def process(g, parity):
            chunk = idx_v[pl.ds(g * GRP, GRP)]
            lane = lax.bitwise_and(chunk, 127)
            ibase = g * GRP + lanes
            srow = parity * GRP * E
            for c in range(E):
                vals = plsc.load_gather(slab_v, [srow + lanes * E + c, lane])
                plsc.store_scatter(
                    cols_v, [jnp.full((LANES,), c, jnp.int32), ibase], vals)

        for q in range(NBUF - 1):
            fetch(q, q)

        def body(h, _):
            g0 = NBUF * h
            for q in range(NBUF):
                g = g0 + q

                @pl.when(g + NBUF - 1 < ngroups)
                def _():
                    fetch(g + NBUF - 1, (q + NBUF - 1) % NBUF)

                drain(g, q)
                process(g, q)
            return None

        lax.fori_loop(0, ngroups // NBUF, body, None)
        pltpu.sync_copy(cols_v, out_hbm.at[:, pl.ds(base, rpw)])

    return sc_gather


def _pre_body(yr_ref, rt_ref, ytab_ref, rtab_ref, w1y_ref, w1r_ref, b1_ref,
              s_t_ref):
    f32 = jnp.float32
    yb = jnp.clip(jnp.floor(yr_ref[:] * NBINS).astype(jnp.int32), 0, NBINS - 1)
    rb = jnp.clip(jnp.floor(rt_ref[:] * NBINS).astype(jnp.int32), 0, NBINS - 1)
    iota = lax.broadcasted_iota(jnp.int32, (NBINS, 1), 0)
    oh_yt = (yb == iota).astype(f32)
    oh_rt = (rb == iota).astype(f32)
    ye_t = lax.dot_general(ytab_ref[:], oh_yt, (((0,), (0,)), ((), ())),
                           preferred_element_type=f32)
    re_t = lax.dot_general(rtab_ref[:], oh_rt, (((0,), (0,)), ((), ())),
                           preferred_element_type=f32)
    zy = lax.dot_general(w1y_ref[:], ye_t, (((0,), (0,)), ((), ())),
                         preferred_element_type=f32)
    zr = lax.dot_general(w1r_ref[:], re_t, (((0,), (0,)), ((), ())),
                         preferred_element_type=f32)
    s_t_ref[:] = zy + zr + b1_ref[:]


def _post_body(ue_t_ref, s_t_ref, w1u_ref, w2_ref, b2_ref, out_ref):
    f32 = jnp.float32
    zu = lax.dot_general(w1u_ref[:], ue_t_ref[:], (((0,), (0,)), ((), ())),
                         preferred_element_type=f32)
    h = jnp.maximum(zu + s_t_ref[:], 0.0)
    out_ref[:] = lax.dot_general(w2_ref[:], h, (((0,), (0,)), ((), ())),
                                 preferred_element_type=f32) + b2_ref[:]


def kernel(user_idx, year, num_ratings, user_table, year_table, rating_table,
           W1, b1, W2, b2):
    B = user_idx.shape[0]
    V, E = user_table.shape
    H1 = W1.shape[1]
    H2 = W2.shape[1]

    info = plsc.get_sparse_core_info()
    nc, ns = info.num_cores, info.num_subcores

    idx = user_idx.astype(jnp.int32)
    ue_t = _make_sc_gather(V, E, B, nc, ns)(user_table.T, idx)

    bm = 2048
    bm2 = 8192
    grid = (B // bm,)
    s_t = pl.pallas_call(
        _pre_body,
        grid=grid,
        in_specs=[
            pl.BlockSpec((1, bm), lambda i: (0, i)),
            pl.BlockSpec((1, bm), lambda i: (0, i)),
            pl.BlockSpec((NBINS, E), lambda i: (0, 0)),
            pl.BlockSpec((NBINS, E), lambda i: (0, 0)),
            pl.BlockSpec((E, H1), lambda i: (0, 0)),
            pl.BlockSpec((E, H1), lambda i: (0, 0)),
            pl.BlockSpec((H1, 1), lambda i: (0, 0)),
        ],
        out_specs=pl.BlockSpec((H1, bm), lambda i: (0, i)),
        out_shape=jax.ShapeDtypeStruct((H1, B), jnp.float32),
    )(
        year.reshape(1, B),
        num_ratings.reshape(1, B),
        year_table,
        rating_table,
        W1[E:2 * E],
        W1[2 * E:3 * E],
        b1.reshape(H1, 1),
    )
    out_t = pl.pallas_call(
        _post_body,
        grid=(B // bm2,),
        in_specs=[
            pl.BlockSpec((E, bm2), lambda i: (0, i)),
            pl.BlockSpec((H1, bm2), lambda i: (0, i)),
            pl.BlockSpec((E, H1), lambda i: (0, 0)),
            pl.BlockSpec((H1, H2), lambda i: (0, 0)),
            pl.BlockSpec((H2, 1), lambda i: (0, 0)),
        ],
        out_specs=pl.BlockSpec((H2, bm2), lambda i: (0, i)),
        out_shape=jax.ShapeDtypeStruct((H2, B), jnp.float32),
    )(ue_t, s_t, W1[:E], W2, b2.reshape(H2, 1))
    return out_t.T

# --- scband reference (transcript-rebuilt; emitter-appended) ---
"""Pipeline reference for scband-query-model-11493332484735 (READ-ONLY COPY).

The authoritative reference and input builder live on the scoring server;
editing this copy changes nothing except your own understanding.
"""

import jax, jax.numpy as jnp
import numpy as np

VOCAB = 1_000_001  # len(unique_user_ids) + 1 (StringLookup OOV row)
YEAR_BINS = 20
EMB = 10
BATCH = 16384
LAYER_SIZES = [64, 32]


def setup_inputs(seed: int = 0) -> dict:
    key = jax.random.key(seed)
    ks = jax.random.split(key, 10)
    user_idx = jax.random.randint(ks[0], (BATCH,), 0, 1_000_000, dtype=jnp.int64 if jax.config.jax_enable_x64 else jnp.int32)
    year = jax.random.uniform(ks[1], (BATCH,), dtype=jnp.float32)
    num_ratings = jax.random.uniform(ks[2], (BATCH,), dtype=jnp.float32)
    user_table = jax.random.normal(ks[3], (VOCAB, EMB), dtype=jnp.float32) * 0.05
    year_table = jax.random.normal(ks[4], (YEAR_BINS, EMB), dtype=jnp.float32) * 0.05
    rating_table = jax.random.normal(ks[5], (YEAR_BINS, EMB), dtype=jnp.float32) * 0.05
    d_in = 3 * EMB
    W1 = jax.random.normal(ks[6], (d_in, LAYER_SIZES[0]), dtype=jnp.float32) * (1.0 / np.sqrt(d_in))
    b1 = jnp.zeros((LAYER_SIZES[0],), dtype=jnp.float32)
    W2 = jax.random.normal(ks[7], (LAYER_SIZES[0], LAYER_SIZES[1]), dtype=jnp.float32) * (1.0 / np.sqrt(LAYER_SIZES[0]))
    b2 = jnp.zeros((LAYER_SIZES[1],), dtype=jnp.float32)
    return {
        'user_idx': user_idx,
        'year': year,
        'num_ratings': num_ratings,
        'user_table': user_table,
        'year_table': year_table,
        'rating_table': rating_table,
        'W1': W1, 'b1': b1, 'W2': W2, 'b2': b2,
    }


def _bucketize(v):
    # Keras Discretization(num_bins=20) adapted on ~uniform[0,1) features:
    # approximate with uniform-width bins over [0, 1).
    return jnp.clip(jnp.floor(v * YEAR_BINS).astype(jnp.int32), 0, YEAR_BINS - 1)


def reference(user_idx, year, num_ratings, user_table, year_table, rating_table, W1, b1, W2, b2):
    # UserModel: three embedding lookups, concat on feature axis
    ue = jnp.take(user_table, user_idx, axis=0)               # [B, 10]
    ye = jnp.take(year_table, _bucketize(year), axis=0)       # [B, 10]
    re = jnp.take(rating_table, _bucketize(num_ratings), axis=0)  # [B, 10]
    feat = jnp.concatenate([ue, ye, re], axis=1)              # [B, 30]
    # QueryModel dense tower: Dense(64, relu) -> Dense(32)
    h = jax.nn.relu(feat @ W1 + b1)
    out = h @ W2 + b2
    return out

if __name__ == "__main__":
    import jax
    _d = setup_inputs()
    print(jax.jit(kernel)(*tuple(_d.values())))

</pallas_src>

<mosaic_0001>
#map = affine_map<(d0, d1) -> (0, 0)>
#map1 = affine_map<(d0, d1) -> (0)>
module attributes {stable_mosaic.version = 14 : i64} {
  func.func @sc_gather(%arg0: i32, %arg1: i32, %arg2: memref<10x1000001xf32, #tpu.memory_space<hbm>>, %arg3: memref<16384xi32, #tpu.memory_space<hbm>>, %arg4: memref<10x16384xf32, #tpu.memory_space<hbm>>, %arg5: memref<512xi32, #tpu.memory_space<vmem>>, %arg6: memref<640x128xf32, #tpu.memory_space<vmem>>, %arg7: memref<10x512xf32, #tpu.memory_space<vmem>>, %arg8: memref<!tpu.dma_semaphore, #tpu.memory_space<semaphore_mem>>, %arg9: memref<!tpu.dma_semaphore, #tpu.memory_space<semaphore_mem>>, %arg10: memref<!tpu.dma_semaphore, #tpu.memory_space<semaphore_mem>>, %arg11: memref<!tpu.dma_semaphore, #tpu.memory_space<semaphore_mem>>, %arg12: memref<!tpu.dma_semaphore, #tpu.memory_space<semaphore_mem>>) attributes {dimension_semantics = [#tpu.dimension_semantics<core_parallel>, #tpu.dimension_semantics<subcore_parallel>], iteration_bounds = array<i64: 2, 16>, scalar_prefetch = 0 : i64, scratch_operands = 8 : i64, tpu.core_type = #tpu.core_type<sc_vector_subcore>, window_params = [{transform_indices = #map}, {transform_indices = #map1}, {transform_indices = #map}]} {
    %mul3A = arith.constant 2 : i32
    %mul3A_0 = arith.muli %arg1, %mul3A : i32
    %add3A = arith.addi %mul3A_0, %arg0 : i32
    %mul3A_1 = arith.constant 512 : i32
    %mul3A_2 = arith.muli %add3A, %mul3A_1 : i32
    %dma_start3A = tpu.memref_slice %arg3[%mul3A_2] : memref<16384xi32, #tpu.memory_space<hbm>> -> memref<512xi32, #tpu.memory_space<hbm>>
    %dma_start3A_3 = tpu.memref_slice %arg3[%mul3A_2] : memref<16384xi32, #tpu.memory_space<hbm>> -> memref<512xi32, #tpu.memory_space<hbm>>
    tpu.enqueue_dma source(%dma_start3A_3 : memref<512xi32, #tpu.memory_space<hbm>>) target(%arg5 : memref<512xi32, #tpu.memory_space<vmem>>) target_semaphore(%arg8 : memref<!tpu.dma_semaphore, #tpu.memory_space<semaphore_mem>>)
    %dma_wait3A = tpu.memref_slice %arg3[%mul3A_2] : memref<16384xi32, #tpu.memory_space<hbm>> -> memref<512xi32, #tpu.memory_space<hbm>>
    %dma_wait3A_4 = tpu.memref_slice %arg3[%mul3A_2] : memref<16384xi32, #tpu.memory_space<hbm>> -> memref<512xi32, #tpu.memory_space<hbm>>
    tpu.wait_dma2 semaphore(%arg8 : memref<!tpu.dma_semaphore, #tpu.memory_space<semaphore_mem>>) src(%dma_wait3A_4 : memref<512xi32, #tpu.memory_space<hbm>>) dst(%arg5 : memref<512xi32, #tpu.memory_space<vmem>>)
    %iota3A = tpu.iota {dimensions = array<i32: 0>} : vector<16xi32>
    %get3A = arith.constant 0 : index
    %get3A_5 = tpu.vector_load %arg5[%get3A] {strides = array<i32>} : memref<512xi32, #tpu.memory_space<vmem>>, vector<16xi32>,
    %shift_right_logical3A = arith.constant 7 : i32
    %shift_right_logical3A_6 = vector.broadcast %shift_right_logical3A : i32 to vector<16xi32>
    %shift_right_logical3A_7 = arith.shrui %get3A_5, %shift_right_logical3A_6 : vector<16xi32>
    %slice3A = vector.extract_strided_slice %shift_right_logical3A_7 {offsets = [0], sizes = [1], strides = [1]} : vector<16xi32> to vector<1xi32>
    %squeeze3A = vector.extract %slice3A[0] : i32 from vector<1xi32>
    %mul3A_8 = arith.constant 128 : i32
    %mul3A_9 = arith.muli %squeeze3A, %mul3A_8 : i32
    %multiple_of3A = tpu.assume_multiple %mul3A_9, 128 : i32
    %dma_start3A_10 = arith.constant 0 : i32
    %dma_start3A_11 = arith.constant 0 : i32
    %dma_start3A_12 = tpu.memref_slice %arg6[%dma_start3A_10, %dma_start3A_11] : memref<640x128xf32, #tpu.memory_space<vmem>> -> memref<10x128xf32, #tpu.memory_space<vmem>>
    %dma_start3A_13 = arith.constant 0 : i32
    %dma_start3A_14 = tpu.memref_slice %arg2[%dma_start3A_13, %multiple_of3A] : memref<10x1000001xf32, #tpu.memory_space<hbm>> -> memref<10x128xf32, #tpu.memory_space<hbm>>
    %dma_start3A_15 = arith.constant 0 : i32
    %dma_start3A_16 = arith.constant 0 : i32
    %dma_start3A_17 = tpu.memref_slice %arg6[%dma_start3A_15, %dma_start3A_16] : memref<640x128xf32, #tpu.memory_space<vmem>> -> memref<10x128xf32, #tpu.memory_space<vmem>>
    %dma_start3A_18 = arith.constant 0 : i32
    %dma_start3A_19 = tpu.memref_slice %arg2[%dma_start3A_18, %multiple_of3A] : memref<10x1000001xf32, #tpu.memory_space<hbm>> -> memref<10x128xf32, #tpu.memory_space<hbm>>
    tpu.enqueue_dma source(%dma_start3A_19 : memref<10x128xf32, #tpu.memory_space<hbm>>) target(%dma_start3A_17 : memref<10x128xf32, #tpu.memory_space<vmem>>) target_semaphore(%arg9 : memref<!tpu.dma_semaphore, #tpu.memory_space<semaphore_mem>>)
    %slice3A_20 = vector.extract_strided_slice %shift_right_logical3A_7 {offsets = [1], sizes = [1], strides = [1]} : vector<16xi32> to vector<1xi32>
    %squeeze3A_21 = vector.extract %slice3A_20[0] : i32 from vector<1xi32>
    %mul3A_22 = arith.constant 128 : i32
    %mul3A_23 = arith.muli %squeeze3A_21, %mul3A_22 : i32
    %multiple_of3A_24 = tpu.assume_multiple %mul3A_23, 128 : i32
    %dma_start3A_25 = arith.constant 10 : i32
    %dma_start3A_26 = arith.constant 0 : i32
    %dma_start3A_27 = tpu.memref_slice %arg6[%dma_start3A_25, %dma_start3A_26] : memref<640x128xf32, #tpu.memory_space<vmem>> -> memref<10x128xf32, #tpu.memory_space<vmem>>
    %dma_start3A_28 = arith.constant 0 : i32
    %dma_start3A_29 = tpu.memref_slice %arg2[%dma_start3A_28, %multiple_of3A_24] : memref<10x1000001xf32, #tpu.memory_space<hbm>> -> memref<10x128xf32, #tpu.memory_space<hbm>>
    %dma_start3A_30 = arith.constant 10 : i32
    %dma_start3A_31 = arith.constant 0 : i32
    %dma_start3A_32 = tpu.memref_slice %arg6[%dma_start3A_30, %dma_start3A_31] : memref<640x128xf32, #tpu.memory_space<vmem>> -> memref<10x128xf32, #tpu.memory_space<vmem>>
    %dma_start3A_33 = arith.constant 0 : i32
    %dma_start3A_34 = tpu.memref_slice %arg2[%dma_start3A_33, %multiple_of3A_24] : memref<10x1000001xf32, #tpu.memory_space<hbm>> -> memref<10x128xf32, #tpu.memory_space<hbm>>
    tpu.enqueue_dma source(%dma_start3A_34 : memref<10x128xf32, #tpu.memory_space<hbm>>) target(%dma_start3A_32 : memref<10x128xf32, #tpu.memory_space<vmem>>) target_semaphore(%arg9 : memref<!tpu.dma_semaphore, #tpu.memory_space<semaphore_mem>>)
    %slice3A_35 = vector.extract_strided_slice %shift_right_logical3A_7 {offsets = [2], sizes = [1], strides = [1]} : vector<16xi32> to vector<1xi32>
    %squeeze3A_36 = vector.extract %slice3A_35[0] : i32 from vector<1xi32>
    %mul3A_37 = arith.constant 128 : i32
    %mul3A_38 = arith.muli %squeeze3A_36, %mul3A_37 : i32
    %multiple_of3A_39 = tpu.assume_multiple %mul3A_38, 128 : i32
    %dma_start3A_40 = arith.constant 20 : i32
    %dma_start3A_41 = arith.constant 0 : i32
    %dma_start3A_42 = tpu.memref_slice %arg6[%dma_start3A_40, %dma_start3A_41] : memref<640x128xf32, #tpu.memory_space<vmem>> -> memref<10x128xf32, #tpu.memory_space<vmem>>
    %dma_start3A_43 = arith.constant 0 : i32
    %dma_start3A_44 = tpu.memref_slice %arg2[%dma_start3A_43, %multiple_of3A_39] : memref<10x1000001xf32, #tpu.memory_space<hbm>> -> memref<10x128xf32, #tpu.memory_space<hbm>>
    %dma_start3A_45 = arith.constant 20 : i32
    %dma_start3A_46 = arith.constant 0 : i32
    %dma_start3A_47 = tpu.memref_slice %arg6[%dma_start3A_45, %dma_start3A_46] : memref<640x128xf32, #tpu.memory_space<vmem>> -> memref<10x128xf32, #tpu.memory_space<vmem>>
    %dma_start3A_48 = arith.constant 0 : i32
    %dma_start3A_49 = tpu.memref_slice %arg2[%dma_start3A_48, %multiple_of3A_39] : memref<10x1000001xf32, #tpu.memory_space<hbm>> -> memref<10x128xf32, #tpu.memory_space<hbm>>
    tpu.enqueue_dma source(%dma_start3A_49 : memref<10x128xf32, #tpu.memory_space<hbm>>) target(%dma_start3A_47 : memref<10x128xf32, #tpu.memory_space<vmem>>) target_semaphore(%arg9 : memref<!tpu.dma_semaphore, #tpu.memory_space<semaphore_mem>>)
    %slice3A_50 = vector.extract_strided_slice %shift_right_logical3A_7 {offsets = [3], sizes = [1], strides = [1]} : vector<16xi32> to vector<1xi32>
    %squeeze3A_51 = vector.extract %slice3A_50[0] : i32 from vector<1xi32>
    %mul3A_52 = arith.constant 128 : i32
    %mul3A_53 = arith.muli %squeeze3A_51, %mul3A_52 : i32
    %multiple_of3A_54 = tpu.assume_multiple %mul3A_53, 128 : i32
    %dma_start3A_55 = arith.constant 30 : i32
    %dma_start3A_56 = arith.constant 0 : i32
    %dma_start3A_57 = tpu.memref_slice %arg6[%dma_start3A_55, %dma_start3A_56] : memref<640x128xf32, #tpu.memory_space<vmem>> -> memref<10x128xf32, #tpu.memory_space<vmem>>
    %dma_start3A_58 = arith.constant 0 : i32
    %dma_start3A_59 = tpu.memref_slice %arg2[%dma_start3A_58, %multiple_of3A_54] : memref<10x1000001xf32, #tpu.memory_space<hbm>> -> memref<10x128xf32, #tpu.memory_space<hbm>>
    %dma_start3A_60 = arith.constant 30 : i32
    %dma_start3A_61 = arith.constant 0 : i32
    %dma_start3A_62 = tpu.memref_slice %arg6[%dma_start3A_60, %dma_start3A_61] : memref<640x128xf32, #tpu.memory_space<vmem>> -> memref<10x128xf32, #tpu.memory_space<vmem>>
    %dma_start3A_63 = arith.constant 0 : i32
    %dma_start3A_64 = tpu.memref_slice %arg2[%dma_start3A_63, %multiple_of3A_54] : memref<10x1000001xf32, #tpu.memory_space<hbm>> -> memref<10x128xf32, #tpu.memory_space<hbm>>
    tpu.enqueue_dma source(%dma_start3A_64 : memref<10x128xf32, #tpu.memory_space<hbm>>) target(%dma_start3A_62 : memref<10x128xf32, #tpu.memory_space<vmem>>) target_semaphore(%arg9 : memref<!tpu.dma_semaphore, #tpu.memory_space<semaphore_mem>>)
    %slice3A_65 = vector.extract_strided_slice %shift_right_logical3A_7 {offsets = [4], sizes = [1], strides = [1]} : vector<16xi32> to vector<1xi32>
    %squeeze3A_66 = vector.extract %slice3A_65[0] : i32 from vector<1xi32>
    %mul3A_67 = arith.constant 128 : i32
    %mul3A_68 = arith.muli %squeeze3A_66, %mul3A_67 : i32
    %multiple_of3A_69 = tpu.assume_multiple %mul3A_68, 128 : i32
    %dma_start3A_70 = arith.constant 40 : i32
    %dma_start3A_71 = arith.constant 0 : i32
    %dma_start3A_72 = tpu.memref_slice %arg6[%dma_start3A_70, %dma_start3A_71] : memref<640x128xf32, #tpu.memory_space<vmem>> -> memref<10x128xf32, #tpu.memory_space<vmem>>
    %dma_start3A_73 = arith.constant 0 : i32
    %dma_start3A_74 = tpu.memref_slice %arg2[%dma_start3A_73, %multiple_of3A_69] : memref<10x1000001xf32, #tpu.memory_space<hbm>> -> memref<10x128xf32, #tpu.memory_space<hbm>>
    %dma_start3A_75 = arith.constant 40 : i32
    %dma_start3A_76 = arith.constant 0 : i32
    %dma_start3A_77 = tpu.memref_slice %arg6[%dma_start3A_75, %dma_start3A_76] : memref<640x128xf32, #tpu.memory_space<vmem>> -> memref<10x128xf32, #tpu.memory_space<vmem>>
    %dma_start3A_78 = arith.constant 0 : i32
    %dma_start3A_79 = tpu.memref_slice %arg2[%dma_start3A_78, %multiple_of3A_69] : memref<10x1000001xf32, #tpu.memory_space<hbm>> -> memref<10x128xf32, #tpu.memory_space<hbm>>
    tpu.enqueue_dma source(%dma_start3A_79 : memref<10x128xf32, #tpu.memory_space<hbm>>) target(%dma_start3A_77 : memref<10x128xf32, #tpu.memory_space<vmem>>) target_semaphore(%arg9 : memref<!tpu.dma_semaphore, #tpu.memory_space<semaphore_mem>>)
    %slice3A_80 = vector.extract_strided_slice %shift_right_logical3A_7 {offsets = [5], sizes = [1], strides = [1]} : vector<16xi32> to vector<1xi32>
    %squeeze3A_81 = vector.extract %slice3A_80[0] : i32 from vector<1xi32>
    %mul3A_82 = arith.constant 128 : i32
    %mul3A_83 = arith.muli %squeeze3A_81, %mul3A_82 : i32
    %multiple_of3A_84 = tpu.assume_multiple %mul3A_83, 128 : i32
    %dma_start3A_85 = arith.constant 50 : i32
    %dma_start3A_86 = arith.constant 0 : i32
    %dma_start3A_87 = tpu.memref_slice %arg6[%dma_start3A_85, %dma_start3A_86] : memref<640x128xf32, #tpu.memory_space<vmem>> -> memref<10x128xf32, #tpu.memory_space<vmem>>
    %dma_start3A_88 = arith.constant 0 : i32
    %dma_start3A_89 = tpu.memref_slice %arg2[%dma_start3A_88, %multiple_of3A_84] : memref<10x1000001xf32, #tpu.memory_space<hbm>> -> memref<10x128xf32, #tpu.memory_space<hbm>>
    %dma_start3A_90 = arith.constant 50 : i32
    %dma_start3A_91 = arith.constant 0 : i32
    %dma_start3A_92 = tpu.memref_slice %arg6[%dma_start3A_90, %dma_start3A_91] : memref<640x128xf32, #tpu.memory_space<vmem>> -> memref<10x128xf32, #tpu.memory_space<vmem>>
    %dma_start3A_93 = arith.constant 0 : i32
    %dma_start3A_94 = tpu.memref_slice %arg2[%dma_start3A_93, %multiple_of3A_84] : memref<10x1000001xf32, #tpu.memory_space<hbm>> -> memref<10x128xf32, #tpu.memory_space<hbm>>
    tpu.enqueue_dma source(%dma_start3A_94 : memref<10x128xf32, #tpu.memory_space<hbm>>) target(%dma_start3A_92 : memref<10x128xf32, #tpu.memory_space<vmem>>) target_semaphore(%arg9 : memref<!tpu.dma_semaphore, #tpu.memory_space<semaphore_mem>>)
    %slice3A_95 = vector.extract_strided_slice %shift_right_logical3A_7 {offsets = [6], sizes = [1], strides = [1]} : vector<16xi32> to vector<1xi32>
    %squeeze3A_96 = vector.extract %slice3A_95[0] : i32 from vector<1xi32>
    %mul3A_97 = arith.constant 128 : i32
    %mul3A_98 = arith.muli %squeeze3A_96, %mul3A_97 : i32
    %multiple_of3A_99 = tpu.assume_multiple %mul3A_98, 128 : i32
    %dma_start3A_100 = arith.constant 60 : i32
    %dma_start3A_101 = arith.constant 0 : i32
    %dma_start3A_102 = tpu.memref_slice %arg6[%dma_start3A_100, %dma_start3A_101] : memref<640x128xf32, #tpu.memory_space<vmem>> -> memref<10x128xf32, #tpu.memory_space<vmem>>
    %dma_start3A_103 = arith.constant 0 : i32
    %dma_start3A_104 = tpu.memref_slice %arg2[%dma_start3A_103, %multiple_of3A_99] : memref<10x1000001xf32, #tpu.memory_space<hbm>> -> memref<10x128xf32, #tpu.memory_space<hbm>>
    %dma_start3A_105 = arith.constant 60 : i32
    %dma_start3A_106 = arith.constant 0 : i32
    %dma_start3A_107 = tpu.memref_slice %arg6[%dma_start3A_105, %dma_start3A_106] : memref<640x128xf32, #tpu.memory_space<vmem>> -> memref<10x128xf32, #tpu.memory_space<vmem>>
    %dma_start3A_108 = arith.constant 0 : i32
    %dma_start3A_109 = tpu.memref_slice %arg2[%dma_start3A_108, %multiple_of3A_99] : memref<10x1000001xf32, #tpu.memory_space<hbm>> -> memref<10x128xf32, #tpu.memory_space<hbm>>
    tpu.enqueue_dma source(%dma_start3A_109 : memref<10x128xf32, #tpu.memory_space<hbm>>) target(%dma_start3A_107 : memref<10x128xf32, #tpu.memory_space<vmem>>) target_semaphore(%arg9 : memref<!tpu.dma_semaphore, #tpu.memory_space<semaphore_mem>>)
    %slice3A_110 = vector.extract_strided_slice %shift_right_logical3A_7 {offsets = [7], sizes = [1], strides = [1]} : vector<16xi32> to vector<1xi32>
    %squeeze3A_111 = vector.extract %slice3A_110[0] : i32 from vector<1xi32>
    %mul3A_112 = arith.constant 128 : i32
    %mul3A_113 = arith.muli %squeeze3A_111, %mul3A_112 : i32
    %multiple_of3A_114 = tpu.assume_multiple %mul3A_113, 128 : i32
    %dma_start3A_115 = arith.constant 70 : i32
    %dma_start3A_116 = arith.constant 0 : i32
    %dma_start3A_117 = tpu.memref_slice %arg6[%dma_start3A_115, %dma_start3A_116] : memref<640x128xf32, #tpu.memory_space<vmem>> -> memref<10x128xf32, #tpu.memory_space<vmem>>
    %dma_start3A_118 = arith.constant 0 : i32
    %dma_start3A_119 = tpu.memref_slice %arg2[%dma_start3A_118, %multiple_of3A_114] : memref<10x1000001xf32, #tpu.memory_space<hbm>> -> memref<10x128xf32, #tpu.memory_space<hbm>>
    %dma_start3A_120 = arith.constant 70 : i32
    %dma_start3A_121 = arith.constant 0 : i32
    %dma_start3A_122 = tpu.memref_slice %arg6[%dma_start3A_120, %dma_start3A_121] : memref<640x128xf32, #tpu.memory_space<vmem>> -> memref<10x128xf32, #tpu.memory_space<vmem>>
    %dma_start3A_123 = arith.constant 0 : i32
    %dma_start3A_124 = tpu.memref_slice %arg2[%dma_start3A_123, %multiple_of3A_114] : memref<10x1000001xf32, #tpu.memory_space<hbm>> -> memref<10x128xf32, #tpu.memory_space<hbm>>
    tpu.enqueue_dma source(%dma_start3A_124 : memref<10x128xf32, #tpu.memory_space<hbm>>) target(%dma_start3A_122 : memref<10x128xf32, #tpu.memory_space<vmem>>) target_semaphore(%arg9 : memref<!tpu.dma_semaphore, #tpu.memory_space<semaphore_mem>>)
    %slice3A_125 = vector.extract_strided_slice %shift_right_logical3A_7 {offsets = [8], sizes = [1], strides = [1]} : vector<16xi32> to vector<1xi32>
    %squeeze3A_126 = vector.extract %slice3A_125[0] : i32 from vector<1xi32>
    %mul3A_127 = arith.constant 128 : i32
    %mul3A_128 = arith.muli %squeeze3A_126, %mul3A_127 : i32
    %multiple_of3A_129 = tpu.assume_multiple %mul3A_128, 128 : i32
    %dma_start3A_130 = arith.constant 80 : i32
    %dma_start3A_131 = arith.constant 0 : i32
    %dma_start3A_132 = tpu.memref_slice %arg6[%dma_start3A_130, %dma_start3A_131] : memref<640x128xf32, #tpu.memory_space<vmem>> -> memref<10x128xf32, #tpu.memory_space<vmem>>
    %dma_start3A_133 = arith.constant 0 : i32
    %dma_start3A_134 = tpu.memref_slice %arg2[%dma_start3A_133, %multiple_of3A_129] : memref<10x1000001xf32, #tpu.memory_space<hbm>> -> memref<10x128xf32, #tpu.memory_space<hbm>>
    %dma_start3A_135 = arith.constant 80 : i32
    %dma_start3A_136 = arith.constant 0 : i32
    %dma_start3A_137 = tpu.memref_slice %arg6[%dma_start3A_135, %dma_start3A_136] : memref<640x128xf32, #tpu.memory_space<vmem>> -> memref<10x128xf32, #tpu.memory_space<vmem>>
    %dma_start3A_138 = arith.constant 0 : i32
    %dma_start3A_139 = tpu.memref_slice %arg2[%dma_start3A_138, %multiple_of3A_129] : memref<10x1000001xf32, #tpu.memory_space<hbm>> -> memref<10x128xf32, #tpu.memory_space<hbm>>
    tpu.enqueue_dma source(%dma_start3A_139 : memref<10x128xf32, #tpu.memory_space<hbm>>) target(%dma_start3A_137 : memref<10x128xf32, #tpu.memory_space<vmem>>) target_semaphore(%arg9 : memref<!tpu.dma_semaphore, #tpu.memory_space<semaphore_mem>>)
    %slice3A_140 = vector.extract_strided_slice %shift_right_logical3A_7 {offsets = [9], sizes = [1], strides = [1]} : vector<16xi32> to vector<1xi32>
    %squeeze3A_141 = vector.extract %slice3A_140[0] : i32 from vector<1xi32>
    %mul3A_142 = arith.constant 128 : i32
    %mul3A_143 = arith.muli %squeeze3A_141, %mul3A_142 : i32
    %multiple_of3A_144 = tpu.assume_multiple %mul3A_143, 128 : i32
    %dma_start3A_145 = arith.constant 90 : i32
    %dma_start3A_146 = arith.constant 0 : i32
    %dma_start3A_147 = tpu.memref_slice %arg6[%dma_start3A_145, %dma_start3A_146] : memref<640x128xf32, #tpu.memory_space<vmem>> -> memref<10x128xf32, #tpu.memory_space<vmem>>
    %dma_start3A_148 = arith.constant 0 : i32
    %dma_start3A_149 = tpu.memref_slice %arg2[%dma_start3A_148, %multiple_of3A_144] : memref<10x1000001xf32, #tpu.memory_space<hbm>> -> memref<10x128xf32, #tpu.memory_space<hbm>>
    %dma_start3A_150 = arith.constant 90 : i32
    %dma_start3A_151 = arith.constant 0 : i32
    %dma_start3A_152 = tpu.memref_slice %arg6[%dma_start3A_150, %dma_start3A_151] : memref<640x128xf32, #tpu.memory_space<vmem>> -> memref<10x128xf32, #tpu.memory_space<vmem>>
    %dma_start3A_153 = arith.constant 0 : i32
    %dma_start3A_154 = tpu.memref_slice %arg2[%dma_start3A_153, %multiple_of3A_144] : memref<10x1000001xf32, #tpu.memory_space<hbm>> -> memref<10x128xf32, #tpu.memory_space<hbm>>
    tpu.enqueue_dma source(%dma_start3A_154 : memref<10x128xf32, #tpu.memory_space<hbm>>) target(%dma_start3A_152 : memref<10x128xf32, #tpu.memory_space<vmem>>) target_semaphore(%arg9 : memref<!tpu.dma_semaphore, #tpu.memory_space<semaphore_mem>>)
    %slice3A_155 = vector.extract_strided_slice %shift_right_logical3A_7 {offsets = [10], sizes = [1], strides = [1]} : vector<16xi32> to vector<1xi32>
    %squeeze3A_156 = vector.extract %slice3A_155[0] : i32 from vector<1xi32>
    %mul3A_157 = arith.constant 128 : i32
    %mul3A_158 = arith.muli %squeeze3A_156, %mul3A_157 : i32
    %multiple_of3A_159 = tpu.assume_multiple %mul3A_158, 128 : i32
    %dma_start3A_160 = arith.constant 100 : i32
    %dma_start3A_161 = arith.constant 0 : i32
    %dma_start3A_162 = tpu.memref_slice %arg6[%dma_start3A_160, %dma_start3A_161] : memref<640x128xf32, #tpu.memory_space<vmem>> -> memref<10x128xf32, #tpu.memory_space<vmem>>
    %dma_start3A_163 = arith.constant 0 : i32
    %dma_start3A_164 = tpu.memref_slice %arg2[%dma_start3A_163, %multiple_of3A_159] : memref<10x1000001xf32, #tpu.memory_space<hbm>> -> memref<10x128xf32, #tpu.memory_space<hbm>>
    %dma_start3A_165 = arith.constant 100 : i32
    %dma_start3A_166 = arith.constant 0 : i32
    %dma_start3A_167 = tpu.memref_slice %arg6[%dma_start3A_165, %dma_start3A_166] : memref<640x128xf32, #tpu.memory_space<vmem>> -> memref<10x128xf32, #tpu.memory_space<vmem>>
    %dma_start3A_168 = arith.constant 0 : i32
    %dma_start3A_169 = tpu.memref_slice %arg2[%dma_start3A_168, %multiple_of3A_159] : memref<10x1000001xf32, #tpu.memory_space<hbm>> -> memref<10x128xf32, #tpu.memory_space<hbm>>
    tpu.enqueue_dma source(%dma_start3A_169 : memref<10x128xf32, #tpu.memory_space<hbm>>) target(%dma_start3A_167 : memref<10x128xf32, #tpu.memory_space<vmem>>) target_semaphore(%arg9 : memref<!tpu.dma_semaphore, #tpu.memory_space<semaphore_mem>>)
    %slice3A_170 = vector.extract_strided_slice %shift_right_logical3A_7 {offsets = [11], sizes = [1], strides = [1]} : vector<16xi32> to vector<1xi32>
    %squeeze3A_171 = vector.extract %slice3A_170[0] : i32 from vector<1xi32>
    %mul3A_172 = arith.constant 128 : i32
    %mul3A_173 = arith.muli %squeeze3A_171, %mul3A_172 : i32
    %multiple_of3A_174 = tpu.assume_multiple %mul3A_173, 128 : i32
    %dma_start3A_175 = arith.constant 110 : i32
    %dma_start3A_176 = arith.constant 0 : i32
    %dma_start3A_177 = tpu.memref_slice %arg6[%dma_start3A_175, %dma_start3A_176] : memref<640x128xf32, #tpu.memory_space<vmem>> -> memref<10x128xf32, #tpu.memory_space<vmem>>
    %dma_start3A_178 = arith.constant 0 : i32
    %dma_start3A_179 = tpu.memref_slice %arg2[%dma_start3A_178, %multiple_of3A_174] : memref<10x1000001xf32, #tpu.memory_space<hbm>> -> memref<10x128xf32, #tpu.memory_space<hbm>>
    %dma_start3A_180 = arith.constant 110 : i32
    %dma_start3A_181 = arith.constant 0 : i32
    %dma_start3A_182 = tpu.memref_slice %arg6[%dma_start3A_180, %dma_start3A_181] : memref<640x128xf32, #tpu.memory_space<vmem>> -> memref<10x128xf32, #tpu.memory_space<vmem>>
    %dma_start3A_183 = arith.constant 0 : i32
    %dma_start3A_184 = tpu.memref_slice %arg2[%dma_start3A_183, %multiple_of3A_174] : memref<10x1000001xf32, #tpu.memory_space<hbm>> -> memref<10x128xf32, #tpu.memory_space<hbm>>
    tpu.enqueue_dma source(%dma_start3A_184 : memref<10x128xf32, #tpu.memory_space<hbm>>) target(%dma_start3A_182 : memref<10x128xf32, #tpu.memory_space<vmem>>) target_semaphore(%arg9 : memref<!tpu.dma_semaphore, #tpu.memory_space<semaphore_mem>>)
    %slice3A_185 = vector.extract_strided_slice %shift_right_logical3A_7 {offsets = [12], sizes = [1], strides = [1]} : vector<16xi32> to vector<1xi32>
    %squeeze3A_186 = vector.extract %slice3A_185[0] : i32 from vector<1xi32>
    %mul3A_187 = arith.constant 128 : i32
    %mul3A_188 = arith.muli %squeeze3A_186, %mul3A_187 : i32
    %multiple_of3A_189 = tpu.assume_multiple %mul3A_188, 128 : i32
    %dma_start3A_190 = arith.constant 120 : i32
    %dma_start3A_191 = arith.constant 0 : i32
    %dma_start3A_192 = tpu.memref_slice %arg6[%dma_start3A_190, %dma_start3A_191] : memref<640x128xf32, #tpu.memory_space<vmem>> -> memref<10x128xf32, #tpu.memory_space<vmem>>
    %dma_start3A_193 = arith.constant 0 : i32
    %dma_start3A_194 = tpu.memref_slice %arg2[%dma_start3A_193, %multiple_of3A_189] : memref<10x1000001xf32, #tpu.memory_space<hbm>> -> memref<10x128xf32, #tpu.memory_space<hbm>>
    %dma_start3A_195 = arith.constant 120 : i32
    %dma_start3A_196 = arith.constant 0 : i32
    %dma_start3A_197 = tpu.memref_slice %arg6[%dma_start3A_195, %dma_start3A_196] : memref<640x128xf32, #tpu.memory_space<vmem>> -> memref<10x128xf32, #tpu.memory_space<vmem>>
    %dma_start3A_198 = arith.constant 0 : i32
    %dma_start3A_199 = tpu.memref_slice %arg2[%dma_start3A_198, %multiple_of3A_189] : memref<10x1000001xf32, #tpu.memory_space<hbm>> -> memref<10x128xf32, #tpu.memory_space<hbm>>
    tpu.enqueue_dma source(%dma_start3A_199 : memref<10x128xf32, #tpu.memory_space<hbm>>) target(%dma_start3A_197 : memref<10x128xf32, #tpu.memory_space<vmem>>) target_semaphore(%arg9 : memref<!tpu.dma_semaphore, #tpu.memory_space<semaphore_mem>>)
    %slice3A_200 = vector.extract_strided_slice %shift_right_logical3A_7 {offsets = [13], sizes = [1], strides = [1]} : vector<16xi32> to vector<1xi32>
    %squeeze3A_201 = vector.extract %slice3A_200[0] : i32 from vector<1xi32>
    %mul3A_202 = arith.constant 128 : i32
    %mul3A_203 = arith.muli %squeeze3A_201, %mul3A_202 : i32
    %multiple_of3A_204 = tpu.assume_multiple %mul3A_203, 128 : i32
    %dma_start3A_205 = arith.constant 130 : i32
    %dma_start3A_206 = arith.constant 0 : i32
    %dma_start3A_207 = tpu.memref_slice %arg6[%dma_start3A_205, %dma_start3A_206] : memref<640x128xf32, #tpu.memory_space<vmem>> -> memref<10x128xf32, #tpu.memory_space<vmem>>
    %dma_start3A_208 = arith.constant 0 : i32
    %dma_start3A_209 = tpu.memref_slice %arg2[%dma_start3A_208, %multiple_of3A_204] : memref<10x1000001xf32, #tpu.memory_space<hbm>> -> memref<10x128xf32, #tpu.memory_space<hbm>>
    %dma_start3A_210 = arith.constant 130 : i32
    %dma_start3A_211 = arith.constant 0 : i32
    %dma_start3A_212 = tpu.memref_slice %arg6[%dma_start3A_210, %dma_start3A_211] : memref<640x128xf32, #tpu.memory_space<vmem>> -> memref<10x128xf32, #tpu.memory_space<vmem>>
    %dma_start3A_213 = arith.constant 0 : i32
    %dma_start3A_214 = tpu.memref_slice %arg2[%dma_start3A_213, %multiple_of3A_204] : memref<10x1000001xf32, #tpu.memory_space<hbm>> -> memref<10x128xf32, #tpu.memory_space<hbm>>
    tpu.enqueue_dma source(%dma_start3A_214 : memref<10x128xf32, #tpu.memory_space<hbm>>) target(%dma_start3A_212 : memref<10x128xf32, #tpu.memory_space<vmem>>) target_semaphore(%arg9 : memref<!tpu.dma_semaphore, #tpu.memory_space<semaphore_mem>>)
    %slice3A_215 = vector.extract_strided_slice %shift_right_logical3A_7 {offsets = [14], sizes = [1], strides = [1]} : vector<16xi32> to vector<1xi32>
    %squeeze3A_216 = vector.extract %slice3A_215[0] : i32 from vector<1xi32>
    %mul3A_217 = arith.constant 128 : i32
    %mul3A_218 = arith.muli %squeeze3A_216, %mul3A_217 : i32
    %multiple_of3A_219 = tpu.assume_multiple %mul3A_218, 128 : i32
    %dma_start3A_220 = arith.constant 140 : i32
    %dma_start3A_221 = arith.constant 0 : i32
    %dma_start3A_222 = tpu.memref_slice %arg6[%dma_start3A_220, %dma_start3A_221] : memref<640x128xf32, #tpu.memory_space<vmem>> -> memref<10x128xf32, #tpu.memory_space<vmem>>
    %dma_start3A_223 = arith.constant 0 : i32
    %dma_start3A_224 = tpu.memref_slice %arg2[%dma_start3A_223, %multiple_of3A_219] : memref<10x1000001xf32, #tpu.memory_space<hbm>> -> memref<10x128xf32, #tpu.memory_space<hbm>>
    %dma_start3A_225 = arith.constant 140 : i32
    %dma_start3A_226 = arith.constant 0 : i32
    %dma_start3A_227 = tpu.memref_slice %arg6[%dma_start3A_225, %dma_start3A_226] : memref<640x128xf32, #tpu.memory_space<vmem>> -> memref<10x128xf32, #tpu.memory_space<vmem>>
    %dma_start3A_228 = arith.constant 0 : i32
    %dma_start3A_229 = tpu.memref_slice %arg2[%dma_start3A_228, %multiple_of3A_219] : memref<10x1000001xf32, #tpu.memory_space<hbm>> -> memref<10x128xf32, #tpu.memory_space<hbm>>
    tpu.enqueue_dma source(%dma_start3A_229 : memref<10x128xf32, #tpu.memory_space<hbm>>) target(%dma_start3A_227 : memref<10x128xf32, #tpu.memory_space<vmem>>) target_semaphore(%arg9 : memref<!tpu.dma_semaphore, #tpu.memory_space<semaphore_mem>>)
    %slice3A_230 = vector.extract_strided_slice %shift_right_logical3A_7 {offsets = [15], sizes = [1], strides = [1]} : vector<16xi32> to vector<1xi32>
    %squeeze3A_231 = vector.extract %slice3A_230[0] : i32 from vector<1xi32>
    %mul3A_232 = arith.constant 128 : i32
    %mul3A_233 = arith.muli %squeeze3A_231, %mul3A_232 : i32
    %multiple_of3A_234 = tpu.assume_multiple %mul3A_233, 128 : i32
    %dma_start3A_235 = arith.constant 150 : i32
    %dma_start3A_236 = arith.constant 0 : i32
    %dma_start3A_237 = tpu.memref_slice %arg6[%dma_start3A_235, %dma_start3A_236] : memref<640x128xf32, #tpu.memory_space<vmem>> -> memref<10x128xf32, #tpu.memory_space<vmem>>
    %dma_start3A_238 = arith.constant 0 : i32
    %dma_start3A_239 = tpu.memref_slice %arg2[%dma_start3A_238, %multiple_of3A_234] : memref<10x1000001xf32, #tpu.memory_space<hbm>> -> memref<10x128xf32, #tpu.memory_space<hbm>>
    %dma_start3A_240 = arith.constant 150 : i32
    %dma_start3A_241 = arith.constant 0 : i32
    %dma_start3A_242 = tpu.memref_slice %arg6[%dma_start3A_240, %dma_start3A_241] : memref<640x128xf32, #tpu.memory_space<vmem>> -> memref<10x128xf32, #tpu.memory_space<vmem>>
    %dma_start3A_243 = arith.constant 0 : i32
    %dma_start3A_244 = tpu.memref_slice %arg2[%dma_start3A_243, %multiple_of3A_234] : memref<10x1000001xf32, #tpu.memory_space<hbm>> -> memref<10x128xf32, #tpu.memory_space<hbm>>
    tpu.enqueue_dma source(%dma_start3A_244 : memref<10x128xf32, #tpu.memory_space<hbm>>) target(%dma_start3A_242 : memref<10x128xf32, #tpu.memory_space<vmem>>) target_semaphore(%arg9 : memref<!tpu.dma_semaphore, #tpu.memory_space<semaphore_mem>>)
    %get3A_245 = arith.constant 16 : index
    %get3A_246 = tpu.vector_load %arg5[%get3A_245] {strides = array<i32>} : memref<512xi32, #tpu.memory_space<vmem>>, vector<16xi32>,
    %shift_right_logical3A_247 = arith.constant 7 : i32
    %shift_right_logical3A_248 = vector.broadcast %shift_right_logical3A_247 : i32 to vector<16xi32>
    %shift_right_logical3A_249 = arith.shrui %get3A_246, %shift_right_logical3A_248 : vector<16xi32>
    %slice3A_250 = vector.extract_strided_slice %shift_right_logical3A_249 {offsets = [0], sizes = [1], strides = [1]} : vector<16xi32> to vector<1xi32>
    %squeeze3A_251 = vector.extract %slice3A_250[0] : i32 from vector<1xi32>
    %mul3A_252 = arith.constant 128 : i32
    %mul3A_253 = arith.muli %squeeze3A_251, %mul3A_252 : i32
    %multiple_of3A_254 = tpu.assume_multiple %mul3A_253, 128 : i32
    %dma_start3A_255 = arith.constant 160 : i32
    %dma_start3A_256 = arith.constant 0 : i32
    %dma_start3A_257 = tpu.memref_slice %arg6[%dma_start3A_255, %dma_start3A_256] : memref<640x128xf32, #tpu.memory_space<vmem>> -> memref<10x128xf32, #tpu.memory_space<vmem>>
    %dma_start3A_258 = arith.constant 0 : i32
    %dma_start3A_259 = tpu.memref_slice %arg2[%dma_start3A_258, %multiple_of3A_254] : memref<10x1000001xf32, #tpu.memory_space<hbm>> -> memref<10x128xf32, #tpu.memory_space<hbm>>
    %dma_start3A_260 = arith.constant 160 : i32
    %dma_start3A_261 = arith.constant 0 : i32
    %dma_start3A_262 = tpu.memref_slice %arg6[%dma_start3A_260, %dma_start3A_261] : memref<640x128xf32, #tpu.memory_space<vmem>> -> memref<10x128xf32, #tpu.memory_space<vmem>>
    %dma_start3A_263 = arith.constant 0 : i32
    %dma_start3A_264 = tpu.memref_slice %arg2[%dma_start3A_263, %multiple_of3A_254] : memref<10x1000001xf32, #tpu.memory_space<hbm>> -> memref<10x128xf32, #tpu.memory_space<hbm>>
    tpu.enqueue_dma source(%dma_start3A_264 : memref<10x128xf32, #tpu.memory_space<hbm>>) target(%dma_start3A_262 : memref<10x128xf32, #tpu.memory_space<vmem>>) target_semaphore(%arg10 : memref<!tpu.dma_semaphore, #tpu.memory_space<semaphore_mem>>)
    %slice3A_265 = vector.extract_strided_slice %shift_right_logical3A_249 {offsets = [1], sizes = [1], strides = [1]} : vector<16xi32> to vector<1xi32>
    %squeeze3A_266 = vector.extract %slice3A_265[0] : i32 from vector<1xi32>
    %mul3A_267 = arith.constant 128 : i32
    %mul3A_268 = arith.muli %squeeze3A_266, %mul3A_267 : i32
    %multiple_of3A_269 = tpu.assume_multiple %mul3A_268, 128 : i32
    %dma_start3A_270 = arith.constant 170 : i32
    %dma_start3A_271 = arith.constant 0 : i32
    %dma_start3A_272 = tpu.memref_slice %arg6[%dma_start3A_270, %dma_start3A_271] : memref<640x128xf32, #tpu.memory_space<vmem>> -> memref<10x128xf32, #tpu.memory_space<vmem>>
    %dma_start3A_273 = arith.constant 0 : i32
    %dma_start3A_274 = tpu.memref_slice %arg2[%dma_start3A_273, %multiple_of3A_269] : memref<10x1000001xf32, #tpu.memory_space<hbm>> -> memref<10x128xf32, #tpu.memory_space<hbm>>
    %dma_start3A_275 = arith.constant 170 : i32
    %dma_start3A_276 = arith.constant 0 : i32
    %dma_start3A_277 = tpu.memref_slice %arg6[%dma_start3A_275, %dma_start3A_276] : memref<640x128xf32, #tpu.memory_space<vmem>> -> memref<10x128xf32, #tpu.memory_space<vmem>>
    %dma_start3A_278 = arith.constant 0 : i32
    %dma_start3A_279 = tpu.memref_slice %arg2[%dma_start3A_278, %multiple_of3A_269] : memref<10x1000001xf32, #tpu.memory_space<hbm>> -> memref<10x128xf32, #tpu.memory_space<hbm>>
    tpu.enqueue_dma source(%dma_start3A_279 : memref<10x128xf32, #tpu.memory_space<hbm>>) target(%dma_start3A_277 : memref<10x128xf32, #tpu.memory_space<vmem>>) target_semaphore(%arg10 : memref<!tpu.dma_semaphore, #tpu.memory_space<semaphore_mem>>)
    %slice3A_280 = vector.extract_strided_slice %shift_right_logical3A_249 {offsets = [2], sizes = [1], strides = [1]} : vector<16xi32> to vector<1xi32>
    %squeeze3A_281 = vector.extract %slice3A_280[0] : i32 from vector<1xi32>
    %mul3A_282 = arith.constant 128 : i32
    %mul3A_283 = arith.muli %squeeze3A_281, %mul3A_282 : i32
    %multiple_of3A_284 = tpu.assume_multiple %mul3A_283, 128 : i32
    %dma_start3A_285 = arith.constant 180 : i32
    %dma_start3A_286 = arith.constant 0 : i32
    %dma_start3A_287 = tpu.memref_slice %arg6[%dma_start3A_285, %dma_start3A_286] : memref<640x128xf32, #tpu.memory_space<vmem>> -> memref<10x128xf32, #tpu.memory_space<vmem>>
    %dma_start3A_288 = arith.constant 0 : i32
    %dma_start3A_289 = tpu.memref_slice %arg2[%dma_start3A_288, %multiple_of3A_284] : memref<10x1000001xf32, #tpu.memory_space<hbm>> -> memref<10x128xf32, #tpu.memory_space<hbm>>
    %dma_start3A_290 = arith.constant 180 : i32
    %dma_start3A_291 = arith.constant 0 : i32
    %dma_start3A_292 = tpu.memref_slice %arg6[%dma_start3A_290, %dma_start3A_291] : memref<640x128xf32, #tpu.memory_space<vmem>> -> memref<10x128xf32, #tpu.memory_space<vmem>>
    %dma_start3A_293 = arith.constant 0 : i32
    %dma_start3A_294 = tpu.memref_slice %arg2[%dma_start3A_293, %multiple_of3A_284] : memref<10x1000001xf32, #tpu.memory_space<hbm>> -> memref<10x128xf32, #tpu.memory_space<hbm>>
    tpu.enqueue_dma source(%dma_start3A_294 : memref<10x128xf32, #tpu.memory_space<hbm>>) target(%dma_start3A_292 : memref<10x128xf32, #tpu.memory_space<vmem>>) target_semaphore(%arg10 : memref<!tpu.dma_semaphore, #tpu.memory_space<semaphore_mem>>)
    %slice3A_295 = vector.extract_strided_slice %shift_right_logical3A_249 {offsets = [3], sizes = [1], strides = [1]} : vector<16xi32> to vector<1xi32>
    %squeeze3A_296 = vector.extract %slice3A_295[0] : i32 from vector<1xi32>
    %mul3A_297 = arith.constant 128 : i32
    %mul3A_298 = arith.muli %squeeze3A_296, %mul3A_297 : i32
    %multiple_of3A_299 = tpu.assume_multiple %mul3A_298, 128 : i32
    %dma_start3A_300 = arith.constant 190 : i32
    %dma_start3A_301 = arith.constant 0 : i32
    %dma_start3A_302 = tpu.memref_slice %arg6[%dma_start3A_300, %dma_start3A_301] : memref<640x128xf32, #tpu.memory_space<vmem>> -> memref<10x128xf32, #tpu.memory_space<vmem>>
    %dma_start3A_303 = arith.constant 0 : i32
    %dma_start3A_304 = tpu.memref_slice %arg2[%dma_start3A_303, %multiple_of3A_299] : memref<10x1000001xf32, #tpu.memory_space<hbm>> -> memref<10x128xf32, #tpu.memory_space<hbm>>
    %dma_start3A_305 = arith.constant 190 : i32
    %dma_start3A_306 = arith.constant 0 : i32
    %dma_start3A_307 = tpu.memref_slice %arg6[%dma_start3A_305, %dma_start3A_306] : memref<640x128xf32, #tpu.memory_space<vmem>> -> memref<10x128xf32, #tpu.memory_space<vmem>>
    %dma_start3A_308 = arith.constant 0 : i32
    %dma_start3A_309 = tpu.memref_slice %arg2[%dma_start3A_308, %multiple_of3A_299] : memref<10x1000001xf32, #tpu.memory_space<hbm>> -> memref<10x128xf32, #tpu.memory_space<hbm>>
    tpu.enqueue_dma source(%dma_start3A_309 : memref<10x128xf32, #tpu.memory_space<hbm>>) target(%dma_start3A_307 : memref<10x128xf32, #tpu.memory_space<vmem>>) target_semaphore(%arg10 : memref<!tpu.dma_semaphore, #tpu.memory_space<semaphore_mem>>)
    %slice3A_310 = vector.extract_strided_slice %shift_right_logical3A_249 {offsets = [4], sizes = [1], strides = [1]} : vector<16xi32> to vector<1xi32>
    %squeeze3A_311 = vector.extract %slice3A_310[0] : i32 from vector<1xi32>
    %mul3A_312 = arith.constant 128 : i32
    %mul3A_313 = arith.muli %squeeze3A_311, %mul3A_312 : i32
    %multiple_of3A_314 = tpu.assume_multiple %mul3A_313, 128 : i32
    %dma_start3A_315 = arith.constant 200 : i32
    %dma_start3A_316 = arith.constant 0 : i32
    %dma_start3A_317 = tpu.memref_slice %arg6[%dma_start3A_315, %dma_start3A_316] : memref<640x128xf32, #tpu.memory_space<vmem>> -> memref<10x128xf32, #tpu.memory_space<vmem>>
    %dma_start3A_318 = arith.constant 0 : i32
    %dma_start3A_319 = tpu.memref_slice %arg2[%dma_start3A_318, %multiple_of3A_314] : memref<10x1000001xf32, #tpu.memory_space<hbm>> -> memref<10x128xf32, #tpu.memory_space<hbm>>
    %dma_start3A_320 = arith.constant 200 : i32
    %dma_start3A_321 = arith.constant 0 : i32
    %dma_start3A_322 = tpu.memref_slice %arg6[%dma_start3A_320, %dma_start3A_321] : memref<640x128xf32, #tpu.memory_space<vmem>> -> memref<10x128xf32, #tpu.memory_space<vmem>>
    %dma_start3A_323 = arith.constant 0 : i32
    %dma_start3A_324 = tpu.memref_slice %arg2[%dma_start3A_323, %multiple_of3A_314] : memref<10x1000001xf32, #tpu.memory_space<hbm>> -> memref<10x128xf32, #tpu.memory_space<hbm>>
    tpu.enqueue_dma source(%dma_start3A_324 : memref<10x128xf32, #tpu.memory_space<hbm>>) target(%dma_start3A_322 : memref<10x128xf32, #tpu.memory_space<vmem>>) target_semaphore(%arg10 : memref<!tpu.dma_semaphore, #tpu.memory_space<semaphore_mem>>)
    %slice3A_325 = vector.extract_strided_slice %shift_right_logical3A_249 {offsets = [5], sizes = [1], strides = [1]} : vector<16xi32> to vector<1xi32>
    %squeeze3A_326 = vector.extract %slice3A_325[0] : i32 from vector<1xi32>
    %mul3A_327 = arith.constant 128 : i32
    %mul3A_328 = arith.muli %squeeze3A_326, %mul3A_327 : i32
    %multiple_of3A_329 = tpu.assume_multiple %mul3A_328, 128 : i32
    %dma_start3A_330 = arith.constant 210 : i32
    %dma_start3A_331 = arith.constant 0 : i32
    %dma_start3A_332 = tpu.memref_slice %arg6[%dma_start3A_330, %dma_start3A_331] : memref<640x128xf32, #tpu.memory_space<vmem>> -> memref<10x128xf32, #tpu.memory_space<vmem>>
    %dma_start3A_333 = arith.constant 0 : i32
    %dma_start3A_334 = tpu.memref_slice %arg2[%dma_start3A_333, %multiple_of3A_329] : memref<10x1000001xf32, #tpu.memory_space<hbm>> -> memref<10x128xf32, #tpu.memory_space<hbm>>
    %dma_start3A_335 = arith.constant 210 : i32
    %dma_start3A_336 = arith.constant 0 : i32
    %dma_start3A_337 = tpu.memref_slice %arg6[%dma_start3A_335, %dma_start3A_336] : memref<640x128xf32, #tpu.memory_space<vmem>> -> memref<10x128xf32, #tpu.memory_space<vmem>>
    %dma_start3A_338 = arith.constant 0 : i32
    %dma_start3A_339 = tpu.memref_slice %arg2[%dma_start3A_338, %multiple_of3A_329] : memref<10x1000001xf32, #tpu.memory_space<hbm>> -> memref<10x128xf32, #tpu.memory_space<hbm>>
    tpu.enqueue_dma source(%dma_start3A_339 : memref<10x128xf32, #tpu.memory_space<hbm>>) target(%dma_start3A_337 : memref<10x128xf32, #tpu.memory_space<vmem>>) target_semaphore(%arg10 : memref<!tpu.dma_semaphore, #tpu.memory_space<semaphore_mem>>)
    %slice3A_340 = vector.extract_strided_slice %shift_right_logical3A_249 {offsets = [6], sizes = [1], strides = [1]} : vector<16xi32> to vector<1xi32>
    %squeeze3A_341 = vector.extract %slice3A_340[0] : i32 from vector<1xi32>
    %mul3A_342 = arith.constant 128 : i32
    %mul3A_343 = arith.muli %squeeze3A_341, %mul3A_342 : i32
    %multiple_of3A_344 = tpu.assume_multiple %mul3A_343, 128 : i32
    %dma_start3A_345 = arith.constant 220 : i32
    %dma_start3A_346 = arith.constant 0 : i32
    %dma_start3A_347 = tpu.memref_slice %arg6[%dma_start3A_345, %dma_start3A_346] : memref<640x128xf32, #tpu.memory_space<vmem>> -> memref<10x128xf32, #tpu.memory_space<vmem>>
    %dma_start3A_348 = arith.constant 0 : i32
    %dma_start3A_349 = tpu.memref_slice %arg2[%dma_start3A_348, %multiple_of3A_344] : memref<10x1000001xf32, #tpu.memory_space<hbm>> -> memref<10x128xf32, #tpu.memory_space<hbm>>
    %dma_start3A_350 = arith.constant 220 : i32
    %dma_start3A_351 = arith.constant 0 : i32
    %dma_start3A_352 = tpu.memref_slice %arg6[%dma_start3A_350, %dma_start3A_351] : memref<640x128xf32, #tpu.memory_space<vmem>> -> memref<10x128xf32, #tpu.memory_space<vmem>>
    %dma_start3A_353 = arith.constant 0 : i32
    %dma_start3A_354 = tpu.memref_slice %arg2[%dma_start3A_353, %multiple_of3A_344] : memref<10x1000001xf32, #tpu.memory_space<hbm>> -> memref<10x128xf32, #tpu.memory_space<hbm>>
    tpu.enqueue_dma source(%dma_start3A_354 : memref<10x128xf32, #tpu.memory_space<hbm>>) target(%dma_start3A_352 : memref<10x128xf32, #tpu.memory_space<vmem>>) target_semaphore(%arg10 : memref<!tpu.dma_semaphore, #tpu.memory_space<semaphore_mem>>)
    %slice3A_355 = vector.extract_strided_slice %shift_right_logical3A_249 {offsets = [7], sizes = [1], strides = [1]} : vector<16xi32> to vector<1xi32>
    %squeeze3A_356 = vector.extract %slice3A_355[0] : i32 from vector<1xi32>
    %mul3A_357 = arith.constant 128 : i32
    %mul3A_358 = arith.muli %squeeze3A_356, %mul3A_357 : i32
    %multiple_of3A_359 = tpu.assume_multiple %mul3A_358, 128 : i32
    %dma_start3A_360 = arith.constant 230 : i32
    %dma_start3A_361 = arith.constant 0 : i32
    %dma_start3A_362 = tpu.memref_slice %arg6[%dma_start3A_360, %dma_start3A_361] : memref<640x128xf32, #tpu.memory_space<vmem>> -> memref<10x128xf32, #tpu.memory_space<vmem>>
    %dma_start3A_363 = arith.constant 0 : i32
    %dma_start3A_364 = tpu.memref_slice %arg2[%dma_start3A_363, %multiple_of3A_359] : memref<10x1000001xf32, #tpu.memory_space<hbm>> -> memref<10x128xf32, #tpu.memory_space<hbm>>
    %dma_start3A_365 = arith.constant 230 : i32
    %dma_start3A_366 = arith.constant 0 : i32
    %dma_start3A_367 = tpu.memref_slice %arg6[%dma_start3A_365, %dma_start3A_366] : memref<640x128xf32, #tpu.memory_space<vmem>> -> memref<10x128xf32, #tpu.memory_space<vmem>>
    %dma_start3A_368 = arith.constant 0 : i32
    %dma_start3A_369 = tpu.memref_slice %arg2[%dma_start3A_368, %multiple_of3A_359] : memref<10x1000001xf32, #tpu.memory_space<hbm>> -> memref<10x128xf32, #tpu.memory_space<hbm>>
    tpu.enqueue_dma source(%dma_start3A_369 : memref<10x128xf32, #tpu.memory_space<hbm>>) target(%dma_start3A_367 : memref<10x128xf32, #tpu.memory_space<vmem>>) target_semaphore(%arg10 : memref<!tpu.dma_semaphore, #tpu.memory_space<semaphore_mem>>)
    %slice3A_370 = vector.extract_strided_slice %shift_right_logical3A_249 {offsets = [8], sizes = [1], strides = [1]} : vector<16xi32> to vector<1xi32>
    %squeeze3A_371 = vector.extract %slice3A_370[0] : i32 from vector<1xi32>
    %mul3A_372 = arith.constant 128 : i32
    %mul3A_373 = arith.muli %squeeze3A_371, %mul3A_372 : i32
    %multiple_of3A_374 = tpu.assume_multiple %mul3A_373, 128 : i32
    %dma_start3A_375 = arith.constant 240 : i32
    %dma_start3A_376 = arith.constant 0 : i32
    %dma_start3A_377 = tpu.memref_slice %arg6[%dma_start3A_375, %dma_start3A_376] : memref<640x128xf32, #tpu.memory_space<vmem>> -> memref<10x128xf32, #tpu.memory_space<vmem>>
    %dma_start3A_378 = arith.constant 0 : i32
    %dma_start3A_379 = tpu.memref_slice %arg2[%dma_start3A_378, %multiple_of3A_374] : memref<10x1000001xf32, #tpu.memory_space<hbm>> -> memref<10x128xf32, #tpu.memory_space<hbm>>
    %dma_start3A_380 = arith.constant 240 : i32
    %dma_start3A_381 = arith.constant 0 : i32
    %dma_start3A_382 = tpu.memref_slice %arg6[%dma_start3A_380, %dma_start3A_381] : memref<640x128xf32, #tpu.memory_space<vmem>> -> memref<10x128xf32, #tpu.memory_space<vmem>>
    %dma_start3A_383 = arith.constant 0 : i32
    %dma_start3A_384 = tpu.memref_slice %arg2[%dma_start3A_383, %multiple_of3A_374] : memref<10x1000001xf32, #tpu.memory_space<hbm>> -> memref<10x128xf32, #tpu.memory_space<hbm>>
    tpu.enqueue_dma source(%dma_start3A_384 : memref<10x128xf32, #tpu.memory_space<hbm>>) target(%dma_start3A_382 : memref<10x128xf32, #tpu.memory_space<vmem>>) target_semaphore(%arg10 : memref<!tpu.dma_semaphore, #tpu.memory_space<semaphore_mem>>)
    %slice3A_385 = vector.extract_strided_slice %shift_right_logical3A_249 {offsets = [9], sizes = [1], strides = [1]} : vector<16xi32> to vector<1xi32>
    %squeeze3A_386 = vector.extract %slice3A_385[0] : i32 from vector<1xi32>
    %mul3A_387 = arith.constant 128 : i32
    %mul3A_388 = arith.muli %squeeze3A_386, %mul3A_387 : i32
    %multiple_of3A_389 = tpu.assume_multiple %mul3A_388, 128 : i32
    %dma_start3A_390 = arith.constant 250 : i32
    %dma_start3A_391 = arith.constant 0 : i32
    %dma_start3A_392 = tpu.memref_slice %arg6[%dma_start3A_390, %dma_start3A_391] : memref<640x128xf32, #tpu.memory_space<vmem>> -> memref<10x128xf32, #tpu.memory_space<vmem>>
    %dma_start3A_393 = arith.constant 0 : i32
    %dma_start3A_394 = tpu.memref_slice %arg2[%dma_start3A_393, %multiple_of3A_389] : memref<10x1000001xf32, #tpu.memory_space<hbm>> -> memref<10x128xf32, #tpu.memory_space<hbm>>
    %dma_start3A_395 = arith.constant 250 : i32
    %dma_start3A_396 = arith.constant 0 : i32
    %dma_start3A_397 = tpu.memref_slice %arg6[%dma_start3A_395, %dma_start3A_396] : memref<640x128xf32, #tpu.memory_space<vmem>> -> memref<10x128xf32, #tpu.memory_space<vmem>>
    %dma_start3A_398 = arith.constant 0 : i32
    %dma_start3A_399 = tpu.memref_slice %arg2[%dma_start3A_398, %multiple_of3A_389] : memref<10x1000001xf32, #tpu.memory_space<hbm>> -> memref<10x128xf32, #tpu.memory_space<hbm>>
    tpu.enqueue_dma source(%dma_start3A_399 : memref<10x128xf32, #tpu.memory_space<hbm>>) target(%dma_start3A_397 : memref<10x128xf32, #tpu.memory_space<vmem>>) target_semaphore(%arg10 : memref<!tpu.dma_semaphore, #tpu.memory_space<semaphore_mem>>)
    %slice3A_400 = vector.extract_strided_slice %shift_right_logical3A_249 {offsets = [10], sizes = [1], strides = [1]} : vector<16xi32> to vector<1xi32>
    %squeeze3A_401 = vector.extract %slice3A_400[0] : i32 from vector<1xi32>
    %mul3A_402 = arith.constant 128 : i32
    %mul3A_403 = arith.muli %squeeze3A_401, %mul3A_402 : i32
    %multiple_of3A_404 = tpu.assume_multiple %mul3A_403, 128 : i32
    %dma_start3A_405 = arith.constant 260 : i32
    %dma_start3A_406 = arith.constant 0 : i32
    %dma_start3A_407 = tpu.memref_slice %arg6[%dma_start3A_405, %dma_start3A_406] : memref<640x128xf32, #tpu.memory_space<vmem>> -> memref<10x128xf32, #tpu.memory_space<vmem>>
    %dma_start3A_408 = arith.constant 0 : i32
    %dma_start3A_409 = tpu.memref_slice %arg2[%dma_start3A_408, %multiple_of3A_404] : memref<10x1000001xf32, #tpu.memory_space<hbm>> -> memref<10x128xf32, #tpu.memory_space<hbm>>
    %dma_start3A_410 = arith.constant 260 : i32
    %dma_start3A_411 = arith.constant 0 : i32
    %dma_start3A_412 = tpu.memref_slice %arg6[%dma_start3A_410, %dma_start3A_411] : memref<640x128xf32, #tpu.memory_space<vmem>> -> memref<10x128xf32, #tpu.memory_space<vmem>>
    %dma_start3A_413 = arith.constant 0 : i32
    %dma_start3A_414 = tpu.memref_slice %arg2[%dma_start3A_413, %multiple_of3A_404] : memref<10x1000001xf32, #tpu.memory_space<hbm>> -> memref<10x128xf32, #tpu.memory_space<hbm>>
    tpu.enqueue_dma source(%dma_start3A_414 : memref<10x128xf32, #tpu.memory_space<hbm>>) target(%dma_start3A_412 : memref<10x128xf32, #tpu.memory_space<vmem>>) target_semaphore(%arg10 : memref<!tpu.dma_semaphore, #tpu.memory_space<semaphore_mem>>)
    %slice3A_415 = vector.extract_strided_slice %shift_right_logical3A_249 {offsets = [11], sizes = [1], strides = [1]} : vector<16xi32> to vector<1xi32>
    %squeeze3A_416 = vector.extract %slice3A_415[0] : i32 from vector<1xi32>
    %mul3A_417 = arith.constant 128 : i32
    %mul3A_418 = arith.muli %squeeze3A_416, %mul3A_417 : i32
    %multiple_of3A_419 = tpu.assume_multiple %mul3A_418, 128 : i32
    %dma_start3A_420 = arith.constant 270 : i32
    %dma_start3A_421 = arith.constant 0 : i32
    %dma_start3A_422 = tpu.memref_slice %arg6[%dma_start3A_420, %dma_start3A_421] : memref<640x128xf32, #tpu.memory_space<vmem>> -> memref<10x128xf32, #tpu.memory_space<vmem>>
    %dma_start3A_423 = arith.constant 0 : i32
    %dma_start3A_424 = tpu.memref_slice %arg2[%dma_start3A_423, %multiple_of3A_419] : memref<10x1000001xf32, #tpu.memory_space<hbm>> -> memref<10x128xf32, #tpu.memory_space<hbm>>
    %dma_start3A_425 = arith.constant 270 : i32
    %dma_start3A_426 = arith.constant 0 : i32
    %dma_start3A_427 = tpu.memref_slice %arg6[%dma_start3A_425, %dma_start3A_426] : memref<640x128xf32, #tpu.memory_space<vmem>> -> memref<10x128xf32, #tpu.memory_space<vmem>>
    %dma_start3A_428 = arith.constant 0 : i32
    %dma_start3A_429 = tpu.memref_slice %arg2[%dma_start3A_428, %multiple_of3A_419] : memref<10x1000001xf32, #tpu.memory_space<hbm>> -> memref<10x128xf32, #tpu.memory_space<hbm>>
    tpu.enqueue_dma source(%dma_start3A_429 : memref<10x128xf32, #tpu.memory_space<hbm>>) target(%dma_start3A_427 : memref<10x128xf32, #tpu.memory_space<vmem>>) target_semaphore(%arg10 : memref<!tpu.dma_semaphore, #tpu.memory_space<semaphore_mem>>)
    %slice3A_430 = vector.extract_strided_slice %shift_right_logical3A_249 {offsets = [12], sizes = [1], strides = [1]} : vector<16xi32> to vector<1xi32>
    %squeeze3A_431 = vector.extract %slice3A_430[0] : i32 from vector<1xi32>
    %mul3A_432 = arith.constant 128 : i32
    %mul3A_433 = arith.muli %squeeze3A_431, %mul3A_432 : i32
    %multiple_of3A_434 = tpu.assume_multiple %mul3A_433, 128 : i32
    %dma_start3A_435 = arith.constant 280 : i32
    %dma_start3A_436 = arith.constant 0 : i32
    %dma_start3A_437 = tpu.memref_slice %arg6[%dma_start3A_435, %dma_start3A_436] : memref<640x128xf32, #tpu.memory_space<vmem>> -> memref<10x128xf32, #tpu.memory_space<vmem>>
    %dma_start3A_438 = arith.constant 0 : i32
    %dma_start3A_439 = tpu.memref_slice %arg2[%dma_start3A_438, %multiple_of3A_434] : memref<10x1000001xf32, #tpu.memory_space<hbm>> -> memref<10x128xf32, #tpu.memory_space<hbm>>
    %dma_start3A_440 = arith.constant 280 : i32
    %dma_start3A_441 = arith.constant 0 : i32
    %dma_start3A_442 = tpu.memref_slice %arg6[%dma_start3A_440, %dma_start3A_441] : memref<640x128xf32, #tpu.memory_space<vmem>> -> memref<10x128xf32, #tpu.memory_space<vmem>>
    %dma_start3A_443 = arith.constant 0 : i32
    %dma_start3A_444 = tpu.memref_slice %arg2[%dma_start3A_443, %multiple_of3A_434] : memref<10x1000001xf32, #tpu.memory_space<hbm>> -> memref<10x128xf32, #tpu.memory_space<hbm>>
    tpu.enqueue_dma source(%dma_start3A_444 : memref<10x128xf32, #tpu.memory_space<hbm>>) target(%dma_start3A_442 : memref<10x128xf32, #tpu.memory_space<vmem>>) target_semaphore(%arg10 : memref<!tpu.dma_semaphore, #tpu.memory_space<semaphore_mem>>)
    %slice3A_445 = vector.extract_strided_slice %shift_right_logical3A_249 {offsets = [13], sizes = [1], strides = [1]} : vector<16xi32> to vector<1xi32>
    %squeeze3A_446 = vector.extract %slice3A_445[0] : i32 from vector<1xi32>
    %mul3A_447 = arith.constant 128 : i32
    %mul3A_448 = arith.muli %squeeze3A_446, %mul3A_447 : i32
    %multiple_of3A_449 = tpu.assume_multiple %mul3A_448, 128 : i32
    %dma_start3A_450 = arith.constant 290 : i32
    %dma_start3A_451 = arith.constant 0 : i32
    %dma_start3A_452 = tpu.memref_slice %arg6[%dma_start3A_450, %dma_start3A_451] : memref<640x128xf32, #tpu.memory_space<vmem>> -> memref<10x128xf32, #tpu.memory_space<vmem>>
    %dma_start3A_453 = arith.constant 0 : i32
    %dma_start3A_454 = tpu.memref_slice %arg2[%dma_start3A_453, %multiple_of3A_449] : memref<10x1000001xf32, #tpu.memory_space<hbm>> -> memref<10x128xf32, #tpu.memory_space<hbm>>
    %dma_start3A_455 = arith.constant 290 : i32
    %dma_start3A_456 = arith.constant 0 : i32
    %dma_start3A_457 = tpu.memref_slice %arg6[%dma_start3A_455, %dma_start3A_456] : memref<640x128xf32, #tpu.memory_space<vmem>> -> memref<10x128xf32, #tpu.memory_space<vmem>>
    %dma_start3A_458 = arith.constant 0 : i32
    %dma_start3A_459 = tpu.memref_slice %arg2[%dma_start3A_458, %multiple_of3A_449] : memref<10x1000001xf32, #tpu.memory_space<hbm>> -> memref<10x128xf32, #tpu.memory_space<hbm>>
    tpu.enqueue_dma source(%dma_start3A_459 : memref<10x128xf32, #tpu.memory_space<hbm>>) target(%dma_start3A_457 : memref<10x128xf32, #tpu.memory_space<vmem>>) target_semaphore(%arg10 : memref<!tpu.dma_semaphore, #tpu.memory_space<semaphore_mem>>)
    %slice3A_460 = vector.extract_strided_slice %shift_right_logical3A_249 {offsets = [14], sizes = [1], strides = [1]} : vector<16xi32> to vector<1xi32>
    %squeeze3A_461 = vector.extract %slice3A_460[0] : i32 from vector<1xi32>
    %mul3A_462 = arith.constant 128 : i32
    %mul3A_463 = arith.muli %squeeze3A_461, %mul3A_462 : i32
    %multiple_of3A_464 = tpu.assume_multiple %mul3A_463, 128 : i32
    %dma_start3A_465 = arith.constant 300 : i32
    %dma_start3A_466 = arith.constant 0 : i32
    %dma_start3A_467 = tpu.memref_slice %arg6[%dma_start3A_465, %dma_start3A_466] : memref<640x128xf32, #tpu.memory_space<vmem>> -> memref<10x128xf32, #tpu.memory_space<vmem>>
    %dma_start3A_468 = arith.constant 0 : i32
    %dma_start3A_469 = tpu.memref_slice %arg2[%dma_start3A_468, %multiple_of3A_464] : memref<10x1000001xf32, #tpu.memory_space<hbm>> -> memref<10x128xf32, #tpu.memory_space<hbm>>
    %dma_start3A_470 = arith.constant 300 : i32
    %dma_start3A_471 = arith.constant 0 : i32
    %dma_start3A_472 = tpu.memref_slice %arg6[%dma_start3A_470, %dma_start3A_471] : memref<640x128xf32, #tpu.memory_space<vmem>> -> memref<10x128xf32, #tpu.memory_space<vmem>>
    %dma_start3A_473 = arith.constant 0 : i32
    %dma_start3A_474 = tpu.memref_slice %arg2[%dma_start3A_473, %multiple_of3A_464] : memref<10x1000001xf32, #tpu.memory_space<hbm>> -> memref<10x128xf32, #tpu.memory_space<hbm>>
    tpu.enqueue_dma source(%dma_start3A_474 : memref<10x128xf32, #tpu.memory_space<hbm>>) target(%dma_start3A_472 : memref<10x128xf32, #tpu.memory_space<vmem>>) target_semaphore(%arg10 : memref<!tpu.dma_semaphore, #tpu.memory_space<semaphore_mem>>)
    %slice3A_475 = vector.extract_strided_slice %shift_right_logical3A_249 {offsets = [15], sizes = [1], strides = [1]} : vector<16xi32> to vector<1xi32>
    %squeeze3A_476 = vector.extract %slice3A_475[0] : i32 from vector<1xi32>
    %mul3A_477 = arith.constant 128 : i32
    %mul3A_478 = arith.muli %squeeze3A_476, %mul3A_477 : i32
    %multiple_of3A_479 = tpu.assume_multiple %mul3A_478, 128 : i32
    %dma_start3A_480 = arith.constant 310 : i32
    %dma_start3A_481 = arith.constant 0 : i32
    %dma_start3A_482 = tpu.memref_slice %arg6[%dma_start3A_480, %dma_start3A_481] : memref<640x128xf32, #tpu.memory_space<vmem>> -> memref<10x128xf32, #tpu.memory_space<vmem>>
    %dma_start3A_483 = arith.constant 0 : i32
    %dma_start3A_484 = tpu.memref_slice %arg2[%dma_start3A_483, %multiple_of3A_479] : memref<10x1000001xf32, #tpu.memory_space<hbm>> -> memref<10x128xf32, #tpu.memory_space<hbm>>
    %dma_start3A_485 = arith.constant 310 : i32
    %dma_start3A_486 = arith.constant 0 : i32
    %dma_start3A_487 = tpu.memref_slice %arg6[%dma_start3A_485, %dma_start3A_486] : memref<640x128xf32, #tpu.memory_space<vmem>> -> memref<10x128xf32, #tpu.memory_space<vmem>>
    %dma_start3A_488 = arith.constant 0 : i32
    %dma_start3A_489 = tpu.memref_slice %arg2[%dma_start3A_488, %multiple_of3A_479] : memref<10x1000001xf32, #tpu.memory_space<hbm>> -> memref<10x128xf32, #tpu.memory_space<hbm>>
    tpu.enqueue_dma source(%dma_start3A_489 : memref<10x128xf32, #tpu.memory_space<hbm>>) target(%dma_start3A_487 : memref<10x128xf32, #tpu.memory_space<vmem>>) target_semaphore(%arg10 : memref<!tpu.dma_semaphore, #tpu.memory_space<semaphore_mem>>)
    %get3A_490 = arith.constant 32 : index
    %get3A_491 = tpu.vector_load %arg5[%get3A_490] {strides = array<i32>} : memref<512xi32, #tpu.memory_space<vmem>>, vector<16xi32>,
    %shift_right_logical3A_492 = arith.constant 7 : i32
    %shift_right_logical3A_493 = vector.broadcast %shift_right_logical3A_492 : i32 to vector<16xi32>
    %shift_right_logical3A_494 = arith.shrui %get3A_491, %shift_right_logical3A_493 : vector<16xi32>
    %slice3A_495 = vector.extract_strided_slice %shift_right_logical3A_494 {offsets = [0], sizes = [1], strides = [1]} : vector<16xi32> to vector<1xi32>
    %squeeze3A_496 = vector.extract %slice3A_495[0] : i32 from vector<1xi32>
    %mul3A_497 = arith.constant 128 : i32
    %mul3A_498 = arith.muli %squeeze3A_496, %mul3A_497 : i32
    %multiple_of3A_499 = tpu.assume_multiple %mul3A_498, 128 : i32
    %dma_start3A_500 = arith.constant 320 : i32
    %dma_start3A_501 = arith.constant 0 : i32
    %dma_start3A_502 = tpu.memref_slice %arg6[%dma_start3A_500, %dma_start3A_501] : memref<640x128xf32, #tpu.memory_space<vmem>> -> memref<10x128xf32, #tpu.memory_space<vmem>>
    %dma_start3A_503 = arith.constant 0 : i32
    %dma_start3A_504 = tpu.memref_slice %arg2[%dma_start3A_503, %multiple_of3A_499] : memref<10x1000001xf32, #tpu.memory_space<hbm>> -> memref<10x128xf32, #tpu.memory_space<hbm>>
    %dma_start3A_505 = arith.constant 320 : i32
    %dma_start3A_506 = arith.constant 0 : i32
    %dma_start3A_507 = tpu.memref_slice %arg6[%dma_start3A_505, %dma_start3A_506] : memref<640x128xf32, #tpu.memory_space<vmem>> -> memref<10x128xf32, #tpu.memory_space<vmem>>
    %dma_start3A_508 = arith.constant 0 : i32
    %dma_start3A_509 = tpu.memref_slice %arg2[%dma_start3A_508, %multiple_of3A_499] : memref<10x1000001xf32, #tpu.memory_space<hbm>> -> memref<10x128xf32, #tpu.memory_space<hbm>>
    tpu.enqueue_dma source(%dma_start3A_509 : memref<10x128xf32, #tpu.memory_space<hbm>>) target(%dma_start3A_507 : memref<10x128xf32, #tpu.memory_space<vmem>>) target_semaphore(%arg11 : memref<!tpu.dma_semaphore, #tpu.memory_space<semaphore_mem>>)
    %slice3A_510 = vector.extract_strided_slice %shift_right_logical3A_494 {offsets = [1], sizes = [1], strides = [1]} : vector<16xi32> to vector<1xi32>
    %squeeze3A_511 = vector.extract %slice3A_510[0] : i32 from vector<1xi32>
    %mul3A_512 = arith.constant 128 : i32
    %mul3A_513 = arith.muli %squeeze3A_511, %mul3A_512 : i32
    %multiple_of3A_514 = tpu.assume_multiple %mul3A_513, 128 : i32
    %dma_start3A_515 = arith.constant 330 : i32
    %dma_start3A_516 = arith.constant 0 : i32
    %dma_start3A_517 = tpu.memref_slice %arg6[%dma_start3A_515, %dma_start3A_516] : memref<640x128xf32, #tpu.memory_space<vmem>> -> memref<10x128xf32, #tpu.memory_space<vmem>>
    %dma_start3A_518 = arith.constant 0 : i32
    %dma_start3A_519 = tpu.memref_slice %arg2[%dma_start3A_518, %multiple_of3A_514] : memref<10x1000001xf32, #tpu.memory_space<hbm>> -> memref<10x128xf32, #tpu.memory_space<hbm>>
    %dma_start3A_520 = arith.constant 330 : i32
    %dma_start3A_521 = arith.constant 0 : i32
    %dma_start3A_522 = tpu.memref_slice %arg6[%dma_start3A_520, %dma_start3A_521] : memref<640x128xf32, #tpu.memory_space<vmem>> -> memref<10x128xf32, #tpu.memory_space<vmem>>
    %dma_start3A_523 = arith.constant 0 : i32
    %dma_start3A_524 = tpu.memref_slice %arg2[%dma_start3A_523, %multiple_of3A_514] : memref<10x1000001xf32, #tpu.memory_space<hbm>> -> memref<10x128xf32, #tpu.memory_space<hbm>>
    tpu.enqueue_dma source(%dma_start3A_524 : memref<10x128xf32, #tpu.memory_space<hbm>>) target(%dma_start3A_522 : memref<10x128xf32, #tpu.memory_space<vmem>>) target_semaphore(%arg11 : memref<!tpu.dma_semaphore, #tpu.memory_space<semaphore_mem>>)
    %slice3A_525 = vector.extract_strided_slice %shift_right_logical3A_494 {offsets = [2], sizes = [1], strides = [1]} : vector<16xi32> to vector<1xi32>
    %squeeze3A_526 = vector.extract %slice3A_525[0] : i32 from vector<1xi32>
    %mul3A_527 = arith.constant 128 : i32
    %mul3A_528 = arith.muli %squeeze3A_526, %mul3A_527 : i32
    %multiple_of3A_529 = tpu.assume_multiple %mul3A_528, 128 : i32
    %dma_start3A_530 = arith.constant 340 : i32
    %dma_start3A_531 = arith.constant 0 : i32
    %dma_start3A_532 = tpu.memref_slice %arg6[%dma_start3A_530, %dma_start3A_531] : memref<640x128xf32, #tpu.memory_space<vmem>> -> memref<10x128xf32, #tpu.memory_space<vmem>>
    %dma_start3A_533 = arith.constant 0 : i32
    %dma_start3A_534 = tpu.memref_slice %arg2[%dma_start3A_533, %multiple_of3A_529] : memref<10x1000001xf32, #tpu.memory_space<hbm>> -> memref<10x128xf32, #tpu.memory_space<hbm>>
    %dma_start3A_535 = arith.constant 340 : i32
    %dma_start3A_536 = arith.constant 0 : i32
    %dma_start3A_537 = tpu.memref_slice %arg6[%dma_start3A_535, %dma_start3A_536] : memref<640x128xf32, #tpu.memory_space<vmem>> -> memref<10x128xf32, #tpu.memory_space<vmem>>
    %dma_start3A_538 = arith.constant 0 : i32
    %dma_start3A_539 = tpu.memref_slice %arg2[%dma_start3A_538, %multiple_of3A_529] : memref<10x1000001xf32, #tpu.memory_space<hbm>> -> memref<10x128xf32, #tpu.memory_space<hbm>>
    tpu.enqueue_dma source(%dma_start3A_539 : memref<10x128xf32, #tpu.memory_space<hbm>>) target(%dma_start3A_537 : memref<10x128xf32, #tpu.memory_space<vmem>>) target_semaphore(%arg11 : memref<!tpu.dma_semaphore, #tpu.memory_space<semaphore_mem>>)
    %slice3A_540 = vector.extract_strided_slice %shift_right_logical3A_494 {offsets = [3], sizes = [1], strides = [1]} : vector<16xi32> to vector<1xi32>
    %squeeze3A_541 = vector.extract %slice3A_540[0] : i32 from vector<1xi32>
    %mul3A_542 = arith.constant 128 : i32
    %mul3A_543 = arith.muli %squeeze3A_541, %mul3A_542 : i32
    %multiple_of3A_544 = tpu.assume_multiple %mul3A_543, 128 : i32
    %dma_start3A_545 = arith.constant 350 : i32
    %dma_start3A_546 = arith.constant 0 : i32
    %dma_start3A_547 = tpu.memref_slice %arg6[%dma_start3A_545, %dma_start3A_546] : memref<640x128xf32, #tpu.memory_space<vmem>> -> memref<10x128xf32, #tpu.memory_space<vmem>>
    %dma_start3A_548 = arith.constant 0 : i32
    %dma_start3A_549 = tpu.memref_slice %arg2[%dma_start3A_548, %multiple_of3A_544] : memref<10x1000001xf32, #tpu.memory_space<hbm>> -> memref<10x128xf32, #tpu.memory_space<hbm>>
    %dma_start3A_550 = arith.constant 350 : i32
    %dma_start3A_551 = arith.constant 0 : i32
    %dma_start3A_552 = tpu.memref_slice %arg6[%dma_start3A_550, %dma_start3A_551] : memref<640x128xf32, #tpu.memory_space<vmem>> -> memref<10x128xf32, #tpu.memory_space<vmem>>
    %dma_start3A_553 = arith.constant 0 : i32
    %dma_start3A_554 = tpu.memref_slice %arg2[%dma_start3A_553, %multiple_of3A_544] : memref<10x1000001xf32, #tpu.memory_space<hbm>> -> memref<10x128xf32, #tpu.memory_space<hbm>>
    tpu.enqueue_dma source(%dma_start3A_554 : memref<10x128xf32, #tpu.memory_space<hbm>>) target(%dma_start3A_552 : memref<10x128xf32, #tpu.memory_space<vmem>>) target_semaphore(%arg11 : memref<!tpu.dma_semaphore, #tpu.memory_space<semaphore_mem>>)
    %slice3A_555 = vector.extract_strided_slice %shift_right_logical3A_494 {offsets = [4], sizes = [1], strides = [1]} : vector<16xi32> to vector<1xi32>
    %squeeze3A_556 = vector.extract %slice3A_555[0] : i32 from vector<1xi32>
    %mul3A_557 = arith.constant 128 : i32
    %mul3A_558 = arith.muli %squeeze3A_556, %mul3A_557 : i32
    %multiple_of3A_559 = tpu.assume_multiple %mul3A_558, 128 : i32
    %dma_start3A_560 = arith.constant 360 : i32
    %dma_start3A_561 = arith.constant 0 : i32
    %dma_start3A_562 = tpu.memref_slice %arg6[%dma_start3A_560, %dma_start3A_561] : memref<640x128xf32, #tpu.memory_space<vmem>> -> memref<10x128xf32, #tpu.memory_space<vmem>>
    %dma_start3A_563 = arith.constant 0 : i32
    %dma_start3A_564 = tpu.memref_slice %arg2[%dma_start3A_563, %multiple_of3A_559] : memref<10x1000001xf32, #tpu.memory_space<hbm>> -> memref<10x128xf32, #tpu.memory_space<hbm>>
    %dma_start3A_565 = arith.constant 360 : i32
    %dma_start3A_566 = arith.constant 0 : i32
    %dma_start3A_567 = tpu.memref_slice %arg6[%dma_start3A_565, %dma_start3A_566] : memref<640x128xf32, #tpu.memory_space<vmem>> -> memref<10x128xf32, #tpu.memory_space<vmem>>
    %dma_start3A_568 = arith.constant 0 : i32
    %dma_start3A_569 = tpu.memref_slice %arg2[%dma_start3A_568, %multiple_of3A_559] : memref<10x1000001xf32, #tpu.memory_space<hbm>> -> memref<10x128xf32, #tpu.memory_space<hbm>>
    tpu.enqueue_dma source(%dma_start3A_569 : memref<10x128xf32, #tpu.memory_space<hbm>>) target(%dma_start3A_567 : memref<10x128xf32, #tpu.memory_space<vmem>>) target_semaphore(%arg11 : memref<!tpu.dma_semaphore, #tpu.memory_space<semaphore_mem>>)
    %slice3A_570 = vector.extract_strided_slice %shift_right_logical3A_494 {offsets = [5], sizes = [1], strides = [1]} : vector<16xi32> to vector<1xi32>
    %squeeze3A_571 = vector.extract %slice3A_570[0] : i32 from vector<1xi32>
    %mul3A_572 = arith.constant 128 : i32
    %mul3A_573 = arith.muli %squeeze3A_571, %mul3A_572 : i32
    %multiple_of3A_574 = tpu.assume_multiple %mul3A_573, 128 : i32
    %dma_start3A_575 = arith.constant 370 : i32
    %dma_start3A_576 = arith.constant 0 : i32
    %dma_start3A_577 = tpu.memref_slice %arg6[%dma_start3A_575, %dma_start3A_576] : memref<640x128xf32, #tpu.memory_space<vmem>> -> memref<10x128xf32, #tpu.memory_space<vmem>>
    %dma_start3A_578 = arith.constant 0 : i32
    %dma_start3A_579 = tpu.memref_slice %arg2[%dma_start3A_578, %multiple_of3A_574] : memref<10x1000001xf32, #tpu.memory_space<hbm>> -> memref<10x128xf32, #tpu.memory_space<hbm>>
    %dma_start3A_580 = arith.constant 370 : i32
    %dma_start3A_581 = arith.constant 0 : i32
    %dma_start3A_582 = tpu.memref_slice %arg6[%dma_start3A_580, %dma_start3A_581] : memref<640x128xf32, #tpu.memory_space<vmem>> -> memref<10x128xf32, #tpu.memory_space<vmem>>
    %dma_start3A_583 = arith.constant 0 : i32
    %dma_start3A_584 = tpu.memref_slice %arg2[%dma_start3A_583, %multiple_of3A_574] : memref<10x1000001xf32, #tpu.memory_space<hbm>> -> memref<10x128xf32, #tpu.memory_space<hbm>>
    tpu.enqueue_dma source(%dma_start3A_584 : memref<10x128xf32, #tpu.memory_space<hbm>>) target(%dma_start3A_582 : memref<10x128xf32, #tpu.memory_space<vmem>>) target_semaphore(%arg11 : memref<!tpu.dma_semaphore, #tpu.memory_space<semaphore_mem>>)
    %slice3A_585 = vector.extract_strided_slice %shift_right_logical3A_494 {offsets = [6], sizes = [1], strides = [1]} : vector<16xi32> to vector<1xi32>
    %squeeze3A_586 = vector.extract %slice3A_585[0] : i32 from vector<1xi32>
    %mul3A_587 = arith.constant 128 : i32
    %mul3A_588 = arith.muli %squeeze3A_586, %mul3A_587 : i32
    %multiple_of3A_589 = tpu.assume_multiple %mul3A_588, 128 : i32
    %dma_start3A_590 = arith.constant 380 : i32
    %dma_start3A_591 = arith.constant 0 : i32
    %dma_start3A_592 = tpu.memref_slice %arg6[%dma_start3A_590, %dma_start3A_591] : memref<640x128xf32, #tpu.memory_space<vmem>> -> memref<10x128xf32, #tpu.memory_space<vmem>>
    %dma_start3A_593 = arith.constant 0 : i32
    %dma_start3A_594 = tpu.memref_slice %arg2[%dma_start3A_593, %multiple_of3A_589] : memref<10x1000001xf32, #tpu.memory_space<hbm>> -> memref<10x128xf32, #tpu.memory_space<hbm>>
    %dma_start3A_595 = arith.constant 380 : i32
    %dma_start3A_596 = arith.constant 0 : i32
    %dma_start3A_597 = tpu.memref_slice %arg6[%dma_start3A_595, %dma_start3A_596] : memref<640x128xf32, #tpu.memory_space<vmem>> -> memref<10x128xf32, #tpu.memory_space<vmem>>
    %dma_start3A_598 = arith.constant 0 : i32
    %dma_start3A_599 = tpu.memref_slice %arg2[%dma_start3A_598, %multiple_of3A_589] : memref<10x1000001xf32, #tpu.memory_space<hbm>> -> memref<10x128xf32, #tpu.memory_space<hbm>>
    tpu.enqueue_dma source(%dma_start3A_599 : memref<10x128xf32, #tpu.memory_space<hbm>>) target(%dma_start3A_597 : memref<10x128xf32, #tpu.memory_space<vmem>>) target_semaphore(%arg11 : memref<!tpu.dma_semaphore, #tpu.memory_space<semaphore_mem>>)
    %slice3A_600 = vector.extract_strided_slice %shift_right_logical3A_494 {offsets = [7], sizes = [1], strides = [1]} : vector<16xi32> to vector<1xi32>
    %squeeze3A_601 = vector.extract %slice3A_600[0] : i32 from vector<1xi32>
    %mul3A_602 = arith.constant 128 : i32
    %mul3A_603 = arith.muli %squeeze3A_601, %mul3A_602 : i32
    %multiple_of3A_604 = tpu.assume_multiple %mul3A_603, 128 : i32
    %dma_start3A_605 = arith.constant 390 : i32
    %dma_start3A_606 = arith.constant 0 : i32
    %dma_start3A_607 = tpu.memref_slice %arg6[%dma_start3A_605, %dma_start3A_606] : memref<640x128xf32, #tpu.memory_space<vmem>> -> memref<10x128xf32, #tpu.memory_space<vmem>>
    %dma_start3A_608 = arith.constant 0 : i32
    %dma_start3A_609 = tpu.memref_slice %arg2[%dma_start3A_608, %multiple_of3A_604] : memref<10x1000001xf32, #tpu.memory_space<hbm>> -> memref<10x128xf32, #tpu.memory_space<hbm>>
    %dma_start3A_610 = arith.constant 390 : i32
    %dma_start3A_611 = arith.constant 0 : i32
    %dma_start3A_612 = tpu.memref_slice %arg6[%dma_start3A_610, %dma_start3A_611] : memref<640x128xf32, #tpu.memory_space<vmem>> -> memref<10x128xf32, #tpu.memory_space<vmem>>
    %dma_start3A_613 = arith.constant 0 : i32
    %dma_start3A_614 = tpu.memref_slice %arg2[%dma_start3A_613, %multiple_of3A_604] : memref<10x1000001xf32, #tpu.memory_space<hbm>> -> memref<10x128xf32, #tpu.memory_space<hbm>>
    tpu.enqueue_dma source(%dma_start3A_614 : memref<10x128xf32, #tpu.memory_space<hbm>>) target(%dma_start3A_612 : memref<10x128xf32, #tpu.memory_space<vmem>>) target_semaphore(%arg11 : memref<!tpu.dma_semaphore, #tpu.memory_space<semaphore_mem>>)
    %slice3A_615 = vector.extract_strided_slice %shift_right_logical3A_494 {offsets = [8], sizes = [1], strides = [1]} : vector<16xi32> to vector<1xi32>
    %squeeze3A_616 = vector.extract %slice3A_615[0] : i32 from vector<1xi32>
    %mul3A_617 = arith.constant 128 : i32
    %mul3A_618 = arith.muli %squeeze3A_616, %mul3A_617 : i32
    %multiple_of3A_619 = tpu.assume_multiple %mul3A_618, 128 : i32
    %dma_start3A_620 = arith.constant 400 : i32
    %dma_start3A_621 = arith.constant 0 : i32
    %dma_start3A_622 = tpu.memref_slice %arg6[%dma_start3A_620, %dma_start3A_621] : memref<640x128xf32, #tpu.memory_space<vmem>> -> memref<10x128xf32, #tpu.memory_space<vmem>>
    %dma_start3A_623 = arith.constant 0 : i32
    %dma_start3A_624 = tpu.memref_slice %arg2[%dma_start3A_623, %multiple_of3A_619] : memref<10x1000001xf32, #tpu.memory_space<hbm>> -> memref<10x128xf32, #tpu.memory_space<hbm>>
    %dma_start3A_625 = arith.constant 400 : i32
    %dma_start3A_626 = arith.constant 0 : i32
    %dma_start3A_627 = tpu.memref_slice %arg6[%dma_start3A_625, %dma_start3A_626] : memref<640x128xf32, #tpu.memory_space<vmem>> -> memref<10x128xf32, #tpu.memory_space<vmem>>
    %dma_start3A_628 = arith.constant 0 : i32
    %dma_start3A_629 = tpu.memref_slice %arg2[%dma_start3A_628, %multiple_of3A_619] : memref<10x1000001xf32, #tpu.memory_space<hbm>> -> memref<10x128xf32, #tpu.memory_space<hbm>>
    tpu.enqueue_dma source(%dma_start3A_629 : memref<10x128xf32, #tpu.memory_space<hbm>>) target(%dma_start3A_627 : memref<10x128xf32, #tpu.memory_space<vmem>>) target_semaphore(%arg11 : memref<!tpu.dma_semaphore, #tpu.memory_space<semaphore_mem>>)
    %slice3A_630 = vector.extract_strided_slice %shift_right_logical3A_494 {offsets = [9], sizes = [1], strides = [1]} : vector<16xi32> to vector<1xi32>
    %squeeze3A_631 = vector.extract %slice3A_630[0] : i32 from vector<1xi32>
    %mul3A_632 = arith.constant 128 : i32
    %mul3A_633 = arith.muli %squeeze3A_631, %mul3A_632 : i32
    %multiple_of3A_634 = tpu.assume_multiple %mul3A_633, 128 : i32
    %dma_start3A_635 = arith.constant 410 : i32
    %dma_start3A_636 = arith.constant 0 : i32
    %dma_start3A_637 = tpu.memref_slice %arg6[%dma_start3A_635, %dma_start3A_636] : memref<640x128xf32, #tpu.memory_space<vmem>> -> memref<10x128xf32, #tpu.memory_space<vmem>>
    %dma_start3A_638 = arith.constant 0 : i32
    %dma_start3A_639 = tpu.memref_slice %arg2[%dma_start3A_638, %multiple_of3A_634] : memref<10x1000001xf32, #tpu.memory_space<hbm>> -> memref<10x128xf32, #tpu.memory_space<hbm>>
    %dma_start3A_640 = arith.constant 410 : i32
    %dma_start3A_641 = arith.constant 0 : i32
    %dma_start3A_642 = tpu.memref_slice %arg6[%dma_start3A_640, %dma_start3A_641] : memref<640x128xf32, #tpu.memory_space<vmem>> -> memref<10x128xf32, #tpu.memory_space<vmem>>
    %dma_start3A_643 = arith.constant 0 : i32
    %dma_start3A_644 = tpu.memref_slice %arg2[%dma_start3A_643, %multiple_of3A_634] : memref<10x1000001xf32, #tpu.memory_space<hbm>> -> memref<10x128xf32, #tpu.memory_space<hbm>>
    tpu.enqueue_dma source(%dma_start3A_644 : memref<10x128xf32, #tpu.memory_space<hbm>>) target(%dma_start3A_642 : memref<10x128xf32, #tpu.memory_space<vmem>>) target_semaphore(%arg11 : memref<!tpu.dma_semaphore, #tpu.memory_space<semaphore_mem>>)
    %slice3A_645 = vector.extract_strided_slice %shift_right_logical3A_494 {offsets = [10], sizes = [1], strides = [1]} : vector<16xi32> to vector<1xi32>
    %squeeze3A_646 = vector.extract %slice3A_645[0] : i32 from vector<1xi32>
    %mul3A_647 = arith.constant 128 : i32
    %mul3A_648 = arith.muli %squeeze3A_646, %mul3A_647 : i32
    %multiple_of3A_649 = tpu.assume_multiple %mul3A_648, 128 : i32
    %dma_start3A_650 = arith.constant 420 : i32
    %dma_start3A_651 = arith.constant 0 : i32
    %dma_start3A_652 = tpu.memref_slice %arg6[%dma_start3A_650, %dma_start3A_651] : memref<640x128xf32, #tpu.memory_space<vmem>> -> memref<10x128xf32, #tpu.memory_space<vmem>>
    %dma_start3A_653 = arith.constant 0 : i32
    %dma_start3A_654 = tpu.memref_slice %arg2[%dma_start3A_653, %multiple_of3A_649] : memref<10x1000001xf32, #tpu.memory_space<hbm>> -> memref<10x128xf32, #tpu.memory_space<hbm>>
    %dma_start3A_655 = arith.constant 420 : i32
    %dma_start3A_656 = arith.constant 0 : i32
    %dma_start3A_657 = tpu.memref_slice %arg6[%dma_start3A_655, %dma_start3A_656] : memref<640x128xf32, #tpu.memory_space<vmem>> -> memref<10x128xf32, #tpu.memory_space<vmem>>
    %dma_start3A_658 = arith.constant 0 : i32
    %dma_start3A_659 = tpu.memref_slice %arg2[%dma_start3A_658, %multiple_of3A_649] : memref<10x1000001xf32, #tpu.memory_space<hbm>> -> memref<10x128xf32, #tpu.memory_space<hbm>>
    tpu.enqueue_dma source(%dma_start3A_659 : memref<10x128xf32, #tpu.memory_space<hbm>>) target(%dma_start3A_657 : memref<10x128xf32, #tpu.memory_space<vmem>>) target_semaphore(%arg11 : memref<!tpu.dma_semaphore, #tpu.memory_space<semaphore_mem>>)
    %slice3A_660 = vector.extract_strided_slice %shift_right_logical3A_494 {offsets = [11], sizes = [1], strides = [1]} : vector<16xi32> to vector<1xi32>
    %squeeze3A_661 = vector.extract %slice3A_660[0] : i32 from vector<1xi32>
    %mul3A_662 = arith.constant 128 : i32
    %mul3A_663 = arith.muli %squeeze3A_661, %mul3A_662 : i32
    %multiple_of3A_664 = tpu.assume_multiple %mul3A_663, 128 : i32
    %dma_start3A_665 = arith.constant 430 : i32
    %dma_start3A_666 = arith.constant 0 : i32
    %dma_start3A_667 = tpu.memref_slice %arg6[%dma_start3A_665, %dma_start3A_666] : memref<640x128xf32, #tpu.memory_space<vmem>> -> memref<10x128xf32, #tpu.memory_space<vmem>>
    %dma_start3A_668 = arith.constant 0 : i32
    %dma_start3A_669 = tpu.memref_slice %arg2[%dma_start3A_668, %multiple_of3A_664] : memref<10x1000001xf32, #tpu.memory_space<hbm>> -> memref<10x128xf32, #tpu.memory_space<hbm>>
    %dma_start3A_670 = arith.constant 430 : i32
    %dma_start3A_671 = arith.constant 0 : i32
    %dma_start3A_672 = tpu.memref_slice %arg6[%dma_start3A_670, %dma_start3A_671] : memref<640x128xf32, #tpu.memory_space<vmem>> -> memref<10x128xf32, #tpu.memory_space<vmem>>
    %dma_start3A_673 = arith.constant 0 : i32
    %dma_start3A_674 = tpu.memref_slice %arg2[%dma_start3A_673, %multiple_of3A_664] : memref<10x1000001xf32, #tpu.memory_space<hbm>> -> memref<10x128xf32, #tpu.memory_space<hbm>>
    tpu.enqueue_dma source(%dma_start3A_674 : memref<10x128xf32, #tpu.memory_space<hbm>>) target(%dma_start3A_672 : memref<10x128xf32, #tpu.memory_space<vmem>>) target_semaphore(%arg11 : memref<!tpu.dma_semaphore, #tpu.memory_space<semaphore_mem>>)
    %slice3A_675 = vector.extract_strided_slice %shift_right_logical3A_494 {offsets = [12], sizes = [1], strides = [1]} : vector<16xi32> to vector<1xi32>
    %squeeze3A_676 = vector.extract %slice3A_675[0] : i32 from vector<1xi32>
    %mul3A_677 = arith.constant 128 : i32
    %mul3A_678 = arith.muli %squeeze3A_676, %mul3A_677 : i32
    %multiple_of3A_679 = tpu.assume_multiple %mul3A_678, 128 : i32
    %dma_start3A_680 = arith.constant 440 : i32
    %dma_start3A_681 = arith.constant 0 : i32
    %dma_start3A_682 = tpu.memref_slice %arg6[%dma_start3A_680, %dma_start3A_681] : memref<640x128xf32, #tpu.memory_space<vmem>> -> memref<10x128xf32, #tpu.memory_space<vmem>>
    %dma_start3A_683 = arith.constant 0 : i32
    %dma_start3A_684 = tpu.memref_slice %arg2[%dma_start3A_683, %multiple_of3A_679] : memref<10x1000001xf32, #tpu.memory_space<hbm>> -> memref<10x128xf32, #tpu.memory_space<hbm>>
    %dma_start3A_685 = arith.constant 440 : i32
    %dma_start3A_686 = arith.constant 0 : i32
    %dma_start3A_687 = tpu.memref_slice %arg6[%dma_start3A_685, %dma_start3A_686] : memref<640x128xf32, #tpu.memory_space<vmem>> -> memref<10x128xf32, #tpu.memory_space<vmem>>
    %dma_start3A_688 = arith.constant 0 : i32
    %dma_start3A_689 = tpu.memref_slice %arg2[%dma_start3A_688, %multiple_of3A_679] : memref<10x1000001xf32, #tpu.memory_space<hbm>> -> memref<10x128xf32, #tpu.memory_space<hbm>>
    tpu.enqueue_dma source(%dma_start3A_689 : memref<10x128xf32, #tpu.memory_space<hbm>>) target(%dma_start3A_687 : memref<10x128xf32, #tpu.memory_space<vmem>>) target_semaphore(%arg11 : memref<!tpu.dma_semaphore, #tpu.memory_space<semaphore_mem>>)
    %slice3A_690 = vector.extract_strided_slice %shift_right_logical3A_494 {offsets = [13], sizes = [1], strides = [1]} : vector<16xi32> to vector<1xi32>
    %squeeze3A_691 = vector.extract %slice3A_690[0] : i32 from vector<1xi32>
    %mul3A_692 = arith.constant 128 : i32
    %mul3A_693 = arith.muli %squeeze3A_691, %mul3A_692 : i32
    %multiple_of3A_694 = tpu.assume_multiple %mul3A_693, 128 : i32
    %dma_start3A_695 = arith.constant 450 : i32
    %dma_start3A_696 = arith.constant 0 : i32
    %dma_start3A_697 = tpu.memref_slice %arg6[%dma_start3A_695, %dma_start3A_696] : memref<640x128xf32, #tpu.memory_space<vmem>> -> memref<10x128xf32, #tpu.memory_space<vmem>>
    %dma_start3A_698 = arith.constant 0 : i32
    %dma_start3A_699 = tpu.memref_slice %arg2[%dma_start3A_698, %multiple_of3A_694] : memref<10x1000001xf32, #tpu.memory_space<hbm>> -> memref<10x128xf32, #tpu.memory_space<hbm>>
    %dma_start3A_700 = arith.constant 450 : i32
    %dma_start3A_701 = arith.constant 0 : i32
    %dma_start3A_702 = tpu.memref_slice %arg6[%dma_start3A_700, %dma_start3A_701] : memref<640x128xf32, #tpu.memory_space<vmem>> -> memref<10x128xf32, #tpu.memory_space<vmem>>
    %dma_start3A_703 = arith.constant 0 : i32
    %dma_start3A_704 = tpu.memref_slice %arg2[%dma_start3A_703, %multiple_of3A_694] : memref<10x1000001xf32, #tpu.memory_space<hbm>> -> memref<10x128xf32, #tpu.memory_space<hbm>>
    tpu.enqueue_dma source(%dma_start3A_704 : memref<10x128xf32, #tpu.memory_space<hbm>>) target(%dma_start3A_702 : memref<10x128xf32, #tpu.memory_space<vmem>>) target_semaphore(%arg11 : memref<!tpu.dma_semaphore, #tpu.memory_space<semaphore_mem>>)
    %slice3A_705 = vector.extract_strided_slice %shift_right_logical3A_494 {offsets = [14], sizes = [1], strides = [1]} : vector<16xi32> to vector<1xi32>
    %squeeze3A_706 = vector.extract %slice3A_705[0] : i32 from vector<1xi32>
    %mul3A_707 = arith.constant 128 : i32
    %mul3A_708 = arith.muli %squeeze3A_706, %mul3A_707 : i32
    %multiple_of3A_709 = tpu.assume_multiple %mul3A_708, 128 : i32
    %dma_start3A_710 = arith.constant 460 : i32
    %dma_start3A_711 = arith.constant 0 : i32
    %dma_start3A_712 = tpu.memref_slice %arg6[%dma_start3A_710, %dma_start3A_711] : memref<640x128xf32, #tpu.memory_space<vmem>> -> memref<10x128xf32, #tpu.memory_space<vmem>>
    %dma_start3A_713 = arith.constant 0 : i32
    %dma_start3A_714 = tpu.memref_slice %arg2[%dma_start3A_713, %multiple_of3A_709] : memref<10x1000001xf32, #tpu.memory_space<hbm>> -> memref<10x128xf32, #tpu.memory_space<hbm>>
    %dma_start3A_715 = arith.constant 460 : i32
    %dma_start3A_716 = arith.constant 0 : i32
    %dma_start3A_717 = tpu.memref_slice %arg6[%dma_start3A_715, %dma_start3A_716] : memref<640x128xf32, #tpu.memory_space<vmem>> -> memref<10x128xf32, #tpu.memory_space<vmem>>
    %dma_start3A_718 = arith.constant 0 : i32
    %dma_start3A_719 = tpu.memref_slice %arg2[%dma_start3A_718, %multiple_of3A_709] : memref<10x1000001xf32, #tpu.memory_space<hbm>> -> memref<10x128xf32, #tpu.memory_space<hbm>>
    tpu.enqueue_dma source(%dma_start3A_719 : memref<10x128xf32, #tpu.memory_space<hbm>>) target(%dma_start3A_717 : memref<10x128xf32, #tpu.memory_space<vmem>>) target_semaphore(%arg11 : memref<!tpu.dma_semaphore, #tpu.memory_space<semaphore_mem>>)
    %slice3A_720 = vector.extract_strided_slice %shift_right_logical3A_494 {offsets = [15], sizes = [1], strides = [1]} : vector<16xi32> to vector<1xi32>
    %squeeze3A_721 = vector.extract %slice3A_720[0] : i32 from vector<1xi32>
    %mul3A_722 = arith.constant 128 : i32
    %mul3A_723 = arith.muli %squeeze3A_721, %mul3A_722 : i32
    %multiple_of3A_724 = tpu.assume_multiple %mul3A_723, 128 : i32
    %dma_start3A_725 = arith.constant 470 : i32
    %dma_start3A_726 = arith.constant 0 : i32
    %dma_start3A_727 = tpu.memref_slice %arg6[%dma_start3A_725, %dma_start3A_726] : memref<640x128xf32, #tpu.memory_space<vmem>> -> memref<10x128xf32, #tpu.memory_space<vmem>>
    %dma_start3A_728 = arith.constant 0 : i32
    %dma_start3A_729 = tpu.memref_slice %arg2[%dma_start3A_728, %multiple_of3A_724] : memref<10x1000001xf32, #tpu.memory_space<hbm>> -> memref<10x128xf32, #tpu.memory_space<hbm>>
    %dma_start3A_730 = arith.constant 470 : i32
    %dma_start3A_731 = arith.constant 0 : i32
    %dma_start3A_732 = tpu.memref_slice %arg6[%dma_start3A_730, %dma_start3A_731] : memref<640x128xf32, #tpu.memory_space<vmem>> -> memref<10x128xf32, #tpu.memory_space<vmem>>
    %dma_start3A_733 = arith.constant 0 : i32
    %dma_start3A_734 = tpu.memref_slice %arg2[%dma_start3A_733, %multiple_of3A_724] : memref<10x1000001xf32, #tpu.memory_space<hbm>> -> memref<10x128xf32, #tpu.memory_space<hbm>>
    tpu.enqueue_dma source(%dma_start3A_734 : memref<10x128xf32, #tpu.memory_space<hbm>>) target(%dma_start3A_732 : memref<10x128xf32, #tpu.memory_space<vmem>>) target_semaphore(%arg11 : memref<!tpu.dma_semaphore, #tpu.memory_space<semaphore_mem>>)
    %scan3A = arith.constant 0 : i32
    %scan3A_735 = arith.constant 8 : i32
    %scan3A_736 = arith.addi %scan3A, %scan3A_735 : i32
    %scan3A_737 = arith.constant 1 : i32
    scf.for %scan3A_739 = %scan3A to %scan3A_736 step %scan3A_737  : i32 {
      %mul3A_740 = arith.constant 4 : i32
      %mul3A_741 = arith.muli %mul3A_740, %scan3A_739 : i32
      %add3A_742 = arith.constant 0 : i32
      %add3A_743 = arith.addi %mul3A_741, %add3A_742 : i32
      %add3A_744 = arith.constant 4 : i32
      %add3A_745 = arith.addi %add3A_743, %add3A_744 : i32
      %sub3A = arith.constant 1 : i32
      %sub3A_746 = arith.subi %add3A_745, %sub3A : i32
      %lt3A = arith.constant 32 : i32
      %lt3A_747 = arith.cmpi slt, %sub3A_746, %lt3A : i32
      %convert_element_type3A = arith.extui %lt3A_747 : i1 to i32
      %cond3A = arith.constant 0 : i32
      %cond3A_748 = arith.cmpi ne, %convert_element_type3A, %cond3A : i32
      scf.if %cond3A_748 {
        %add3A_2291 = arith.constant 4 : i32
        %add3A_2292 = arith.addi %add3A_743, %add3A_2291 : i32
        %sub3A_2293 = arith.constant 1 : i32
        %sub3A_2294 = arith.subi %add3A_2292, %sub3A_2293 : i32
        %mul3A_2295 = arith.constant 16 : i32
        %mul3A_2296 = arith.muli %sub3A_2294, %mul3A_2295 : i32
        %get3A_2297 = arith.index_cast %mul3A_2296 : i32 to index
        %get3A_2298 = tpu.vector_load %arg5[%get3A_2297] {strides = array<i32>} : memref<512xi32, #tpu.memory_space<vmem>>, vector<16xi32>,
        %shift_right_logical3A_2299 = arith.constant 7 : i32
        %shift_right_logical3A_2300 = vector.broadcast %shift_right_logical3A_2299 : i32 to vector<16xi32>
        %shift_right_logical3A_2301 = arith.shrui %get3A_2298, %shift_right_logical3A_2300 : vector<16xi32>
        %slice3A_2302 = vector.extract_strided_slice %shift_right_logical3A_2301 {offsets = [0], sizes = [1], strides = [1]} : vector<16xi32> to vector<1xi32>
        %squeeze3A_2303 = vector.extract %slice3A_2302[0] : i32 from vector<1xi32>
        %mul3A_2304 = arith.constant 128 : i32
        %mul3A_2305 = arith.muli %squeeze3A_2303, %mul3A_2304 : i32
        %multiple_of3A_2306 = tpu.assume_multiple %mul3A_2305, 128 : i32
        %dma_start3A_2307 = arith.constant 480 : i32
        %dma_start3A_2308 = arith.constant 0 : i32
        %dma_start3A_2309 = tpu.memref_slice %arg6[%dma_start3A_2307, %dma_start3A_2308] : memref<640x128xf32, #tpu.memory_space<vmem>> -> memref<10x128xf32, #tpu.memory_space<vmem>>
        %dma_start3A_2310 = arith.constant 0 : i32
        %dma_start3A_2311 = tpu.memref_slice %arg2[%dma_start3A_2310, %multiple_of3A_2306] : memref<10x1000001xf32, #tpu.memory_space<hbm>> -> memref<10x128xf32, #tpu.memory_space<hbm>>
        %dma_start3A_2312 = arith.constant 480 : i32
        %dma_start3A_2313 = arith.constant 0 : i32
        %dma_start3A_2314 = tpu.memref_slice %arg6[%dma_start3A_2312, %dma_start3A_2313] : memref<640x128xf32, #tpu.memory_space<vmem>> -> memref<10x128xf32, #tpu.memory_space<vmem>>
        %dma_start3A_2315 = arith.constant 0 : i32
        %dma_start3A_2316 = tpu.memref_slice %arg2[%dma_start3A_2315, %multiple_of3A_2306] : memref<10x1000001xf32, #tpu.memory_space<hbm>> -> memref<10x128xf32, #tpu.memory_space<hbm>>
        tpu.enqueue_dma source(%dma_start3A_2316 : memref<10x128xf32, #tpu.memory_space<hbm>>) target(%dma_start3A_2314 : memref<10x128xf32, #tpu.memory_space<vmem>>) target_semaphore(%arg12 : memref<!tpu.dma_semaphore, #tpu.memory_space<semaphore_mem>>)
        %slice3A_2317 = vector.extract_strided_slice %shift_right_logical3A_2301 {offsets = [1], sizes = [1], strides = [1]} : vector<16xi32> to vector<1xi32>
        %squeeze3A_2318 = vector.extract %slice3A_2317[0] : i32 from vector<1xi32>
        %mul3A_2319 = arith.constant 128 : i32
        %mul3A_2320 = arith.muli %squeeze3A_2318, %mul3A_2319 : i32
        %multiple_of3A_2321 = tpu.assume_multiple %mul3A_2320, 128 : i32
        %dma_start3A_2322 = arith.constant 490 : i32
        %dma_start3A_2323 = arith.constant 0 : i32
        %dma_start3A_2324 = tpu.memref_slice %arg6[%dma_start3A_2322, %dma_start3A_2323] : memref<640x128xf32, #tpu.memory_space<vmem>> -> memref<10x128xf32, #tpu.memory_space<vmem>>
        %dma_start3A_2325 = arith.constant 0 : i32
        %dma_start3A_2326 = tpu.memref_slice %arg2[%dma_start3A_2325, %multiple_of3A_2321] : memref<10x1000001xf32, #tpu.memory_space<hbm>> -> memref<10x128xf32, #tpu.memory_space<hbm>>
        %dma_start3A_2327 = arith.constant 490 : i32
        %dma_start3A_2328 = arith.constant 0 : i32
        %dma_start3A_2329 = tpu.memref_slice %arg6[%dma_start3A_2327, %dma_start3A_2328] : memref<640x128xf32, #tpu.memory_space<vmem>> -> memref<10x128xf32, #tpu.memory_space<vmem>>
        %dma_start3A_2330 = arith.constant 0 : i32
        %dma_start3A_2331 = tpu.memref_slice %arg2[%dma_start3A_2330, %multiple_of3A_2321] : memref<10x1000001xf32, #tpu.memory_space<hbm>> -> memref<10x128xf32, #tpu.memory_space<hbm>>
        tpu.enqueue_dma source(%dma_start3A_2331 : memref<10x128xf32, #tpu.memory_space<hbm>>) target(%dma_start3A_2329 : memref<10x128xf32, #tpu.memory_space<vmem>>) target_semaphore(%arg12 : memref<!tpu.dma_semaphore, #tpu.memory_space<semaphore_mem>>)
        %slice3A_2332 = vector.extract_strided_slice %shift_right_logical3A_2301 {offsets = [2], sizes = [1], strides = [1]} : vector<16xi32> to vector<1xi32>
        %squeeze3A_2333 = vector.extract %slice3A_2332[0] : i32 from vector<1xi32>
        %mul3A_2334 = arith.constant 128 : i32
        %mul3A_2335 = arith.muli %squeeze3A_2333, %mul3A_2334 : i32
        %multiple_of3A_2336 = tpu.assume_multiple %mul3A_2335, 128 : i32
        %dma_start3A_2337 = arith.constant 500 : i32
        %dma_start3A_2338 = arith.constant 0 : i32
        %dma_start3A_2339 = tpu.memref_slice %arg6[%dma_start3A_2337, %dma_start3A_2338] : memref<640x128xf32, #tpu.memory_space<vmem>> -> memref<10x128xf32, #tpu.memory_space<vmem>>
        %dma_start3A_2340 = arith.constant 0 : i32
        %dma_start3A_2341 = tpu.memref_slice %arg2[%dma_start3A_2340, %multiple_of3A_2336] : memref<10x1000001xf32, #tpu.memory_space<hbm>> -> memref<10x128xf32, #tpu.memory_space<hbm>>
        %dma_start3A_2342 = arith.constant 500 : i32
        %dma_start3A_2343 = arith.constant 0 : i32
        %dma_start3A_2344 = tpu.memref_slice %arg6[%dma_start3A_2342, %dma_start3A_2343] : memref<640x128xf32, #tpu.memory_space<vmem>> -> memref<10x128xf32, #tpu.memory_space<vmem>>
        %dma_start3A_2345 = arith.constant 0 : i32
        %dma_start3A_2346 = tpu.memref_slice %arg2[%dma_start3A_2345, %multiple_of3A_2336] : memref<10x1000001xf32, #tpu.memory_space<hbm>> -> memref<10x128xf32, #tpu.memory_space<hbm>>
        tpu.enqueue_dma source(%dma_start3A_2346 : memref<10x128xf32, #tpu.memory_space<hbm>>) target(%dma_start3A_2344 : memref<10x128xf32, #tpu.memory_space<vmem>>) target_semaphore(%arg12 : memref<!tpu.dma_semaphore, #tpu.memory_space<semaphore_mem>>)
        %slice3A_2347 = vector.extract_strided_slice %shift_right_logical3A_2301 {offsets = [3], sizes = [1], strides = [1]} : vector<16xi32> to vector<1xi32>
        %squeeze3A_2348 = vector.extract %slice3A_2347[0] : i32 from vector<1xi32>
        %mul3A_2349 = arith.constant 128 : i32
        %mul3A_2350 = arith.muli %squeeze3A_2348, %mul3A_2349 : i32
        %multiple_of3A_2351 = tpu.assume_multiple %mul3A_2350, 128 : i32
        %dma_start3A_2352 = arith.constant 510 : i32
        %dma_start3A_2353 = arith.constant 0 : i32
        %dma_start3A_2354 = tpu.memref_slice %arg6[%dma_start3A_2352, %dma_start3A_2353] : memref<640x128xf32, #tpu.memory_space<vmem>> -> memref<10x128xf32, #tpu.memory_space<vmem>>
        %dma_start3A_2355 = arith.constant 0 : i32
        %dma_start3A_2356 = tpu.memref_slice %arg2[%dma_start3A_2355, %multiple_of3A_2351] : memref<10x1000001xf32, #tpu.memory_space<hbm>> -> memref<10x128xf32, #tpu.memory_space<hbm>>
        %dma_start3A_2357 = arith.constant 510 : i32
        %dma_start3A_2358 = arith.constant 0 : i32
        %dma_start3A_2359 = tpu.memref_slice %arg6[%dma_start3A_2357, %dma_start3A_2358] : memref<640x128xf32, #tpu.memory_space<vmem>> -> memref<10x128xf32, #tpu.memory_space<vmem>>
        %dma_start3A_2360 = arith.constant 0 : i32
        %dma_start3A_2361 = tpu.memref_slice %arg2[%dma_start3A_2360, %multiple_of3A_2351] : memref<10x1000001xf32, #tpu.memory_space<hbm>> -> memref<10x128xf32, #tpu.memory_space<hbm>>
        tpu.enqueue_dma source(%dma_start3A_2361 : memref<10x128xf32, #tpu.memory_space<hbm>>) target(%dma_start3A_2359 : memref<10x128xf32, #tpu.memory_space<vmem>>) target_semaphore(%arg12 : memref<!tpu.dma_semaphore, #tpu.memory_space<semaphore_mem>>)
        %slice3A_2362 = vector.extract_strided_slice %shift_right_logical3A_2301 {offsets = [4], sizes = [1], strides = [1]} : vector<16xi32> to vector<1xi32>
        %squeeze3A_2363 = vector.extract %slice3A_2362[0] : i32 from vector<1xi32>
        %mul3A_2364 = arith.constant 128 : i32
        %mul3A_2365 = arith.muli %squeeze3A_2363, %mul3A_2364 : i32
        %multiple_of3A_2366 = tpu.assume_multiple %mul3A_2365, 128 : i32
        %dma_start3A_2367 = arith.constant 520 : i32
        %dma_start3A_2368 = arith.constant 0 : i32
        %dma_start3A_2369 = tpu.memref_slice %arg6[%dma_start3A_2367, %dma_start3A_2368] : memref<640x128xf32, #tpu.memory_space<vmem>> -> memref<10x128xf32, #tpu.memory_space<vmem>>
        %dma_start3A_2370 = arith.constant 0 : i32
        %dma_start3A_2371 = tpu.memref_slice %arg2[%dma_start3A_2370, %multiple_of3A_2366] : memref<10x1000001xf32, #tpu.memory_space<hbm>> -> memref<10x128xf32, #tpu.memory_space<hbm>>
        %dma_start3A_2372 = arith.constant 520 : i32
        %dma_start3A_2373 = arith.constant 0 : i32
        %dma_start3A_2374 = tpu.memref_slice %arg6[%dma_start3A_2372, %dma_start3A_2373] : memref<640x128xf32, #tpu.memory_space<vmem>> -> memref<10x128xf32, #tpu.memory_space<vmem>>
        %dma_start3A_2375 = arith.constant 0 : i32
        %dma_start3A_2376 = tpu.memref_slice %arg2[%dma_start3A_2375, %multiple_of3A_2366] : memref<10x1000001xf32, #tpu.memory_space<hbm>> -> memref<10x128xf32, #tpu.memory_space<hbm>>
        tpu.enqueue_dma source(%dma_start3A_2376 : memref<10x128xf32, #tpu.memory_space<hbm>>) target(%dma_start3A_2374 : memref<10x128xf32, #tpu.memory_space<vmem>>) target_semaphore(%arg12 : memref<!tpu.dma_semaphore, #tpu.memory_space<semaphore_mem>>)
        %slice3A_2377 = vector.extract_strided_slice %shift_right_logical3A_2301 {offsets = [5], sizes = [1], strides = [1]} : vector<16xi32> to vector<1xi32>
        %squeeze3A_2378 = vector.extract %slice3A_2377[0] : i32 from vector<1xi32>
        %mul3A_2379 = arith.constant 128 : i32
        %mul3A_2380 = arith.muli %squeeze3A_2378, %mul3A_2379 : i32
        %multiple_of3A_2381 = tpu.assume_multiple %mul3A_2380, 128 : i32
        %dma_start3A_2382 = arith.constant 530 : i32
        %dma_start3A_2383 = arith.constant 0 : i32
        %dma_start3A_2384 = tpu.memref_slice %arg6[%dma_start3A_2382, %dma_start3A_2383] : memref<640x128xf32, #tpu.memory_space<vmem>> -> memref<10x128xf32, #tpu.memory_space<vmem>>
        %dma_start3A_2385 = arith.constant 0 : i32
        %dma_start3A_2386 = tpu.memref_slice %arg2[%dma_start3A_2385, %multiple_of3A_2381] : memref<10x1000001xf32, #tpu.memory_space<hbm>> -> memref<10x128xf32, #tpu.memory_space<hbm>>
        %dma_start3A_2387 = arith.constant 530 : i32
        %dma_start3A_2388 = arith.constant 0 : i32
        %dma_start3A_2389 = tpu.memref_slice %arg6[%dma_start3A_2387, %dma_start3A_2388] : memref<640x128xf32, #tpu.memory_space<vmem>> -> memref<10x128xf32, #tpu.memory_space<vmem>>
        %dma_start3A_2390 = arith.constant 0 : i32
        %dma_start3A_2391 = tpu.memref_slice %arg2[%dma_start3A_2390, %multiple_of3A_2381] : memref<10x1000001xf32, #tpu.memory_space<hbm>> -> memref<10x128xf32, #tpu.memory_space<hbm>>
        tpu.enqueue_dma source(%dma_start3A_2391 : memref<10x128xf32, #tpu.memory_space<hbm>>) target(%dma_start3A_2389 : memref<10x128xf32, #tpu.memory_space<vmem>>) target_semaphore(%arg12 : memref<!tpu.dma_semaphore, #tpu.memory_space<semaphore_mem>>)
        %slice3A_2392 = vector.extract_strided_slice %shift_right_logical3A_2301 {offsets = [6], sizes = [1], strides = [1]} : vector<16xi32> to vector<1xi32>
        %squeeze3A_2393 = vector.extract %slice3A_2392[0] : i32 from vector<1xi32>
        %mul3A_2394 = arith.constant 128 : i32
        %mul3A_2395 = arith.muli %squeeze3A_2393, %mul3A_2394 : i32
        %multiple_of3A_2396 = tpu.assume_multiple %mul3A_2395, 128 : i32
        %dma_start3A_2397 = arith.constant 540 : i32
        %dma_start3A_2398 = arith.constant 0 : i32
        %dma_start3A_2399 = tpu.memref_slice %arg6[%dma_start3A_2397, %dma_start3A_2398] : memref<640x128xf32, #tpu.memory_space<vmem>> -> memref<10x128xf32, #tpu.memory_space<vmem>>
        %dma_start3A_2400 = arith.constant 0 : i32
        %dma_start3A_2401 = tpu.memref_slice %arg2[%dma_start3A_2400, %multiple_of3A_2396] : memref<10x1000001xf32, #tpu.memory_space<hbm>> -> memref<10x128xf32, #tpu.memory_space<hbm>>
        %dma_start3A_2402 = arith.constant 540 : i32
        %dma_start3A_2403 = arith.constant 0 : i32
        %dma_start3A_2404 = tpu.memref_slice %arg6[%dma_start3A_2402, %dma_start3A_2403] : memref<640x128xf32, #tpu.memory_space<vmem>> -> memref<10x128xf32, #tpu.memory_space<vmem>>
        %dma_start3A_2405 = arith.constant 0 : i32
        %dma_start3A_2406 = tpu.memref_slice %arg2[%dma_start3A_2405, %multiple_of3A_2396] : memref<10x1000001xf32, #tpu.memory_space<hbm>> -> memref<10x128xf32, #tpu.memory_space<hbm>>
        tpu.enqueue_dma source(%dma_start3A_2406 : memref<10x128xf32, #tpu.memory_space<hbm>>) target(%dma_start3A_2404 : memref<10x128xf32, #tpu.memory_space<vmem>>) target_semaphore(%arg12 : memref<!tpu.dma_semaphore, #tpu.memory_space<semaphore_mem>>)
        %slice3A_2407 = vector.extract_strided_slice %shift_right_logical3A_2301 {offsets = [7], sizes = [1], strides = [1]} : vector<16xi32> to vector<1xi32>
        %squeeze3A_2408 = vector.extract %slice3A_2407[0] : i32 from vector<1xi32>
        %mul3A_2409 = arith.constant 128 : i32
        %mul3A_2410 = arith.muli %squeeze3A_2408, %mul3A_2409 : i32
        %multiple_of3A_2411 = tpu.assume_multiple %mul3A_2410, 128 : i32
        %dma_start3A_2412 = arith.constant 550 : i32
        %dma_start3A_2413 = arith.constant 0 : i32
        %dma_start3A_2414 = tpu.memref_slice %arg6[%dma_start3A_2412, %dma_start3A_2413] : memref<640x128xf32, #tpu.memory_space<vmem>> -> memref<10x128xf32, #tpu.memory_space<vmem>>
        %dma_start3A_2415 = arith.constant 0 : i32
        %dma_start3A_2416 = tpu.memref_slice %arg2[%dma_start3A_2415, %multiple_of3A_2411] : memref<10x1000001xf32, #tpu.memory_space<hbm>> -> memref<10x128xf32, #tpu.memory_space<hbm>>
        %dma_start3A_2417 = arith.constant 550 : i32
        %dma_start3A_2418 = arith.constant 0 : i32
        %dma_start3A_2419 = tpu.memref_slice %arg6[%dma_start3A_2417, %dma_start3A_2418] : memref<640x128xf32, #tpu.memory_space<vmem>> -> memref<10x128xf32, #tpu.memory_space<vmem>>
        %dma_start3A_2420 = arith.constant 0 : i32
        %dma_start3A_2421 = tpu.memref_slice %arg2[%dma_start3A_2420, %multiple_of3A_2411] : memref<10x1000001xf32, #tpu.memory_space<hbm>> -> memref<10x128xf32, #tpu.memory_space<hbm>>
        tpu.enqueue_dma source(%dma_start3A_2421 : memref<10x128xf32, #tpu.memory_space<hbm>>) target(%dma_start3A_2419 : memref<10x128xf32, #tpu.memory_space<vmem>>) target_semaphore(%arg12 : memref<!tpu.dma_semaphore, #tpu.memory_space<semaphore_mem>>)
        %slice3A_2422 = vector.extract_strided_slice %shift_right_logical3A_2301 {offsets = [8], sizes = [1], strides = [1]} : vector<16xi32> to vector<1xi32>
        %squeeze3A_2423 = vector.extract %slice3A_2422[0] : i32 from vector<1xi32>
        %mul3A_2424 = arith.constant 128 : i32
        %mul3A_2425 = arith.muli %squeeze3A_2423, %mul3A_2424 : i32
        %multiple_of3A_2426 = tpu.assume_multiple %mul3A_2425, 128 : i32
        %dma_start3A_2427 = arith.constant 560 : i32
        %dma_start3A_2428 = arith.constant 0 : i32
        %dma_start3A_2429 = tpu.memref_slice %arg6[%dma_start3A_2427, %dma_start3A_2428] : memref<640x128xf32, #tpu.memory_space<vmem>> -> memref<10x128xf32, #tpu.memory_space<vmem>>
        %dma_start3A_2430 = arith.constant 0 : i32
        %dma_start3A_2431 = tpu.memref_slice %arg2[%dma_start3A_2430, %multiple_of3A_2426] : memref<10x1000001xf32, #tpu.memory_space<hbm>> -> memref<10x128xf32, #tpu.memory_space<hbm>>
        %dma_start3A_2432 = arith.constant 560 : i32
        %dma_start3A_2433 = arith.constant 0 : i32
        %dma_start3A_2434 = tpu.memref_slice %arg6[%dma_start3A_2432, %dma_start3A_2433] : memref<640x128xf32, #tpu.memory_space<vmem>> -> memref<10x128xf32, #tpu.memory_space<vmem>>
        %dma_start3A_2435 = arith.constant 0 : i32
        %dma_start3A_2436 = tpu.memref_slice %arg2[%dma_start3A_2435, %multiple_of3A_2426] : memref<10x1000001xf32, #tpu.memory_space<hbm>> -> memref<10x128xf32, #tpu.memory_space<hbm>>
        tpu.enqueue_dma source(%dma_start3A_2436 : memref<10x128xf32, #tpu.memory_space<hbm>>) target(%dma_start3A_2434 : memref<10x128xf32, #tpu.memory_space<vmem>>) target_semaphore(%arg12 : memref<!tpu.dma_semaphore, #tpu.memory_space<semaphore_mem>>)
        %slice3A_2437 = vector.extract_strided_slice %shift_right_logical3A_2301 {offsets = [9], sizes = [1], strides = [1]} : vector<16xi32> to vector<1xi32>
        %squeeze3A_2438 = vector.extract %slice3A_2437[0] : i32 from vector<1xi32>
        %mul3A_2439 = arith.constant 128 : i32
        %mul3A_2440 = arith.muli %squeeze3A_2438, %mul3A_2439 : i32
        %multiple_of3A_2441 = tpu.assume_multiple %mul3A_2440, 128 : i32
        %dma_start3A_2442 = arith.constant 570 : i32
        %dma_start3A_2443 = arith.constant 0 : i32
        %dma_start3A_2444 = tpu.memref_slice %arg6[%dma_start3A_2442, %dma_start3A_2443] : memref<640x128xf32, #tpu.memory_space<vmem>> -> memref<10x128xf32, #tpu.memory_space<vmem>>
        %dma_start3A_2445 = arith.constant 0 : i32
        %dma_start3A_2446 = tpu.memref_slice %arg2[%dma_start3A_2445, %multiple_of3A_2441] : memref<10x1000001xf32, #tpu.memory_space<hbm>> -> memref<10x128xf32, #tpu.memory_space<hbm>>
        %dma_start3A_2447 = arith.constant 570 : i32
        %dma_start3A_2448 = arith.constant 0 : i32
        %dma_start3A_2449 = tpu.memref_slice %arg6[%dma_start3A_2447, %dma_start3A_2448] : memref<640x128xf32, #tpu.memory_space<vmem>> -> memref<10x128xf32, #tpu.memory_space<vmem>>
        %dma_start3A_2450 = arith.constant 0 : i32
        %dma_start3A_2451 = tpu.memref_slice %arg2[%dma_start3A_2450, %multiple_of3A_2441] : memref<10x1000001xf32, #tpu.memory_space<hbm>> -> memref<10x128xf32, #tpu.memory_space<hbm>>
        tpu.enqueue_dma source(%dma_start3A_2451 : memref<10x128xf32, #tpu.memory_space<hbm>>) target(%dma_start3A_2449 : memref<10x128xf32, #tpu.memory_space<vmem>>) target_semaphore(%arg12 : memref<!tpu.dma_semaphore, #tpu.memory_space<semaphore_mem>>)
        %slice3A_2452 = vector.extract_strided_slice %shift_right_logical3A_2301 {offsets = [10], sizes = [1], strides = [1]} : vector<16xi32> to vector<1xi32>
        %squeeze3A_2453 = vector.extract %slice3A_2452[0] : i32 from vector<1xi32>
        %mul3A_2454 = arith.constant 128 : i32
        %mul3A_2455 = arith.muli %squeeze3A_2453, %mul3A_2454 : i32
        %multiple_of3A_2456 = tpu.assume_multiple %mul3A_2455, 128 : i32
        %dma_start3A_2457 = arith.constant 580 : i32
        %dma_start3A_2458 = arith.constant 0 : i32
        %dma_start3A_2459 = tpu.memref_slice %arg6[%dma_start3A_2457, %dma_start3A_2458] : memref<640x128xf32, #tpu.memory_space<vmem>> -> memref<10x128xf32, #tpu.memory_space<vmem>>
        %dma_start3A_2460 = arith.constant 0 : i32
        %dma_start3A_2461 = tpu.memref_slice %arg2[%dma_start3A_2460, %multiple_of3A_2456] : memref<10x1000001xf32, #tpu.memory_space<hbm>> -> memref<10x128xf32, #tpu.memory_space<hbm>>
        %dma_start3A_2462 = arith.constant 580 : i32
        %dma_start3A_2463 = arith.constant 0 : i32
        %dma_start3A_2464 = tpu.memref_slice %arg6[%dma_start3A_2462, %dma_start3A_2463] : memref<640x128xf32, #tpu.memory_space<vmem>> -> memref<10x128xf32, #tpu.memory_space<vmem>>
        %dma_start3A_2465 = arith.constant 0 : i32
        %dma_start3A_2466 = tpu.memref_slice %arg2[%dma_start3A_2465, %multiple_of3A_2456] : memref<10x1000001xf32, #tpu.memory_space<hbm>> -> memref<10x128xf32, #tpu.memory_space<hbm>>
        tpu.enqueue_dma source(%dma_start3A_2466 : memref<10x128xf32, #tpu.memory_space<hbm>>) target(%dma_start3A_2464 : memref<10x128xf32, #tpu.memory_space<vmem>>) target_semaphore(%arg12 : memref<!tpu.dma_semaphore, #tpu.memory_space<semaphore_mem>>)
        %slice3A_2467 = vector.extract_strided_slice %shift_right_logical3A_2301 {offsets = [11], sizes = [1], strides = [1]} : vector<16xi32> to vector<1xi32>
        %squeeze3A_2468 = vector.extract %slice3A_2467[0] : i32 from vector<1xi32>
        %mul3A_2469 = arith.constant 128 : i32
        %mul3A_2470 = arith.muli %squeeze3A_2468, %mul3A_2469 : i32
        %multiple_of3A_2471 = tpu.assume_multiple %mul3A_2470, 128 : i32
        %dma_start3A_2472 = arith.constant 590 : i32
        %dma_start3A_2473 = arith.constant 0 : i32
        %dma_start3A_2474 = tpu.memref_slice %arg6[%dma_start3A_2472, %dma_start3A_2473] : memref<640x128xf32, #tpu.memory_space<vmem>> -> memref<10x128xf32, #tpu.memory_space<vmem>>
        %dma_start3A_2475 = arith.constant 0 : i32
        %dma_start3A_2476 = tpu.memref_slice %arg2[%dma_start3A_2475, %multiple_of3A_2471] : memref<10x1000001xf32, #tpu.memory_space<hbm>> -> memref<10x128xf32, #tpu.memory_space<hbm>>
        %dma_start3A_2477 = arith.constant 590 : i32
        %dma_start3A_2478 = arith.constant 0 : i32
        %dma_start3A_2479 = tpu.memref_slice %arg6[%dma_start3A_2477, %dma_start3A_2478] : memref<640x128xf32, #tpu.memory_space<vmem>> -> memref<10x128xf32, #tpu.memory_space<vmem>>
        %dma_start3A_2480 = arith.constant 0 : i32
        %dma_start3A_2481 = tpu.memref_slice %arg2[%dma_start3A_2480, %multiple_of3A_2471] : memref<10x1000001xf32, #tpu.memory_space<hbm>> -> memref<10x128xf32, #tpu.memory_space<hbm>>
        tpu.enqueue_dma source(%dma_start3A_2481 : memref<10x128xf32, #tpu.memory_space<hbm>>) target(%dma_start3A_2479 : memref<10x128xf32, #tpu.memory_space<vmem>>) target_semaphore(%arg12 : memref<!tpu.dma_semaphore, #tpu.memory_space<semaphore_mem>>)
        %slice3A_2482 = vector.extract_strided_slice %shift_right_logical3A_2301 {offsets = [12], sizes = [1], strides = [1]} : vector<16xi32> to vector<1xi32>
        %squeeze3A_2483 = vector.extract %slice3A_2482[0] : i32 from vector<1xi32>
        %mul3A_2484 = arith.constant 128 : i32
        %mul3A_2485 = arith.muli %squeeze3A_2483, %mul3A_2484 : i32
        %multiple_of3A_2486 = tpu.assume_multiple %mul3A_2485, 128 : i32
        %dma_start3A_2487 = arith.constant 600 : i32
        %dma_start3A_2488 = arith.constant 0 : i32
        %dma_start3A_2489 = tpu.memref_slice %arg6[%dma_start3A_2487, %dma_start3A_2488] : memref<640x128xf32, #tpu.memory_space<vmem>> -> memref<10x128xf32, #tpu.memory_space<vmem>>
        %dma_start3A_2490 = arith.constant 0 : i32
        %dma_start3A_2491 = tpu.memref_slice %arg2[%dma_start3A_2490, %multiple_of3A_2486] : memref<10x1000001xf32, #tpu.memory_space<hbm>> -> memref<10x128xf32, #tpu.memory_space<hbm>>
        %dma_start3A_2492 = arith.constant 600 : i32
        %dma_start3A_2493 = arith.constant 0 : i32
        %dma_start3A_2494 = tpu.memref_slice %arg6[%dma_start3A_2492, %dma_start3A_2493] : memref<640x128xf32, #tpu.memory_space<vmem>> -> memref<10x128xf32, #tpu.memory_space<vmem>>
        %dma_start3A_2495 = arith.constant 0 : i32
        %dma_start3A_2496 = tpu.memref_slice %arg2[%dma_start3A_2495, %multiple_of3A_2486] : memref<10x1000001xf32, #tpu.memory_space<hbm>> -> memref<10x128xf32, #tpu.memory_space<hbm>>
        tpu.enqueue_dma source(%dma_start3A_2496 : memref<10x128xf32, #tpu.memory_space<hbm>>) target(%dma_start3A_2494 : memref<10x128xf32, #tpu.memory_space<vmem>>) target_semaphore(%arg12 : memref<!tpu.dma_semaphore, #tpu.memory_space<semaphore_mem>>)
        %slice3A_2497 = vector.extract_strided_slice %shift_right_logical3A_2301 {offsets = [13], sizes = [1], strides = [1]} : vector<16xi32> to vector<1xi32>
        %squeeze3A_2498 = vector.extract %slice3A_2497[0] : i32 from vector<1xi32>
        %mul3A_2499 = arith.constant 128 : i32
        %mul3A_2500 = arith.muli %squeeze3A_2498, %mul3A_2499 : i32
        %multiple_of3A_2501 = tpu.assume_multiple %mul3A_2500, 128 : i32
        %dma_start3A_2502 = arith.constant 610 : i32
        %dma_start3A_2503 = arith.constant 0 : i32
        %dma_start3A_2504 = tpu.memref_slice %arg6[%dma_start3A_2502, %dma_start3A_2503] : memref<640x128xf32, #tpu.memory_space<vmem>> -> memref<10x128xf32, #tpu.memory_space<vmem>>
        %dma_start3A_2505 = arith.constant 0 : i32
        %dma_start3A_2506 = tpu.memref_slice %arg2[%dma_start3A_2505, %multiple_of3A_2501] : memref<10x1000001xf32, #tpu.memory_space<hbm>> -> memref<10x128xf32, #tpu.memory_space<hbm>>
        %dma_start3A_2507 = arith.constant 610 : i32
        %dma_start3A_2508 = arith.constant 0 : i32
        %dma_start3A_2509 = tpu.memref_slice %arg6[%dma_start3A_2507, %dma_start3A_2508] : memref<640x128xf32, #tpu.memory_space<vmem>> -> memref<10x128xf32, #tpu.memory_space<vmem>>
        %dma_start3A_2510 = arith.constant 0 : i32
        %dma_start3A_2511 = tpu.memref_slice %arg2[%dma_start3A_2510, %multiple_of3A_2501] : memref<10x1000001xf32, #tpu.memory_space<hbm>> -> memref<10x128xf32, #tpu.memory_space<hbm>>
        tpu.enqueue_dma source(%dma_start3A_2511 : memref<10x128xf32, #tpu.memory_space<hbm>>) target(%dma_start3A_2509 : memref<10x128xf32, #tpu.memory_space<vmem>>) target_semaphore(%arg12 : memref<!tpu.dma_semaphore, #tpu.memory_space<semaphore_mem>>)
        %slice3A_2512 = vector.extract_strided_slice %shift_right_logical3A_2301 {offsets = [14], sizes = [1], strides = [1]} : vector<16xi32> to vector<1xi32>
        %squeeze3A_2513 = vector.extract %slice3A_2512[0] : i32 from vector<1xi32>
        %mul3A_2514 = arith.constant 128 : i32
        %mul3A_2515 = arith.muli %squeeze3A_2513, %mul3A_2514 : i32
        %multiple_of3A_2516 = tpu.assume_multiple %mul3A_2515, 128 : i32
        %dma_start3A_2517 = arith.constant 620 : i32
        %dma_start3A_2518 = arith.constant 0 : i32
        %dma_start3A_2519 = tpu.memref_slice %arg6[%dma_start3A_2517, %dma_start3A_2518] : memref<640x128xf32, #tpu.memory_space<vmem>> -> memref<10x128xf32, #tpu.memory_space<vmem>>
        %dma_start3A_2520 = arith.constant 0 : i32
        %dma_start3A_2521 = tpu.memref_slice %arg2[%dma_start3A_2520, %multiple_of3A_2516] : memref<10x1000001xf32, #tpu.memory_space<hbm>> -> memref<10x128xf32, #tpu.memory_space<hbm>>
        %dma_start3A_2522 = arith.constant 620 : i32
        %dma_start3A_2523 = arith.constant 0 : i32
        %dma_start3A_2524 = tpu.memref_slice %arg6[%dma_start3A_2522, %dma_start3A_2523] : memref<640x128xf32, #tpu.memory_space<vmem>> -> memref<10x128xf32, #tpu.memory_space<vmem>>
        %dma_start3A_2525 = arith.constant 0 : i32
        %dma_start3A_2526 = tpu.memref_slice %arg2[%dma_start3A_2525, %multiple_of3A_2516] : memref<10x1000001xf32, #tpu.memory_space<hbm>> -> memref<10x128xf32, #tpu.memory_space<hbm>>
        tpu.enqueue_dma source(%dma_start3A_2526 : memref<10x128xf32, #tpu.memory_space<hbm>>) target(%dma_start3A_2524 : memref<10x128xf32, #tpu.memory_space<vmem>>) target_semaphore(%arg12 : memref<!tpu.dma_semaphore, #tpu.memory_space<semaphore_mem>>)
        %slice3A_2527 = vector.extract_strided_slice %shift_right_logical3A_2301 {offsets = [15], sizes = [1], strides = [1]} : vector<16xi32> to vector<1xi32>
        %squeeze3A_2528 = vector.extract %slice3A_2527[0] : i32 from vector<1xi32>
        %mul3A_2529 = arith.constant 128 : i32
        %mul3A_2530 = arith.muli %squeeze3A_2528, %mul3A_2529 : i32
        %multiple_of3A_2531 = tpu.assume_multiple %mul3A_2530, 128 : i32
        %dma_start3A_2532 = arith.constant 630 : i32
        %dma_start3A_2533 = arith.constant 0 : i32
        %dma_start3A_2534 = tpu.memref_slice %arg6[%dma_start3A_2532, %dma_start3A_2533] : memref<640x128xf32, #tpu.memory_space<vmem>> -> memref<10x128xf32, #tpu.memory_space<vmem>>
        %dma_start3A_2535 = arith.constant 0 : i32
        %dma_start3A_2536 = tpu.memref_slice %arg2[%dma_start3A_2535, %multiple_of3A_2531] : memref<10x1000001xf32, #tpu.memory_space<hbm>> -> memref<10x128xf32, #tpu.memory_space<hbm>>
        %dma_start3A_2537 = arith.constant 630 : i32
        %dma_start3A_2538 = arith.constant 0 : i32
        %dma_start3A_2539 = tpu.memref_slice %arg6[%dma_start3A_2537, %dma_start3A_2538] : memref<640x128xf32, #tpu.memory_space<vmem>> -> memref<10x128xf32, #tpu.memory_space<vmem>>
        %dma_start3A_2540 = arith.constant 0 : i32
        %dma_start3A_2541 = tpu.memref_slice %arg2[%dma_start3A_2540, %multiple_of3A_2531] : memref<10x1000001xf32, #tpu.memory_space<hbm>> -> memref<10x128xf32, #tpu.memory_space<hbm>>
        tpu.enqueue_dma source(%dma_start3A_2541 : memref<10x128xf32, #tpu.memory_space<hbm>>) target(%dma_start3A_2539 : memref<10x128xf32, #tpu.memory_space<vmem>>) target_semaphore(%arg12 : memref<!tpu.dma_semaphore, #tpu.memory_space<semaphore_mem>>)
      } else {
      }
      %mul3A_749 = arith.constant 16 : i32
      %mul3A_750 = arith.muli %add3A_743, %mul3A_749 : i32
      %get3A_751 = arith.index_cast %mul3A_750 : i32 to index
      %get3A_752 = tpu.vector_load %arg5[%get3A_751] {strides = array<i32>} : memref<512xi32, #tpu.memory_space<vmem>>, vector<16xi32>,
      %shift_right_logical3A_753 = arith.constant 7 : i32
      %shift_right_logical3A_754 = vector.broadcast %shift_right_logical3A_753 : i32 to vector<16xi32>
      %shift_right_logical3A_755 = arith.shrui %get3A_752, %shift_right_logical3A_754 : vector<16xi32>
      %slice3A_756 = vector.extract_strided_slice %shift_right_logical3A_755 {offsets = [0], sizes = [1], strides = [1]} : vector<16xi32> to vector<1xi32>
      %squeeze3A_757 = vector.extract %slice3A_756[0] : i32 from vector<1xi32>
      %mul3A_758 = arith.constant 128 : i32
      %mul3A_759 = arith.muli %squeeze3A_757, %mul3A_758 : i32
      %multiple_of3A_760 = tpu.assume_multiple %mul3A_759, 128 : i32
      %dma_wait3A_761 = arith.constant 0 : i32
      %dma_wait3A_762 = arith.constant 0 : i32
      %dma_wait3A_763 = tpu.memref_slice %arg6[%dma_wait3A_761, %dma_wait3A_762] : memref<640x128xf32, #tpu.memory_space<vmem>> -> memref<10x128xf32, #tpu.memory_space<vmem>>
      %dma_wait3A_764 = arith.constant 0 : i32
      %dma_wait3A_765 = tpu.memref_slice %arg2[%dma_wait3A_764, %multiple_of3A_760] : memref<10x1000001xf32, #tpu.memory_space<hbm>> -> memref<10x128xf32, #tpu.memory_space<hbm>>
      %dma_wait3A_766 = arith.constant 0 : i32
      %dma_wait3A_767 = arith.constant 0 : i32
      %dma_wait3A_768 = tpu.memref_slice %arg6[%dma_wait3A_766, %dma_wait3A_767] : memref<640x128xf32, #tpu.memory_space<vmem>> -> memref<10x128xf32, #tpu.memory_space<vmem>>
      %dma_wait3A_769 = arith.constant 0 : i32
      %dma_wait3A_770 = tpu.memref_slice %arg2[%dma_wait3A_769, %multiple_of3A_760] : memref<10x1000001xf32, #tpu.memory_space<hbm>> -> memref<10x128xf32, #tpu.memory_space<hbm>>
      tpu.wait_dma2 semaphore(%arg9 : memref<!tpu.dma_semaphore, #tpu.memory_space<semaphore_mem>>) src(%dma_wait3A_770 : memref<10x128xf32, #tpu.memory_space<hbm>>) dst(%dma_wait3A_768 : memref<10x128xf32, #tpu.memory_space<vmem>>)
      %slice3A_771 = vector.extract_strided_slice %shift_right_logical3A_755 {offsets = [1], sizes = [1], strides = [1]} : vector<16xi32> to vector<1xi32>
      %squeeze3A_772 = vector.extract %slice3A_771[0] : i32 from vector<1xi32>
      %mul3A_773 = arith.constant 128 : i32
      %mul3A_774 = arith.muli %squeeze3A_772, %mul3A_773 : i32
      %multiple_of3A_775 = tpu.assume_multiple %mul3A_774, 128 : i32
      %dma_wait3A_776 = arith.constant 10 : i32
      %dma_wait3A_777 = arith.constant 0 : i32
      %dma_wait3A_778 = tpu.memref_slice %arg6[%dma_wait3A_776, %dma_wait3A_777] : memref<640x128xf32, #tpu.memory_space<vmem>> -> memref<10x128xf32, #tpu.memory_space<vmem>>
      %dma_wait3A_779 = arith.constant 0 : i32
      %dma_wait3A_780 = tpu.memref_slice %arg2[%dma_wait3A_779, %multiple_of3A_775] : memref<10x1000001xf32, #tpu.memory_space<hbm>> -> memref<10x128xf32, #tpu.memory_space<hbm>>
      %dma_wait3A_781 = arith.constant 10 : i32
      %dma_wait3A_782 = arith.constant 0 : i32
      %dma_wait3A_783 = tpu.memref_slice %arg6[%dma_wait3A_781, %dma_wait3A_782] : memref<640x128xf32, #tpu.memory_space<vmem>> -> memref<10x128xf32, #tpu.memory_space<vmem>>
      %dma_wait3A_784 = arith.constant 0 : i32
      %dma_wait3A_785 = tpu.memref_slice %arg2[%dma_wait3A_784, %multiple_of3A_775] : memref<10x1000001xf32, #tpu.memory_space<hbm>> -> memref<10x128xf32, #tpu.memory_space<hbm>>
      tpu.wait_dma2 semaphore(%arg9 : memref<!tpu.dma_semaphore, #tpu.memory_space<semaphore_mem>>) src(%dma_wait3A_785 : memref<10x128xf32, #tpu.memory_space<hbm>>) dst(%dma_wait3A_783 : memref<10x128xf32, #tpu.memory_space<vmem>>)
      %slice3A_786 = vector.extract_strided_slice %shift_right_logical3A_755 {offsets = [2], sizes = [1], strides = [1]} : vector<16xi32> to vector<1xi32>
      %squeeze3A_787 = vector.extract %slice3A_786[0] : i32 from vector<1xi32>
      %mul3A_788 = arith.constant 128 : i32
      %mul3A_789 = arith.muli %squeeze3A_787, %mul3A_788 : i32
      %multiple_of3A_790 = tpu.assume_multiple %mul3A_789, 128 : i32
      %dma_wait3A_791 = arith.constant 20 : i32
      %dma_wait3A_792 = arith.constant 0 : i32
      %dma_wait3A_793 = tpu.memref_slice %arg6[%dma_wait3A_791, %dma_wait3A_792] : memref<640x128xf32, #tpu.memory_space<vmem>> -> memref<10x128xf32, #tpu.memory_space<vmem>>
      %dma_wait3A_794 = arith.constant 0 : i32
      %dma_wait3A_795 = tpu.memref_slice %arg2[%dma_wait3A_794, %multiple_of3A_790] : memref<10x1000001xf32, #tpu.memory_space<hbm>> -> memref<10x128xf32, #tpu.memory_space<hbm>>
      %dma_wait3A_796 = arith.constant 20 : i32
      %dma_wait3A_797 = arith.constant 0 : i32
      %dma_wait3A_798 = tpu.memref_slice %arg6[%dma_wait3A_796, %dma_wait3A_797] : memref<640x128xf32, #tpu.memory_space<vmem>> -> memref<10x128xf32, #tpu.memory_space<vmem>>
      %dma_wait3A_799 = arith.constant 0 : i32
      %dma_wait3A_800 = tpu.memref_slice %arg2[%dma_wait3A_799, %multiple_of3A_790] : memref<10x1000001xf32, #tpu.memory_space<hbm>> -> memref<10x128xf32, #tpu.memory_space<hbm>>
      tpu.wait_dma2 semaphore(%arg9 : memref<!tpu.dma_semaphore, #tpu.memory_space<semaphore_mem>>) src(%dma_wait3A_800 : memref<10x128xf32, #tpu.memory_space<hbm>>) dst(%dma_wait3A_798 : memref<10x128xf32, #tpu.memory_space<vmem>>)
      %slice3A_801 = vector.extract_strided_slice %shift_right_logical3A_755 {offsets = [3], sizes = [1], strides = [1]} : vector<16xi32> to vector<1xi32>
      %squeeze3A_802 = vector.extract %slice3A_801[0] : i32 from vector<1xi32>
      %mul3A_803 = arith.constant 128 : i32
      %mul3A_804 = arith.muli %squeeze3A_802, %mul3A_803 : i32
      %multiple_of3A_805 = tpu.assume_multiple %mul3A_804, 128 : i32
      %dma_wait3A_806 = arith.constant 30 : i32
      %dma_wait3A_807 = arith.constant 0 : i32
      %dma_wait3A_808 = tpu.memref_slice %arg6[%dma_wait3A_806, %dma_wait3A_807] : memref<640x128xf32, #tpu.memory_space<vmem>> -> memref<10x128xf32, #tpu.memory_space<vmem>>
      %dma_wait3A_809 = arith.constant 0 : i32
      %dma_wait3A_810 = tpu.memref_slice %arg2[%dma_wait3A_809, %multiple_of3A_805] : memref<10x1000001xf32, #tpu.memory_space<hbm>> -> memref<10x128xf32, #tpu.memory_space<hbm>>
      %dma_wait3A_811 = arith.constant 30 : i32
      %dma_wait3A_812 = arith.constant 0 : i32
      %dma_wait3A_813 = tpu.memref_slice %arg6[%dma_wait3A_811, %dma_wait3A_812] : memref<640x128xf32, #tpu.memory_space<vmem>> -> memref<10x128xf32, #tpu.memory_space<vmem>>
      %dma_wait3A_814 = arith.constant 0 : i32
      %dma_wait3A_815 = tpu.memref_slice %arg2[%dma_wait3A_814, %multiple_of3A_805] : memref<10x1000001xf32, #tpu.memory_space<hbm>> -> memref<10x128xf32, #tpu.memory_space<hbm>>
      tpu.wait_dma2 semaphore(%arg9 : memref<!tpu.dma_semaphore, #tpu.memory_space<semaphore_mem>>) src(%dma_wait3A_815 : memref<10x128xf32, #tpu.memory_space<hbm>>) dst(%dma_wait3A_813 : memref<10x128xf32, #tpu.memory_space<vmem>>)
      %slice3A_816 = vector.extract_strided_slice %shift_right_logical3A_755 {offsets = [4], sizes = [1], strides = [1]} : vector<16xi32> to vector<1xi32>
      %squeeze3A_817 = vector.extract %slice3A_816[0] : i32 from vector<1xi32>
      %mul3A_818 = arith.constant 128 : i32
      %mul3A_819 = arith.muli %squeeze3A_817, %mul3A_818 : i32
      %multiple_of3A_820 = tpu.assume_multiple %mul3A_819, 128 : i32
      %dma_wait3A_821 = arith.constant 40 : i32
      %dma_wait3A_822 = arith.constant 0 : i32
      %dma_wait3A_823 = tpu.memref_slice %arg6[%dma_wait3A_821, %dma_wait3A_822] : memref<640x128xf32, #tpu.memory_space<vmem>> -> memref<10x128xf32, #tpu.memory_space<vmem>>
      %dma_wait3A_824 = arith.constant 0 : i32
      %dma_wait3A_825 = tpu.memref_slice %arg2[%dma_wait3A_824, %multiple_of3A_820] : memref<10x1000001xf32, #tpu.memory_space<hbm>> -> memref<10x128xf32, #tpu.memory_space<hbm>>
      %dma_wait3A_826 = arith.constant 40 : i32
      %dma_wait3A_827 = arith.constant 0 : i32
      %dma_wait3A_828 = tpu.memref_slice %arg6[%dma_wait3A_826, %dma_wait3A_827] : memref<640x128xf32, #tpu.memory_space<vmem>> -> memref<10x128xf32, #tpu.memory_space<vmem>>
      %dma_wait3A_829 = arith.constant 0 : i32
      %dma_wait3A_830 = tpu.memref_slice %arg2[%dma_wait3A_829, %multiple_of3A_820] : memref<10x1000001xf32, #tpu.memory_space<hbm>> -> memref<10x128xf32, #tpu.memory_space<hbm>>
      tpu.wait_dma2 semaphore(%arg9 : memref<!tpu.dma_semaphore, #tpu.memory_space<semaphore_mem>>) src(%dma_wait3A_830 : memref<10x128xf32, #tpu.memory_space<hbm>>) dst(%dma_wait3A_828 : memref<10x128xf32, #tpu.memory_space<vmem>>)
      %slice3A_831 = vector.extract_strided_slice %shift_right_logical3A_755 {offsets = [5], sizes = [1], strides = [1]} : vector<16xi32> to vector<1xi32>
      %squeeze3A_832 = vector.extract %slice3A_831[0] : i32 from vector<1xi32>
      %mul3A_833 = arith.constant 128 : i32
      %mul3A_834 = arith.muli %squeeze3A_832, %mul3A_833 : i32
      %multiple_of3A_835 = tpu.assume_multiple %mul3A_834, 128 : i32
      %dma_wait3A_836 = arith.constant 50 : i32
      %dma_wait3A_837 = arith.constant 0 : i32
      %dma_wait3A_838 = tpu.memref_slice %arg6[%dma_wait3A_836, %dma_wait3A_837] : memref<640x128xf32, #tpu.memory_space<vmem>> -> memref<10x128xf32, #tpu.memory_space<vmem>>
      %dma_wait3A_839 = arith.constant 0 : i32
      %dma_wait3A_840 = tpu.memref_slice %arg2[%dma_wait3A_839, %multiple_of3A_835] : memref<10x1000001xf32, #tpu.memory_space<hbm>> -> memref<10x128xf32, #tpu.memory_space<hbm>>
      %dma_wait3A_841 = arith.constant 50 : i32
      %dma_wait3A_842 = arith.constant 0 : i32
      %dma_wait3A_843 = tpu.memref_slice %arg6[%dma_wait3A_841, %dma_wait3A_842] : memref<640x128xf32, #tpu.memory_space<vmem>> -> memref<10x128xf32, #tpu.memory_space<vmem>>
      %dma_wait3A_844 = arith.constant 0 : i32
      %dma_wait3A_845 = tpu.memref_slice %arg2[%dma_wait3A_844, %multiple_of3A_835] : memref<10x1000001xf32, #tpu.memory_space<hbm>> -> memref<10x128xf32, #tpu.memory_space<hbm>>
      tpu.wait_dma2 semaphore(%arg9 : memref<!tpu.dma_semaphore, #tpu.memory_space<semaphore_mem>>) src(%dma_wait3A_845 : memref<10x128xf32, #tpu.memory_space<hbm>>) dst(%dma_wait3A_843 : memref<10x128xf32, #tpu.memory_space<vmem>>)
      %slice3A_846 = vector.extract_strided_slice %shift_right_logical3A_755 {offsets = [6], sizes = [1], strides = [1]} : vector<16xi32> to vector<1xi32>
      %squeeze3A_847 = vector.extract %slice3A_846[0] : i32 from vector<1xi32>
      %mul3A_848 = arith.constant 128 : i32
      %mul3A_849 = arith.muli %squeeze3A_847, %mul3A_848 : i32
      %multiple_of3A_850 = tpu.assume_multiple %mul3A_849, 128 : i32
      %dma_wait3A_851 = arith.constant 60 : i32
      %dma_wait3A_852 = arith.constant 0 : i32
      %dma_wait3A_853 = tpu.memref_slice %arg6[%dma_wait3A_851, %dma_wait3A_852] : memref<640x128xf32, #tpu.memory_space<vmem>> -> memref<10x128xf32, #tpu.memory_space<vmem>>
      %dma_wait3A_854 = arith.constant 0 : i32
      %dma_wait3A_855 = tpu.memref_slice %arg2[%dma_wait3A_854, %multiple_of3A_850] : memref<10x1000001xf32, #tpu.memory_space<hbm>> -> memref<10x128xf32, #tpu.memory_space<hbm>>
      %dma_wait3A_856 = arith.constant 60 : i32
      %dma_wait3A_857 = arith.constant 0 : i32
      %dma_wait3A_858 = tpu.memref_slice %arg6[%dma_wait3A_856, %dma_wait3A_857] : memref<640x128xf32, #tpu.memory_space<vmem>> -> memref<10x128xf32, #tpu.memory_space<vmem>>
      %dma_wait3A_859 = arith.constant 0 : i32
      %dma_wait3A_860 = tpu.memref_slice %arg2[%dma_wait3A_859, %multiple_of3A_850] : memref<10x1000001xf32, #tpu.memory_space<hbm>> -> memref<10x128xf32, #tpu.memory_space<hbm>>
      tpu.wait_dma2 semaphore(%arg9 : memref<!tpu.dma_semaphore, #tpu.memory_space<semaphore_mem>>) src(%dma_wait3A_860 : memref<10x128xf32, #tpu.memory_space<hbm>>) dst(%dma_wait3A_858 : memref<10x128xf32, #tpu.memory_space<vmem>>)
      %slice3A_861 = vector.extract_strided_slice %shift_right_logical3A_755 {offsets = [7], sizes = [1], strides = [1]} : vector<16xi32> to vector<1xi32>
      %squeeze3A_862 = vector.extract %slice3A_861[0] : i32 from vector<1xi32>
      %mul3A_863 = arith.constant 128 : i32
      %mul3A_864 = arith.muli %squeeze3A_862, %mul3A_863 : i32
      %multiple_of3A_865 = tpu.assume_multiple %mul3A_864, 128 : i32
      %dma_wait3A_866 = arith.constant 70 : i32
      %dma_wait3A_867 = arith.constant 0 : i32
      %dma_wait3A_868 = tpu.memref_slice %arg6[%dma_wait3A_866, %dma_wait3A_867] : memref<640x128xf32, #tpu.memory_space<vmem>> -> memref<10x128xf32, #tpu.memory_space<vmem>>
      %dma_wait3A_869 = arith.constant 0 : i32
      %dma_wait3A_870 = tpu.memref_slice %arg2[%dma_wait3A_869, %multiple_of3A_865] : memref<10x1000001xf32, #tpu.memory_space<hbm>> -> memref<10x128xf32, #tpu.memory_space<hbm>>
      %dma_wait3A_871 = arith.constant 70 : i32
      %dma_wait3A_872 = arith.constant 0 : i32
      %dma_wait3A_873 = tpu.memref_slice %arg6[%dma_wait3A_871, %dma_wait3A_872] : memref<640x128xf32, #tpu.memory_space<vmem>> -> memref<10x128xf32, #tpu.memory_space<vmem>>
      %dma_wait3A_874 = arith.constant 0 : i32
      %dma_wait3A_875 = tpu.memref_slice %arg2[%dma_wait3A_874, %multiple_of3A_865] : memref<10x1000001xf32, #tpu.memory_space<hbm>> -> memref<10x128xf32, #tpu.memory_space<hbm>>
      tpu.wait_dma2 semaphore(%arg9 : memref<!tpu.dma_semaphore, #tpu.memory_space<semaphore_mem>>) src(%dma_wait3A_875 : memref<10x128xf32, #tpu.memory_space<hbm>>) dst(%dma_wait3A_873 : memref<10x128xf32, #tpu.memory_space<vmem>>)
      %slice3A_876 = vector.extract_strided_slice %shift_right_logical3A_755 {offsets = [8], sizes = [1], strides = [1]} : vector<16xi32> to vector<1xi32>
      %squeeze3A_877 = vector.extract %slice3A_876[0] : i32 from vector<1xi32>
      %mul3A_878 = arith.constant 128 : i32
      %mul3A_879 = arith.muli %squeeze3A_877, %mul3A_878 : i32
      %multiple_of3A_880 = tpu.assume_multiple %mul3A_879, 128 : i32
      %dma_wait3A_881 = arith.constant 80 : i32
      %dma_wait3A_882 = arith.constant 0 : i32
      %dma_wait3A_883 = tpu.memref_slice %arg6[%dma_wait3A_881, %dma_wait3A_882] : memref<640x128xf32, #tpu.memory_space<vmem>> -> memref<10x128xf32, #tpu.memory_space<vmem>>
      %dma_wait3A_884 = arith.constant 0 : i32
      %dma_wait3A_885 = tpu.memref_slice %arg2[%dma_wait3A_884, %multiple_of3A_880] : memref<10x1000001xf32, #tpu.memory_space<hbm>> -> memref<10x128xf32, #tpu.memory_space<hbm>>
      %dma_wait3A_886 = arith.constant 80 : i32
      %dma_wait3A_887 = arith.constant 0 : i32
      %dma_wait3A_888 = tpu.memref_slice %arg6[%dma_wait3A_886, %dma_wait3A_887] : memref<640x128xf32, #tpu.memory_space<vmem>> -> memref<10x128xf32, #tpu.memory_space<vmem>>
      %dma_wait3A_889 = arith.constant 0 : i32
      %dma_wait3A_890 = tpu.memref_slice %arg2[%dma_wait3A_889, %multiple_of3A_880] : memref<10x1000001xf32, #tpu.memory_space<hbm>> -> memref<10x128xf32, #tpu.memory_space<hbm>>
      tpu.wait_dma2 semaphore(%arg9 : memref<!tpu.dma_semaphore, #tpu.memory_space<semaphore_mem>>) src(%dma_wait3A_890 : memref<10x128xf32, #tpu.memory_space<hbm>>) dst(%dma_wait3A_888 : memref<10x128xf32, #tpu.memory_space<vmem>>)
      %slice3A_891 = vector.extract_strided_slice %shift_right_logical3A_755 {offsets = [9], sizes = [1], strides = [1]} : vector<16xi32> to vector<1xi32>
      %squeeze3A_892 = vector.extract %slice3A_891[0] : i32 from vector<1xi32>
      %mul3A_893 = arith.constant 128 : i32
      %mul3A_894 = arith.muli %squeeze3A_892, %mul3A_893 : i32
      %multiple_of3A_895 = tpu.assume_multiple %mul3A_894, 128 : i32
      %dma_wait3A_896 = arith.constant 90 : i32
      %dma_wait3A_897 = arith.constant 0 : i32
      %dma_wait3A_898 = tpu.memref_slice %arg6[%dma_wait3A_896, %dma_wait3A_897] : memref<640x128xf32, #tpu.memory_space<vmem>> -> memref<10x128xf32, #tpu.memory_space<vmem>>
      %dma_wait3A_899 = arith.constant 0 : i32
      %dma_wait3A_900 = tpu.memref_slice %arg2[%dma_wait3A_899, %multiple_of3A_895] : memref<10x1000001xf32, #tpu.memory_space<hbm>> -> memref<10x128xf32, #tpu.memory_space<hbm>>
      %dma_wait3A_901 = arith.constant 90 : i32
      %dma_wait3A_902 = arith.constant 0 : i32
      %dma_wait3A_903 = tpu.memref_slice %arg6[%dma_wait3A_901, %dma_wait3A_902] : memref<640x128xf32, #tpu.memory_space<vmem>> -> memref<10x128xf32, #tpu.memory_space<vmem>>
      %dma_wait3A_904 = arith.constant 0 : i32
      %dma_wait3A_905 = tpu.memref_slice %arg2[%dma_wait3A_904, %multiple_of3A_895] : memref<10x1000001xf32, #tpu.memory_space<hbm>> -> memref<10x128xf32, #tpu.memory_space<hbm>>
      tpu.wait_dma2 semaphore(%arg9 : memref<!tpu.dma_semaphore, #tpu.memory_space<semaphore_mem>>) src(%dma_wait3A_905 : memref<10x128xf32, #tpu.memory_space<hbm>>) dst(%dma_wait3A_903 : memref<10x128xf32, #tpu.memory_space<vmem>>)
      %slice3A_906 = vector.extract_strided_slice %shift_right_logical3A_755 {offsets = [10], sizes = [1], strides = [1]} : vector<16xi32> to vector<1xi32>
      %squeeze3A_907 = vector.extract %slice3A_906[0] : i32 from vector<1xi32>
      %mul3A_908 = arith.constant 128 : i32
      %mul3A_909 = arith.muli %squeeze3A_907, %mul3A_908 : i32
      %multiple_of3A_910 = tpu.assume_multiple %mul3A_909, 128 : i32
      %dma_wait3A_911 = arith.constant 100 : i32
      %dma_wait3A_912 = arith.constant 0 : i32
      %dma_wait3A_913 = tpu.memref_slice %arg6[%dma_wait3A_911, %dma_wait3A_912] : memref<640x128xf32, #tpu.memory_space<vmem>> -> memref<10x128xf32, #tpu.memory_space<vmem>>
      %dma_wait3A_914 = arith.constant 0 : i32
      %dma_wait3A_915 = tpu.memref_slice %arg2[%dma_wait3A_914, %multiple_of3A_910] : memref<10x1000001xf32, #tpu.memory_space<hbm>> -> memref<10x128xf32, #tpu.memory_space<hbm>>
      %dma_wait3A_916 = arith.constant 100 : i32
      %dma_wait3A_917 = arith.constant 0 : i32
      %dma_wait3A_918 = tpu.memref_slice %arg6[%dma_wait3A_916, %dma_wait3A_917] : memref<640x128xf32, #tpu.memory_space<vmem>> -> memref<10x128xf32, #tpu.memory_space<vmem>>
      %dma_wait3A_919 = arith.constant 0 : i32
      %dma_wait3A_920 = tpu.memref_slice %arg2[%dma_wait3A_919, %multiple_of3A_910] : memref<10x1000001xf32, #tpu.memory_space<hbm>> -> memref<10x128xf32, #tpu.memory_space<hbm>>
      tpu.wait_dma2 semaphore(%arg9 : memref<!tpu.dma_semaphore, #tpu.memory_space<semaphore_mem>>) src(%dma_wait3A_920 : memref<10x128xf32, #tpu.memory_space<hbm>>) dst(%dma_wait3A_918 : memref<10x128xf32, #tpu.memory_space<vmem>>)
      %slice3A_921 = vector.extract_strided_slice %shift_right_logical3A_755 {offsets = [11], sizes = [1], strides = [1]} : vector<16xi32> to vector<1xi32>
      %squeeze3A_922 = vector.extract %slice3A_921[0] : i32 from vector<1xi32>
      %mul3A_923 = arith.constant 128 : i32
      %mul3A_924 = arith.muli %squeeze3A_922, %mul3A_923 : i32
      %multiple_of3A_925 = tpu.assume_multiple %mul3A_924, 128 : i32
      %dma_wait3A_926 = arith.constant 110 : i32
      %dma_wait3A_927 = arith.constant 0 : i32
      %dma_wait3A_928 = tpu.memref_slice %arg6[%dma_wait3A_926, %dma_wait3A_927] : memref<640x128xf32, #tpu.memory_space<vmem>> -> memref<10x128xf32, #tpu.memory_space<vmem>>
      %dma_wait3A_929 = arith.constant 0 : i32
      %dma_wait3A_930 = tpu.memref_slice %arg2[%dma_wait3A_929, %multiple_of3A_925] : memref<10x1000001xf32, #tpu.memory_space<hbm>> -> memref<10x128xf32, #tpu.memory_space<hbm>>
      %dma_wait3A_931 = arith.constant 110 : i32
      %dma_wait3A_932 = arith.constant 0 : i32
      %dma_wait3A_933 = tpu.memref_slice %arg6[%dma_wait3A_931, %dma_wait3A_932] : memref<640x128xf32, #tpu.memory_space<vmem>> -> memref<10x128xf32, #tpu.memory_space<vmem>>
      %dma_wait3A_934 = arith.constant 0 : i32
      %dma_wait3A_935 = tpu.memref_slice %arg2[%dma_wait3A_934, %multiple_of3A_925] : memref<10x1000001xf32, #tpu.memory_space<hbm>> -> memref<10x128xf32, #tpu.memory_space<hbm>>
      tpu.wait_dma2 semaphore(%arg9 : memref<!tpu.dma_semaphore, #tpu.memory_space<semaphore_mem>>) src(%dma_wait3A_935 : memref<10x128xf32, #tpu.memory_space<hbm>>) dst(%dma_wait3A_933 : memref<10x128xf32, #tpu.memory_space<vmem>>)
      %slice3A_936 = vector.extract_strided_slice %shift_right_logical3A_755 {offsets = [12], sizes = [1], strides = [1]} : vector<16xi32> to vector<1xi32>
      %squeeze3A_937 = vector.extract %slice3A_936[0] : i32 from vector<1xi32>
      %mul3A_938 = arith.constant 128 : i32
      %mul3A_939 = arith.muli %squeeze3A_937, %mul3A_938 : i32
      %multiple_of3A_940 = tpu.assume_multiple %mul3A_939, 128 : i32
      %dma_wait3A_941 = arith.constant 120 : i32
      %dma_wait3A_942 = arith.constant 0 : i32
      %dma_wait3A_943 = tpu.memref_slice %arg6[%dma_wait3A_941, %dma_wait3A_942] : memref<640x128xf32, #tpu.memory_space<vmem>> -> memref<10x128xf32, #tpu.memory_space<vmem>>
      %dma_wait3A_944 = arith.constant 0 : i32
      %dma_wait3A_945 = tpu.memref_slice %arg2[%dma_wait3A_944, %multiple_of3A_940] : memref<10x1000001xf32, #tpu.memory_space<hbm>> -> memref<10x128xf32, #tpu.memory_space<hbm>>
      %dma_wait3A_946 = arith.constant 120 : i32
      %dma_wait3A_947 = arith.constant 0 : i32
      %dma_wait3A_948 = tpu.memref_slice %arg6[%dma_wait3A_946, %dma_wait3A_947] : memref<640x128xf32, #tpu.memory_space<vmem>> -> memref<10x128xf32, #tpu.memory_space<vmem>>
      %dma_wait3A_949 = arith.constant 0 : i32
      %dma_wait3A_950 = tpu.memref_slice %arg2[%dma_wait3A_949, %multiple_of3A_940] : memref<10x1000001xf32, #tpu.memory_space<hbm>> -> memref<10x128xf32, #tpu.memory_space<hbm>>
      tpu.wait_dma2 semaphore(%arg9 : memref<!tpu.dma_semaphore, #tpu.memory_space<semaphore_mem>>) src(%dma_wait3A_950 : memref<10x128xf32, #tpu.memory_space<hbm>>) dst(%dma_wait3A_948 : memref<10x128xf32, #tpu.memory_space<vmem>>)
      %slice3A_951 = vector.extract_strided_slice %shift_right_logical3A_755 {offsets = [13], sizes = [1], strides = [1]} : vector<16xi32> to vector<1xi32>
      %squeeze3A_952 = vector.extract %slice3A_951[0] : i32 from vector<1xi32>
      %mul3A_953 = arith.constant 128 : i32
      %mul3A_954 = arith.muli %squeeze3A_952, %mul3A_953 : i32
      %multiple_of3A_955 = tpu.assume_multiple %mul3A_954, 128 : i32
      %dma_wait3A_956 = arith.constant 130 : i32
      %dma_wait3A_957 = arith.constant 0 : i32
      %dma_wait3A_958 = tpu.memref_slice %arg6[%dma_wait3A_956, %dma_wait3A_957] : memref<640x128xf32, #tpu.memory_space<vmem>> -> memref<10x128xf32, #tpu.memory_space<vmem>>
      %dma_wait3A_959 = arith.constant 0 : i32
      %dma_wait3A_960 = tpu.memref_slice %arg2[%dma_wait3A_959, %multiple_of3A_955] : memref<10x1000001xf32, #tpu.memory_space<hbm>> -> memref<10x128xf32, #tpu.memory_space<hbm>>
      %dma_wait3A_961 = arith.constant 130 : i32
      %dma_wait3A_962 = arith.constant 0 : i32
      %dma_wait3A_963 = tpu.memref_slice %arg6[%dma_wait3A_961, %dma_wait3A_962] : memref<640x128xf32, #tpu.memory_space<vmem>> -> memref<10x128xf32, #tpu.memory_space<vmem>>
      %dma_wait3A_964 = arith.constant 0 : i32
      %dma_wait3A_965 = tpu.memref_slice %arg2[%dma_wait3A_964, %multiple_of3A_955] : memref<10x1000001xf32, #tpu.memory_space<hbm>> -> memref<10x128xf32, #tpu.memory_space<hbm>>
      tpu.wait_dma2 semaphore(%arg9 : memref<!tpu.dma_semaphore, #tpu.memory_space<semaphore_mem>>) src(%dma_wait3A_965 : memref<10x128xf32, #tpu.memory_space<hbm>>) dst(%dma_wait3A_963 : memref<10x128xf32, #tpu.memory_space<vmem>>)
      %slice3A_966 = vector.extract_strided_slice %shift_right_logical3A_755 {offsets = [14], sizes = [1], strides = [1]} : vector<16xi32> to vector<1xi32>
      %squeeze3A_967 = vector.extract %slice3A_966[0] : i32 from vector<1xi32>
      %mul3A_968 = arith.constant 128 : i32
      %mul3A_969 = arith.muli %squeeze3A_967, %mul3A_968 : i32
      %multiple_of3A_970 = tpu.assume_multiple %mul3A_969, 128 : i32
      %dma_wait3A_971 = arith.constant 140 : i32
      %dma_wait3A_972 = arith.constant 0 : i32
      %dma_wait3A_973 = tpu.memref_slice %arg6[%dma_wait3A_971, %dma_wait3A_972] : memref<640x128xf32, #tpu.memory_space<vmem>> -> memref<10x128xf32, #tpu.memory_space<vmem>>
      %dma_wait3A_974 = arith.constant 0 : i32
      %dma_wait3A_975 = tpu.memref_slice %arg2[%dma_wait3A_974, %multiple_of3A_970] : memref<10x1000001xf32, #tpu.memory_space<hbm>> -> memref<10x128xf32, #tpu.memory_space<hbm>>
      %dma_wait3A_976 = arith.constant 140 : i32
      %dma_wait3A_977 = arith.constant 0 : i32
      %dma_wait3A_978 = tpu.memref_slice %arg6[%dma_wait3A_976, %dma_wait3A_977] : memref<640x128xf32, #tpu.memory_space<vmem>> -> memref<10x128xf32, #tpu.memory_space<vmem>>
      %dma_wait3A_979 = arith.constant 0 : i32
      %dma_wait3A_980 = tpu.memref_slice %arg2[%dma_wait3A_979, %multiple_of3A_970] : memref<10x1000001xf32, #tpu.memory_space<hbm>> -> memref<10x128xf32, #tpu.memory_space<hbm>>
      tpu.wait_dma2 semaphore(%arg9 : memref<!tpu.dma_semaphore, #tpu.memory_space<semaphore_mem>>) src(%dma_wait3A_980 : memref<10x128xf32, #tpu.memory_space<hbm>>) dst(%dma_wait3A_978 : memref<10x128xf32, #tpu.memory_space<vmem>>)
      %slice3A_981 = vector.extract_strided_slice %shift_right_logical3A_755 {offsets = [15], sizes = [1], strides = [1]} : vector<16xi32> to vector<1xi32>
      %squeeze3A_982 = vector.extract %slice3A_981[0] : i32 from vector<1xi32>
      %mul3A_983 = arith.constant 128 : i32
      %mul3A_984 = arith.muli %squeeze3A_982, %mul3A_983 : i32
      %multiple_of3A_985 = tpu.assume_multiple %mul3A_984, 128 : i32
      %dma_wait3A_986 = arith.constant 150 : i32
      %dma_wait3A_987 = arith.constant 0 : i32
      %dma_wait3A_988 = tpu.memref_slice %arg6[%dma_wait3A_986, %dma_wait3A_987] : memref<640x128xf32, #tpu.memory_space<vmem>> -> memref<10x128xf32, #tpu.memory_space<vmem>>
      %dma_wait3A_989 = arith.constant 0 : i32
      %dma_wait3A_990 = tpu.memref_slice %arg2[%dma_wait3A_989, %multiple_of3A_985] : memref<10x1000001xf32, #tpu.memory_space<hbm>> -> memref<10x128xf32, #tpu.memory_space<hbm>>
      %dma_wait3A_991 = arith.constant 150 : i32
      %dma_wait3A_992 = arith.constant 0 : i32
      %dma_wait3A_993 = tpu.memref_slice %arg6[%dma_wait3A_991, %dma_wait3A_992] : memref<640x128xf32, #tpu.memory_space<vmem>> -> memref<10x128xf32, #tpu.memory_space<vmem>>
      %dma_wait3A_994 = arith.constant 0 : i32
      %dma_wait3A_995 = tpu.memref_slice %arg2[%dma_wait3A_994, %multiple_of3A_985] : memref<10x1000001xf32, #tpu.memory_space<hbm>> -> memref<10x128xf32, #tpu.memory_space<hbm>>
      tpu.wait_dma2 semaphore(%arg9 : memref<!tpu.dma_semaphore, #tpu.memory_space<semaphore_mem>>) src(%dma_wait3A_995 : memref<10x128xf32, #tpu.memory_space<hbm>>) dst(%dma_wait3A_993 : memref<10x128xf32, #tpu.memory_space<vmem>>)
      %mul3A_996 = arith.constant 16 : i32
      %mul3A_997 = arith.muli %add3A_743, %mul3A_996 : i32
      %get3A_998 = arith.index_cast %mul3A_997 : i32 to index
      %get3A_999 = tpu.vector_load %arg5[%get3A_998] {strides = array<i32>} : memref<512xi32, #tpu.memory_space<vmem>>, vector<16xi32>,
      %and3A = arith.constant 127 : i32
      %and3A_1000 = vector.broadcast %and3A : i32 to vector<16xi32>
      %and3A_1001 = arith.andi %get3A_999, %and3A_1000 : vector<16xi32>
      %mul3A_1002 = arith.constant 16 : i32
      %mul3A_1003 = arith.muli %add3A_743, %mul3A_1002 : i32
      %add3A_1004 = vector.broadcast %mul3A_1003 : i32 to vector<16xi32>
      %add3A_1005 = arith.addi %add3A_1004, %iota3A : vector<16xi32>
      %mul3A_1006 = arith.constant 10 : i32
      %mul3A_1007 = vector.broadcast %mul3A_1006 : i32 to vector<16xi32>
      %mul3A_1008 = arith.muli %iota3A, %mul3A_1007 : vector<16xi32>
      %add3A_1009 = arith.constant 0 : i32
      %add3A_1010 = vector.broadcast %add3A_1009 : i32 to vector<16xi32>
      %add3A_1011 = arith.addi %add3A_1010, %mul3A_1008 : vector<16xi32>
      %add3A_1012 = arith.constant 0 : i32
      %add3A_1013 = vector.broadcast %add3A_1012 : i32 to vector<16xi32>
      %add3A_1014 = arith.addi %add3A_1011, %add3A_1013 : vector<16xi32>
      %gather3A = tpu.vector_load_idx %arg6[%add3A_1014, %and3A_1001] : memref<640x128xf32, #tpu.memory_space<vmem>>[vector<16xi32>, vector<16xi32>], vector<16xf32>,
      %broadcast_in_dim3A = arith.constant 0 : i32
      %broadcast_in_dim3A_1015 = vector.broadcast %broadcast_in_dim3A : i32 to vector<16xi32>
      tpu.vector_store_idx %arg7[%broadcast_in_dim3A_1015, %add3A_1005], %gather3A : memref<10x512xf32, #tpu.memory_space<vmem>>[vector<16xi32>, vector<16xi32>], vector<16xf32>,
      %mul3A_1016 = arith.constant 10 : i32
      %mul3A_1017 = vector.broadcast %mul3A_1016 : i32 to vector<16xi32>
      %mul3A_1018 = arith.muli %iota3A, %mul3A_1017 : vector<16xi32>
      %add3A_1019 = arith.constant 0 : i32
      %add3A_1020 = vector.broadcast %add3A_1019 : i32 to vector<16xi32>
      %add3A_1021 = arith.addi %add3A_1020, %mul3A_1018 : vector<16xi32>
      %add3A_1022 = arith.constant 1 : i32
      %add3A_1023 = vector.broadcast %add3A_1022 : i32 to vector<16xi32>
      %add3A_1024 = arith.addi %add3A_1021, %add3A_1023 : vector<16xi32>
      %gather3A_1025 = tpu.vector_load_idx %arg6[%add3A_1024, %and3A_1001] : memref<640x128xf32, #tpu.memory_space<vmem>>[vector<16xi32>, vector<16xi32>], vector<16xf32>,
      %broadcast_in_dim3A_1026 = arith.constant 1 : i32
      %broadcast_in_dim3A_1027 = vector.broadcast %broadcast_in_dim3A_1026 : i32 to vector<16xi32>
      tpu.vector_store_idx %arg7[%broadcast_in_dim3A_1027, %add3A_1005], %gather3A_1025 : memref<10x512xf32, #tpu.memory_space<vmem>>[vector<16xi32>, vector<16xi32>], vector<16xf32>,
      %mul3A_1028 = arith.constant 10 : i32
      %mul3A_1029 = vector.broadcast %mul3A_1028 : i32 to vector<16xi32>
      %mul3A_1030 = arith.muli %iota3A, %mul3A_1029 : vector<16xi32>
      %add3A_1031 = arith.constant 0 : i32
      %add3A_1032 = vector.broadcast %add3A_1031 : i32 to vector<16xi32>
      %add3A_1033 = arith.addi %add3A_1032, %mul3A_1030 : vector<16xi32>
      %add3A_1034 = arith.constant 2 : i32
      %add3A_1035 = vector.broadcast %add3A_1034 : i32 to vector<16xi32>
      %add3A_1036 = arith.addi %add3A_1033, %add3A_1035 : vector<16xi32>
      %gather3A_1037 = tpu.vector_load_idx %arg6[%add3A_1036, %and3A_1001] : memref<640x128xf32, #tpu.memory_space<vmem>>[vector<16xi32>, vector<16xi32>], vector<16xf32>,
      %broadcast_in_dim3A_1038 = arith.constant 2 : i32
      %broadcast_in_dim3A_1039 = vector.broadcast %broadcast_in_dim3A_1038 : i32 to vector<16xi32>
      tpu.vector_store_idx %arg7[%broadcast_in_dim3A_1039, %add3A_1005], %gather3A_1037 : memref<10x512xf32, #tpu.memory_space<vmem>>[vector<16xi32>, vector<16xi32>], vector<16xf32>,
      %mul3A_1040 = arith.constant 10 : i32
      %mul3A_1041 = vector.broadcast %mul3A_1040 : i32 to vector<16xi32>
      %mul3A_1042 = arith.muli %iota3A, %mul3A_1041 : vector<16xi32>
      %add3A_1043 = arith.constant 0 : i32
      %add3A_1044 = vector.broadcast %add3A_1043 : i32 to vector<16xi32>
      %add3A_1045 = arith.addi %add3A_1044, %mul3A_1042 : vector<16xi32>
      %add3A_1046 = arith.constant 3 : i32
      %add3A_1047 = vector.broadcast %add3A_1046 : i32 to vector<16xi32>
      %add3A_1048 = arith.addi %add3A_1045, %add3A_1047 : vector<16xi32>
      %gather3A_1049 = tpu.vector_load_idx %arg6[%add3A_1048, %and3A_1001] : memref<640x128xf32, #tpu.memory_space<vmem>>[vector<16xi32>, vector<16xi32>], vector<16xf32>,
      %broadcast_in_dim3A_1050 = arith.constant 3 : i32
      %broadcast_in_dim3A_1051 = vector.broadcast %broadcast_in_dim3A_1050 : i32 to vector<16xi32>
      tpu.vector_store_idx %arg7[%broadcast_in_dim3A_1051, %add3A_1005], %gather3A_1049 : memref<10x512xf32, #tpu.memory_space<vmem>>[vector<16xi32>, vector<16xi32>], vector<16xf32>,
      %mul3A_1052 = arith.constant 10 : i32
      %mul3A_1053 = vector.broadcast %mul3A_1052 : i32 to vector<16xi32>
      %mul3A_1054 = arith.muli %iota3A, %mul3A_1053 : vector<16xi32>
      %add3A_1055 = arith.constant 0 : i32
      %add3A_1056 = vector.broadcast %add3A_1055 : i32 to vector<16xi32>
      %add3A_1057 = arith.addi %add3A_1056, %mul3A_1054 : vector<16xi32>
      %add3A_1058 = arith.constant 4 : i32
      %add3A_1059 = vector.broadcast %add3A_1058 : i32 to vector<16xi32>
      %add3A_1060 = arith.addi %add3A_1057, %add3A_1059 : vector<16xi32>
      %gather3A_1061 = tpu.vector_load_idx %arg6[%add3A_1060, %and3A_1001] : memref<640x128xf32, #tpu.memory_space<vmem>>[vector<16xi32>, vector<16xi32>], vector<16xf32>,
      %broadcast_in_dim3A_1062 = arith.constant 4 : i32
      %broadcast_in_dim3A_1063 = vector.broadcast %broadcast_in_dim3A_1062 : i32 to vector<16xi32>
      tpu.vector_store_idx %arg7[%broadcast_in_dim3A_1063, %add3A_1005], %gather3A_1061 : memref<10x512xf32, #tpu.memory_space<vmem>>[vector<16xi32>, vector<16xi32>], vector<16xf32>,
      %mul3A_1064 = arith.constant 10 : i32
      %mul3A_1065 = vector.broadcast %mul3A_1064 : i32 to vector<16xi32>
      %mul3A_1066 = arith.muli %iota3A, %mul3A_1065 : vector<16xi32>
      %add3A_1067 = arith.constant 0 : i32
      %add3A_1068 = vector.broadcast %add3A_1067 : i32 to vector<16xi32>
      %add3A_1069 = arith.addi %add3A_1068, %mul3A_1066 : vector<16xi32>
      %add3A_1070 = arith.constant 5 : i32
      %add3A_1071 = vector.broadcast %add3A_1070 : i32 to vector<16xi32>
      %add3A_1072 = arith.addi %add3A_1069, %add3A_1071 : vector<16xi32>
      %gather3A_1073 = tpu.vector_load_idx %arg6[%add3A_1072, %and3A_1001] : memref<640x128xf32, #tpu.memory_space<vmem>>[vector<16xi32>, vector<16xi32>], vector<16xf32>,
      %broadcast_in_dim3A_1074 = arith.constant 5 : i32
      %broadcast_in_dim3A_1075 = vector.broadcast %broadcast_in_dim3A_1074 : i32 to vector<16xi32>
      tpu.vector_store_idx %arg7[%broadcast_in_dim3A_1075, %add3A_1005], %gather3A_1073 : memref<10x512xf32, #tpu.memory_space<vmem>>[vector<16xi32>, vector<16xi32>], vector<16xf32>,
      %mul3A_1076 = arith.constant 10 : i32
      %mul3A_1077 = vector.broadcast %mul3A_1076 : i32 to vector<16xi32>
      %mul3A_1078 = arith.muli %iota3A, %mul3A_1077 : vector<16xi32>
      %add3A_1079 = arith.constant 0 : i32
      %add3A_1080 = vector.broadcast %add3A_1079 : i32 to vector<16xi32>
      %add3A_1081 = arith.addi %add3A_1080, %mul3A_1078 : vector<16xi32>
      %add3A_1082 = arith.constant 6 : i32
      %add3A_1083 = vector.broadcast %add3A_1082 : i32 to vector<16xi32>
      %add3A_1084 = arith.addi %add3A_1081, %add3A_1083 : vector<16xi32>
      %gather3A_1085 = tpu.vector_load_idx %arg6[%add3A_1084, %and3A_1001] : memref<640x128xf32, #tpu.memory_space<vmem>>[vector<16xi32>, vector<16xi32>], vector<16xf32>,
      %broadcast_in_dim3A_1086 = arith.constant 6 : i32
      %broadcast_in_dim3A_1087 = vector.broadcast %broadcast_in_dim3A_1086 : i32 to vector<16xi32>
      tpu.vector_store_idx %arg7[%broadcast_in_dim3A_1087, %add3A_1005], %gather3A_1085 : memref<10x512xf32, #tpu.memory_space<vmem>>[vector<16xi32>, vector<16xi32>], vector<16xf32>,
      %mul3A_1088 = arith.constant 10 : i32
      %mul3A_1089 = vector.broadcast %mul3A_1088 : i32 to vector<16xi32>
      %mul3A_1090 = arith.muli %iota3A, %mul3A_1089 : vector<16xi32>
      %add3A_1091 = arith.constant 0 : i32
      %add3A_1092 = vector.broadcast %add3A_1091 : i32 to vector<16xi32>
      %add3A_1093 = arith.addi %add3A_1092, %mul3A_1090 : vector<16xi32>
      %add3A_1094 = arith.constant 7 : i32
      %add3A_1095 = vector.broadcast %add3A_1094 : i32 to vector<16xi32>
      %add3A_1096 = arith.addi %add3A_1093, %add3A_1095 : vector<16xi32>
      %gather3A_1097 = tpu.vector_load_idx %arg6[%add3A_1096, %and3A_1001] : memref<640x128xf32, #tpu.memory_space<vmem>>[vector<16xi32>, vector<16xi32>], vector<16xf32>,
      %broadcast_in_dim3A_1098 = arith.constant 7 : i32
      %broadcast_in_dim3A_1099 = vector.broadcast %broadcast_in_dim3A_1098 : i32 to vector<16xi32>
      tpu.vector_store_idx %arg7[%broadcast_in_dim3A_1099, %add3A_1005], %gather3A_1097 : memref<10x512xf32, #tpu.memory_space<vmem>>[vector<16xi32>, vector<16xi32>], vector<16xf32>,
      %mul3A_1100 = arith.constant 10 : i32
      %mul3A_1101 = vector.broadcast %mul3A_1100 : i32 to vector<16xi32>
      %mul3A_1102 = arith.muli %iota3A, %mul3A_1101 : vector<16xi32>
      %add3A_1103 = arith.constant 0 : i32
      %add3A_1104 = vector.broadcast %add3A_1103 : i32 to vector<16xi32>
      %add3A_1105 = arith.addi %add3A_1104, %mul3A_1102 : vector<16xi32>
      %add3A_1106 = arith.constant 8 : i32
      %add3A_1107 = vector.broadcast %add3A_1106 : i32 to vector<16xi32>
      %add3A_1108 = arith.addi %add3A_1105, %add3A_1107 : vector<16xi32>
      %gather3A_1109 = tpu.vector_load_idx %arg6[%add3A_1108, %and3A_1001] : memref<640x128xf32, #tpu.memory_space<vmem>>[vector<16xi32>, vector<16xi32>], vector<16xf32>,
      %broadcast_in_dim3A_1110 = arith.constant 8 : i32
      %broadcast_in_dim3A_1111 = vector.broadcast %broadcast_in_dim3A_1110 : i32 to vector<16xi32>
      tpu.vector_store_idx %arg7[%broadcast_in_dim3A_1111, %add3A_1005], %gather3A_1109 : memref<10x512xf32, #tpu.memory_space<vmem>>[vector<16xi32>, vector<16xi32>], vector<16xf32>,
      %mul3A_1112 = arith.constant 10 : i32
      %mul3A_1113 = vector.broadcast %mul3A_1112 : i32 to vector<16xi32>
      %mul3A_1114 = arith.muli %iota3A, %mul3A_1113 : vector<16xi32>
      %add3A_1115 = arith.constant 0 : i32
      %add3A_1116 = vector.broadcast %add3A_1115 : i32 to vector<16xi32>
      %add3A_1117 = arith.addi %add3A_1116, %mul3A_1114 : vector<16xi32>
      %add3A_1118 = arith.constant 9 : i32
      %add3A_1119 = vector.broadcast %add3A_1118 : i32 to vector<16xi32>
      %add3A_1120 = arith.addi %add3A_1117, %add3A_1119 : vector<16xi32>
      %gather3A_1121 = tpu.vector_load_idx %arg6[%add3A_1120, %and3A_1001] : memref<640x128xf32, #tpu.memory_space<vmem>>[vector<16xi32>, vector<16xi32>], vector<16xf32>,
      %broadcast_in_dim3A_1122 = arith.constant 9 : i32
      %broadcast_in_dim3A_1123 = vector.broadcast %broadcast_in_dim3A_1122 : i32 to vector<16xi32>
      tpu.vector_store_idx %arg7[%broadcast_in_dim3A_1123, %add3A_1005], %gather3A_1121 : memref<10x512xf32, #tpu.memory_space<vmem>>[vector<16xi32>, vector<16xi32>], vector<16xf32>,
      %add3A_1124 = arith.constant 1 : i32
      %add3A_1125 = arith.addi %mul3A_741, %add3A_1124 : i32
      %add3A_1126 = arith.constant 4 : i32
      %add3A_1127 = arith.addi %add3A_1125, %add3A_1126 : i32
      %sub3A_1128 = arith.constant 1 : i32
      %sub3A_1129 = arith.subi %add3A_1127, %sub3A_1128 : i32
      %lt3A_1130 = arith.constant 32 : i32
      %lt3A_1131 = arith.cmpi slt, %sub3A_1129, %lt3A_1130 : i32
      %convert_element_type3A_1132 = arith.extui %lt3A_1131 : i1 to i32
      %cond3A_1133 = arith.constant 0 : i32
      %cond3A_1134 = arith.cmpi ne, %convert_element_type3A_1132, %cond3A_1133 : i32
      scf.if %cond3A_1134 {
        %add3A_2291 = arith.constant 4 : i32
        %add3A_2292 = arith.addi %add3A_1125, %add3A_2291 : i32
        %sub3A_2293 = arith.constant 1 : i32
        %sub3A_2294 = arith.subi %add3A_2292, %sub3A_2293 : i32
        %mul3A_2295 = arith.constant 16 : i32
        %mul3A_2296 = arith.muli %sub3A_2294, %mul3A_2295 : i32
        %get3A_2297 = arith.index_cast %mul3A_2296 : i32 to index
        %get3A_2298 = tpu.vector_load %arg5[%get3A_2297] {strides = array<i32>} : memref<512xi32, #tpu.memory_space<vmem>>, vector<16xi32>,
        %shift_right_logical3A_2299 = arith.constant 7 : i32
        %shift_right_logical3A_2300 = vector.broadcast %shift_right_logical3A_2299 : i32 to vector<16xi32>
        %shift_right_logical3A_2301 = arith.shrui %get3A_2298, %shift_right_logical3A_2300 : vector<16xi32>
        %slice3A_2302 = vector.extract_strided_slice %shift_right_logical3A_2301 {offsets = [0], sizes = [1], strides = [1]} : vector<16xi32> to vector<1xi32>
        %squeeze3A_2303 = vector.extract %slice3A_2302[0] : i32 from vector<1xi32>
        %mul3A_2304 = arith.constant 128 : i32
        %mul3A_2305 = arith.muli %squeeze3A_2303, %mul3A_2304 : i32
        %multiple_of3A_2306 = tpu.assume_multiple %mul3A_2305, 128 : i32
        %dma_start3A_2307 = arith.constant 0 : i32
        %dma_start3A_2308 = arith.constant 0 : i32
        %dma_start3A_2309 = tpu.memref_slice %arg6[%dma_start3A_2307, %dma_start3A_2308] : memref<640x128xf32, #tpu.memory_space<vmem>> -> memref<10x128xf32, #tpu.memory_space<vmem>>
        %dma_start3A_2310 = arith.constant 0 : i32
        %dma_start3A_2311 = tpu.memref_slice %arg2[%dma_start3A_2310, %multiple_of3A_2306] : memref<10x1000001xf32, #tpu.memory_space<hbm>> -> memref<10x128xf32, #tpu.memory_space<hbm>>
        %dma_start3A_2312 = arith.constant 0 : i32
        %dma_start3A_2313 = arith.constant 0 : i32
        %dma_start3A_2314 = tpu.memref_slice %arg6[%dma_start3A_2312, %dma_start3A_2313] : memref<640x128xf32, #tpu.memory_space<vmem>> -> memref<10x128xf32, #tpu.memory_space<vmem>>
        %dma_start3A_2315 = arith.constant 0 : i32
        %dma_start3A_2316 = tpu.memref_slice %arg2[%dma_start3A_2315, %multiple_of3A_2306] : memref<10x1000001xf32, #tpu.memory_space<hbm>> -> memref<10x128xf32, #tpu.memory_space<hbm>>
        tpu.enqueue_dma source(%dma_start3A_2316 : memref<10x128xf32, #tpu.memory_space<hbm>>) target(%dma_start3A_2314 : memref<10x128xf32, #tpu.memory_space<vmem>>) target_semaphore(%arg9 : memref<!tpu.dma_semaphore, #tpu.memory_space<semaphore_mem>>)
        %slice3A_2317 = vector.extract_strided_slice %shift_right_logical3A_2301 {offsets = [1], sizes = [1], strides = [1]} : vector<16xi32> to vector<1xi32>
        %squeeze3A_2318 = vector.extract %slice3A_2317[0] : i32 from vector<1xi32>
        %mul3A_2319 = arith.constant 128 : i32
        %mul3A_2320 = arith.muli %squeeze3A_2318, %mul3A_2319 : i32
        %multiple_of3A_2321 = tpu.assume_multiple %mul3A_2320, 128 : i32
        %dma_start3A_2322 = arith.constant 10 : i32
        %dma_start3A_2323 = arith.constant 0 : i32
        %dma_start3A_2324 = tpu.memref_slice %arg6[%dma_start3A_2322, %dma_start3A_2323] : memref<640x128xf32, #tpu.memory_space<vmem>> -> memref<10x128xf32, #tpu.memory_space<vmem>>
        %dma_start3A_2325 = arith.constant 0 : i32
        %dma_start3A_2326 = tpu.memref_slice %arg2[%dma_start3A_2325, %multiple_of3A_2321] : memref<10x1000001xf32, #tpu.memory_space<hbm>> -> memref<10x128xf32, #tpu.memory_space<hbm>>
        %dma_start3A_2327 = arith.constant 10 : i32
        %dma_start3A_2328 = arith.constant 0 : i32
        %dma_start3A_2329 = tpu.memref_slice %arg6[%dma_start3A_2327, %dma_start3A_2328] : memref<640x128xf32, #tpu.memory_space<vmem>> -> memref<10x128xf32, #tpu.memory_space<vmem>>
        %dma_start3A_2330 = arith.constant 0 : i32
        %dma_start3A_2331 = tpu.memref_slice %arg2[%dma_start3A_2330, %multiple_of3A_2321] : memref<10x1000001xf32, #tpu.memory_space<hbm>> -> memref<10x128xf32, #tpu.memory_space<hbm>>
        tpu.enqueue_dma source(%dma_start3A_2331 : memref<10x128xf32, #tpu.memory_space<hbm>>) target(%dma_start3A_2329 : memref<10x128xf32, #tpu.memory_space<vmem>>) target_semaphore(%arg9 : memref<!tpu.dma_semaphore, #tpu.memory_space<semaphore_mem>>)
        %slice3A_2332 = vector.extract_strided_slice %shift_right_logical3A_2301 {offsets = [2], sizes = [1], strides = [1]} : vector<16xi32> to vector<1xi32>
        %squeeze3A_2333 = vector.extract %slice3A_2332[0] : i32 from vector<1xi32>
        %mul3A_2334 = arith.constant 128 : i32
        %mul3A_2335 = arith.muli %squeeze3A_2333, %mul3A_2334 : i32
        %multiple_of3A_2336 = tpu.assume_multiple %mul3A_2335, 128 : i32
        %dma_start3A_2337 = arith.constant 20 : i32
        %dma_start3A_2338 = arith.constant 0 : i32
        %dma_start3A_2339 = tpu.memref_slice %arg6[%dma_start3A_2337, %dma_start3A_2338] : memref<640x128xf32, #tpu.memory_space<vmem>> -> memref<10x128xf32, #tpu.memory_space<vmem>>
        %dma_start3A_2340 = arith.constant 0 : i32
        %dma_start3A_2341 = tpu.memref_slice %arg2[%dma_start3A_2340, %multiple_of3A_2336] : memref<10x1000001xf32, #tpu.memory_space<hbm>> -> memref<10x128xf32, #tpu.memory_space<hbm>>
        %dma_start3A_2342 = arith.constant 20 : i32
        %dma_start3A_2343 = arith.constant 0 : i32
        %dma_start3A_2344 = tpu.memref_slice %arg6[%dma_start3A_2342, %dma_start3A_2343] : memref<640x128xf32, #tpu.memory_space<vmem>> -> memref<10x128xf32, #tpu.memory_space<vmem>>
        %dma_start3A_2345 = arith.constant 0 : i32
        %dma_start3A_2346 = tpu.memref_slice %arg2[%dma_start3A_2345, %multiple_of3A_2336] : memref<10x1000001xf32, #tpu.memory_space<hbm>> -> memref<10x128xf32, #tpu.memory_space<hbm>>
        tpu.enqueue_dma source(%dma_start3A_2346 : memref<10x128xf32, #tpu.memory_space<hbm>>) target(%dma_start3A_2344 : memref<10x128xf32, #tpu.memory_space<vmem>>) target_semaphore(%arg9 : memref<!tpu.dma_semaphore, #tpu.memory_space<semaphore_mem>>)
        %slice3A_2347 = vector.extract_strided_slice %shift_right_logical3A_2301 {offsets = [3], sizes = [1], strides = [1]} : vector<16xi32> to vector<1xi32>
        %squeeze3A_2348 = vector.extract %slice3A_2347[0] : i32 from vector<1xi32>
        %mul3A_2349 = arith.constant 128 : i32
        %mul3A_2350 = arith.muli %squeeze3A_2348, %mul3A_2349 : i32
        %multiple_of3A_2351 = tpu.assume_multiple %mul3A_2350, 128 : i32
        %dma_start3A_2352 = arith.constant 30 : i32
        %dma_start3A_2353 = arith.constant 0 : i32
        %dma_start3A_2354 = tpu.memref_slice %arg6[%dma_start3A_2352, %dma_start3A_2353] : memref<640x128xf32, #tpu.memory_space<vmem>> -> memref<10x128xf32, #tpu.memory_space<vmem>>
        %dma_start3A_2355 = arith.constant 0 : i32
        %dma_start3A_2356 = tpu.memref_slice %arg2[%dma_start3A_2355, %multiple_of3A_2351] : memref<10x1000001xf32, #tpu.memory_space<hbm>> -> memref<10x128xf32, #tpu.memory_space<hbm>>
        %dma_start3A_2357 = arith.constant 30 : i32
        %dma_start3A_2358 = arith.constant 0 : i32
        %dma_start3A_2359 = tpu.memref_slice %arg6[%dma_start3A_2357, %dma_start3A_2358] : memref<640x128xf32, #tpu.memory_space<vmem>> -> memref<10x128xf32, #tpu.memory_space<vmem>>
        %dma_start3A_2360 = arith.constant 0 : i32
        %dma_start3A_2361 = tpu.memref_slice %arg2[%dma_start3A_2360, %multiple_of3A_2351] : memref<10x1000001xf32, #tpu.memory_space<hbm>> -> memref<10x128xf32, #tpu.memory_space<hbm>>
        tpu.enqueue_dma source(%dma_start3A_2361 : memref<10x128xf32, #tpu.memory_space<hbm>>) target(%dma_start3A_2359 : memref<10x128xf32, #tpu.memory_space<vmem>>) target_semaphore(%arg9 : memref<!tpu.dma_semaphore, #tpu.memory_space<semaphore_mem>>)
        %slice3A_2362 = vector.extract_strided_slice %shift_right_logical3A_2301 {offsets = [4], sizes = [1], strides = [1]} : vector<16xi32> to vector<1xi32>
        %squeeze3A_2363 = vector.extract %slice3A_2362[0] : i32 from vector<1xi32>
        %mul3A_2364 = arith.constant 128 : i32
        %mul3A_2365 = arith.muli %squeeze3A_2363, %mul3A_2364 : i32
        %multiple_of3A_2366 = tpu.assume_multiple %mul3A_2365, 128 : i32
        %dma_start3A_2367 = arith.constant 40 : i32
        %dma_start3A_2368 = arith.constant 0 : i32
        %dma_start3A_2369 = tpu.memref_slice %arg6[%dma_start3A_2367, %dma_start3A_2368] : memref<640x128xf32, #tpu.memory_space<vmem>> -> memref<10x128xf32, #tpu.memory_space<vmem>>
        %dma_start3A_2370 = arith.constant 0 : i32
        %dma_start3A_2371 = tpu.memref_slice %arg2[%dma_start3A_2370, %multiple_of3A_2366] : memref<10x1000001xf32, #tpu.memory_space<hbm>> -> memref<10x128xf32, #tpu.memory_space<hbm>>
        %dma_start3A_2372 = arith.constant 40 : i32
        %dma_start3A_2373 = arith.constant 0 : i32
        %dma_start3A_2374 = tpu.memref_slice %arg6[%dma_start3A_2372, %dma_start3A_2373] : memref<640x128xf32, #tpu.memory_space<vmem>> -> memref<10x128xf32, #tpu.memory_space<vmem>>
        %dma_start3A_2375 = arith.constant 0 : i32
        %dma_start3A_2376 = tpu.memref_slice %arg2[%dma_start3A_2375, %multiple_of3A_2366] : memref<10x1000001xf32, #tpu.memory_space<hbm>> -> memref<10x128xf32, #tpu.memory_space<hbm>>
        tpu.enqueue_dma source(%dma_start3A_2376 : memref<10x128xf32, #tpu.memory_space<hbm>>) target(%dma_start3A_2374 : memref<10x128xf32, #tpu.memory_space<vmem>>) target_semaphore(%arg9 : memref<!tpu.dma_semaphore, #tpu.memory_space<semaphore_mem>>)
        %slice3A_2377 = vector.extract_strided_slice %shift_right_logical3A_2301 {offsets = [5], sizes = [1], strides = [1]} : vector<16xi32> to vector<1xi32>
        %squeeze3A_2378 = vector.extract %slice3A_2377[0] : i32 from vector<1xi32>
        %mul3A_2379 = arith.constant 128 : i32
        %mul3A_2380 = arith.muli %squeeze3A_2378, %mul3A_2379 : i32
        %multiple_of3A_2381 = tpu.assume_multiple %mul3A_2380, 128 : i32
        %dma_start3A_2382 = arith.constant 50 : i32
        %dma_start3A_2383 = arith.constant 0 : i32
        %dma_start3A_2384 = tpu.memref_slice %arg6[%dma_start3A_2382, %dma_start3A_2383] : memref<640x128xf32, #tpu.memory_space<vmem>> -> memref<10x128xf32, #tpu.memory_space<vmem>>
        %dma_start3A_2385 = arith.constant 0 : i32
        %dma_start3A_2386 = tpu.memref_slice %arg2[%dma_start3A_2385, %multiple_of3A_2381] : memref<10x1000001xf32, #tpu.memory_space<hbm>> -> memref<10x128xf32, #tpu.memory_space<hbm>>
        %dma_start3A_2387 = arith.constant 50 : i32
        %dma_start3A_2388 = arith.constant 0 : i32
        %dma_start3A_2389 = tpu.memref_slice %arg6[%dma_start3A_2387, %dma_start3A_2388] : memref<640x128xf32, #tpu.memory_space<vmem>> -> memref<10x128xf32, #tpu.memory_space<vmem>>
        %dma_start3A_2390 = arith.constant 0 : i32
        %dma_start3A_2391 = tpu.memref_slice %arg2[%dma_start3A_2390, %multiple_of3A_2381] : memref<10x1000001xf32, #tpu.memory_space<hbm>> -> memref<10x128xf32, #tpu.memory_space<hbm>>
        tpu.enqueue_dma source(%dma_start3A_2391 : memref<10x128xf32, #tpu.memory_space<hbm>>) target(%dma_start3A_2389 : memref<10x128xf32, #tpu.memory_space<vmem>>) target_semaphore(%arg9 : memref<!tpu.dma_semaphore, #tpu.memory_space<semaphore_mem>>)
        %slice3A_2392 = vector.extract_strided_slice %shift_right_logical3A_2301 {offsets = [6], sizes = [1], strides = [1]} : vector<16xi32> to vector<1xi32>
        %squeeze3A_2393 = vector.extract %slice3A_2392[0] : i32 from vector<1xi32>
        %mul3A_2394 = arith.constant 128 : i32
        %mul3A_2395 = arith.muli %squeeze3A_2393, %mul3A_2394 : i32
        %multiple_of3A_2396 = tpu.assume_multiple %mul3A_2395, 128 : i32
        %dma_start3A_2397 = arith.constant 60 : i32
        %dma_start3A_2398 = arith.constant 0 : i32
        %dma_start3A_2399 = tpu.memref_slice %arg6[%dma_start3A_2397, %dma_start3A_2398] : memref<640x128xf32, #tpu.memory_space<vmem>> -> memref<10x128xf32, #tpu.memory_space<vmem>>
        %dma_start3A_2400 = arith.constant 0 : i32
        %dma_start3A_2401 = tpu.memref_slice %arg2[%dma_start3A_2400, %multiple_of3A_2396] : memref<10x1000001xf32, #tpu.memory_space<hbm>> -> memref<10x128xf32, #tpu.memory_space<hbm>>
        %dma_start3A_2402 = arith.constant 60 : i32
        %dma_start3A_2403 = arith.constant 0 : i32
        %dma_start3A_2404 = tpu.memref_slice %arg6[%dma_start3A_2402, %dma_start3A_2403] : memref<640x128xf32, #tpu.memory_space<vmem>> -> memref<10x128xf32, #tpu.memory_space<vmem>>
        %dma_start3A_2405 = arith.constant 0 : i32
        %dma_start3A_2406 = tpu.memref_slice %arg2[%dma_start3A_2405, %multiple_of3A_2396] : memref<10x1000001xf32, #tpu.memory_space<hbm>> -> memref<10x128xf32, #tpu.memory_space<hbm>>
        tpu.enqueue_dma source(%dma_start3A_2406 : memref<10x128xf32, #tpu.memory_space<hbm>>) target(%dma_start3A_2404 : memref<10x128xf32, #tpu.memory_space<vmem>>) target_semaphore(%arg9 : memref<!tpu.dma_semaphore, #tpu.memory_space<semaphore_mem>>)
        %slice3A_2407 = vector.extract_strided_slice %shift_right_logical3A_2301 {offsets = [7], sizes = [1], strides = [1]} : vector<16xi32> to vector<1xi32>
        %squeeze3A_2408 = vector.extract %slice3A_2407[0] : i32 from vector<1xi32>
        %mul3A_2409 = arith.constant 128 : i32
        %mul3A_2410 = arith.muli %squeeze3A_2408, %mul3A_2409 : i32
        %multiple_of3A_2411 = tpu.assume_multiple %mul3A_2410, 128 : i32
        %dma_start3A_2412 = arith.constant 70 : i32
        %dma_start3A_2413 = arith.constant 0 : i32
        %dma_start3A_2414 = tpu.memref_slice %arg6[%dma_start3A_2412, %dma_start3A_2413] : memref<640x128xf32, #tpu.memory_space<vmem>> -> memref<10x128xf32, #tpu.memory_space<vmem>>
        %dma_start3A_2415 = arith.constant 0 : i32
        %dma_start3A_2416 = tpu.memref_slice %arg2[%dma_start3A_2415, %multiple_of3A_2411] : memref<10x1000001xf32, #tpu.memory_space<hbm>> -> memref<10x128xf32, #tpu.memory_space<hbm>>
        %dma_start3A_2417 = arith.constant 70 : i32
        %dma_start3A_2418 = arith.constant 0 : i32
        %dma_start3A_2419 = tpu.memref_slice %arg6[%dma_start3A_2417, %dma_start3A_2418] : memref<640x128xf32, #tpu.memory_space<vmem>> -> memref<10x128xf32, #tpu.memory_space<vmem>>
        %dma_start3A_2420 = arith.constant 0 : i32
        %dma_start3A_2421 = tpu.memref_slice %arg2[%dma_start3A_2420, %multiple_of3A_2411] : memref<10x1000001xf32, #tpu.memory_space<hbm>> -> memref<10x128xf32, #tpu.memory_space<hbm>>
        tpu.enqueue_dma source(%dma_start3A_2421 : memref<10x128xf32, #tpu.memory_space<hbm>>) target(%dma_start3A_2419 : memref<10x128xf32, #tpu.memory_space<vmem>>) target_semaphore(%arg9 : memref<!tpu.dma_semaphore, #tpu.memory_space<semaphore_mem>>)
        %slice3A_2422 = vector.extract_strided_slice %shift_right_logical3A_2301 {offsets = [8], sizes = [1], strides = [1]} : vector<16xi32> to vector<1xi32>
        %squeeze3A_2423 = vector.extract %slice3A_2422[0] : i32 from vector<1xi32>
        %mul3A_2424 = arith.constant 128 : i32
        %mul3A_2425 = arith.muli %squeeze3A_2423, %mul3A_2424 : i32
        %multiple_of3A_2426 = tpu.assume_multiple %mul3A_2425, 128 : i32
        %dma_start3A_2427 = arith.constant 80 : i32
        %dma_start3A_2428 = arith.constant 0 : i32
        %dma_start3A_2429 = tpu.memref_slice %arg6[%dma_start3A_2427, %dma_start3A_2428] : memref<640x128xf32, #tpu.memory_space<vmem>> -> memref<10x128xf32, #tpu.memory_space<vmem>>
        %dma_start3A_2430 = arith.constant 0 : i32
        %dma_start3A_2431 = tpu.memref_slice %arg2[%dma_start3A_2430, %multiple_of3A_2426] : memref<10x1000001xf32, #tpu.memory_space<hbm>> -> memref<10x128xf32, #tpu.memory_space<hbm>>
        %dma_start3A_2432 = arith.constant 80 : i32
        %dma_start3A_2433 = arith.constant 0 : i32
        %dma_start3A_2434 = tpu.memref_slice %arg6[%dma_start3A_2432, %dma_start3A_2433] : memref<640x128xf32, #tpu.memory_space<vmem>> -> memref<10x128xf32, #tpu.memory_space<vmem>>
        %dma_start3A_2435 = arith.constant 0 : i32
        %dma_start3A_2436 = tpu.memref_slice %arg2[%dma_start3A_2435, %multiple_of3A_2426] : memref<10x1000001xf32, #tpu.memory_space<hbm>> -> memref<10x128xf32, #tpu.memory_space<hbm>>
        tpu.enqueue_dma source(%dma_start3A_2436 : memref<10x128xf32, #tpu.memory_space<hbm>>) target(%dma_start3A_2434 : memref<10x128xf32, #tpu.memory_space<vmem>>) target_semaphore(%arg9 : memref<!tpu.dma_semaphore, #tpu.memory_space<semaphore_mem>>)
        %slice3A_2437 = vector.extract_strided_slice %shift_right_logical3A_2301 {offsets = [9], sizes = [1], strides = [1]} : vector<16xi32> to vector<1xi32>
        %squeeze3A_2438 = vector.extract %slice3A_2437[0] : i32 from vector<1xi32>
        %mul3A_2439 = arith.constant 128 : i32
        %mul3A_2440 = arith.muli %squeeze3A_2438, %mul3A_2439 : i32
        %multiple_of3A_2441 = tpu.assume_multiple %mul3A_2440, 128 : i32
        %dma_start3A_2442 = arith.constant 90 : i32
        %dma_start3A_2443 = arith.constant 0 : i32
        %dma_start3A_2444 = tpu.memref_slice %arg6[%dma_start3A_2442, %dma_start3A_2443] : memref<640x128xf32, #tpu.memory_space<vmem>> -> memref<10x128xf32, #tpu.memory_space<vmem>>
        %dma_start3A_2445 = arith.constant 0 : i32
        %dma_start3A_2446 = tpu.memref_slice %arg2[%dma_start3A_2445, %multiple_of3A_2441] : memref<10x1000001xf32, #tpu.memory_space<hbm>> -> memref<10x128xf32, #tpu.memory_space<hbm>>
        %dma_start3A_2447 = arith.constant 90 : i32
        %dma_start3A_2448 = arith.constant 0 : i32
        %dma_start3A_2449 = tpu.memref_slice %arg6[%dma_start3A_2447, %dma_start3A_2448] : memref<640x128xf32, #tpu.memory_space<vmem>> -> memref<10x128xf32, #tpu.memory_space<vmem>>
        %dma_start3A_2450 = arith.constant 0 : i32
        %dma_start3A_2451 = tpu.memref_slice %arg2[%dma_start3A_2450, %multiple_of3A_2441] : memref<10x1000001xf32, #tpu.memory_space<hbm>> -> memref<10x128xf32, #tpu.memory_space<hbm>>
        tpu.enqueue_dma source(%dma_start3A_2451 : memref<10x128xf32, #tpu.memory_space<hbm>>) target(%dma_start3A_2449 : memref<10x128xf32, #tpu.memory_space<vmem>>) target_semaphore(%arg9 : memref<!tpu.dma_semaphore, #tpu.memory_space<semaphore_mem>>)
        %slice3A_2452 = vector.extract_strided_slice %shift_right_logical3A_2301 {offsets = [10], sizes = [1], strides = [1]} : vector<16xi32> to vector<1xi32>
        %squeeze3A_2453 = vector.extract %slice3A_2452[0] : i32 from vector<1xi32>
        %mul3A_2454 = arith.constant 128 : i32
        %mul3A_2455 = arith.muli %squeeze3A_2453, %mul3A_2454 : i32
        %multiple_of3A_2456 = tpu.assume_multiple %mul3A_2455, 128 : i32
        %dma_start3A_2457 = arith.constant 100 : i32
        %dma_start3A_2458 = arith.constant 0 : i32
        %dma_start3A_2459 = tpu.memref_slice %arg6[%dma_start3A_2457, %dma_start3A_2458] : memref<640x128xf32, #tpu.memory_space<vmem>> -> memref<10x128xf32, #tpu.memory_space<vmem>>
        %dma_start3A_2460 = arith.constant 0 : i32
        %dma_start3A_2461 = tpu.memref_slice %arg2[%dma_start3A_2460, %multiple_of3A_2456] : memref<10x1000001xf32, #tpu.memory_space<hbm>> -> memref<10x128xf32, #tpu.memory_space<hbm>>
        %dma_start3A_2462 = arith.constant 100 : i32
        %dma_start3A_2463 = arith.constant 0 : i32
        %dma_start3A_2464 = tpu.memref_slice %arg6[%dma_start3A_2462, %dma_start3A_2463] : memref<640x128xf32, #tpu.memory_space<vmem>> -> memref<10x128xf32, #tpu.memory_space<vmem>>
        %dma_start3A_2465 = arith.constant 0 : i32
        %dma_start3A_2466 = tpu.memref_slice %arg2[%dma_start3A_2465, %multiple_of3A_2456] : memref<10x1000001xf32, #tpu.memory_space<hbm>> -> memref<10x128xf32, #tpu.memory_space<hbm>>
        tpu.enqueue_dma source(%dma_start3A_2466 : memref<10x128xf32, #tpu.memory_space<hbm>>) target(%dma_start3A_2464 : memref<10x128xf32, #tpu.memory_space<vmem>>) target_semaphore(%arg9 : memref<!tpu.dma_semaphore, #tpu.memory_space<semaphore_mem>>)
        %slice3A_2467 = vector.extract_strided_slice %shift_right_logical3A_2301 {offsets = [11], sizes = [1], strides = [1]} : vector<16xi32> to vector<1xi32>
        %squeeze3A_2468 = vector.extract %slice3A_2467[0] : i32 from vector<1xi32>
        %mul3A_2469 = arith.constant 128 : i32
        %mul3A_2470 = arith.muli %squeeze3A_2468, %mul3A_2469 : i32
        %multiple_of3A_2471 = tpu.assume_multiple %mul3A_2470, 128 : i32
        %dma_start3A_2472 = arith.constant 110 : i32
        %dma_start3A_2473 = arith.constant 0 : i32
        %dma_start3A_2474 = tpu.memref_slice %arg6[%dma_start3A_2472, %dma_start3A_2473] : memref<640x128xf32, #tpu.memory_space<vmem>> -> memref<10x128xf32, #tpu.memory_space<vmem>>
        %dma_start3A_2475 = arith.constant 0 : i32
        %dma_start3A_2476 = tpu.memref_slice %arg2[%dma_start3A_2475, %multiple_of3A_2471] : memref<10x1000001xf32, #tpu.memory_space<hbm>> -> memref<10x128xf32, #tpu.memory_space<hbm>>
        %dma_start3A_2477 = arith.constant 110 : i32
        %dma_start3A_2478 = arith.constant 0 : i32
        %dma_start3A_2479 = tpu.memref_slice %arg6[%dma_start3A_2477, %dma_start3A_2478] : memref<640x128xf32, #tpu.memory_space<vmem>> -> memref<10x128xf32, #tpu.memory_space<vmem>>
        %dma_start3A_2480 = arith.constant 0 : i32
        %dma_start3A_2481 = tpu.memref_slice %arg2[%dma_start3A_2480, %multiple_of3A_2471] : memref<10x1000001xf32, #tpu.memory_space<hbm>> -> memref<10x128xf32, #tpu.memory_space<hbm>>
        tpu.enqueue_dma source(%dma_start3A_2481 : memref<10x128xf32, #tpu.memory_space<hbm>>) target(%dma_start3A_2479 : memref<10x128xf32, #tpu.memory_space<vmem>>) target_semaphore(%arg9 : memref<!tpu.dma_semaphore, #tpu.memory_space<semaphore_mem>>)
        %slice3A_2482 = vector.extract_strided_slice %shift_right_logical3A_2301 {offsets = [12], sizes = [1], strides = [1]} : vector<16xi32> to vector<1xi32>
        %squeeze3A_2483 = vector.extract %slice3A_2482[0] : i32 from vector<1xi32>
        %mul3A_2484 = arith.constant 128 : i32
        %mul3A_2485 = arith.muli %squeeze3A_2483, %mul3A_2484 : i32
        %multiple_of3A_2486 = tpu.assume_multiple %mul3A_2485, 128 : i32
        %dma_start3A_2487 = arith.constant 120 : i32
        %dma_start3A_2488 = arith.constant 0 : i32
        %dma_start3A_2489 = tpu.memref_slice %arg6[%dma_start3A_2487, %dma_start3A_2488] : memref<640x128xf32, #tpu.memory_space<vmem>> -> memref<10x128xf32, #tpu.memory_space<vmem>>
        %dma_start3A_2490 = arith.constant 0 : i32
        %dma_start3A_2491 = tpu.memref_slice %arg2[%dma_start3A_2490, %multiple_of3A_2486] : memref<10x1000001xf32, #tpu.memory_space<hbm>> -> memref<10x128xf32, #tpu.memory_space<hbm>>
        %dma_start3A_2492 = arith.constant 120 : i32
        %dma_start3A_2493 = arith.constant 0 : i32
        %dma_start3A_2494 = tpu.memref_slice %arg6[%dma_start3A_2492, %dma_start3A_2493] : memref<640x128xf32, #tpu.memory_space<vmem>> -> memref<10x128xf32, #tpu.memory_space<vmem>>
        %dma_start3A_2495 = arith.constant 0 : i32
        %dma_start3A_2496 = tpu.memref_slice %arg2[%dma_start3A_2495, %multiple_of3A_2486] : memref<10x1000001xf32, #tpu.memory_space<hbm>> -> memref<10x128xf32, #tpu.memory_space<hbm>>
        tpu.enqueue_dma source(%dma_start3A_2496 : memref<10x128xf32, #tpu.memory_space<hbm>>) target(%dma_start3A_2494 : memref<10x128xf32, #tpu.memory_space<vmem>>) target_semaphore(%arg9 : memref<!tpu.dma_semaphore, #tpu.memory_space<semaphore_mem>>)
        %slice3A_2497 = vector.extract_strided_slice %shift_right_logical3A_2301 {offsets = [13], sizes = [1], strides = [1]} : vector<16xi32> to vector<1xi32>
        %squeeze3A_2498 = vector.extract %slice3A_2497[0] : i32 from vector<1xi32>
        %mul3A_2499 = arith.constant 128 : i32
        %mul3A_2500 = arith.muli %squeeze3A_2498, %mul3A_2499 : i32
        %multiple_of3A_2501 = tpu.assume_multiple %mul3A_2500, 128 : i32
        %dma_start3A_2502 = arith.constant 130 : i32
        %dma_start3A_2503 = arith.constant 0 : i32
        %dma_start3A_2504 = tpu.memref_slice %arg6[%dma_start3A_2502, %dma_start3A_2503] : memref<640x128xf32, #tpu.memory_space<vmem>> -> memref<10x128xf32, #tpu.memory_space<vmem>>
        %dma_start3A_2505 = arith.constant 0 : i32
        %dma_start3A_2506 = tpu.memref_slice %arg2[%dma_start3A_2505, %multiple_of3A_2501] : memref<10x1000001xf32, #tpu.memory_space<hbm>> -> memref<10x128xf32, #tpu.memory_space<hbm>>
        %dma_start3A_2507 = arith.constant 130 : i32
        %dma_start3A_2508 = arith.constant 0 : i32
        %dma_start3A_2509 = tpu.memref_slice %arg6[%dma_start3A_2507, %dma_start3A_2508] : memref<640x128xf32, #tpu.memory_space<vmem>> -> memref<10x128xf32, #tpu.memory_space<vmem>>
        %dma_start3A_2510 = arith.constant 0 : i32
        %dma_start3A_2511 = tpu.memref_slice %arg2[%dma_start3A_2510, %multiple_of3A_2501] : memref<10x1000001xf32, #tpu.memory_space<hbm>> -> memref<10x128xf32, #tpu.memory_space<hbm>>
        tpu.enqueue_dma source(%dma_start3A_2511 : memref<10x128xf32, #tpu.memory_space<hbm>>) target(%dma_start3A_2509 : memref<10x128xf32, #tpu.memory_space<vmem>>) target_semaphore(%arg9 : memref<!tpu.dma_semaphore, #tpu.memory_space<semaphore_mem>>)
        %slice3A_2512 = vector.extract_strided_slice %shift_right_logical3A_2301 {offsets = [14], sizes = [1], strides = [1]} : vector<16xi32> to vector<1xi32>
        %squeeze3A_2513 = vector.extract %slice3A_2512[0] : i32 from vector<1xi32>
        %mul3A_2514 = arith.constant 128 : i32
        %mul3A_2515 = arith.muli %squeeze3A_2513, %mul3A_2514 : i32
        %multiple_of3A_2516 = tpu.assume_multiple %mul3A_2515, 128 : i32
        %dma_start3A_2517 = arith.constant 140 : i32
        %dma_start3A_2518 = arith.constant 0 : i32
        %dma_start3A_2519 = tpu.memref_slice %arg6[%dma_start3A_2517, %dma_start3A_2518] : memref<640x128xf32, #tpu.memory_space<vmem>> -> memref<10x128xf32, #tpu.memory_space<vmem>>
        %dma_start3A_2520 = arith.constant 0 : i32
        %dma_start3A_2521 = tpu.memref_slice %arg2[%dma_start3A_2520, %multiple_of3A_2516] : memref<10x1000001xf32, #tpu.memory_space<hbm>> -> memref<10x128xf32, #tpu.memory_space<hbm>>
        %dma_start3A_2522 = arith.constant 140 : i32
        %dma_start3A_2523 = arith.constant 0 : i32
        %dma_start3A_2524 = tpu.memref_slice %arg6[%dma_start3A_2522, %dma_start3A_2523] : memref<640x128xf32, #tpu.memory_space<vmem>> -> memref<10x128xf32, #tpu.memory_space<vmem>>
        %dma_start3A_2525 = arith.constant 0 : i32
        %dma_start3A_2526 = tpu.memref_slice %arg2[%dma_start3A_2525, %multiple_of3A_2516] : memref<10x1000001xf32, #tpu.memory_space<hbm>> -> memref<10x128xf32, #tpu.memory_space<hbm>>
        tpu.enqueue_dma source(%dma_start3A_2526 : memref<10x128xf32, #tpu.memory_space<hbm>>) target(%dma_start3A_2524 : memref<10x128xf32, #tpu.memory_space<vmem>>) target_semaphore(%arg9 : memref<!tpu.dma_semaphore, #tpu.memory_space<semaphore_mem>>)
        %slice3A_2527 = vector.extract_strided_slice %shift_right_logical3A_2301 {offsets = [15], sizes = [1], strides = [1]} : vector<16xi32> to vector<1xi32>
        %squeeze3A_2528 = vector.extract %slice3A_2527[0] : i32 from vector<1xi32>
        %mul3A_2529 = arith.constant 128 : i32
        %mul3A_2530 = arith.muli %squeeze3A_2528, %mul3A_2529 : i32
        %multiple_of3A_2531 = tpu.assume_multiple %mul3A_2530, 128 : i32
        %dma_start3A_2532 = arith.constant 150 : i32
        %dma_start3A_2533 = arith.constant 0 : i32
        %dma_start3A_2534 = tpu.memref_slice %arg6[%dma_start3A_2532, %dma_start3A_2533] : memref<640x128xf32, #tpu.memory_space<vmem>> -> memref<10x128xf32, #tpu.memory_space<vmem>>
        %dma_start3A_2535 = arith.constant 0 : i32
        %dma_start3A_2536 = tpu.memref_slice %arg2[%dma_start3A_2535, %multiple_of3A_2531] : memref<10x1000001xf32, #tpu.memory_space<hbm>> -> memref<10x128xf32, #tpu.memory_space<hbm>>
        %dma_start3A_2537 = arith.constant 150 : i32
        %dma_start3A_2538 = arith.constant 0 : i32
        %dma_start3A_2539 = tpu.memref_slice %arg6[%dma_start3A_2537, %dma_start3A_2538] : memref<640x128xf32, #tpu.memory_space<vmem>> -> memref<10x128xf32, #tpu.memory_space<vmem>>
        %dma_start3A_2540 = arith.constant 0 : i32
        %dma_start3A_2541 = tpu.memref_slice %arg2[%dma_start3A_2540, %multiple_of3A_2531] : memref<10x1000001xf32, #tpu.memory_space<hbm>> -> memref<10x128xf32, #tpu.memory_space<hbm>>
        tpu.enqueue_dma source(%dma_start3A_2541 : memref<10x128xf32, #tpu.memory_space<hbm>>) target(%dma_start3A_2539 : memref<10x128xf32, #tpu.memory_space<vmem>>) target_semaphore(%arg9 : memref<!tpu.dma_semaphore, #tpu.memory_space<semaphore_mem>>)
      } else {
      }
      %mul3A_1135 = arith.constant 16 : i32
      %mul3A_1136 = arith.muli %add3A_1125, %mul3A_1135 : i32
      %get3A_1137 = arith.index_cast %mul3A_1136 : i32 to index
      %get3A_1138 = tpu.vector_load %arg5[%get3A_1137] {strides = array<i32>} : memref<512xi32, #tpu.memory_space<vmem>>, vector<16xi32>,
      %shift_right_logical3A_1139 = arith.constant 7 : i32
      %shift_right_logical3A_1140 = vector.broadcast %shift_right_logical3A_1139 : i32 to vector<16xi32>
      %shift_right_logical3A_1141 = arith.shrui %get3A_1138, %shift_right_logical3A_1140 : vector<16xi32>
      %slice3A_1142 = vector.extract_strided_slice %shift_right_logical3A_1141 {offsets = [0], sizes = [1], strides = [1]} : vector<16xi32> to vector<1xi32>
      %squeeze3A_1143 = vector.extract %slice3A_1142[0] : i32 from vector<1xi32>
      %mul3A_1144 = arith.constant 128 : i32
      %mul3A_1145 = arith.muli %squeeze3A_1143, %mul3A_1144 : i32
      %multiple_of3A_1146 = tpu.assume_multiple %mul3A_1145, 128 : i32
      %dma_wait3A_1147 = arith.constant 160 : i32
      %dma_wait3A_1148 = arith.constant 0 : i32
      %dma_wait3A_1149 = tpu.memref_slice %arg6[%dma_wait3A_1147, %dma_wait3A_1148] : memref<640x128xf32, #tpu.memory_space<vmem>> -> memref<10x128xf32, #tpu.memory_space<vmem>>
      %dma_wait3A_1150 = arith.constant 0 : i32
      %dma_wait3A_1151 = tpu.memref_slice %arg2[%dma_wait3A_1150, %multiple_of3A_1146] : memref<10x1000001xf32, #tpu.memory_space<hbm>> -> memref<10x128xf32, #tpu.memory_space<hbm>>
      %dma_wait3A_1152 = arith.constant 160 : i32
      %dma_wait3A_1153 = arith.constant 0 : i32
      %dma_wait3A_1154 = tpu.memref_slice %arg6[%dma_wait3A_1152, %dma_wait3A_1153] : memref<640x128xf32, #tpu.memory_space<vmem>> -> memref<10x128xf32, #tpu.memory_space<vmem>>
      %dma_wait3A_1155 = arith.constant 0 : i32
      %dma_wait3A_1156 = tpu.memref_slice %arg2[%dma_wait3A_1155, %multiple_of3A_1146] : memref<10x1000001xf32, #tpu.memory_space<hbm>> -> memref<10x128xf32, #tpu.memory_space<hbm>>
      tpu.wait_dma2 semaphore(%arg10 : memref<!tpu.dma_semaphore, #tpu.memory_space<semaphore_mem>>) src(%dma_wait3A_1156 : memref<10x128xf32, #tpu.memory_space<hbm>>) dst(%dma_wait3A_1154 : memref<10x128xf32, #tpu.memory_space<vmem>>)
      %slice3A_1157 = vector.extract_strided_slice %shift_right_logical3A_1141 {offsets = [1], sizes = [1], strides = [1]} : vector<16xi32> to vector<1xi32>
      %squeeze3A_1158 = vector.extract %slice3A_1157[0] : i32 from vector<1xi32>
      %mul3A_1159 = arith.constant 128 : i32
      %mul3A_1160 = arith.muli %squeeze3A_1158, %mul3A_1159 : i32
      %multiple_of3A_1161 = tpu.assume_multiple %mul3A_1160, 128 : i32
      %dma_wait3A_1162 = arith.constant 170 : i32
      %dma_wait3A_1163 = arith.constant 0 : i32
      %dma_wait3A_1164 = tpu.memref_slice %arg6[%dma_wait3A_1162, %dma_wait3A_1163] : memref<640x128xf32, #tpu.memory_space<vmem>> -> memref<10x128xf32, #tpu.memory_space<vmem>>
      %dma_wait3A_1165 = arith.constant 0 : i32
      %dma_wait3A_1166 = tpu.memref_slice %arg2[%dma_wait3A_1165, %multiple_of3A_1161] : memref<10x1000001xf32, #tpu.memory_space<hbm>> -> memref<10x128xf32, #tpu.memory_space<hbm>>
      %dma_wait3A_1167 = arith.constant 170 : i32
      %dma_wait3A_1168 = arith.constant 0 : i32
      %dma_wait3A_1169 = tpu.memref_slice %arg6[%dma_wait3A_1167, %dma_wait3A_1168] : memref<640x128xf32, #tpu.memory_space<vmem>> -> memref<10x128xf32, #tpu.memory_space<vmem>>
      %dma_wait3A_1170 = arith.constant 0 : i32
      %dma_wait3A_1171 = tpu.memref_slice %arg2[%dma_wait3A_1170, %multiple_of3A_1161] : memref<10x1000001xf32, #tpu.memory_space<hbm>> -> memref<10x128xf32, #tpu.memory_space<hbm>>
      tpu.wait_dma2 semaphore(%arg10 : memref<!tpu.dma_semaphore, #tpu.memory_space<semaphore_mem>>) src(%dma_wait3A_1171 : memref<10x128xf32, #tpu.memory_space<hbm>>) dst(%dma_wait3A_1169 : memref<10x128xf32, #tpu.memory_space<vmem>>)
      %slice3A_1172 = vector.extract_strided_slice %shift_right_logical3A_1141 {offsets = [2], sizes = [1], strides = [1]} : vector<16xi32> to vector<1xi32>
      %squeeze3A_1173 = vector.extract %slice3A_1172[0] : i32 from vector<1xi32>
      %mul3A_1174 = arith.constant 128 : i32
      %mul3A_1175 = arith.muli %squeeze3A_1173, %mul3A_1174 : i32
      %multiple_of3A_1176 = tpu.assume_multiple %mul3A_1175, 128 : i32
      %dma_wait3A_1177 = arith.constant 180 : i32
      %dma_wait3A_1178 = arith.constant 0 : i32
      %dma_wait3A_1179 = tpu.memref_slice %arg6[%dma_wait3A_1177, %dma_wait3A_1178] : memref<640x128xf32, #tpu.memory_space<vmem>> -> memref<10x128xf32, #tpu.memory_space<vmem>>
      %dma_wait3A_1180 = arith.constant 0 : i32
      %dma_wait3A_1181 = tpu.memref_slice %arg2[%dma_wait3A_1180, %multiple_of3A_1176] : memref<10x1000001xf32, #tpu.memory_space<hbm>> -> memref<10x128xf32, #tpu.memory_space<hbm>>
      %dma_wait3A_1182 = arith.constant 180 : i32
      %dma_wait3A_1183 = arith.constant 0 : i32
      %dma_wait3A_1184 = tpu.memref_slice %arg6[%dma_wait3A_1182, %dma_wait3A_1183] : memref<640x128xf32, #tpu.memory_space<vmem>> -> memref<10x128xf32, #tpu.memory_space<vmem>>
      %dma_wait3A_1185 = arith.constant 0 : i32
      %dma_wait3A_1186 = tpu.memref_slice %arg2[%dma_wait3A_1185, %multiple_of3A_1176] : memref<10x1000001xf32, #tpu.memory_space<hbm>> -> memref<10x128xf32, #tpu.memory_space<hbm>>
      tpu.wait_dma2 semaphore(%arg10 : memref<!tpu.dma_semaphore, #tpu.memory_space<semaphore_mem>>) src(%dma_wait3A_1186 : memref<10x128xf32, #tpu.memory_space<hbm>>) dst(%dma_wait3A_1184 : memref<10x128xf32, #tpu.memory_space<vmem>>)
      %slice3A_1187 = vector.extract_strided_slice %shift_right_logical3A_1141 {offsets = [3], sizes = [1], strides = [1]} : vector<16xi32> to vector<1xi32>
      %squeeze3A_1188 = vector.extract %slice3A_1187[0] : i32 from vector<1xi32>
      %mul3A_1189 = arith.constant 128 : i32
      %mul3A_1190 = arith.muli %squeeze3A_1188, %mul3A_1189 : i32
      %multiple_of3A_1191 = tpu.assume_multiple %mul3A_1190, 128 : i32
      %dma_wait3A_1192 = arith.constant 190 : i32
      %dma_wait3A_1193 = arith.constant 0 : i32
      %dma_wait3A_1194 = tpu.memref_slice %arg6[%dma_wait3A_1192, %dma_wait3A_1193] : memref<640x128xf32, #tpu.memory_space<vmem>> -> memref<10x128xf32, #tpu.memory_space<vmem>>
      %dma_wait3A_1195 = arith.constant 0 : i32
      %dma_wait3A_1196 = tpu.memref_slice %arg2[%dma_wait3A_1195, %multiple_of3A_1191] : memref<10x1000001xf32, #tpu.memory_space<hbm>> -> memref<10x128xf32, #tpu.memory_space<hbm>>
      %dma_wait3A_1197 = arith.constant 190 : i32
      %dma_wait3A_1198 = arith.constant 0 : i32
      %dma_wait3A_1199 = tpu.memref_slice %arg6[%dma_wait3A_1197, %dma_wait3A_1198] : memref<640x128xf32, #tpu.memory_space<vmem>> -> memref<10x128xf32, #tpu.memory_space<vmem>>
      %dma_wait3A_1200 = arith.constant 0 : i32
      %dma_wait3A_1201 = tpu.memref_slice %arg2[%dma_wait3A_1200, %multiple_of3A_1191] : memref<10x1000001xf32, #tpu.memory_space<hbm>> -> memref<10x128xf32, #tpu.memory_space<hbm>>
      tpu.wait_dma2 semaphore(%arg10 : memref<!tpu.dma_semaphore, #tpu.memory_space<semaphore_mem>>) src(%dma_wait3A_1201 : memref<10x128xf32, #tpu.memory_space<hbm>>) dst(%dma_wait3A_1199 : memref<10x128xf32, #tpu.memory_space<vmem>>)
      %slice3A_1202 = vector.extract_strided_slice %shift_right_logical3A_1141 {offsets = [4], sizes = [1], strides = [1]} : vector<16xi32> to vector<1xi32>
      %squeeze3A_1203 = vector.extract %slice3A_1202[0] : i32 from vector<1xi32>
      %mul3A_1204 = arith.constant 128 : i32
      %mul3A_1205 = arith.muli %squeeze3A_1203, %mul3A_1204 : i32
      %multiple_of3A_1206 = tpu.assume_multiple %mul3A_1205, 128 : i32
      %dma_wait3A_1207 = arith.constant 200 : i32
      %dma_wait3A_1208 = arith.constant 0 : i32
      %dma_wait3A_1209 = tpu.memref_slice %arg6[%dma_wait3A_1207, %dma_wait3A_1208] : memref<640x128xf32, #tpu.memory_space<vmem>> -> memref<10x128xf32, #tpu.memory_space<vmem>>
      %dma_wait3A_1210 = arith.constant 0 : i32
      %dma_wait3A_1211 = tpu.memref_slice %arg2[%dma_wait3A_1210, %multiple_of3A_1206] : memref<10x1000001xf32, #tpu.memory_space<hbm>> -> memref<10x128xf32, #tpu.memory_space<hbm>>
      %dma_wait3A_1212 = arith.constant 200 : i32
      %dma_wait3A_1213 = arith.constant 0 : i32
      %dma_wait3A_1214 = tpu.memref_slice %arg6[%dma_wait3A_1212, %dma_wait3A_1213] : memref<640x128xf32, #tpu.memory_space<vmem>> -> memref<10x128xf32, #tpu.memory_space<vmem>>
      %dma_wait3A_1215 = arith.constant 0 : i32
      %dma_wait3A_1216 = tpu.memref_slice %arg2[%dma_wait3A_1215, %multiple_of3A_1206] : memref<10x1000001xf32, #tpu.memory_space<hbm>> -> memref<10x128xf32, #tpu.memory_space<hbm>>
      tpu.wait_dma2 semaphore(%arg10 : memref<!tpu.dma_semaphore, #tpu.memory_space<semaphore_mem>>) src(%dma_wait3A_1216 : memref<10x128xf32, #tpu.memory_space<hbm>>) dst(%dma_wait3A_1214 : memref<10x128xf32, #tpu.memory_space<vmem>>)
      %slice3A_1217 = vector.extract_strided_slice %shift_right_logical3A_1141 {offsets = [5], sizes = [1], strides = [1]} : vector<16xi32> to vector<1xi32>
      %squeeze3A_1218 = vector.extract %slice3A_1217[0] : i32 from vector<1xi32>
      %mul3A_1219 = arith.constant 128 : i32
      %mul3A_1220 = arith.muli %squeeze3A_1218, %mul3A_1219 : i32
      %multiple_of3A_1221 = tpu.assume_multiple %mul3A_1220, 128 : i32
      %dma_wait3A_1222 = arith.constant 210 : i32
      %dma_wait3A_1223 = arith.constant 0 : i32
      %dma_wait3A_1224 = tpu.memref_slice %arg6[%dma_wait3A_1222, %dma_wait3A_1223] : memref<640x128xf32, #tpu.memory_space<vmem>> -> memref<10x128xf32, #tpu.memory_space<vmem>>
      %dma_wait3A_1225 = arith.constant 0 : i32
      %dma_wait3A_1226 = tpu.memref_slice %arg2[%dma_wait3A_1225, %multiple_of3A_1221] : memref<10x1000001xf32, #tpu.memory_space<hbm>> -> memref<10x128xf32, #tpu.memory_space<hbm>>
      %dma_wait3A_1227 = arith.constant 210 : i32
      %dma_wait3A_1228 = arith.constant 0 : i32
      %dma_wait3A_1229 = tpu.memref_slice %arg6[%dma_wait3A_1227, %dma_wait3A_1228] : memref<640x128xf32, #tpu.memory_space<vmem>> -> memref<10x128xf32, #tpu.memory_space<vmem>>
      %dma_wait3A_1230 = arith.constant 0 : i32
      %dma_wait3A_1231 = tpu.memref_slice %arg2[%dma_wait3A_1230, %multiple_of3A_1221] : memref<10x1000001xf32, #tpu.memory_space<hbm>> -> memref<10x128xf32, #tpu.memory_space<hbm>>
      tpu.wait_dma2 semaphore(%arg10 : memref<!tpu.dma_semaphore, #tpu.memory_space<semaphore_mem>>) src(%dma_wait3A_1231 : memref<10x128xf32, #tpu.memory_space<hbm>>) dst(%dma_wait3A_1229 : memref<10x128xf32, #tpu.memory_space<vmem>>)
      %slice3A_1232 = vector.extract_strided_slice %shift_right_logical3A_1141 {offsets = [6], sizes = [1], strides = [1]} : vector<16xi32> to vector<1xi32>
      %squeeze3A_1233 = vector.extract %slice3A_1232[0] : i32 from vector<1xi32>
      %mul3A_1234 = arith.constant 128 : i32
      %mul3A_1235 = arith.muli %squeeze3A_1233, %mul3A_1234 : i32
      %multiple_of3A_1236 = tpu.assume_multiple %mul3A_1235, 128 : i32
      %dma_wait3A_1237 = arith.constant 220 : i32
      %dma_wait3A_1238 = arith.constant 0 : i32
      %dma_wait3A_1239 = tpu.memref_slice %arg6[%dma_wait3A_1237, %dma_wait3A_1238] : memref<640x128xf32, #tpu.memory_space<vmem>> -> memref<10x128xf32, #tpu.memory_space<vmem>>
      %dma_wait3A_1240 = arith.constant 0 : i32
      %dma_wait3A_1241 = tpu.memref_slice %arg2[%dma_wait3A_1240, %multiple_of3A_1236] : memref<10x1000001xf32, #tpu.memory_space<hbm>> -> memref<10x128xf32, #tpu.memory_space<hbm>>
      %dma_wait3A_1242 = arith.constant 220 : i32
      %dma_wait3A_1243 = arith.constant 0 : i32
      %dma_wait3A_1244 = tpu.memref_slice %arg6[%dma_wait3A_1242, %dma_wait3A_1243] : memref<640x128xf32, #tpu.memory_space<vmem>> -> memref<10x128xf32, #tpu.memory_space<vmem>>
      %dma_wait3A_1245 = arith.constant 0 : i32
      %dma_wait3A_1246 = tpu.memref_slice %arg2[%dma_wait3A_1245, %multiple_of3A_1236] : memref<10x1000001xf32, #tpu.memory_space<hbm>> -> memref<10x128xf32, #tpu.memory_space<hbm>>
      tpu.wait_dma2 semaphore(%arg10 : memref<!tpu.dma_semaphore, #tpu.memory_space<semaphore_mem>>) src(%dma_wait3A_1246 : memref<10x128xf32, #tpu.memory_space<hbm>>) dst(%dma_wait3A_1244 : memref<10x128xf32, #tpu.memory_space<vmem>>)
      %slice3A_1247 = vector.extract_strided_slice %shift_right_logical3A_1141 {offsets = [7], sizes = [1], strides = [1]} : vector<16xi32> to vector<1xi32>
      %squeeze3A_1248 = vector.extract %slice3A_1247[0] : i32 from vector<1xi32>
      %mul3A_1249 = arith.constant 128 : i32
      %mul3A_1250 = arith.muli %squeeze3A_1248, %mul3A_1249 : i32
      %multiple_of3A_1251 = tpu.assume_multiple %mul3A_1250, 128 : i32
      %dma_wait3A_1252 = arith.constant 230 : i32
      %dma_wait3A_1253 = arith.constant 0 : i32
      %dma_wait3A_1254 = tpu.memref_slice %arg6[%dma_wait3A_1252, %dma_wait3A_1253] : memref<640x128xf32, #tpu.memory_space<vmem>> -> memref<10x128xf32, #tpu.memory_space<vmem>>
      %dma_wait3A_1255 = arith.constant 0 : i32
      %dma_wait3A_1256 = tpu.memref_slice %arg2[%dma_wait3A_1255, %multiple_of3A_1251] : memref<10x1000001xf32, #tpu.memory_space<hbm>> -> memref<10x128xf32, #tpu.memory_space<hbm>>
      %dma_wait3A_1257 = arith.constant 230 : i32
      %dma_wait3A_1258 = arith.constant 0 : i32
      %dma_wait3A_1259 = tpu.memref_slice %arg6[%dma_wait3A_1257, %dma_wait3A_1258] : memref<640x128xf32, #tpu.memory_space<vmem>> -> memref<10x128xf32, #tpu.memory_space<vmem>>
      %dma_wait3A_1260 = arith.constant 0 : i32
      %dma_wait3A_1261 = tpu.memref_slice %arg2[%dma_wait3A_1260, %multiple_of3A_1251] : memref<10x1000001xf32, #tpu.memory_space<hbm>> -> memref<10x128xf32, #tpu.memory_space<hbm>>
      tpu.wait_dma2 semaphore(%arg10 : memref<!tpu.dma_semaphore, #tpu.memory_space<semaphore_mem>>) src(%dma_wait3A_1261 : memref<10x128xf32, #tpu.memory_space<hbm>>) dst(%dma_wait3A_1259 : memref<10x128xf32, #tpu.memory_space<vmem>>)
      %slice3A_1262 = vector.extract_strided_slice %shift_right_logical3A_1141 {offsets = [8], sizes = [1], strides = [1]} : vector<16xi32> to vector<1xi32>
      %squeeze3A_1263 = vector.extract %slice3A_1262[0] : i32 from vector<1xi32>
      %mul3A_1264 = arith.constant 128 : i32
      %mul3A_1265 = arith.muli %squeeze3A_1263, %mul3A_1264 : i32
      %multiple_of3A_1266 = tpu.assume_multiple %mul3A_1265, 128 : i32
      %dma_wait3A_1267 = arith.constant 240 : i32
      %dma_wait3A_1268 = arith.constant 0 : i32
      %dma_wait3A_1269 = tpu.memref_slice %arg6[%dma_wait3A_1267, %dma_wait3A_1268] : memref<640x128xf32, #tpu.memory_space<vmem>> -> memref<10x128xf32, #tpu.memory_space<vmem>>
      %dma_wait3A_1270 = arith.constant 0 : i32
      %dma_wait3A_1271 = tpu.memref_slice %arg2[%dma_wait3A_1270, %multiple_of3A_1266] : memref<10x1000001xf32, #tpu.memory_space<hbm>> -> memref<10x128xf32, #tpu.memory_space<hbm>>
      %dma_wait3A_1272 = arith.constant 240 : i32
      %dma_wait3A_1273 = arith.constant 0 : i32
      %dma_wait3A_1274 = tpu.memref_slice %arg6[%dma_wait3A_1272, %dma_wait3A_1273] : memref<640x128xf32, #tpu.memory_space<vmem>> -> memref<10x128xf32, #tpu.memory_space<vmem>>
      %dma_wait3A_1275 = arith.constant 0 : i32
      %dma_wait3A_1276 = tpu.memref_slice %arg2[%dma_wait3A_1275, %multiple_of3A_1266] : memref<10x1000001xf32, #tpu.memory_space<hbm>> -> memref<10x128xf32, #tpu.memory_space<hbm>>
      tpu.wait_dma2 semaphore(%arg10 : memref<!tpu.dma_semaphore, #tpu.memory_space<semaphore_mem>>) src(%dma_wait3A_1276 : memref<10x128xf32, #tpu.memory_space<hbm>>) dst(%dma_wait3A_1274 : memref<10x128xf32, #tpu.memory_space<vmem>>)
      %slice3A_1277 = vector.extract_strided_slice %shift_right_logical3A_1141 {offsets = [9], sizes = [1], strides = [1]} : vector<16xi32> to vector<1xi32>
      %squeeze3A_1278 = vector.extract %slice3A_1277[0] : i32 from vector<1xi32>
      %mul3A_1279 = arith.constant 128 : i32
      %mul3A_1280 = arith.muli %squeeze3A_1278, %mul3A_1279 : i32
      %multiple_of3A_1281 = tpu.assume_multiple %mul3A_1280, 128 : i32
      %dma_wait3A_1282 = arith.constant 250 : i32
      %dma_wait3A_1283 = arith.constant 0 : i32
      %dma_wait3A_1284 = tpu.memref_slice %arg6[%dma_wait3A_1282, %dma_wait3A_1283] : memref<640x128xf32, #tpu.memory_space<vmem>> -> memref<10x128xf32, #tpu.memory_space<vmem>>
      %dma_wait3A_1285 = arith.constant 0 : i32
      %dma_wait3A_1286 = tpu.memref_slice %arg2[%dma_wait3A_1285, %multiple_of3A_1281] : memref<10x1000001xf32, #tpu.memory_space<hbm>> -> memref<10x128xf32, #tpu.memory_space<hbm>>
      %dma_wait3A_1287 = arith.constant 250 : i32
      %dma_wait3A_1288 = arith.constant 0 : i32
      %dma_wait3A_1289 = tpu.memref_slice %arg6[%dma_wait3A_1287, %dma_wait3A_1288] : memref<640x128xf32, #tpu.memory_space<vmem>> -> memref<10x128xf32, #tpu.memory_space<vmem>>
      %dma_wait3A_1290 = arith.constant 0 : i32
      %dma_wait3A_1291 = tpu.memref_slice %arg2[%dma_wait3A_1290, %multiple_of3A_1281] : memref<10x1000001xf32, #tpu.memory_space<hbm>> -> memref<10x128xf32, #tpu.memory_space<hbm>>
      tpu.wait_dma2 semaphore(%arg10 : memref<!tpu.dma_semaphore, #tpu.memory_space<semaphore_mem>>) src(%dma_wait3A_1291 : memref<10x128xf32, #tpu.memory_space<hbm>>) dst(%dma_wait3A_1289 : memref<10x128xf32, #tpu.memory_space<vmem>>)
      %slice3A_1292 = vector.extract_strided_slice %shift_right_logical3A_1141 {offsets = [10], sizes = [1], strides = [1]} : vector<16xi32> to vector<1xi32>
      %squeeze3A_1293 = vector.extract %slice3A_1292[0] : i32 from vector<1xi32>
      %mul3A_1294 = arith.constant 128 : i32
      %mul3A_1295 = arith.muli %squeeze3A_1293, %mul3A_1294 : i32
      %multiple_of3A_1296 = tpu.assume_multiple %mul3A_1295, 128 : i32
      %dma_wait3A_1297 = arith.constant 260 : i32
      %dma_wait3A_1298 = arith.constant 0 : i32
      %dma_wait3A_1299 = tpu.memref_slice %arg6[%dma_wait3A_1297, %dma_wait3A_1298] : memref<640x128xf32, #tpu.memory_space<vmem>> -> memref<10x128xf32, #tpu.memory_space<vmem>>
      %dma_wait3A_1300 = arith.constant 0 : i32
      %dma_wait3A_1301 = tpu.memref_slice %arg2[%dma_wait3A_1300, %multiple_of3A_1296] : memref<10x1000001xf32, #tpu.memory_space<hbm>> -> memref<10x128xf32, #tpu.memory_space<hbm>>
      %dma_wait3A_1302 = arith.constant 260 : i32
      %dma_wait3A_1303 = arith.constant 0 : i32
      %dma_wait3A_1304 = tpu.memref_slice %arg6[%dma_wait3A_1302, %dma_wait3A_1303] : memref<640x128xf32, #tpu.memory_space<vmem>> -> memref<10x128xf32, #tpu.memory_space<vmem>>
      %dma_wait3A_1305 = arith.constant 0 : i32
      %dma_wait3A_1306 = tpu.memref_slice %arg2[%dma_wait3A_1305, %multiple_of3A_1296] : memref<10x1000001xf32, #tpu.memory_space<hbm>> -> memref<10x128xf32, #tpu.memory_space<hbm>>
      tpu.wait_dma2 semaphore(%arg10 : memref<!tpu.dma_semaphore, #tpu.memory_space<semaphore_mem>>) src(%dma_wait3A_1306 : memref<10x128xf32, #tpu.memory_space<hbm>>) dst(%dma_wait3A_1304 : memref<10x128xf32, #tpu.memory_space<vmem>>)
      %slice3A_1307 = vector.extract_strided_slice %shift_right_logical3A_1141 {offsets = [11], sizes = [1], strides = [1]} : vector<16xi32> to vector<1xi32>
      %squeeze3A_1308 = vector.extract %slice3A_1307[0] : i32 from vector<1xi32>
      %mul3A_1309 = arith.constant 128 : i32
      %mul3A_1310 = arith.muli %squeeze3A_1308, %mul3A_1309 : i32
      %multiple_of3A_1311 = tpu.assume_multiple %mul3A_1310, 128 : i32
      %dma_wait3A_1312 = arith.constant 270 : i32
      %dma_wait3A_1313 = arith.constant 0 : i32
      %dma_wait3A_1314 = tpu.memref_slice %arg6[%dma_wait3A_1312, %dma_wait3A_1313] : memref<640x128xf32, #tpu.memory_space<vmem>> -> memref<10x128xf32, #tpu.memory_space<vmem>>
      %dma_wait3A_1315 = arith.constant 0 : i32
      %dma_wait3A_1316 = tpu.memref_slice %arg2[%dma_wait3A_1315, %multiple_of3A_1311] : memref<10x1000001xf32, #tpu.memory_space<hbm>> -> memref<10x128xf32, #tpu.memory_space<hbm>>
      %dma_wait3A_1317 = arith.constant 270 : i32
      %dma_wait3A_1318 = arith.constant 0 : i32
      %dma_wait3A_1319 = tpu.memref_slice %arg6[%dma_wait3A_1317, %dma_wait3A_1318] : memref<640x128xf32, #tpu.memory_space<vmem>> -> memref<10x128xf32, #tpu.memory_space<vmem>>
      %dma_wait3A_1320 = arith.constant 0 : i32
      %dma_wait3A_1321 = tpu.memref_slice %arg2[%dma_wait3A_1320, %multiple_of3A_1311] : memref<10x1000001xf32, #tpu.memory_space<hbm>> -> memref<10x128xf32, #tpu.memory_space<hbm>>
      tpu.wait_dma2 semaphore(%arg10 : memref<!tpu.dma_semaphore, #tpu.memory_space<semaphore_mem>>) src(%dma_wait3A_1321 : memref<10x128xf32, #tpu.memory_space<hbm>>) dst(%dma_wait3A_1319 : memref<10x128xf32, #tpu.memory_space<vmem>>)
      %slice3A_1322 = vector.extract_strided_slice %shift_right_logical3A_1141 {offsets = [12], sizes = [1], strides = [1]} : vector<16xi32> to vector<1xi32>
      %squeeze3A_1323 = vector.extract %slice3A_1322[0] : i32 from vector<1xi32>
      %mul3A_1324 = arith.constant 128 : i32
      %mul3A_1325 = arith.muli %squeeze3A_1323, %mul3A_1324 : i32
      %multiple_of3A_1326 = tpu.assume_multiple %mul3A_1325, 128 : i32
      %dma_wait3A_1327 = arith.constant 280 : i32
      %dma_wait3A_1328 = arith.constant 0 : i32
      %dma_wait3A_1329 = tpu.memref_slice %arg6[%dma_wait3A_1327, %dma_wait3A_1328] : memref<640x128xf32, #tpu.memory_space<vmem>> -> memref<10x128xf32, #tpu.memory_space<vmem>>
      %dma_wait3A_1330 = arith.constant 0 : i32
      %dma_wait3A_1331 = tpu.memref_slice %arg2[%dma_wait3A_1330, %multiple_of3A_1326] : memref<10x1000001xf32, #tpu.memory_space<hbm>> -> memref<10x128xf32, #tpu.memory_space<hbm>>
      %dma_wait3A_1332 = arith.constant 280 : i32
      %dma_wait3A_1333 = arith.constant 0 : i32
      %dma_wait3A_1334 = tpu.memref_slice %arg6[%dma_wait3A_1332, %dma_wait3A_1333] : memref<640x128xf32, #tpu.memory_space<vmem>> -> memref<10x128xf32, #tpu.memory_space<vmem>>
      %dma_wait3A_1335 = arith.constant 0 : i32
      %dma_wait3A_1336 = tpu.memref_slice %arg2[%dma_wait3A_1335, %multiple_of3A_1326] : memref<10x1000001xf32, #tpu.memory_space<hbm>> -> memref<10x128xf32, #tpu.memory_space<hbm>>
      tpu.wait_dma2 semaphore(%arg10 : memref<!tpu.dma_semaphore, #tpu.memory_space<semaphore_mem>>) src(%dma_wait3A_1336 : memref<10x128xf32, #tpu.memory_space<hbm>>) dst(%dma_wait3A_1334 : memref<10x128xf32, #tpu.memory_space<vmem>>)
      %slice3A_1337 = vector.extract_strided_slice %shift_right_logical3A_1141 {offsets = [13], sizes = [1], strides = [1]} : vector<16xi32> to vector<1xi32>
      %squeeze3A_1338 = vector.extract %slice3A_1337[0] : i32 from vector<1xi32>
      %mul3A_1339 = arith.constant 128 : i32
      %mul3A_1340 = arith.muli %squeeze3A_1338, %mul3A_1339 : i32
      %multiple_of3A_1341 = tpu.assume_multiple %mul3A_1340, 128 : i32
      %dma_wait3A_1342 = arith.constant 290 : i32
      %dma_wait3A_1343 = arith.constant 0 : i32
      %dma_wait3A_1344 = tpu.memref_slice %arg6[%dma_wait3A_1342, %dma_wait3A_1343] : memref<640x128xf32, #tpu.memory_space<vmem>> -> memref<10x128xf32, #tpu.memory_space<vmem>>
      %dma_wait3A_1345 = arith.constant 0 : i32
      %dma_wait3A_1346 = tpu.memref_slice %arg2[%dma_wait3A_1345, %multiple_of3A_1341] : memref<10x1000001xf32, #tpu.memory_space<hbm>> -> memref<10x128xf32, #tpu.memory_space<hbm>>
      %dma_wait3A_1347 = arith.constant 290 : i32
      %dma_wait3A_1348 = arith.constant 0 : i32
      %dma_wait3A_1349 = tpu.memref_slice %arg6[%dma_wait3A_1347, %dma_wait3A_1348] : memref<640x128xf32, #tpu.memory_space<vmem>> -> memref<10x128xf32, #tpu.memory_space<vmem>>
      %dma_wait3A_1350 = arith.constant 0 : i32
      %dma_wait3A_1351 = tpu.memref_slice %arg2[%dma_wait3A_1350, %multiple_of3A_1341] : memref<10x1000001xf32, #tpu.memory_space<hbm>> -> memref<10x128xf32, #tpu.memory_space<hbm>>
      tpu.wait_dma2 semaphore(%arg10 : memref<!tpu.dma_semaphore, #tpu.memory_space<semaphore_mem>>) src(%dma_wait3A_1351 : memref<10x128xf32, #tpu.memory_space<hbm>>) dst(%dma_wait3A_1349 : memref<10x128xf32, #tpu.memory_space<vmem>>)
      %slice3A_1352 = vector.extract_strided_slice %shift_right_logical3A_1141 {offsets = [14], sizes = [1], strides = [1]} : vector<16xi32> to vector<1xi32>
      %squeeze3A_1353 = vector.extract %slice3A_1352[0] : i32 from vector<1xi32>
      %mul3A_1354 = arith.constant 128 : i32
      %mul3A_1355 = arith.muli %squeeze3A_1353, %mul3A_1354 : i32
      %multiple_of3A_1356 = tpu.assume_multiple %mul3A_1355, 128 : i32
      %dma_wait3A_1357 = arith.constant 300 : i32
      %dma_wait3A_1358 = arith.constant 0 : i32
      %dma_wait3A_1359 = tpu.memref_slice %arg6[%dma_wait3A_1357, %dma_wait3A_1358] : memref<640x128xf32, #tpu.memory_space<vmem>> -> memref<10x128xf32, #tpu.memory_space<vmem>>
      %dma_wait3A_1360 = arith.constant 0 : i32
      %dma_wait3A_1361 = tpu.memref_slice %arg2[%dma_wait3A_1360, %multiple_of3A_1356] : memref<10x1000001xf32, #tpu.memory_space<hbm>> -> memref<10x128xf32, #tpu.memory_space<hbm>>
      %dma_wait3A_1362 = arith.constant 300 : i32
      %dma_wait3A_1363 = arith.constant 0 : i32
      %dma_wait3A_1364 = tpu.memref_slice %arg6[%dma_wait3A_1362, %dma_wait3A_1363] : memref<640x128xf32, #tpu.memory_space<vmem>> -> memref<10x128xf32, #tpu.memory_space<vmem>>
      %dma_wait3A_1365 = arith.constant 0 : i32
      %dma_wait3A_1366 = tpu.memref_slice %arg2[%dma_wait3A_1365, %multiple_of3A_1356] : memref<10x1000001xf32, #tpu.memory_space<hbm>> -> memref<10x128xf32, #tpu.memory_space<hbm>>
      tpu.wait_dma2 semaphore(%arg10 : memref<!tpu.dma_semaphore, #tpu.memory_space<semaphore_mem>>) src(%dma_wait3A_1366 : memref<10x128xf32, #tpu.memory_space<hbm>>) dst(%dma_wait3A_1364 : memref<10x128xf32, #tpu.memory_space<vmem>>)
      %slice3A_1367 = vector.extract_strided_slice %shift_right_logical3A_1141 {offsets = [15], sizes = [1], strides = [1]} : vector<16xi32> to vector<1xi32>
      %squeeze3A_1368 = vector.extract %slice3A_1367[0] : i32 from vector<1xi32>
      %mul3A_1369 = arith.constant 128 : i32
      %mul3A_1370 = arith.muli %squeeze3A_1368, %mul3A_1369 : i32
      %multiple_of3A_1371 = tpu.assume_multiple %mul3A_1370, 128 : i32
      %dma_wait3A_1372 = arith.constant 310 : i32
      %dma_wait3A_1373 = arith.constant 0 : i32
      %dma_wait3A_1374 = tpu.memref_slice %arg6[%dma_wait3A_1372, %dma_wait3A_1373] : memref<640x128xf32, #tpu.memory_space<vmem>> -> memref<10x128xf32, #tpu.memory_space<vmem>>
      %dma_wait3A_1375 = arith.constant 0 : i32
      %dma_wait3A_1376 = tpu.memref_slice %arg2[%dma_wait3A_1375, %multiple_of3A_1371] : memref<10x1000001xf32, #tpu.memory_space<hbm>> -> memref<10x128xf32, #tpu.memory_space<hbm>>
      %dma_wait3A_1377 = arith.constant 310 : i32
      %dma_wait3A_1378 = arith.constant 0 : i32
      %dma_wait3A_1379 = tpu.memref_slice %arg6[%dma_wait3A_1377, %dma_wait3A_1378] : memref<640x128xf32, #tpu.memory_space<vmem>> -> memref<10x128xf32, #tpu.memory_space<vmem>>
      %dma_wait3A_1380 = arith.constant 0 : i32
      %dma_wait3A_1381 = tpu.memref_slice %arg2[%dma_wait3A_1380, %multiple_of3A_1371] : memref<10x1000001xf32, #tpu.memory_space<hbm>> -> memref<10x128xf32, #tpu.memory_space<hbm>>
      tpu.wait_dma2 semaphore(%arg10 : memref<!tpu.dma_semaphore, #tpu.memory_space<semaphore_mem>>) src(%dma_wait3A_1381 : memref<10x128xf32, #tpu.memory_space<hbm>>) dst(%dma_wait3A_1379 : memref<10x128xf32, #tpu.memory_space<vmem>>)
      %mul3A_1382 = arith.constant 16 : i32
      %mul3A_1383 = arith.muli %add3A_1125, %mul3A_1382 : i32
      %get3A_1384 = arith.index_cast %mul3A_1383 : i32 to index
      %get3A_1385 = tpu.vector_load %arg5[%get3A_1384] {strides = array<i32>} : memref<512xi32, #tpu.memory_space<vmem>>, vector<16xi32>,
      %and3A_1386 = arith.constant 127 : i32
      %and3A_1387 = vector.broadcast %and3A_1386 : i32 to vector<16xi32>
      %and3A_1388 = arith.andi %get3A_1385, %and3A_1387 : vector<16xi32>
      %mul3A_1389 = arith.constant 16 : i32
      %mul3A_1390 = arith.muli %add3A_1125, %mul3A_1389 : i32
      %add3A_1391 = vector.broadcast %mul3A_1390 : i32 to vector<16xi32>
      %add3A_1392 = arith.addi %add3A_1391, %iota3A : vector<16xi32>
      %mul3A_1393 = arith.constant 10 : i32
      %mul3A_1394 = vector.broadcast %mul3A_1393 : i32 to vector<16xi32>
      %mul3A_1395 = arith.muli %iota3A, %mul3A_1394 : vector<16xi32>
      %add3A_1396 = arith.constant 160 : i32
      %add3A_1397 = vector.broadcast %add3A_1396 : i32 to vector<16xi32>
      %add3A_1398 = arith.addi %add3A_1397, %mul3A_1395 : vector<16xi32>
      %add3A_1399 = arith.constant 0 : i32
      %add3A_1400 = vector.broadcast %add3A_1399 : i32 to vector<16xi32>
      %add3A_1401 = arith.addi %add3A_1398, %add3A_1400 : vector<16xi32>
      %gather3A_1402 = tpu.vector_load_idx %arg6[%add3A_1401, %and3A_1388] : memref<640x128xf32, #tpu.memory_space<vmem>>[vector<16xi32>, vector<16xi32>], vector<16xf32>,
      %broadcast_in_dim3A_1403 = arith.constant 0 : i32
      %broadcast_in_dim3A_1404 = vector.broadcast %broadcast_in_dim3A_1403 : i32 to vector<16xi32>
      tpu.vector_store_idx %arg7[%broadcast_in_dim3A_1404, %add3A_1392], %gather3A_1402 : memref<10x512xf32, #tpu.memory_space<vmem>>[vector<16xi32>, vector<16xi32>], vector<16xf32>,
      %mul3A_1405 = arith.constant 10 : i32
      %mul3A_1406 = vector.broadcast %mul3A_1405 : i32 to vector<16xi32>
      %mul3A_1407 = arith.muli %iota3A, %mul3A_1406 : vector<16xi32>
      %add3A_1408 = arith.constant 160 : i32
      %add3A_1409 = vector.broadcast %add3A_1408 : i32 to vector<16xi32>
      %add3A_1410 = arith.addi %add3A_1409, %mul3A_1407 : vector<16xi32>
      %add3A_1411 = arith.constant 1 : i32
      %add3A_1412 = vector.broadcast %add3A_1411 : i32 to vector<16xi32>
      %add3A_1413 = arith.addi %add3A_1410, %add3A_1412 : vector<16xi32>
      %gather3A_1414 = tpu.vector_load_idx %arg6[%add3A_1413, %and3A_1388] : memref<640x128xf32, #tpu.memory_space<vmem>>[vector<16xi32>, vector<16xi32>], vector<16xf32>,
      %broadcast_in_dim3A_1415 = arith.constant 1 : i32
      %broadcast_in_dim3A_1416 = vector.broadcast %broadcast_in_dim3A_1415 : i32 to vector<16xi32>
      tpu.vector_store_idx %arg7[%broadcast_in_dim3A_1416, %add3A_1392], %gather3A_1414 : memref<10x512xf32, #tpu.memory_space<vmem>>[vector<16xi32>, vector<16xi32>], vector<16xf32>,
      %mul3A_1417 = arith.constant 10 : i32
      %mul3A_1418 = vector.broadcast %mul3A_1417 : i32 to vector<16xi32>
      %mul3A_1419 = arith.muli %iota3A, %mul3A_1418 : vector<16xi32>
      %add3A_1420 = arith.constant 160 : i32
      %add3A_1421 = vector.broadcast %add3A_1420 : i32 to vector<16xi32>
      %add3A_1422 = arith.addi %add3A_1421, %mul3A_1419 : vector<16xi32>
      %add3A_1423 = arith.constant 2 : i32
      %add3A_1424 = vector.broadcast %add3A_1423 : i32 to vector<16xi32>
      %add3A_1425 = arith.addi %add3A_1422, %add3A_1424 : vector<16xi32>
      %gather3A_1426 = tpu.vector_load_idx %arg6[%add3A_1425, %and3A_1388] : memref<640x128xf32, #tpu.memory_space<vmem>>[vector<16xi32>, vector<16xi32>], vector<16xf32>,
      %broadcast_in_dim3A_1427 = arith.constant 2 : i32
      %broadcast_in_dim3A_1428 = vector.broadcast %broadcast_in_dim3A_1427 : i32 to vector<16xi32>
      tpu.vector_store_idx %arg7[%broadcast_in_dim3A_1428, %add3A_1392], %gather3A_1426 : memref<10x512xf32, #tpu.memory_space<vmem>>[vector<16xi32>, vector<16xi32>], vector<16xf32>,
      %mul3A_1429 = arith.constant 10 : i32
      %mul3A_1430 = vector.broadcast %mul3A_1429 : i32 to vector<16xi32>
      %mul3A_1431 = arith.muli %iota3A, %mul3A_1430 : vector<16xi32>
      %add3A_1432 = arith.constant 160 : i32
      %add3A_1433 = vector.broadcast %add3A_1432 : i32 to vector<16xi32>
      %add3A_1434 = arith.addi %add3A_1433, %mul3A_1431 : vector<16xi32>
      %add3A_1435 = arith.constant 3 : i32
      %add3A_1436 = vector.broadcast %add3A_1435 : i32 to vector<16xi32>
      %add3A_1437 = arith.addi %add3A_1434, %add3A_1436 : vector<16xi32>
      %gather3A_1438 = tpu.vector_load_idx %arg6[%add3A_1437, %and3A_1388] : memref<640x128xf32, #tpu.memory_space<vmem>>[vector<16xi32>, vector<16xi32>], vector<16xf32>,
      %broadcast_in_dim3A_1439 = arith.constant 3 : i32
      %broadcast_in_dim3A_1440 = vector.broadcast %broadcast_in_dim3A_1439 : i32 to vector<16xi32>
      tpu.vector_store_idx %arg7[%broadcast_in_dim3A_1440, %add3A_1392], %gather3A_1438 : memref<10x512xf32, #tpu.memory_space<vmem>>[vector<16xi32>, vector<16xi32>], vector<16xf32>,
      %mul3A_1441 = arith.constant 10 : i32
      %mul3A_1442 = vector.broadcast %mul3A_1441 : i32 to vector<16xi32>
      %mul3A_1443 = arith.muli %iota3A, %mul3A_1442 : vector<16xi32>
      %add3A_1444 = arith.constant 160 : i32
      %add3A_1445 = vector.broadcast %add3A_1444 : i32 to vector<16xi32>
      %add3A_1446 = arith.addi %add3A_1445, %mul3A_1443 : vector<16xi32>
      %add3A_1447 = arith.constant 4 : i32
      %add3A_1448 = vector.broadcast %add3A_1447 : i32 to vector<16xi32>
      %add3A_1449 = arith.addi %add3A_1446, %add3A_1448 : vector<16xi32>
      %gather3A_1450 = tpu.vector_load_idx %arg6[%add3A_1449, %and3A_1388] : memref<640x128xf32, #tpu.memory_space<vmem>>[vector<16xi32>, vector<16xi32>], vector<16xf32>,
      %broadcast_in_dim3A_1451 = arith.constant 4 : i32
      %broadcast_in_dim3A_1452 = vector.broadcast %broadcast_in_dim3A_1451 : i32 to vector<16xi32>
      tpu.vector_store_idx %arg7[%broadcast_in_dim3A_1452, %add3A_1392], %gather3A_1450 : memref<10x512xf32, #tpu.memory_space<vmem>>[vector<16xi32>, vector<16xi32>], vector<16xf32>,
      %mul3A_1453 = arith.constant 10 : i32
      %mul3A_1454 = vector.broadcast %mul3A_1453 : i32 to vector<16xi32>
      %mul3A_1455 = arith.muli %iota3A, %mul3A_1454 : vector<16xi32>
      %add3A_1456 = arith.constant 160 : i32
      %add3A_1457 = vector.broadcast %add3A_1456 : i32 to vector<16xi32>
      %add3A_1458 = arith.addi %add3A_1457, %mul3A_1455 : vector<16xi32>
      %add3A_1459 = arith.constant 5 : i32
      %add3A_1460 = vector.broadcast %add3A_1459 : i32 to vector<16xi32>
      %add3A_1461 = arith.addi %add3A_1458, %add3A_1460 : vector<16xi32>
      %gather3A_1462 = tpu.vector_load_idx %arg6[%add3A_1461, %and3A_1388] : memref<640x128xf32, #tpu.memory_space<vmem>>[vector<16xi32>, vector<16xi32>], vector<16xf32>,
      %broadcast_in_dim3A_1463 = arith.constant 5 : i32
      %broadcast_in_dim3A_1464 = vector.broadcast %broadcast_in_dim3A_1463 : i32 to vector<16xi32>
      tpu.vector_store_idx %arg7[%broadcast_in_dim3A_1464, %add3A_1392], %gather3A_1462 : memref<10x512xf32, #tpu.memory_space<vmem>>[vector<16xi32>, vector<16xi32>], vector<16xf32>,
      %mul3A_1465 = arith.constant 10 : i32
      %mul3A_1466 = vector.broadcast %mul3A_1465 : i32 to vector<16xi32>
      %mul3A_1467 = arith.muli %iota3A, %mul3A_1466 : vector<16xi32>
      %add3A_1468 = arith.constant 160 : i32
      %add3A_1469 = vector.broadcast %add3A_1468 : i32 to vector<16xi32>
      %add3A_1470 = arith.addi %add3A_1469, %mul3A_1467 : vector<16xi32>
      %add3A_1471 = arith.constant 6 : i32
      %add3A_1472 = vector.broadcast %add3A_1471 : i32 to vector<16xi32>
      %add3A_1473 = arith.addi %add3A_1470, %add3A_1472 : vector<16xi32>
      %gather3A_1474 = tpu.vector_load_idx %arg6[%add3A_1473, %and3A_1388] : memref<640x128xf32, #tpu.memory_space<vmem>>[vector<16xi32>, vector<16xi32>], vector<16xf32>,
      %broadcast_in_dim3A_1475 = arith.constant 6 : i32
      %broadcast_in_dim3A_1476 = vector.broadcast %broadcast_in_dim3A_1475 : i32 to vector<16xi32>
      tpu.vector_store_idx %arg7[%broadcast_in_dim3A_1476, %add3A_1392], %gather3A_1474 : memref<10x512xf32, #tpu.memory_space<vmem>>[vector<16xi32>, vector<16xi32>], vector<16xf32>,
      %mul3A_1477 = arith.constant 10 : i32
      %mul3A_1478 = vector.broadcast %mul3A_1477 : i32 to vector<16xi32>
      %mul3A_1479 = arith.muli %iota3A, %mul3A_1478 : vector<16xi32>
      %add3A_1480 = arith.constant 160 : i32
      %add3A_1481 = vector.broadcast %add3A_1480 : i32 to vector<16xi32>
      %add3A_1482 = arith.addi %add3A_1481, %mul3A_1479 : vector<16xi32>
      %add3A_1483 = arith.constant 7 : i32
      %add3A_1484 = vector.broadcast %add3A_1483 : i32 to vector<16xi32>
      %add3A_1485 = arith.addi %add3A_1482, %add3A_1484 : vector<16xi32>
      %gather3A_1486 = tpu.vector_load_idx %arg6[%add3A_1485, %and3A_1388] : memref<640x128xf32, #tpu.memory_space<vmem>>[vector<16xi32>, vector<16xi32>], vector<16xf32>,
      %broadcast_in_dim3A_1487 = arith.constant 7 : i32
      %broadcast_in_dim3A_1488 = vector.broadcast %broadcast_in_dim3A_1487 : i32 to vector<16xi32>
      tpu.vector_store_idx %arg7[%broadcast_in_dim3A_1488, %add3A_1392], %gather3A_1486 : memref<10x512xf32, #tpu.memory_space<vmem>>[vector<16xi32>, vector<16xi32>], vector<16xf32>,
      %mul3A_1489 = arith.constant 10 : i32
      %mul3A_1490 = vector.broadcast %mul3A_1489 : i32 to vector<16xi32>
      %mul3A_1491 = arith.muli %iota3A, %mul3A_1490 : vector<16xi32>
      %add3A_1492 = arith.constant 160 : i32
      %add3A_1493 = vector.broadcast %add3A_1492 : i32 to vector<16xi32>
      %add3A_1494 = arith.addi %add3A_1493, %mul3A_1491 : vector<16xi32>
      %add3A_1495 = arith.constant 8 : i32
      %add3A_1496 = vector.broadcast %add3A_1495 : i32 to vector<16xi32>
      %add3A_1497 = arith.addi %add3A_1494, %add3A_1496 : vector<16xi32>
      %gather3A_1498 = tpu.vector_load_idx %arg6[%add3A_1497, %and3A_1388] : memref<640x128xf32, #tpu.memory_space<vmem>>[vector<16xi32>, vector<16xi32>], vector<16xf32>,
      %broadcast_in_dim3A_1499 = arith.constant 8 : i32
      %broadcast_in_dim3A_1500 = vector.broadcast %broadcast_in_dim3A_1499 : i32 to vector<16xi32>
      tpu.vector_store_idx %arg7[%broadcast_in_dim3A_1500, %add3A_1392], %gather3A_1498 : memref<10x512xf32, #tpu.memory_space<vmem>>[vector<16xi32>, vector<16xi32>], vector<16xf32>,
      %mul3A_1501 = arith.constant 10 : i32
      %mul3A_1502 = vector.broadcast %mul3A_1501 : i32 to vector<16xi32>
      %mul3A_1503 = arith.muli %iota3A, %mul3A_1502 : vector<16xi32>
      %add3A_1504 = arith.constant 160 : i32
      %add3A_1505 = vector.broadcast %add3A_1504 : i32 to vector<16xi32>
      %add3A_1506 = arith.addi %add3A_1505, %mul3A_1503 : vector<16xi32>
      %add3A_1507 = arith.constant 9 : i32
      %add3A_1508 = vector.broadcast %add3A_1507 : i32 to vector<16xi32>
      %add3A_1509 = arith.addi %add3A_1506, %add3A_1508 : vector<16xi32>
      %gather3A_1510 = tpu.vector_load_idx %arg6[%add3A_1509, %and3A_1388] : memref<640x128xf32, #tpu.memory_space<vmem>>[vector<16xi32>, vector<16xi32>], vector<16xf32>,
      %broadcast_in_dim3A_1511 = arith.constant 9 : i32
      %broadcast_in_dim3A_1512 = vector.broadcast %broadcast_in_dim3A_1511 : i32 to vector<16xi32>
      tpu.vector_store_idx %arg7[%broadcast_in_dim3A_1512, %add3A_1392], %gather3A_1510 : memref<10x512xf32, #tpu.memory_space<vmem>>[vector<16xi32>, vector<16xi32>], vector<16xf32>,
      %add3A_1513 = arith.constant 2 : i32
      %add3A_1514 = arith.addi %mul3A_741, %add3A_1513 : i32
      %add3A_1515 = arith.constant 4 : i32
      %add3A_1516 = arith.addi %add3A_1514, %add3A_1515 : i32
      %sub3A_1517 = arith.constant 1 : i32
      %sub3A_1518 = arith.subi %add3A_1516, %sub3A_1517 : i32
      %lt3A_1519 = arith.constant 32 : i32
      %lt3A_1520 = arith.cmpi slt, %sub3A_1518, %lt3A_1519 : i32
      %convert_element_type3A_1521 = arith.extui %lt3A_1520 : i1 to i32
      %cond3A_1522 = arith.constant 0 : i32
      %cond3A_1523 = arith.cmpi ne, %convert_element_type3A_1521, %cond3A_1522 : i32
      scf.if %cond3A_1523 {
        %add3A_2291 = arith.constant 4 : i32
        %add3A_2292 = arith.addi %add3A_1514, %add3A_2291 : i32
        %sub3A_2293 = arith.constant 1 : i32
        %sub3A_2294 = arith.subi %add3A_2292, %sub3A_2293 : i32
        %mul3A_2295 = arith.constant 16 : i32
        %mul3A_2296 = arith.muli %sub3A_2294, %mul3A_2295 : i32
        %get3A_2297 = arith.index_cast %mul3A_2296 : i32 to index
        %get3A_2298 = tpu.vector_load %arg5[%get3A_2297] {strides = array<i32>} : memref<512xi32, #tpu.memory_space<vmem>>, vector<16xi32>,
        %shift_right_logical3A_2299 = arith.constant 7 : i32
        %shift_right_logical3A_2300 = vector.broadcast %shift_right_logical3A_2299 : i32 to vector<16xi32>
        %shift_right_logical3A_2301 = arith.shrui %get3A_2298, %shift_right_logical3A_2300 : vector<16xi32>
        %slice3A_2302 = vector.extract_strided_slice %shift_right_logical3A_2301 {offsets = [0], sizes = [1], strides = [1]} : vector<16xi32> to vector<1xi32>
        %squeeze3A_2303 = vector.extract %slice3A_2302[0] : i32 from vector<1xi32>
        %mul3A_2304 = arith.constant 128 : i32
        %mul3A_2305 = arith.muli %squeeze3A_2303, %mul3A_2304 : i32
        %multiple_of3A_2306 = tpu.assume_multiple %mul3A_2305, 128 : i32
        %dma_start3A_2307 = arith.constant 160 : i32
        %dma_start3A_2308 = arith.constant 0 : i32
        %dma_start3A_2309 = tpu.memref_slice %arg6[%dma_start3A_2307, %dma_start3A_2308] : memref<640x128xf32, #tpu.memory_space<vmem>> -> memref<10x128xf32, #tpu.memory_space<vmem>>
        %dma_start3A_2310 = arith.constant 0 : i32
        %dma_start3A_2311 = tpu.memref_slice %arg2[%dma_start3A_2310, %multiple_of3A_2306] : memref<10x1000001xf32, #tpu.memory_space<hbm>> -> memref<10x128xf32, #tpu.memory_space<hbm>>
        %dma_start3A_2312 = arith.constant 160 : i32
        %dma_start3A_2313 = arith.constant 0 : i32
        %dma_start3A_2314 = tpu.memref_slice %arg6[%dma_start3A_2312, %dma_start3A_2313] : memref<640x128xf32, #tpu.memory_space<vmem>> -> memref<10x128xf32, #tpu.memory_space<vmem>>
        %dma_start3A_2315 = arith.constant 0 : i32
        %dma_start3A_2316 = tpu.memref_slice %arg2[%dma_start3A_2315, %multiple_of3A_2306] : memref<10x1000001xf32, #tpu.memory_space<hbm>> -> memref<10x128xf32, #tpu.memory_space<hbm>>
        tpu.enqueue_dma source(%dma_start3A_2316 : memref<10x128xf32, #tpu.memory_space<hbm>>) target(%dma_start3A_2314 : memref<10x128xf32, #tpu.memory_space<vmem>>) target_semaphore(%arg10 : memref<!tpu.dma_semaphore, #tpu.memory_space<semaphore_mem>>)
        %slice3A_2317 = vector.extract_strided_slice %shift_right_logical3A_2301 {offsets = [1], sizes = [1], strides = [1]} : vector<16xi32> to vector<1xi32>
        %squeeze3A_2318 = vector.extract %slice3A_2317[0] : i32 from vector<1xi32>
        %mul3A_2319 = arith.constant 128 : i32
        %mul3A_2320 = arith.muli %squeeze3A_2318, %mul3A_2319 : i32
        %multiple_of3A_2321 = tpu.assume_multiple %mul3A_2320, 128 : i32
        %dma_start3A_2322 = arith.constant 170 : i32
        %dma_start3A_2323 = arith.constant 0 : i32
        %dma_start3A_2324 = tpu.memref_slice %arg6[%dma_start3A_2322, %dma_start3A_2323] : memref<640x128xf32, #tpu.memory_space<vmem>> -> memref<10x128xf32, #tpu.memory_space<vmem>>
        %dma_start3A_2325 = arith.constant 0 : i32
        %dma_start3A_2326 = tpu.memref_slice %arg2[%dma_start3A_2325, %multiple_of3A_2321] : memref<10x1000001xf32, #tpu.memory_space<hbm>> -> memref<10x128xf32, #tpu.memory_space<hbm>>
        %dma_start3A_2327 = arith.constant 170 : i32
        %dma_start3A_2328 = arith.constant 0 : i32
        %dma_start3A_2329 = tpu.memref_slice %arg6[%dma_start3A_2327, %dma_start3A_2328] : memref<640x128xf32, #tpu.memory_space<vmem>> -> memref<10x128xf32, #tpu.memory_space<vmem>>
        %dma_start3A_2330 = arith.constant 0 : i32
        %dma_start3A_2331 = tpu.memref_slice %arg2[%dma_start3A_2330, %multiple_of3A_2321] : memref<10x1000001xf32, #tpu.memory_space<hbm>> -> memref<10x128xf32, #tpu.memory_space<hbm>>
        tpu.enqueue_dma source(%dma_start3A_2331 : memref<10x128xf32, #tpu.memory_space<hbm>>) target(%dma_start3A_2329 : memref<10x128xf32, #tpu.memory_space<vmem>>) target_semaphore(%arg10 : memref<!tpu.dma_semaphore, #tpu.memory_space<semaphore_mem>>)
        %slice3A_2332 = vector.extract_strided_slice %shift_right_logical3A_2301 {offsets = [2], sizes = [1], strides = [1]} : vector<16xi32> to vector<1xi32>
        %squeeze3A_2333 = vector.extract %slice3A_2332[0] : i32 from vector<1xi32>
        %mul3A_2334 = arith.constant 128 : i32
        %mul3A_2335 = arith.muli %squeeze3A_2333, %mul3A_2334 : i32
        %multiple_of3A_2336 = tpu.assume_multiple %mul3A_2335, 128 : i32
        %dma_start3A_2337 = arith.constant 180 : i32
        %dma_start3A_2338 = arith.constant 0 : i32
        %dma_start3A_2339 = tpu.memref_slice %arg6[%dma_start3A_2337, %dma_start3A_2338] : memref<640x128xf32, #tpu.memory_space<vmem>> -> memref<10x128xf32, #tpu.memory_space<vmem>>
        %dma_start3A_2340 = arith.constant 0 : i32
        %dma_start3A_2341 = tpu.memref_slice %arg2[%dma_start3A_2340, %multiple_of3A_2336] : memref<10x1000001xf32, #tpu.memory_space<hbm>> -> memref<10x128xf32, #tpu.memory_space<hbm>>
        %dma_start3A_2342 = arith.constant 180 : i32
        %dma_start3A_2343 = arith.constant 0 : i32
        %dma_start3A_2344 = tpu.memref_slice %arg6[%dma_start3A_2342, %dma_start3A_2343] : memref<640x128xf32, #tpu.memory_space<vmem>> -> memref<10x128xf32, #tpu.memory_space<vmem>>
        %dma_start3A_2345 = arith.constant 0 : i32
        %dma_start3A_2346 = tpu.memref_slice %arg2[%dma_start3A_2345, %multiple_of3A_2336] : memref<10x1000001xf32, #tpu.memory_space<hbm>> -> memref<10x128xf32, #tpu.memory_space<hbm>>
        tpu.enqueue_dma source(%dma_start3A_2346 : memref<10x128xf32, #tpu.memory_space<hbm>>) target(%dma_start3A_2344 : memref<10x128xf32, #tpu.memory_space<vmem>>) target_semaphore(%arg10 : memref<!tpu.dma_semaphore, #tpu.memory_space<semaphore_mem>>)
        %slice3A_2347 = vector.extract_strided_slice %shift_right_logical3A_2301 {offsets = [3], sizes = [1], strides = [1]} : vector<16xi32> to vector<1xi32>
        %squeeze3A_2348 = vector.extract %slice3A_2347[0] : i32 from vector<1xi32>
        %mul3A_2349 = arith.constant 128 : i32
        %mul3A_2350 = arith.muli %squeeze3A_2348, %mul3A_2349 : i32
        %multiple_of3A_2351 = tpu.assume_multiple %mul3A_2350, 128 : i32
        %dma_start3A_2352 = arith.constant 190 : i32
        %dma_start3A_2353 = arith.constant 0 : i32
        %dma_start3A_2354 = tpu.memref_slice %arg6[%dma_start3A_2352, %dma_start3A_2353] : memref<640x128xf32, #tpu.memory_space<vmem>> -> memref<10x128xf32, #tpu.memory_space<vmem>>
        %dma_start3A_2355 = arith.constant 0 : i32
        %dma_start3A_2356 = tpu.memref_slice %arg2[%dma_start3A_2355, %multiple_of3A_2351] : memref<10x1000001xf32, #tpu.memory_space<hbm>> -> memref<10x128xf32, #tpu.memory_space<hbm>>
        %dma_start3A_2357 = arith.constant 190 : i32
        %dma_start3A_2358 = arith.constant 0 : i32
        %dma_start3A_2359 = tpu.memref_slice %arg6[%dma_start3A_2357, %dma_start3A_2358] : memref<640x128xf32, #tpu.memory_space<vmem>> -> memref<10x128xf32, #tpu.memory_space<vmem>>
        %dma_start3A_2360 = arith.constant 0 : i32
        %dma_start3A_2361 = tpu.memref_slice %arg2[%dma_start3A_2360, %multiple_of3A_2351] : memref<10x1000001xf32, #tpu.memory_space<hbm>> -> memref<10x128xf32, #tpu.memory_space<hbm>>
        tpu.enqueue_dma source(%dma_start3A_2361 : memref<10x128xf32, #tpu.memory_space<hbm>>) target(%dma_start3A_2359 : memref<10x128xf32, #tpu.memory_space<vmem>>) target_semaphore(%arg10 : memref<!tpu.dma_semaphore, #tpu.memory_space<semaphore_mem>>)
        %slice3A_2362 = vector.extract_strided_slice %shift_right_logical3A_2301 {offsets = [4], sizes = [1], strides = [1]} : vector<16xi32> to vector<1xi32>
        %squeeze3A_2363 = vector.extract %slice3A_2362[0] : i32 from vector<1xi32>
        %mul3A_2364 = arith.constant 128 : i32
        %mul3A_2365 = arith.muli %squeeze3A_2363, %mul3A_2364 : i32
        %multiple_of3A_2366 = tpu.assume_multiple %mul3A_2365, 128 : i32
        %dma_start3A_2367 = arith.constant 200 : i32
        %dma_start3A_2368 = arith.constant 0 : i32
        %dma_start3A_2369 = tpu.memref_slice %arg6[%dma_start3A_2367, %dma_start3A_2368] : memref<640x128xf32, #tpu.memory_space<vmem>> -> memref<10x128xf32, #tpu.memory_space<vmem>>
        %dma_start3A_2370 = arith.constant 0 : i32
        %dma_start3A_2371 = tpu.memref_slice %arg2[%dma_start3A_2370, %multiple_of3A_2366] : memref<10x1000001xf32, #tpu.memory_space<hbm>> -> memref<10x128xf32, #tpu.memory_space<hbm>>
        %dma_start3A_2372 = arith.constant 200 : i32
        %dma_start3A_2373 = arith.constant 0 : i32
        %dma_start3A_2374 = tpu.memref_slice %arg6[%dma_start3A_2372, %dma_start3A_2373] : memref<640x128xf32, #tpu.memory_space<vmem>> -> memref<10x128xf32, #tpu.memory_space<vmem>>
        %dma_start3A_2375 = arith.constant 0 : i32
        %dma_start3A_2376 = tpu.memref_slice %arg2[%dma_start3A_2375, %multiple_of3A_2366] : memref<10x1000001xf32, #tpu.memory_space<hbm>> -> memref<10x128xf32, #tpu.memory_space<hbm>>
        tpu.enqueue_dma source(%dma_start3A_2376 : memref<10x128xf32, #tpu.memory_space<hbm>>) target(%dma_start3A_2374 : memref<10x128xf32, #tpu.memory_space<vmem>>) target_semaphore(%arg10 : memref<!tpu.dma_semaphore, #tpu.memory_space<semaphore_mem>>)
        %slice3A_2377 = vector.extract_strided_slice %shift_right_logical3A_2301 {offsets = [5], sizes = [1], strides = [1]} : vector<16xi32> to vector<1xi32>
        %squeeze3A_2378 = vector.extract %slice3A_2377[0] : i32 from vector<1xi32>
        %mul3A_2379 = arith.constant 128 : i32
        %mul3A_2380 = arith.muli %squeeze3A_2378, %mul3A_2379 : i32
        %multiple_of3A_2381 = tpu.assume_multiple %mul3A_2380, 128 : i32
        %dma_start3A_2382 = arith.constant 210 : i32
        %dma_start3A_2383 = arith.constant 0 : i32
        %dma_start3A_2384 = tpu.memref_slice %arg6[%dma_start3A_2382, %dma_start3A_2383] : memref<640x128xf32, #tpu.memory_space<vmem>> -> memref<10x128xf32, #tpu.memory_space<vmem>>
        %dma_start3A_2385 = arith.constant 0 : i32
        %dma_start3A_2386 = tpu.memref_slice %arg2[%dma_start3A_2385, %multiple_of3A_2381] : memref<10x1000001xf32, #tpu.memory_space<hbm>> -> memref<10x128xf32, #tpu.memory_space<hbm>>
        %dma_start3A_2387 = arith.constant 210 : i32
        %dma_start3A_2388 = arith.constant 0 : i32
        %dma_start3A_2389 = tpu.memref_slice %arg6[%dma_start3A_2387, %dma_start3A_2388] : memref<640x128xf32, #tpu.memory_space<vmem>> -> memref<10x128xf32, #tpu.memory_space<vmem>>
        %dma_start3A_2390 = arith.constant 0 : i32
        %dma_start3A_2391 = tpu.memref_slice %arg2[%dma_start3A_2390, %multiple_of3A_2381] : memref<10x1000001xf32, #tpu.memory_space<hbm>> -> memref<10x128xf32, #tpu.memory_space<hbm>>
        tpu.enqueue_dma source(%dma_start3A_2391 : memref<10x128xf32, #tpu.memory_space<hbm>>) target(%dma_start3A_2389 : memref<10x128xf32, #tpu.memory_space<vmem>>) target_semaphore(%arg10 : memref<!tpu.dma_semaphore, #tpu.memory_space<semaphore_mem>>)
        %slice3A_2392 = vector.extract_strided_slice %shift_right_logical3A_2301 {offsets = [6], sizes = [1], strides = [1]} : vector<16xi32> to vector<1xi32>
        %squeeze3A_2393 = vector.extract %slice3A_2392[0] : i32 from vector<1xi32>
        %mul3A_2394 = arith.constant 128 : i32
        %mul3A_2395 = arith.muli %squeeze3A_2393, %mul3A_2394 : i32
        %multiple_of3A_2396 = tpu.assume_multiple %mul3A_2395, 128 : i32
        %dma_start3A_2397 = arith.constant 220 : i32
        %dma_start3A_2398 = arith.constant 0 : i32
        %dma_start3A_2399 = tpu.memref_slice %arg6[%dma_start3A_2397, %dma_start3A_2398] : memref<640x128xf32, #tpu.memory_space<vmem>> -> memref<10x128xf32, #tpu.memory_space<vmem>>
        %dma_start3A_2400 = arith.constant 0 : i32
        %dma_start3A_2401 = tpu.memref_slice %arg2[%dma_start3A_2400, %multiple_of3A_2396] : memref<10x1000001xf32, #tpu.memory_space<hbm>> -> memref<10x128xf32, #tpu.memory_space<hbm>>
        %dma_start3A_2402 = arith.constant 220 : i32
        %dma_start3A_2403 = arith.constant 0 : i32
        %dma_start3A_2404 = tpu.memref_slice %arg6[%dma_start3A_2402, %dma_start3A_2403] : memref<640x128xf32, #tpu.memory_space<vmem>> -> memref<10x128xf32, #tpu.memory_space<vmem>>
        %dma_start3A_2405 = arith.constant 0 : i32
        %dma_start3A_2406 = tpu.memref_slice %arg2[%dma_start3A_2405, %multiple_of3A_2396] : memref<10x1000001xf32, #tpu.memory_space<hbm>> -> memref<10x128xf32, #tpu.memory_space<hbm>>
        tpu.enqueue_dma source(%dma_start3A_2406 : memref<10x128xf32, #tpu.memory_space<hbm>>) target(%dma_start3A_2404 : memref<10x128xf32, #tpu.memory_space<vmem>>) target_semaphore(%arg10 : memref<!tpu.dma_semaphore, #tpu.memory_space<semaphore_mem>>)
        %slice3A_2407 = vector.extract_strided_slice %shift_right_logical3A_2301 {offsets = [7], sizes = [1], strides = [1]} : vector<16xi32> to vector<1xi32>
        %squeeze3A_2408 = vector.extract %slice3A_2407[0] : i32 from vector<1xi32>
        %mul3A_2409 = arith.constant 128 : i32
        %mul3A_2410 = arith.muli %squeeze3A_2408, %mul3A_2409 : i32
        %multiple_of3A_2411 = tpu.assume_multiple %mul3A_2410, 128 : i32
        %dma_start3A_2412 = arith.constant 230 : i32
        %dma_start3A_2413 = arith.constant 0 : i32
        %dma_start3A_2414 = tpu.memref_slice %arg6[%dma_start3A_2412, %dma_start3A_2413] : memref<640x128xf32, #tpu.memory_space<vmem>> -> memref<10x128xf32, #tpu.memory_space<vmem>>
        %dma_start3A_2415 = arith.constant 0 : i32
        %dma_start3A_2416 = tpu.memref_slice %arg2[%dma_start3A_2415, %multiple_of3A_2411] : memref<10x1000001xf32, #tpu.memory_space<hbm>> -> memref<10x128xf32, #tpu.memory_space<hbm>>
        %dma_start3A_2417 = arith.constant 230 : i32
        %dma_start3A_2418 = arith.constant 0 : i32
        %dma_start3A_2419 = tpu.memref_slice %arg6[%dma_start3A_2417, %dma_start3A_2418] : memref<640x128xf32, #tpu.memory_space<vmem>> -> memref<10x128xf32, #tpu.memory_space<vmem>>
        %dma_start3A_2420 = arith.constant 0 : i32
        %dma_start3A_2421 = tpu.memref_slice %arg2[%dma_start3A_2420, %multiple_of3A_2411] : memref<10x1000001xf32, #tpu.memory_space<hbm>> -> memref<10x128xf32, #tpu.memory_space<hbm>>
        tpu.enqueue_dma source(%dma_start3A_2421 : memref<10x128xf32, #tpu.memory_space<hbm>>) target(%dma_start3A_2419 : memref<10x128xf32, #tpu.memory_space<vmem>>) target_semaphore(%arg10 : memref<!tpu.dma_semaphore, #tpu.memory_space<semaphore_mem>>)
        %slice3A_2422 = vector.extract_strided_slice %shift_right_logical3A_2301 {offsets = [8], sizes = [1], strides = [1]} : vector<16xi32> to vector<1xi32>
        %squeeze3A_2423 = vector.extract %slice3A_2422[0] : i32 from vector<1xi32>
        %mul3A_2424 = arith.constant 128 : i32
        %mul3A_2425 = arith.muli %squeeze3A_2423, %mul3A_2424 : i32
        %multiple_of3A_2426 = tpu.assume_multiple %mul3A_2425, 128 : i32
        %dma_start3A_2427 = arith.constant 240 : i32
        %dma_start3A_2428 = arith.constant 0 : i32
        %dma_start3A_2429 = tpu.memref_slice %arg6[%dma_start3A_2427, %dma_start3A_2428] : memref<640x128xf32, #tpu.memory_space<vmem>> -> memref<10x128xf32, #tpu.memory_space<vmem>>
        %dma_start3A_2430 = arith.constant 0 : i32
        %dma_start3A_2431 = tpu.memref_slice %arg2[%dma_start3A_2430, %multiple_of3A_2426] : memref<10x1000001xf32, #tpu.memory_space<hbm>> -> memref<10x128xf32, #tpu.memory_space<hbm>>
        %dma_start3A_2432 = arith.constant 240 : i32
        %dma_start3A_2433 = arith.constant 0 : i32
        %dma_start3A_2434 = tpu.memref_slice %arg6[%dma_start3A_2432, %dma_start3A_2433] : memref<640x128xf32, #tpu.memory_space<vmem>> -> memref<10x128xf32, #tpu.memory_space<vmem>>
        %dma_start3A_2435 = arith.constant 0 : i32
        %dma_start3A_2436 = tpu.memref_slice %arg2[%dma_start3A_2435, %multiple_of3A_2426] : memref<10x1000001xf32, #tpu.memory_space<hbm>> -> memref<10x128xf32, #tpu.memory_space<hbm>>
        tpu.enqueue_dma source(%dma_start3A_2436 : memref<10x128xf32, #tpu.memory_space<hbm>>) target(%dma_start3A_2434 : memref<10x128xf32, #tpu.memory_space<vmem>>) target_semaphore(%arg10 : memref<!tpu.dma_semaphore, #tpu.memory_space<semaphore_mem>>)
        %slice3A_2437 = vector.extract_strided_slice %shift_right_logical3A_2301 {offsets = [9], sizes = [1], strides = [1]} : vector<16xi32> to vector<1xi32>
        %squeeze3A_2438 = vector.extract %slice3A_2437[0] : i32 from vector<1xi32>
        %mul3A_2439 = arith.constant 128 : i32
        %mul3A_2440 = arith.muli %squeeze3A_2438, %mul3A_2439 : i32
        %multiple_of3A_2441 = tpu.assume_multiple %mul3A_2440, 128 : i32
        %dma_start3A_2442 = arith.constant 250 : i32
        %dma_start3A_2443 = arith.constant 0 : i32
        %dma_start3A_2444 = tpu.memref_slice %arg6[%dma_start3A_2442, %dma_start3A_2443] : memref<640x128xf32, #tpu.memory_space<vmem>> -> memref<10x128xf32, #tpu.memory_space<vmem>>
        %dma_start3A_2445 = arith.constant 0 : i32
        %dma_start3A_2446 = tpu.memref_slice %arg2[%dma_start3A_2445, %multiple_of3A_2441] : memref<10x1000001xf32, #tpu.memory_space<hbm>> -> memref<10x128xf32, #tpu.memory_space<hbm>>
        %dma_start3A_2447 = arith.constant 250 : i32
        %dma_start3A_2448 = arith.constant 0 : i32
        %dma_start3A_2449 = tpu.memref_slice %arg6[%dma_start3A_2447, %dma_start3A_2448] : memref<640x128xf32, #tpu.memory_space<vmem>> -> memref<10x128xf32, #tpu.memory_space<vmem>>
        %dma_start3A_2450 = arith.constant 0 : i32
        %dma_start3A_2451 = tpu.memref_slice %arg2[%dma_start3A_2450, %multiple_of3A_2441] : memref<10x1000001xf32, #tpu.memory_space<hbm>> -> memref<10x128xf32, #tpu.memory_space<hbm>>
        tpu.enqueue_dma source(%dma_start3A_2451 : memref<10x128xf32, #tpu.memory_space<hbm>>) target(%dma_start3A_2449 : memref<10x128xf32, #tpu.memory_space<vmem>>) target_semaphore(%arg10 : memref<!tpu.dma_semaphore, #tpu.memory_space<semaphore_mem>>)
        %slice3A_2452 = vector.extract_strided_slice %shift_right_logical3A_2301 {offsets = [10], sizes = [1], strides = [1]} : vector<16xi32> to vector<1xi32>
        %squeeze3A_2453 = vector.extract %slice3A_2452[0] : i32 from vector<1xi32>
        %mul3A_2454 = arith.constant 128 : i32
        %mul3A_2455 = arith.muli %squeeze3A_2453, %mul3A_2454 : i32
        %multiple_of3A_2456 = tpu.assume_multiple %mul3A_2455, 128 : i32
        %dma_start3A_2457 = arith.constant 260 : i32
        %dma_start3A_2458 = arith.constant 0 : i32
        %dma_start3A_2459 = tpu.memref_slice %arg6[%dma_start3A_2457, %dma_start3A_2458] : memref<640x128xf32, #tpu.memory_space<vmem>> -> memref<10x128xf32, #tpu.memory_space<vmem>>
        %dma_start3A_2460 = arith.constant 0 : i32
        %dma_start3A_2461 = tpu.memref_slice %arg2[%dma_start3A_2460, %multiple_of3A_2456] : memref<10x1000001xf32, #tpu.memory_space<hbm>> -> memref<10x128xf32, #tpu.memory_space<hbm>>
        %dma_start3A_2462 = arith.constant 260 : i32
        %dma_start3A_2463 = arith.constant 0 : i32
        %dma_start3A_2464 = tpu.memref_slice %arg6[%dma_start3A_2462, %dma_start3A_2463] : memref<640x128xf32, #tpu.memory_space<vmem>> -> memref<10x128xf32, #tpu.memory_space<vmem>>
        %dma_start3A_2465 = arith.constant 0 : i32
        %dma_start3A_2466 = tpu.memref_slice %arg2[%dma_start3A_2465, %multiple_of3A_2456] : memref<10x1000001xf32, #tpu.memory_space<hbm>> -> memref<10x128xf32, #tpu.memory_space<hbm>>
        tpu.enqueue_dma source(%dma_start3A_2466 : memref<10x128xf32, #tpu.memory_space<hbm>>) target(%dma_start3A_2464 : memref<10x128xf32, #tpu.memory_space<vmem>>) target_semaphore(%arg10 : memref<!tpu.dma_semaphore, #tpu.memory_space<semaphore_mem>>)
        %slice3A_2467 = vector.extract_strided_slice %shift_right_logical3A_2301 {offsets = [11], sizes = [1], strides = [1]} : vector<16xi32> to vector<1xi32>
        %squeeze3A_2468 = vector.extract %slice3A_2467[0] : i32 from vector<1xi32>
        %mul3A_2469 = arith.constant 128 : i32
        %mul3A_2470 = arith.muli %squeeze3A_2468, %mul3A_2469 : i32
        %multiple_of3A_2471 = tpu.assume_multiple %mul3A_2470, 128 : i32
        %dma_start3A_2472 = arith.constant 270 : i32
        %dma_start3A_2473 = arith.constant 0 : i32
        %dma_start3A_2474 = tpu.memref_slice %arg6[%dma_start3A_2472, %dma_start3A_2473] : memref<640x128xf32, #tpu.memory_space<vmem>> -> memref<10x128xf32, #tpu.memory_space<vmem>>
        %dma_start3A_2475 = arith.constant 0 : i32
        %dma_start3A_2476 = tpu.memref_slice %arg2[%dma_start3A_2475, %multiple_of3A_2471] : memref<10x1000001xf32, #tpu.memory_space<hbm>> -> memref<10x128xf32, #tpu.memory_space<hbm>>
        %dma_start3A_2477 = arith.constant 270 : i32
        %dma_start3A_2478 = arith.constant 0 : i32
        %dma_start3A_2479 = tpu.memref_slice %arg6[%dma_start3A_2477, %dma_start3A_2478] : memref<640x128xf32, #tpu.memory_space<vmem>> -> memref<10x128xf32, #tpu.memory_space<vmem>>
        %dma_start3A_2480 = arith.constant 0 : i32
        %dma_start3A_2481 = tpu.memref_slice %arg2[%dma_start3A_2480, %multiple_of3A_2471] : memref<10x1000001xf32, #tpu.memory_space<hbm>> -> memref<10x128xf32, #tpu.memory_space<hbm>>
        tpu.enqueue_dma source(%dma_start3A_2481 : memref<10x128xf32, #tpu.memory_space<hbm>>) target(%dma_start3A_2479 : memref<10x128xf32, #tpu.memory_space<vmem>>) target_semaphore(%arg10 : memref<!tpu.dma_semaphore, #tpu.memory_space<semaphore_mem>>)
        %slice3A_2482 = vector.extract_strided_slice %shift_right_logical3A_2301 {offsets = [12], sizes = [1], strides = [1]} : vector<16xi32> to vector<1xi32>
        %squeeze3A_2483 = vector.extract %slice3A_2482[0] : i32 from vector<1xi32>
        %mul3A_2484 = arith.constant 128 : i32
        %mul3A_2485 = arith.muli %squeeze3A_2483, %mul3A_2484 : i32
        %multiple_of3A_2486 = tpu.assume_multiple %mul3A_2485, 128 : i32
        %dma_start3A_2487 = arith.constant 280 : i32
        %dma_start3A_2488 = arith.constant 0 : i32
        %dma_start3A_2489 = tpu.memref_slice %arg6[%dma_start3A_2487, %dma_start3A_2488] : memref<640x128xf32, #tpu.memory_space<vmem>> -> memref<10x128xf32, #tpu.memory_space<vmem>>
        %dma_start3A_2490 = arith.constant 0 : i32
        %dma_start3A_2491 = tpu.memref_slice %arg2[%dma_start3A_2490, %multiple_of3A_2486] : memref<10x1000001xf32, #tpu.memory_space<hbm>> -> memref<10x128xf32, #tpu.memory_space<hbm>>
        %dma_start3A_2492 = arith.constant 280 : i32
        %dma_start3A_2493 = arith.constant 0 : i32
        %dma_start3A_2494 = tpu.memref_slice %arg6[%dma_start3A_2492, %dma_start3A_2493] : memref<640x128xf32, #tpu.memory_space<vmem>> -> memref<10x128xf32, #tpu.memory_space<vmem>>
        %dma_start3A_2495 = arith.constant 0 : i32
        %dma_start3A_2496 = tpu.memref_slice %arg2[%dma_start3A_2495, %multiple_of3A_2486] : memref<10x1000001xf32, #tpu.memory_space<hbm>> -> memref<10x128xf32, #tpu.memory_space<hbm>>
        tpu.enqueue_dma source(%dma_start3A_2496 : memref<10x128xf32, #tpu.memory_space<hbm>>) target(%dma_start3A_2494 : memref<10x128xf32, #tpu.memory_space<vmem>>) target_semaphore(%arg10 : memref<!tpu.dma_semaphore, #tpu.memory_space<semaphore_mem>>)
        %slice3A_2497 = vector.extract_strided_slice %shift_right_logical3A_2301 {offsets = [13], sizes = [1], strides = [1]} : vector<16xi32> to vector<1xi32>
        %squeeze3A_2498 = vector.extract %slice3A_2497[0] : i32 from vector<1xi32>
        %mul3A_2499 = arith.constant 128 : i32
        %mul3A_2500 = arith.muli %squeeze3A_2498, %mul3A_2499 : i32
        %multiple_of3A_2501 = tpu.assume_multiple %mul3A_2500, 128 : i32
        %dma_start3A_2502 = arith.constant 290 : i32
        %dma_start3A_2503 = arith.constant 0 : i32
        %dma_start3A_2504 = tpu.memref_slice %arg6[%dma_start3A_2502, %dma_start3A_2503] : memref<640x128xf32, #tpu.memory_space<vmem>> -> memref<10x128xf32, #tpu.memory_space<vmem>>
        %dma_start3A_2505 = arith.constant 0 : i32
        %dma_start3A_2506 = tpu.memref_slice %arg2[%dma_start3A_2505, %multiple_of3A_2501] : memref<10x1000001xf32, #tpu.memory_space<hbm>> -> memref<10x128xf32, #tpu.memory_space<hbm>>
        %dma_start3A_2507 = arith.constant 290 : i32
        %dma_start3A_2508 = arith.constant 0 : i32
        %dma_start3A_2509 = tpu.memref_slice %arg6[%dma_start3A_2507, %dma_start3A_2508] : memref<640x128xf32, #tpu.memory_space<vmem>> -> memref<10x128xf32, #tpu.memory_space<vmem>>
        %dma_start3A_2510 = arith.constant 0 : i32
        %dma_start3A_2511 = tpu.memref_slice %arg2[%dma_start3A_2510, %multiple_of3A_2501] : memref<10x1000001xf32, #tpu.memory_space<hbm>> -> memref<10x128xf32, #tpu.memory_space<hbm>>
        tpu.enqueue_dma source(%dma_start3A_2511 : memref<10x128xf32, #tpu.memory_space<hbm>>) target(%dma_start3A_2509 : memref<10x128xf32, #tpu.memory_space<vmem>>) target_semaphore(%arg10 : memref<!tpu.dma_semaphore, #tpu.memory_space<semaphore_mem>>)
        %slice3A_2512 = vector.extract_strided_slice %shift_right_logical3A_2301 {offsets = [14], sizes = [1], strides = [1]} : vector<16xi32> to vector<1xi32>
        %squeeze3A_2513 = vector.extract %slice3A_2512[0] : i32 from vector<1xi32>
        %mul3A_2514 = arith.constant 128 : i32
        %mul3A_2515 = arith.muli %squeeze3A_2513, %mul3A_2514 : i32
        %multiple_of3A_2516 = tpu.assume_multiple %mul3A_2515, 128 : i32
        %dma_start3A_2517 = arith.constant 300 : i32
        %dma_start3A_2518 = arith.constant 0 : i32
        %dma_start3A_2519 = tpu.memref_slice %arg6[%dma_start3A_2517, %dma_start3A_2518] : memref<640x128xf32, #tpu.memory_space<vmem>> -> memref<10x128xf32, #tpu.memory_space<vmem>>
        %dma_start3A_2520 = arith.constant 0 : i32
        %dma_start3A_2521 = tpu.memref_slice %arg2[%dma_start3A_2520, %multiple_of3A_2516] : memref<10x1000001xf32, #tpu.memory_space<hbm>> -> memref<10x128xf32, #tpu.memory_space<hbm>>
        %dma_start3A_2522 = arith.constant 300 : i32
        %dma_start3A_2523 = arith.constant 0 : i32
        %dma_start3A_2524 = tpu.memref_slice %arg6[%dma_start3A_2522, %dma_start3A_2523] : memref<640x128xf32, #tpu.memory_space<vmem>> -> memref<10x128xf32, #tpu.memory_space<vmem>>
        %dma_start3A_2525 = arith.constant 0 : i32
        %dma_start3A_2526 = tpu.memref_slice %arg2[%dma_start3A_2525, %multiple_of3A_2516] : memref<10x1000001xf32, #tpu.memory_space<hbm>> -> memref<10x128xf32, #tpu.memory_space<hbm>>
        tpu.enqueue_dma source(%dma_start3A_2526 : memref<10x128xf32, #tpu.memory_space<hbm>>) target(%dma_start3A_2524 : memref<10x128xf32, #tpu.memory_space<vmem>>) target_semaphore(%arg10 : memref<!tpu.dma_semaphore, #tpu.memory_space<semaphore_mem>>)
        %slice3A_2527 = vector.extract_strided_slice %shift_right_logical3A_2301 {offsets = [15], sizes = [1], strides = [1]} : vector<16xi32> to vector<1xi32>
        %squeeze3A_2528 = vector.extract %slice3A_2527[0] : i32 from vector<1xi32>
        %mul3A_2529 = arith.constant 128 : i32
        %mul3A_2530 = arith.muli %squeeze3A_2528, %mul3A_2529 : i32
        %multiple_of3A_2531 = tpu.assume_multiple %mul3A_2530, 128 : i32
        %dma_start3A_2532 = arith.constant 310 : i32
        %dma_start3A_2533 = arith.constant 0 : i32
        %dma_start3A_2534 = tpu.memref_slice %arg6[%dma_start3A_2532, %dma_start3A_2533] : memref<640x128xf32, #tpu.memory_space<vmem>> -> memref<10x128xf32, #tpu.memory_space<vmem>>
        %dma_start3A_2535 = arith.constant 0 : i32
        %dma_start3A_2536 = tpu.memref_slice %arg2[%dma_start3A_2535, %multiple_of3A_2531] : memref<10x1000001xf32, #tpu.memory_space<hbm>> -> memref<10x128xf32, #tpu.memory_space<hbm>>
        %dma_start3A_2537 = arith.constant 310 : i32
        %dma_start3A_2538 = arith.constant 0 : i32
        %dma_start3A_2539 = tpu.memref_slice %arg6[%dma_start3A_2537, %dma_start3A_2538] : memref<640x128xf32, #tpu.memory_space<vmem>> -> memref<10x128xf32, #tpu.memory_space<vmem>>
        %dma_start3A_2540 = arith.constant 0 : i32
        %dma_start3A_2541 = tpu.memref_slice %arg2[%dma_start3A_2540, %multiple_of3A_2531] : memref<10x1000001xf32, #tpu.memory_space<hbm>> -> memref<10x128xf32, #tpu.memory_space<hbm>>
        tpu.enqueue_dma source(%dma_start3A_2541 : memref<10x128xf32, #tpu.memory_space<hbm>>) target(%dma_start3A_2539 : memref<10x128xf32, #tpu.memory_space<vmem>>) target_semaphore(%arg10 : memref<!tpu.dma_semaphore, #tpu.memory_space<semaphore_mem>>)
      } else {
      }
      %mul3A_1524 = arith.constant 16 : i32
      %mul3A_1525 = arith.muli %add3A_1514, %mul3A_1524 : i32
      %get3A_1526 = arith.index_cast %mul3A_1525 : i32 to index
      %get3A_1527 = tpu.vector_load %arg5[%get3A_1526] {strides = array<i32>} : memref<512xi32, #tpu.memory_space<vmem>>, vector<16xi32>,
      %shift_right_logical3A_1528 = arith.constant 7 : i32
      %shift_right_logical3A_1529 = vector.broadcast %shift_right_logical3A_1528 : i32 to vector<16xi32>
      %shift_right_logical3A_1530 = arith.shrui %get3A_1527, %shift_right_logical3A_1529 : vector<16xi32>
      %slice3A_1531 = vector.extract_strided_slice %shift_right_logical3A_1530 {offsets = [0], sizes = [1], strides = [1]} : vector<16xi32> to vector<1xi32>
      %squeeze3A_1532 = vector.extract %slice3A_1531[0] : i32 from vector<1xi32>
      %mul3A_1533 = arith.constant 128 : i32
      %mul3A_1534 = arith.muli %squeeze3A_1532, %mul3A_1533 : i32
      %multiple_of3A_1535 = tpu.assume_multiple %mul3A_1534, 128 : i32
      %dma_wait3A_1536 = arith.constant 320 : i32
      %dma_wait3A_1537 = arith.constant 0 : i32
      %dma_wait3A_1538 = tpu.memref_slice %arg6[%dma_wait3A_1536, %dma_wait3A_1537] : memref<640x128xf32, #tpu.memory_space<vmem>> -> memref<10x128xf32, #tpu.memory_space<vmem>>
      %dma_wait3A_1539 = arith.constant 0 : i32
      %dma_wait3A_1540 = tpu.memref_slice %arg2[%dma_wait3A_1539, %multiple_of3A_1535] : memref<10x1000001xf32, #tpu.memory_space<hbm>> -> memref<10x128xf32, #tpu.memory_space<hbm>>
      %dma_wait3A_1541 = arith.constant 320 : i32
      %dma_wait3A_1542 = arith.constant 0 : i32
      %dma_wait3A_1543 = tpu.memref_slice %arg6[%dma_wait3A_1541, %dma_wait3A_1542] : memref<640x128xf32, #tpu.memory_space<vmem>> -> memref<10x128xf32, #tpu.memory_space<vmem>>
      %dma_wait3A_1544 = arith.constant 0 : i32
      %dma_wait3A_1545 = tpu.memref_slice %arg2[%dma_wait3A_1544, %multiple_of3A_1535] : memref<10x1000001xf32, #tpu.memory_space<hbm>> -> memref<10x128xf32, #tpu.memory_space<hbm>>
      tpu.wait_dma2 semaphore(%arg11 : memref<!tpu.dma_semaphore, #tpu.memory_space<semaphore_mem>>) src(%dma_wait3A_1545 : memref<10x128xf32, #tpu.memory_space<hbm>>) dst(%dma_wait3A_1543 : memref<10x128xf32, #tpu.memory_space<vmem>>)
      %slice3A_1546 = vector.extract_strided_slice %shift_right_logical3A_1530 {offsets = [1], sizes = [1], strides = [1]} : vector<16xi32> to vector<1xi32>
      %squeeze3A_1547 = vector.extract %slice3A_1546[0] : i32 from vector<1xi32>
      %mul3A_1548 = arith.constant 128 : i32
      %mul3A_1549 = arith.muli %squeeze3A_1547, %mul3A_1548 : i32
      %multiple_of3A_1550 = tpu.assume_multiple %mul3A_1549, 128 : i32
      %dma_wait3A_1551 = arith.constant 330 : i32
      %dma_wait3A_1552 = arith.constant 0 : i32
      %dma_wait3A_1553 = tpu.memref_slice %arg6[%dma_wait3A_1551, %dma_wait3A_1552] : memref<640x128xf32, #tpu.memory_space<vmem>> -> memref<10x128xf32, #tpu.memory_space<vmem>>
      %dma_wait3A_1554 = arith.constant 0 : i32
      %dma_wait3A_1555 = tpu.memref_slice %arg2[%dma_wait3A_1554, %multiple_of3A_1550] : memref<10x1000001xf32, #tpu.memory_space<hbm>> -> memref<10x128xf32, #tpu.memory_space<hbm>>
      %dma_wait3A_1556 = arith.constant 330 : i32
      %dma_wait3A_1557 = arith.constant 0 : i32
      %dma_wait3A_1558 = tpu.memref_slice %arg6[%dma_wait3A_1556, %dma_wait3A_1557] : memref<640x128xf32, #tpu.memory_space<vmem>> -> memref<10x128xf32, #tpu.memory_space<vmem>>
      %dma_wait3A_1559 = arith.constant 0 : i32
      %dma_wait3A_1560 = tpu.memref_slice %arg2[%dma_wait3A_1559, %multiple_of3A_1550] : memref<10x1000001xf32, #tpu.memory_space<hbm>> -> memref<10x128xf32, #tpu.memory_space<hbm>>
      tpu.wait_dma2 semaphore(%arg11 : memref<!tpu.dma_semaphore, #tpu.memory_space<semaphore_mem>>) src(%dma_wait3A_1560 : memref<10x128xf32, #tpu.memory_space<hbm>>) dst(%dma_wait3A_1558 : memref<10x128xf32, #tpu.memory_space<vmem>>)
      %slice3A_1561 = vector.extract_strided_slice %shift_right_logical3A_1530 {offsets = [2], sizes = [1], strides = [1]} : vector<16xi32> to vector<1xi32>
      %squeeze3A_1562 = vector.extract %slice3A_1561[0] : i32 from vector<1xi32>
      %mul3A_1563 = arith.constant 128 : i32
      %mul3A_1564 = arith.muli %squeeze3A_1562, %mul3A_1563 : i32
      %multiple_of3A_1565 = tpu.assume_multiple %mul3A_1564, 128 : i32
      %dma_wait3A_1566 = arith.constant 340 : i32
      %dma_wait3A_1567 = arith.constant 0 : i32
      %dma_wait3A_1568 = tpu.memref_slice %arg6[%dma_wait3A_1566, %dma_wait3A_1567] : memref<640x128xf32, #tpu.memory_space<vmem>> -> memref<10x128xf32, #tpu.memory_space<vmem>>
      %dma_wait3A_1569 = arith.constant 0 : i32
      %dma_wait3A_1570 = tpu.memref_slice %arg2[%dma_wait3A_1569, %multiple_of3A_1565] : memref<10x1000001xf32, #tpu.memory_space<hbm>> -> memref<10x128xf32, #tpu.memory_space<hbm>>
      %dma_wait3A_1571 = arith.constant 340 : i32
      %dma_wait3A_1572 = arith.constant 0 : i32
      %dma_wait3A_1573 = tpu.memref_slice %arg6[%dma_wait3A_1571, %dma_wait3A_1572] : memref<640x128xf32, #tpu.memory_space<vmem>> -> memref<10x128xf32, #tpu.memory_space<vmem>>
      %dma_wait3A_1574 = arith.constant 0 : i32
      %dma_wait3A_1575 = tpu.memref_slice %arg2[%dma_wait3A_1574, %multiple_of3A_1565] : memref<10x1000001xf32, #tpu.memory_space<hbm>> -> memref<10x128xf32, #tpu.memory_space<hbm>>
      tpu.wait_dma2 semaphore(%arg11 : memref<!tpu.dma_semaphore, #tpu.memory_space<semaphore_mem>>) src(%dma_wait3A_1575 : memref<10x128xf32, #tpu.memory_space<hbm>>) dst(%dma_wait3A_1573 : memref<10x128xf32, #tpu.memory_space<vmem>>)
      %slice3A_1576 = vector.extract_strided_slice %shift_right_logical3A_1530 {offsets = [3], sizes = [1], strides = [1]} : vector<16xi32> to vector<1xi32>
      %squeeze3A_1577 = vector.extract %slice3A_1576[0] : i32 from vector<1xi32>
      %mul3A_1578 = arith.constant 128 : i32
      %mul3A_1579 = arith.muli %squeeze3A_1577, %mul3A_1578 : i32
      %multiple_of3A_1580 = tpu.assume_multiple %mul3A_1579, 128 : i32
      %dma_wait3A_1581 = arith.constant 350 : i32
      %dma_wait3A_1582 = arith.constant 0 : i32
      %dma_wait3A_1583 = tpu.memref_slice %arg6[%dma_wait3A_1581, %dma_wait3A_1582] : memref<640x128xf32, #tpu.memory_space<vmem>> -> memref<10x128xf32, #tpu.memory_space<vmem>>
      %dma_wait3A_1584 = arith.constant 0 : i32
      %dma_wait3A_1585 = tpu.memref_slice %arg2[%dma_wait3A_1584, %multiple_of3A_1580] : memref<10x1000001xf32, #tpu.memory_space<hbm>> -> memref<10x128xf32, #tpu.memory_space<hbm>>
      %dma_wait3A_1586 = arith.constant 350 : i32
      %dma_wait3A_1587 = arith.constant 0 : i32
      %dma_wait3A_1588 = tpu.memref_slice %arg6[%dma_wait3A_1586, %dma_wait3A_1587] : memref<640x128xf32, #tpu.memory_space<vmem>> -> memref<10x128xf32, #tpu.memory_space<vmem>>
      %dma_wait3A_1589 = arith.constant 0 : i32
      %dma_wait3A_1590 = tpu.memref_slice %arg2[%dma_wait3A_1589, %multiple_of3A_1580] : memref<10x1000001xf32, #tpu.memory_space<hbm>> -> memref<10x128xf32, #tpu.memory_space<hbm>>
      tpu.wait_dma2 semaphore(%arg11 : memref<!tpu.dma_semaphore, #tpu.memory_space<semaphore_mem>>) src(%dma_wait3A_1590 : memref<10x128xf32, #tpu.memory_space<hbm>>) dst(%dma_wait3A_1588 : memref<10x128xf32, #tpu.memory_space<vmem>>)
      %slice3A_1591 = vector.extract_strided_slice %shift_right_logical3A_1530 {offsets = [4], sizes = [1], strides = [1]} : vector<16xi32> to vector<1xi32>
      %squeeze3A_1592 = vector.extract %slice3A_1591[0] : i32 from vector<1xi32>
      %mul3A_1593 = arith.constant 128 : i32
      %mul3A_1594 = arith.muli %squeeze3A_1592, %mul3A_1593 : i32
      %multiple_of3A_1595 = tpu.assume_multiple %mul3A_1594, 128 : i32
      %dma_wait3A_1596 = arith.constant 360 : i32
      %dma_wait3A_1597 = arith.constant 0 : i32
      %dma_wait3A_1598 = tpu.memref_slice %arg6[%dma_wait3A_1596, %dma_wait3A_1597] : memref<640x128xf32, #tpu.memory_space<vmem>> -> memref<10x128xf32, #tpu.memory_space<vmem>>
      %dma_wait3A_1599 = arith.constant 0 : i32
      %dma_wait3A_1600 = tpu.memref_slice %arg2[%dma_wait3A_1599, %multiple_of3A_1595] : memref<10x1000001xf32, #tpu.memory_space<hbm>> -> memref<10x128xf32, #tpu.memory_space<hbm>>
      %dma_wait3A_1601 = arith.constant 360 : i32
      %dma_wait3A_1602 = arith.constant 0 : i32
      %dma_wait3A_1603 = tpu.memref_slice %arg6[%dma_wait3A_1601, %dma_wait3A_1602] : memref<640x128xf32, #tpu.memory_space<vmem>> -> memref<10x128xf32, #tpu.memory_space<vmem>>
      %dma_wait3A_1604 = arith.constant 0 : i32
      %dma_wait3A_1605 = tpu.memref_slice %arg2[%dma_wait3A_1604, %multiple_of3A_1595] : memref<10x1000001xf32, #tpu.memory_space<hbm>> -> memref<10x128xf32, #tpu.memory_space<hbm>>
      tpu.wait_dma2 semaphore(%arg11 : memref<!tpu.dma_semaphore, #tpu.memory_space<semaphore_mem>>) src(%dma_wait3A_1605 : memref<10x128xf32, #tpu.memory_space<hbm>>) dst(%dma_wait3A_1603 : memref<10x128xf32, #tpu.memory_space<vmem>>)
      %slice3A_1606 = vector.extract_strided_slice %shift_right_logical3A_1530 {offsets = [5], sizes = [1], strides = [1]} : vector<16xi32> to vector<1xi32>
      %squeeze3A_1607 = vector.extract %slice3A_1606[0] : i32 from vector<1xi32>
      %mul3A_1608 = arith.constant 128 : i32
      %mul3A_1609 = arith.muli %squeeze3A_1607, %mul3A_1608 : i32
      %multiple_of3A_1610 = tpu.assume_multiple %mul3A_1609, 128 : i32
      %dma_wait3A_1611 = arith.constant 370 : i32
      %dma_wait3A_1612 = arith.constant 0 : i32
      %dma_wait3A_1613 = tpu.memref_slice %arg6[%dma_wait3A_1611, %dma_wait3A_1612] : memref<640x128xf32, #tpu.memory_space<vmem>> -> memref<10x128xf32, #tpu.memory_space<vmem>>
      %dma_wait3A_1614 = arith.constant 0 : i32
      %dma_wait3A_1615 = tpu.memref_slice %arg2[%dma_wait3A_1614, %multiple_of3A_1610] : memref<10x1000001xf32, #tpu.memory_space<hbm>> -> memref<10x128xf32, #tpu.memory_space<hbm>>
      %dma_wait3A_1616 = arith.constant 370 : i32
      %dma_wait3A_1617 = arith.constant 0 : i32
      %dma_wait3A_1618 = tpu.memref_slice %arg6[%dma_wait3A_1616, %dma_wait3A_1617] : memref<640x128xf32, #tpu.memory_space<vmem>> -> memref<10x128xf32, #tpu.memory_space<vmem>>
      %dma_wait3A_1619 = arith.constant 0 : i32
      %dma_wait3A_1620 = tpu.memref_slice %arg2[%dma_wait3A_1619, %multiple_of3A_1610] : memref<10x1000001xf32, #tpu.memory_space<hbm>> -> memref<10x128xf32, #tpu.memory_space<hbm>>
      tpu.wait_dma2 semaphore(%arg11 : memref<!tpu.dma_semaphore, #tpu.memory_space<semaphore_mem>>) src(%dma_wait3A_1620 : memref<10x128xf32, #tpu.memory_space<hbm>>) dst(%dma_wait3A_1618 : memref<10x128xf32, #tpu.memory_space<vmem>>)
      %slice3A_1621 = vector.extract_strided_slice %shift_right_logical3A_1530 {offsets = [6], sizes = [1], strides = [1]} : vector<16xi32> to vector<1xi32>
      %squeeze3A_1622 = vector.extract %slice3A_1621[0] : i32 from vector<1xi32>
      %mul3A_1623 = arith.constant 128 : i32
      %mul3A_1624 = arith.muli %squeeze3A_1622, %mul3A_1623 : i32
      %multiple_of3A_1625 = tpu.assume_multiple %mul3A_1624, 128 : i32
      %dma_wait3A_1626 = arith.constant 380 : i32
      %dma_wait3A_1627 = arith.constant 0 : i32
      %dma_wait3A_1628 = tpu.memref_slice %arg6[%dma_wait3A_1626, %dma_wait3A_1627] : memref<640x128xf32, #tpu.memory_space<vmem>> -> memref<10x128xf32, #tpu.memory_space<vmem>>
      %dma_wait3A_1629 = arith.constant 0 : i32
      %dma_wait3A_1630 = tpu.memref_slice %arg2[%dma_wait3A_1629, %multiple_of3A_1625] : memref<10x1000001xf32, #tpu.memory_space<hbm>> -> memref<10x128xf32, #tpu.memory_space<hbm>>
      %dma_wait3A_1631 = arith.constant 380 : i32
      %dma_wait3A_1632 = arith.constant 0 : i32
      %dma_wait3A_1633 = tpu.memref_slice %arg6[%dma_wait3A_1631, %dma_wait3A_1632] : memref<640x128xf32, #tpu.memory_space<vmem>> -> memref<10x128xf32, #tpu.memory_space<vmem>>
      %dma_wait3A_1634 = arith.constant 0 : i32
      %dma_wait3A_1635 = tpu.memref_slice %arg2[%dma_wait3A_1634, %multiple_of3A_1625] : memref<10x1000001xf32, #tpu.memory_space<hbm>> -> memref<10x128xf32, #tpu.memory_space<hbm>>
      tpu.wait_dma2 semaphore(%arg11 : memref<!tpu.dma_semaphore, #tpu.memory_space<semaphore_mem>>) src(%dma_wait3A_1635 : memref<10x128xf32, #tpu.memory_space<hbm>>) dst(%dma_wait3A_1633 : memref<10x128xf32, #tpu.memory_space<vmem>>)
      %slice3A_1636 = vector.extract_strided_slice %shift_right_logical3A_1530 {offsets = [7], sizes = [1], strides = [1]} : vector<16xi32> to vector<1xi32>
      %squeeze3A_1637 = vector.extract %slice3A_1636[0] : i32 from vector<1xi32>
      %mul3A_1638 = arith.constant 128 : i32
      %mul3A_1639 = arith.muli %squeeze3A_1637, %mul3A_1638 : i32
      %multiple_of3A_1640 = tpu.assume_multiple %mul3A_1639, 128 : i32
      %dma_wait3A_1641 = arith.constant 390 : i32
      %dma_wait3A_1642 = arith.constant 0 : i32
      %dma_wait3A_1643 = tpu.memref_slice %arg6[%dma_wait3A_1641, %dma_wait3A_1642] : memref<640x128xf32, #tpu.memory_space<vmem>> -> memref<10x128xf32, #tpu.memory_space<vmem>>
      %dma_wait3A_1644 = arith.constant 0 : i32
      %dma_wait3A_1645 = tpu.memref_slice %arg2[%dma_wait3A_1644, %multiple_of3A_1640] : memref<10x1000001xf32, #tpu.memory_space<hbm>> -> memref<10x128xf32, #tpu.memory_space<hbm>>
      %dma_wait3A_1646 = arith.constant 390 : i32
      %dma_wait3A_1647 = arith.constant 0 : i32
      %dma_wait3A_1648 = tpu.memref_slice %arg6[%dma_wait3A_1646, %dma_wait3A_1647] : memref<640x128xf32, #tpu.memory_space<vmem>> -> memref<10x128xf32, #tpu.memory_space<vmem>>
      %dma_wait3A_1649 = arith.constant 0 : i32
      %dma_wait3A_1650 = tpu.memref_slice %arg2[%dma_wait3A_1649, %multiple_of3A_1640] : memref<10x1000001xf32, #tpu.memory_space<hbm>> -> memref<10x128xf32, #tpu.memory_space<hbm>>
      tpu.wait_dma2 semaphore(%arg11 : memref<!tpu.dma_semaphore, #tpu.memory_space<semaphore_mem>>) src(%dma_wait3A_1650 : memref<10x128xf32, #tpu.memory_space<hbm>>) dst(%dma_wait3A_1648 : memref<10x128xf32, #tpu.memory_space<vmem>>)
      %slice3A_1651 = vector.extract_strided_slice %shift_right_logical3A_1530 {offsets = [8], sizes = [1], strides = [1]} : vector<16xi32> to vector<1xi32>
      %squeeze3A_1652 = vector.extract %slice3A_1651[0] : i32 from vector<1xi32>
      %mul3A_1653 = arith.constant 128 : i32
      %mul3A_1654 = arith.muli %squeeze3A_1652, %mul3A_1653 : i32
      %multiple_of3A_1655 = tpu.assume_multiple %mul3A_1654, 128 : i32
      %dma_wait3A_1656 = arith.constant 400 : i32
      %dma_wait3A_1657 = arith.constant 0 : i32
      %dma_wait3A_1658 = tpu.memref_slice %arg6[%dma_wait3A_1656, %dma_wait3A_1657] : memref<640x128xf32, #tpu.memory_space<vmem>> -> memref<10x128xf32, #tpu.memory_space<vmem>>
      %dma_wait3A_1659 = arith.constant 0 : i32
      %dma_wait3A_1660 = tpu.memref_slice %arg2[%dma_wait3A_1659, %multiple_of3A_1655] : memref<10x1000001xf32, #tpu.memory_space<hbm>> -> memref<10x128xf32, #tpu.memory_space<hbm>>
      %dma_wait3A_1661 = arith.constant 400 : i32
      %dma_wait3A_1662 = arith.constant 0 : i32
      %dma_wait3A_1663 = tpu.memref_slice %arg6[%dma_wait3A_1661, %dma_wait3A_1662] : memref<640x128xf32, #tpu.memory_space<vmem>> -> memref<10x128xf32, #tpu.memory_space<vmem>>
      %dma_wait3A_1664 = arith.constant 0 : i32
      %dma_wait3A_1665 = tpu.memref_slice %arg2[%dma_wait3A_1664, %multiple_of3A_1655] : memref<10x1000001xf32, #tpu.memory_space<hbm>> -> memref<10x128xf32, #tpu.memory_space<hbm>>
      tpu.wait_dma2 semaphore(%arg11 : memref<!tpu.dma_semaphore, #tpu.memory_space<semaphore_mem>>) src(%dma_wait3A_1665 : memref<10x128xf32, #tpu.memory_space<hbm>>) dst(%dma_wait3A_1663 : memref<10x128xf32, #tpu.memory_space<vmem>>)
      %slice3A_1666 = vector.extract_strided_slice %shift_right_logical3A_1530 {offsets = [9], sizes = [1], strides = [1]} : vector<16xi32> to vector<1xi32>
      %squeeze3A_1667 = vector.extract %slice3A_1666[0] : i32 from vector<1xi32>
      %mul3A_1668 = arith.constant 128 : i32
      %mul3A_1669 = arith.muli %squeeze3A_1667, %mul3A_1668 : i32
      %multiple_of3A_1670 = tpu.assume_multiple %mul3A_1669, 128 : i32
      %dma_wait3A_1671 = arith.constant 410 : i32
      %dma_wait3A_1672 = arith.constant 0 : i32
      %dma_wait3A_1673 = tpu.memref_slice %arg6[%dma_wait3A_1671, %dma_wait3A_1672] : memref<640x128xf32, #tpu.memory_space<vmem>> -> memref<10x128xf32, #tpu.memory_space<vmem>>
      %dma_wait3A_1674 = arith.constant 0 : i32
      %dma_wait3A_1675 = tpu.memref_slice %arg2[%dma_wait3A_1674, %multiple_of3A_1670] : memref<10x1000001xf32, #tpu.memory_space<hbm>> -> memref<10x128xf32, #tpu.memory_space<hbm>>
      %dma_wait3A_1676 = arith.constant 410 : i32
      %dma_wait3A_1677 = arith.constant 0 : i32
      %dma_wait3A_1678 = tpu.memref_slice %arg6[%dma_wait3A_1676, %dma_wait3A_1677] : memref<640x128xf32, #tpu.memory_space<vmem>> -> memref<10x128xf32, #tpu.memory_space<vmem>>
      %dma_wait3A_1679 = arith.constant 0 : i32
      %dma_wait3A_1680 = tpu.memref_slice %arg2[%dma_wait3A_1679, %multiple_of3A_1670] : memref<10x1000001xf32, #tpu.memory_space<hbm>> -> memref<10x128xf32, #tpu.memory_space<hbm>>
      tpu.wait_dma2 semaphore(%arg11 : memref<!tpu.dma_semaphore, #tpu.memory_space<semaphore_mem>>) src(%dma_wait3A_1680 : memref<10x128xf32, #tpu.memory_space<hbm>>) dst(%dma_wait3A_1678 : memref<10x128xf32, #tpu.memory_space<vmem>>)
      %slice3A_1681 = vector.extract_strided_slice %shift_right_logical3A_1530 {offsets = [10], sizes = [1], strides = [1]} : vector<16xi32> to vector<1xi32>
      %squeeze3A_1682 = vector.extract %slice3A_1681[0] : i32 from vector<1xi32>
      %mul3A_1683 = arith.constant 128 : i32
      %mul3A_1684 = arith.muli %squeeze3A_1682, %mul3A_1683 : i32
      %multiple_of3A_1685 = tpu.assume_multiple %mul3A_1684, 128 : i32
      %dma_wait3A_1686 = arith.constant 420 : i32
      %dma_wait3A_1687 = arith.constant 0 : i32
      %dma_wait3A_1688 = tpu.memref_slice %arg6[%dma_wait3A_1686, %dma_wait3A_1687] : memref<640x128xf32, #tpu.memory_space<vmem>> -> memref<10x128xf32, #tpu.memory_space<vmem>>
      %dma_wait3A_1689 = arith.constant 0 : i32
      %dma_wait3A_1690 = tpu.memref_slice %arg2[%dma_wait3A_1689, %multiple_of3A_1685] : memref<10x1000001xf32, #tpu.memory_space<hbm>> -> memref<10x128xf32, #tpu.memory_space<hbm>>
      %dma_wait3A_1691 = arith.constant 420 : i32
      %dma_wait3A_1692 = arith.constant 0 : i32
      %dma_wait3A_1693 = tpu.memref_slice %arg6[%dma_wait3A_1691, %dma_wait3A_1692] : memref<640x128xf32, #tpu.memory_space<vmem>> -> memref<10x128xf32, #tpu.memory_space<vmem>>
      %dma_wait3A_1694 = arith.constant 0 : i32
      %dma_wait3A_1695 = tpu.memref_slice %arg2[%dma_wait3A_1694, %multiple_of3A_1685] : memref<10x1000001xf32, #tpu.memory_space<hbm>> -> memref<10x128xf32, #tpu.memory_space<hbm>>
      tpu.wait_dma2 semaphore(%arg11 : memref<!tpu.dma_semaphore, #tpu.memory_space<semaphore_mem>>) src(%dma_wait3A_1695 : memref<10x128xf32, #tpu.memory_space<hbm>>) dst(%dma_wait3A_1693 : memref<10x128xf32, #tpu.memory_space<vmem>>)
      %slice3A_1696 = vector.extract_strided_slice %shift_right_logical3A_1530 {offsets = [11], sizes = [1], strides = [1]} : vector<16xi32> to vector<1xi32>
      %squeeze3A_1697 = vector.extract %slice3A_1696[0] : i32 from vector<1xi32>
      %mul3A_1698 = arith.constant 128 : i32
      %mul3A_1699 = arith.muli %squeeze3A_1697, %mul3A_1698 : i32
      %multiple_of3A_1700 = tpu.assume_multiple %mul3A_1699, 128 : i32
      %dma_wait3A_1701 = arith.constant 430 : i32
      %dma_wait3A_1702 = arith.constant 0 : i32
      %dma_wait3A_1703 = tpu.memref_slice %arg6[%dma_wait3A_1701, %dma_wait3A_1702] : memref<640x128xf32, #tpu.memory_space<vmem>> -> memref<10x128xf32, #tpu.memory_space<vmem>>
      %dma_wait3A_1704 = arith.constant 0 : i32
      %dma_wait3A_1705 = tpu.memref_slice %arg2[%dma_wait3A_1704, %multiple_of3A_1700] : memref<10x1000001xf32, #tpu.memory_space<hbm>> -> memref<10x128xf32, #tpu.memory_space<hbm>>
      %dma_wait3A_1706 = arith.constant 430 : i32
      %dma_wait3A_1707 = arith.constant 0 : i32
      %dma_wait3A_1708 = tpu.memref_slice %arg6[%dma_wait3A_1706, %dma_wait3A_1707] : memref<640x128xf32, #tpu.memory_space<vmem>> -> memref<10x128xf32, #tpu.memory_space<vmem>>
      %dma_wait3A_1709 = arith.constant 0 : i32
      %dma_wait3A_1710 = tpu.memref_slice %arg2[%dma_wait3A_1709, %multiple_of3A_1700] : memref<10x1000001xf32, #tpu.memory_space<hbm>> -> memref<10x128xf32, #tpu.memory_space<hbm>>
      tpu.wait_dma2 semaphore(%arg11 : memref<!tpu.dma_semaphore, #tpu.memory_space<semaphore_mem>>) src(%dma_wait3A_1710 : memref<10x128xf32, #tpu.memory_space<hbm>>) dst(%dma_wait3A_1708 : memref<10x128xf32, #tpu.memory_space<vmem>>)
      %slice3A_1711 = vector.extract_strided_slice %shift_right_logical3A_1530 {offsets = [12], sizes = [1], strides = [1]} : vector<16xi32> to vector<1xi32>
      %squeeze3A_1712 = vector.extract %slice3A_1711[0] : i32 from vector<1xi32>
      %mul3A_1713 = arith.constant 128 : i32
      %mul3A_1714 = arith.muli %squeeze3A_1712, %mul3A_1713 : i32
      %multiple_of3A_1715 = tpu.assume_multiple %mul3A_1714, 128 : i32
      %dma_wait3A_1716 = arith.constant 440 : i32
      %dma_wait3A_1717 = arith.constant 0 : i32
      %dma_wait3A_1718 = tpu.memref_slice %arg6[%dma_wait3A_1716, %dma_wait3A_1717] : memref<640x128xf32, #tpu.memory_space<vmem>> -> memref<10x128xf32, #tpu.memory_space<vmem>>
      %dma_wait3A_1719 = arith.constant 0 : i32
      %dma_wait3A_1720 = tpu.memref_slice %arg2[%dma_wait3A_1719, %multiple_of3A_1715] : memref<10x1000001xf32, #tpu.memory_space<hbm>> -> memref<10x128xf32, #tpu.memory_space<hbm>>
      %dma_wait3A_1721 = arith.constant 440 : i32
      %dma_wait3A_1722 = arith.constant 0 : i32
      %dma_wait3A_1723 = tpu.memref_slice %arg6[%dma_wait3A_1721, %dma_wait3A_1722] : memref<640x128xf32, #tpu.memory_space<vmem>> -> memref<10x128xf32, #tpu.memory_space<vmem>>
      %dma_wait3A_1724 = arith.constant 0 : i32
      %dma_wait3A_1725 = tpu.memref_slice %arg2[%dma_wait3A_1724, %multiple_of3A_1715] : memref<10x1000001xf32, #tpu.memory_space<hbm>> -> memref<10x128xf32, #tpu.memory_space<hbm>>
      tpu.wait_dma2 semaphore(%arg11 : memref<!tpu.dma_semaphore, #tpu.memory_space<semaphore_mem>>) src(%dma_wait3A_1725 : memref<10x128xf32, #tpu.memory_space<hbm>>) dst(%dma_wait3A_1723 : memref<10x128xf32, #tpu.memory_space<vmem>>)
      %slice3A_1726 = vector.extract_strided_slice %shift_right_logical3A_1530 {offsets = [13], sizes = [1], strides = [1]} : vector<16xi32> to vector<1xi32>
      %squeeze3A_1727 = vector.extract %slice3A_1726[0] : i32 from vector<1xi32>
      %mul3A_1728 = arith.constant 128 : i32
      %mul3A_1729 = arith.muli %squeeze3A_1727, %mul3A_1728 : i32
      %multiple_of3A_1730 = tpu.assume_multiple %mul3A_1729, 128 : i32
      %dma_wait3A_1731 = arith.constant 450 : i32
      %dma_wait3A_1732 = arith.constant 0 : i32
      %dma_wait3A_1733 = tpu.memref_slice %arg6[%dma_wait3A_1731, %dma_wait3A_1732] : memref<640x128xf32, #tpu.memory_space<vmem>> -> memref<10x128xf32, #tpu.memory_space<vmem>>
      %dma_wait3A_1734 = arith.constant 0 : i32
      %dma_wait3A_1735 = tpu.memref_slice %arg2[%dma_wait3A_1734, %multiple_of3A_1730] : memref<10x1000001xf32, #tpu.memory_space<hbm>> -> memref<10x128xf32, #tpu.memory_space<hbm>>
      %dma_wait3A_1736 = arith.constant 450 : i32
      %dma_wait3A_1737 = arith.constant 0 : i32
      %dma_wait3A_1738 = tpu.memref_slice %arg6[%dma_wait3A_1736, %dma_wait3A_1737] : memref<640x128xf32, #tpu.memory_space<vmem>> -> memref<10x128xf32, #tpu.memory_space<vmem>>
      %dma_wait3A_1739 = arith.constant 0 : i32
      %dma_wait3A_1740 = tpu.memref_slice %arg2[%dma_wait3A_1739, %multiple_of3A_1730] : memref<10x1000001xf32, #tpu.memory_space<hbm>> -> memref<10x128xf32, #tpu.memory_space<hbm>>
      tpu.wait_dma2 semaphore(%arg11 : memref<!tpu.dma_semaphore, #tpu.memory_space<semaphore_mem>>) src(%dma_wait3A_1740 : memref<10x128xf32, #tpu.memory_space<hbm>>) dst(%dma_wait3A_1738 : memref<10x128xf32, #tpu.memory_space<vmem>>)
      %slice3A_1741 = vector.extract_strided_slice %shift_right_logical3A_1530 {offsets = [14], sizes = [1], strides = [1]} : vector<16xi32> to vector<1xi32>
      %squeeze3A_1742 = vector.extract %slice3A_1741[0] : i32 from vector<1xi32>
      %mul3A_1743 = arith.constant 128 : i32
      %mul3A_1744 = arith.muli %squeeze3A_1742, %mul3A_1743 : i32
      %multiple_of3A_1745 = tpu.assume_multiple %mul3A_1744, 128 : i32
      %dma_wait3A_1746 = arith.constant 460 : i32
      %dma_wait3A_1747 = arith.constant 0 : i32
      %dma_wait3A_1748 = tpu.memref_slice %arg6[%dma_wait3A_1746, %dma_wait3A_1747] : memref<640x128xf32, #tpu.memory_space<vmem>> -> memref<10x128xf32, #tpu.memory_space<vmem>>
      %dma_wait3A_1749 = arith.constant 0 : i32
      %dma_wait3A_1750 = tpu.memref_slice %arg2[%dma_wait3A_1749, %multiple_of3A_1745] : memref<10x1000001xf32, #tpu.memory_space<hbm>> -> memref<10x128xf32, #tpu.memory_space<hbm>>
      %dma_wait3A_1751 = arith.constant 460 : i32
      %dma_wait3A_1752 = arith.constant 0 : i32
      %dma_wait3A_1753 = tpu.memref_slice %arg6[%dma_wait3A_1751, %dma_wait3A_1752] : memref<640x128xf32, #tpu.memory_space<vmem>> -> memref<10x128xf32, #tpu.memory_space<vmem>>
      %dma_wait3A_1754 = arith.constant 0 : i32
      %dma_wait3A_1755 = tpu.memref_slice %arg2[%dma_wait3A_1754, %multiple_of3A_1745] : memref<10x1000001xf32, #tpu.memory_space<hbm>> -> memref<10x128xf32, #tpu.memory_space<hbm>>
      tpu.wait_dma2 semaphore(%arg11 : memref<!tpu.dma_semaphore, #tpu.memory_space<semaphore_mem>>) src(%dma_wait3A_1755 : memref<10x128xf32, #tpu.memory_space<hbm>>) dst(%dma_wait3A_1753 : memref<10x128xf32, #tpu.memory_space<vmem>>)
      %slice3A_1756 = vector.extract_strided_slice %shift_right_logical3A_1530 {offsets = [15], sizes = [1], strides = [1]} : vector<16xi32> to vector<1xi32>
      %squeeze3A_1757 = vector.extract %slice3A_1756[0] : i32 from vector<1xi32>
      %mul3A_1758 = arith.constant 128 : i32
      %mul3A_1759 = arith.muli %squeeze3A_1757, %mul3A_1758 : i32
      %multiple_of3A_1760 = tpu.assume_multiple %mul3A_1759, 128 : i32
      %dma_wait3A_1761 = arith.constant 470 : i32
      %dma_wait3A_1762 = arith.constant 0 : i32
      %dma_wait3A_1763 = tpu.memref_slice %arg6[%dma_wait3A_1761, %dma_wait3A_1762] : memref<640x128xf32, #tpu.memory_space<vmem>> -> memref<10x128xf32, #tpu.memory_space<vmem>>
      %dma_wait3A_1764 = arith.constant 0 : i32
      %dma_wait3A_1765 = tpu.memref_slice %arg2[%dma_wait3A_1764, %multiple_of3A_1760] : memref<10x1000001xf32, #tpu.memory_space<hbm>> -> memref<10x128xf32, #tpu.memory_space<hbm>>
      %dma_wait3A_1766 = arith.constant 470 : i32
      %dma_wait3A_1767 = arith.constant 0 : i32
      %dma_wait3A_1768 = tpu.memref_slice %arg6[%dma_wait3A_1766, %dma_wait3A_1767] : memref<640x128xf32, #tpu.memory_space<vmem>> -> memref<10x128xf32, #tpu.memory_space<vmem>>
      %dma_wait3A_1769 = arith.constant 0 : i32
      %dma_wait3A_1770 = tpu.memref_slice %arg2[%dma_wait3A_1769, %multiple_of3A_1760] : memref<10x1000001xf32, #tpu.memory_space<hbm>> -> memref<10x128xf32, #tpu.memory_space<hbm>>
      tpu.wait_dma2 semaphore(%arg11 : memref<!tpu.dma_semaphore, #tpu.memory_space<semaphore_mem>>) src(%dma_wait3A_1770 : memref<10x128xf32, #tpu.memory_space<hbm>>) dst(%dma_wait3A_1768 : memref<10x128xf32, #tpu.memory_space<vmem>>)
      %mul3A_1771 = arith.constant 16 : i32
      %mul3A_1772 = arith.muli %add3A_1514, %mul3A_1771 : i32
      %get3A_1773 = arith.index_cast %mul3A_1772 : i32 to index
      %get3A_1774 = tpu.vector_load %arg5[%get3A_1773] {strides = array<i32>} : memref<512xi32, #tpu.memory_space<vmem>>, vector<16xi32>,
      %and3A_1775 = arith.constant 127 : i32
      %and3A_1776 = vector.broadcast %and3A_1775 : i32 to vector<16xi32>
      %and3A_1777 = arith.andi %get3A_1774, %and3A_1776 : vector<16xi32>
      %mul3A_1778 = arith.constant 16 : i32
      %mul3A_1779 = arith.muli %add3A_1514, %mul3A_1778 : i32
      %add3A_1780 = vector.broadcast %mul3A_1779 : i32 to vector<16xi32>
      %add3A_1781 = arith.addi %add3A_1780, %iota3A : vector<16xi32>
      %mul3A_1782 = arith.constant 10 : i32
      %mul3A_1783 = vector.broadcast %mul3A_1782 : i32 to vector<16xi32>
      %mul3A_1784 = arith.muli %iota3A, %mul3A_1783 : vector<16xi32>
      %add3A_1785 = arith.constant 320 : i32
      %add3A_1786 = vector.broadcast %add3A_1785 : i32 to vector<16xi32>
      %add3A_1787 = arith.addi %add3A_1786, %mul3A_1784 : vector<16xi32>
      %add3A_1788 = arith.constant 0 : i32
      %add3A_1789 = vector.broadcast %add3A_1788 : i32 to vector<16xi32>
      %add3A_1790 = arith.addi %add3A_1787, %add3A_1789 : vector<16xi32>
      %gather3A_1791 = tpu.vector_load_idx %arg6[%add3A_1790, %and3A_1777] : memref<640x128xf32, #tpu.memory_space<vmem>>[vector<16xi32>, vector<16xi32>], vector<16xf32>,
      %broadcast_in_dim3A_1792 = arith.constant 0 : i32
      %broadcast_in_dim3A_1793 = vector.broadcast %broadcast_in_dim3A_1792 : i32 to vector<16xi32>
      tpu.vector_store_idx %arg7[%broadcast_in_dim3A_1793, %add3A_1781], %gather3A_1791 : memref<10x512xf32, #tpu.memory_space<vmem>>[vector<16xi32>, vector<16xi32>], vector<16xf32>,
      %mul3A_1794 = arith.constant 10 : i32
      %mul3A_1795 = vector.broadcast %mul3A_1794 : i32 to vector<16xi32>
      %mul3A_1796 = arith.muli %iota3A, %mul3A_1795 : vector<16xi32>
      %add3A_1797 = arith.constant 320 : i32
      %add3A_1798 = vector.broadcast %add3A_1797 : i32 to vector<16xi32>
      %add3A_1799 = arith.addi %add3A_1798, %mul3A_1796 : vector<16xi32>
      %add3A_1800 = arith.constant 1 : i32
      %add3A_1801 = vector.broadcast %add3A_1800 : i32 to vector<16xi32>
      %add3A_1802 = arith.addi %add3A_1799, %add3A_1801 : vector<16xi32>
      %gather3A_1803 = tpu.vector_load_idx %arg6[%add3A_1802, %and3A_1777] : memref<640x128xf32, #tpu.memory_space<vmem>>[vector<16xi32>, vector<16xi32>], vector<16xf32>,
      %broadcast_in_dim3A_1804 = arith.constant 1 : i32
      %broadcast_in_dim3A_1805 = vector.broadcast %broadcast_in_dim3A_1804 : i32 to vector<16xi32>
      tpu.vector_store_idx %arg7[%broadcast_in_dim3A_1805, %add3A_1781], %gather3A_1803 : memref<10x512xf32, #tpu.memory_space<vmem>>[vector<16xi32>, vector<16xi32>], vector<16xf32>,
      %mul3A_1806 = arith.constant 10 : i32
      %mul3A_1807 = vector.broadcast %mul3A_1806 : i32 to vector<16xi32>
      %mul3A_1808 = arith.muli %iota3A, %mul3A_1807 : vector<16xi32>
      %add3A_1809 = arith.constant 320 : i32
      %add3A_1810 = vector.broadcast %add3A_1809 : i32 to vector<16xi32>
      %add3A_1811 = arith.addi %add3A_1810, %mul3A_1808 : vector<16xi32>
      %add3A_1812 = arith.constant 2 : i32
      %add3A_1813 = vector.broadcast %add3A_1812 : i32 to vector<16xi32>
      %add3A_1814 = arith.addi %add3A_1811, %add3A_1813 : vector<16xi32>
      %gather3A_1815 = tpu.vector_load_idx %arg6[%add3A_1814, %and3A_1777] : memref<640x128xf32, #tpu.memory_space<vmem>>[vector<16xi32>, vector<16xi32>], vector<16xf32>,
      %broadcast_in_dim3A_1816 = arith.constant 2 : i32
      %broadcast_in_dim3A_1817 = vector.broadcast %broadcast_in_dim3A_1816 : i32 to vector<16xi32>
      tpu.vector_store_idx %arg7[%broadcast_in_dim3A_1817, %add3A_1781], %gather3A_1815 : memref<10x512xf32, #tpu.memory_space<vmem>>[vector<16xi32>, vector<16xi32>], vector<16xf32>,
      %mul3A_1818 = arith.constant 10 : i32
      %mul3A_1819 = vector.broadcast %mul3A_1818 : i32 to vector<16xi32>
      %mul3A_1820 = arith.muli %iota3A, %mul3A_1819 : vector<16xi32>
      %add3A_1821 = arith.constant 320 : i32
      %add3A_1822 = vector.broadcast %add3A_1821 : i32 to vector<16xi32>
      %add3A_1823 = arith.addi %add3A_1822, %mul3A_1820 : vector<16xi32>
      %add3A_1824 = arith.constant 3 : i32
      %add3A_1825 = vector.broadcast %add3A_1824 : i32 to vector<16xi32>
      %add3A_1826 = arith.addi %add3A_1823, %add3A_1825 : vector<16xi32>
      %gather3A_1827 = tpu.vector_load_idx %arg6[%add3A_1826, %and3A_1777] : memref<640x128xf32, #tpu.memory_space<vmem>>[vector<16xi32>, vector<16xi32>], vector<16xf32>,
      %broadcast_in_dim3A_1828 = arith.constant 3 : i32
      %broadcast_in_dim3A_1829 = vector.broadcast %broadcast_in_dim3A_1828 : i32 to vector<16xi32>
      tpu.vector_store_idx %arg7[%broadcast_in_dim3A_1829, %add3A_1781], %gather3A_1827 : memref<10x512xf32, #tpu.memory_space<vmem>>[vector<16xi32>, vector<16xi32>], vector<16xf32>,
      %mul3A_1830 = arith.constant 10 : i32
      %mul3A_1831 = vector.broadcast %mul3A_1830 : i32 to vector<16xi32>
      %mul3A_1832 = arith.muli %iota3A, %mul3A_1831 : vector<16xi32>
      %add3A_1833 = arith.constant 320 : i32
      %add3A_1834 = vector.broadcast %add3A_1833 : i32 to vector<16xi32>
      %add3A_1835 = arith.addi %add3A_1834, %mul3A_1832 : vector<16xi32>
      %add3A_1836 = arith.constant 4 : i32
      %add3A_1837 = vector.broadcast %add3A_1836 : i32 to vector<16xi32>
      %add3A_1838 = arith.addi %add3A_1835, %add3A_1837 : vector<16xi32>
      %gather3A_1839 = tpu.vector_load_idx %arg6[%add3A_1838, %and3A_1777] : memref<640x128xf32, #tpu.memory_space<vmem>>[vector<16xi32>, vector<16xi32>], vector<16xf32>,
      %broadcast_in_dim3A_1840 = arith.constant 4 : i32
      %broadcast_in_dim3A_1841 = vector.broadcast %broadcast_in_dim3A_1840 : i32 to vector<16xi32>
      tpu.vector_store_idx %arg7[%broadcast_in_dim3A_1841, %add3A_1781], %gather3A_1839 : memref<10x512xf32, #tpu.memory_space<vmem>>[vector<16xi32>, vector<16xi32>], vector<16xf32>,
      %mul3A_1842 = arith.constant 10 : i32
      %mul3A_1843 = vector.broadcast %mul3A_1842 : i32 to vector<16xi32>
      %mul3A_1844 = arith.muli %iota3A, %mul3A_1843 : vector<16xi32>
      %add3A_1845 = arith.constant 320 : i32
      %add3A_1846 = vector.broadcast %add3A_1845 : i32 to vector<16xi32>
      %add3A_1847 = arith.addi %add3A_1846, %mul3A_1844 : vector<16xi32>
      %add3A_1848 = arith.constant 5 : i32
      %add3A_1849 = vector.broadcast %add3A_1848 : i32 to vector<16xi32>
      %add3A_1850 = arith.addi %add3A_1847, %add3A_1849 : vector<16xi32>
      %gather3A_1851 = tpu.vector_load_idx %arg6[%add3A_1850, %and3A_1777] : memref<640x128xf32, #tpu.memory_space<vmem>>[vector<16xi32>, vector<16xi32>], vector<16xf32>,
      %broadcast_in_dim3A_1852 = arith.constant 5 : i32
      %broadcast_in_dim3A_1853 = vector.broadcast %broadcast_in_dim3A_1852 : i32 to vector<16xi32>
      tpu.vector_store_idx %arg7[%broadcast_in_dim3A_1853, %add3A_1781], %gather3A_1851 : memref<10x512xf32, #tpu.memory_space<vmem>>[vector<16xi32>, vector<16xi32>], vector<16xf32>,
      %mul3A_1854 = arith.constant 10 : i32
      %mul3A_1855 = vector.broadcast %mul3A_1854 : i32 to vector<16xi32>
      %mul3A_1856 = arith.muli %iota3A, %mul3A_1855 : vector<16xi32>
      %add3A_1857 = arith.constant 320 : i32
      %add3A_1858 = vector.broadcast %add3A_1857 : i32 to vector<16xi32>
      %add3A_1859 = arith.addi %add3A_1858, %mul3A_1856 : vector<16xi32>
      %add3A_1860 = arith.constant 6 : i32
      %add3A_1861 = vector.broadcast %add3A_1860 : i32 to vector<16xi32>
      %add3A_1862 = arith.addi %add3A_1859, %add3A_1861 : vector<16xi32>
      %gather3A_1863 = tpu.vector_load_idx %arg6[%add3A_1862, %and3A_1777] : memref<640x128xf32, #tpu.memory_space<vmem>>[vector<16xi32>, vector<16xi32>], vector<16xf32>,
      %broadcast_in_dim3A_1864 = arith.constant 6 : i32
      %broadcast_in_dim3A_1865 = vector.broadcast %broadcast_in_dim3A_1864 : i32 to vector<16xi32>
      tpu.vector_store_idx %arg7[%broadcast_in_dim3A_1865, %add3A_1781], %gather3A_1863 : memref<10x512xf32, #tpu.memory_space<vmem>>[vector<16xi32>, vector<16xi32>], vector<16xf32>,
      %mul3A_1866 = arith.constant 10 : i32
      %mul3A_1867 = vector.broadcast %mul3A_1866 : i32 to vector<16xi32>
      %mul3A_1868 = arith.muli %iota3A, %mul3A_1867 : vector<16xi32>
      %add3A_1869 = arith.constant 320 : i32
      %add3A_1870 = vector.broadcast %add3A_1869 : i32 to vector<16xi32>
      %add3A_1871 = arith.addi %add3A_1870, %mul3A_1868 : vector<16xi32>
      %add3A_1872 = arith.constant 7 : i32
      %add3A_1873 = vector.broadcast %add3A_1872 : i32 to vector<16xi32>
      %add3A_1874 = arith.addi %add3A_1871, %add3A_1873 : vector<16xi32>
      %gather3A_1875 = tpu.vector_load_idx %arg6[%add3A_1874, %and3A_1777] : memref<640x128xf32, #tpu.memory_space<vmem>>[vector<16xi32>, vector<16xi32>], vector<16xf32>,
      %broadcast_in_dim3A_1876 = arith.constant 7 : i32
      %broadcast_in_dim3A_1877 = vector.broadcast %broadcast_in_dim3A_1876 : i32 to vector<16xi32>
      tpu.vector_store_idx %arg7[%broadcast_in_dim3A_1877, %add3A_1781], %gather3A_1875 : memref<10x512xf32, #tpu.memory_space<vmem>>[vector<16xi32>, vector<16xi32>], vector<16xf32>,
      %mul3A_1878 = arith.constant 10 : i32
      %mul3A_1879 = vector.broadcast %mul3A_1878 : i32 to vector<16xi32>
      %mul3A_1880 = arith.muli %iota3A, %mul3A_1879 : vector<16xi32>
      %add3A_1881 = arith.constant 320 : i32
      %add3A_1882 = vector.broadcast %add3A_1881 : i32 to vector<16xi32>
      %add3A_1883 = arith.addi %add3A_1882, %mul3A_1880 : vector<16xi32>
      %add3A_1884 = arith.constant 8 : i32
      %add3A_1885 = vector.broadcast %add3A_1884 : i32 to vector<16xi32>
      %add3A_1886 = arith.addi %add3A_1883, %add3A_1885 : vector<16xi32>
      %gather3A_1887 = tpu.vector_load_idx %arg6[%add3A_1886, %and3A_1777] : memref<640x128xf32, #tpu.memory_space<vmem>>[vector<16xi32>, vector<16xi32>], vector<16xf32>,
      %broadcast_in_dim3A_1888 = arith.constant 8 : i32
      %broadcast_in_dim3A_1889 = vector.broadcast %broadcast_in_dim3A_1888 : i32 to vector<16xi32>
      tpu.vector_store_idx %arg7[%broadcast_in_dim3A_1889, %add3A_1781], %gather3A_1887 : memref<10x512xf32, #tpu.memory_space<vmem>>[vector<16xi32>, vector<16xi32>], vector<16xf32>,
      %mul3A_1890 = arith.constant 10 : i32
      %mul3A_1891 = vector.broadcast %mul3A_1890 : i32 to vector<16xi32>
      %mul3A_1892 = arith.muli %iota3A, %mul3A_1891 : vector<16xi32>
      %add3A_1893 = arith.constant 320 : i32
      %add3A_1894 = vector.broadcast %add3A_1893 : i32 to vector<16xi32>
      %add3A_1895 = arith.addi %add3A_1894, %mul3A_1892 : vector<16xi32>
      %add3A_1896 = arith.constant 9 : i32
      %add3A_1897 = vector.broadcast %add3A_1896 : i32 to vector<16xi32>
      %add3A_1898 = arith.addi %add3A_1895, %add3A_1897 : vector<16xi32>
      %gather3A_1899 = tpu.vector_load_idx %arg6[%add3A_1898, %and3A_1777] : memref<640x128xf32, #tpu.memory_space<vmem>>[vector<16xi32>, vector<16xi32>], vector<16xf32>,
      %broadcast_in_dim3A_1900 = arith.constant 9 : i32
      %broadcast_in_dim3A_1901 = vector.broadcast %broadcast_in_dim3A_1900 : i32 to vector<16xi32>
      tpu.vector_store_idx %arg7[%broadcast_in_dim3A_1901, %add3A_1781], %gather3A_1899 : memref<10x512xf32, #tpu.memory_space<vmem>>[vector<16xi32>, vector<16xi32>], vector<16xf32>,
      %add3A_1902 = arith.constant 3 : i32
      %add3A_1903 = arith.addi %mul3A_741, %add3A_1902 : i32
      %add3A_1904 = arith.constant 4 : i32
      %add3A_1905 = arith.addi %add3A_1903, %add3A_1904 : i32
      %sub3A_1906 = arith.constant 1 : i32
      %sub3A_1907 = arith.subi %add3A_1905, %sub3A_1906 : i32
      %lt3A_1908 = arith.constant 32 : i32
      %lt3A_1909 = arith.cmpi slt, %sub3A_1907, %lt3A_1908 : i32
      %convert_element_type3A_1910 = arith.extui %lt3A_1909 : i1 to i32
      %cond3A_1911 = arith.constant 0 : i32
      %cond3A_1912 = arith.cmpi ne, %convert_element_type3A_1910, %cond3A_1911 : i32
      scf.if %cond3A_1912 {
        %add3A_2291 = arith.constant 4 : i32
        %add3A_2292 = arith.addi %add3A_1903, %add3A_2291 : i32
        %sub3A_2293 = arith.constant 1 : i32
        %sub3A_2294 = arith.subi %add3A_2292, %sub3A_2293 : i32
        %mul3A_2295 = arith.constant 16 : i32
        %mul3A_2296 = arith.muli %sub3A_2294, %mul3A_2295 : i32
        %get3A_2297 = arith.index_cast %mul3A_2296 : i32 to index
        %get3A_2298 = tpu.vector_load %arg5[%get3A_2297] {strides = array<i32>} : memref<512xi32, #tpu.memory_space<vmem>>, vector<16xi32>,
        %shift_right_logical3A_2299 = arith.constant 7 : i32
        %shift_right_logical3A_2300 = vector.broadcast %shift_right_logical3A_2299 : i32 to vector<16xi32>
        %shift_right_logical3A_2301 = arith.shrui %get3A_2298, %shift_right_logical3A_2300 : vector<16xi32>
        %slice3A_2302 = vector.extract_strided_slice %shift_right_logical3A_2301 {offsets = [0], sizes = [1], strides = [1]} : vector<16xi32> to vector<1xi32>
        %squeeze3A_2303 = vector.extract %slice3A_2302[0] : i32 from vector<1xi32>
        %mul3A_2304 = arith.constant 128 : i32
        %mul3A_2305 = arith.muli %squeeze3A_2303, %mul3A_2304 : i32
        %multiple_of3A_2306 = tpu.assume_multiple %mul3A_2305, 128 : i32
        %dma_start3A_2307 = arith.constant 320 : i32
        %dma_start3A_2308 = arith.constant 0 : i32
        %dma_start3A_2309 = tpu.memref_slice %arg6[%dma_start3A_2307, %dma_start3A_2308] : memref<640x128xf32, #tpu.memory_space<vmem>> -> memref<10x128xf32, #tpu.memory_space<vmem>>
        %dma_start3A_2310 = arith.constant 0 : i32
        %dma_start3A_2311 = tpu.memref_slice %arg2[%dma_start3A_2310, %multiple_of3A_2306] : memref<10x1000001xf32, #tpu.memory_space<hbm>> -> memref<10x128xf32, #tpu.memory_space<hbm>>
        %dma_start3A_2312 = arith.constant 320 : i32
        %dma_start3A_2313 = arith.constant 0 : i32
        %dma_start3A_2314 = tpu.memref_slice %arg6[%dma_start3A_2312, %dma_start3A_2313] : memref<640x128xf32, #tpu.memory_space<vmem>> -> memref<10x128xf32, #tpu.memory_space<vmem>>
        %dma_start3A_2315 = arith.constant 0 : i32
        %dma_start3A_2316 = tpu.memref_slice %arg2[%dma_start3A_2315, %multiple_of3A_2306] : memref<10x1000001xf32, #tpu.memory_space<hbm>> -> memref<10x128xf32, #tpu.memory_space<hbm>>
        tpu.enqueue_dma source(%dma_start3A_2316 : memref<10x128xf32, #tpu.memory_space<hbm>>) target(%dma_start3A_2314 : memref<10x128xf32, #tpu.memory_space<vmem>>) target_semaphore(%arg11 : memref<!tpu.dma_semaphore, #tpu.memory_space<semaphore_mem>>)
        %slice3A_2317 = vector.extract_strided_slice %shift_right_logical3A_2301 {offsets = [1], sizes = [1], strides = [1]} : vector<16xi32> to vector<1xi32>
        %squeeze3A_2318 = vector.extract %slice3A_2317[0] : i32 from vector<1xi32>
        %mul3A_2319 = arith.constant 128 : i32
        %mul3A_2320 = arith.muli %squeeze3A_2318, %mul3A_2319 : i32
        %multiple_of3A_2321 = tpu.assume_multiple %mul3A_2320, 128 : i32
        %dma_start3A_2322 = arith.constant 330 : i32
        %dma_start3A_2323 = arith.constant 0 : i32
        %dma_start3A_2324 = tpu.memref_slice %arg6[%dma_start3A_2322, %dma_start3A_2323] : memref<640x128xf32, #tpu.memory_space<vmem>> -> memref<10x128xf32, #tpu.memory_space<vmem>>
        %dma_start3A_2325 = arith.constant 0 : i32
        %dma_start3A_2326 = tpu.memref_slice %arg2[%dma_start3A_2325, %multiple_of3A_2321] : memref<10x1000001xf32, #tpu.memory_space<hbm>> -> memref<10x128xf32, #tpu.memory_space<hbm>>
        %dma_start3A_2327 = arith.constant 330 : i32
        %dma_start3A_2328 = arith.constant 0 : i32
        %dma_start3A_2329 = tpu.memref_slice %arg6[%dma_start3A_2327, %dma_start3A_2328] : memref<640x128xf32, #tpu.memory_space<vmem>> -> memref<10x128xf32, #tpu.memory_space<vmem>>
        %dma_start3A_2330 = arith.constant 0 : i32
        %dma_start3A_2331 = tpu.memref_slice %arg2[%dma_start3A_2330, %multiple_of3A_2321] : memref<10x1000001xf32, #tpu.memory_space<hbm>> -> memref<10x128xf32, #tpu.memory_space<hbm>>
        tpu.enqueue_dma source(%dma_start3A_2331 : memref<10x128xf32, #tpu.memory_space<hbm>>) target(%dma_start3A_2329 : memref<10x128xf32, #tpu.memory_space<vmem>>) target_semaphore(%arg11 : memref<!tpu.dma_semaphore, #tpu.memory_space<semaphore_mem>>)
        %slice3A_2332 = vector.extract_strided_slice %shift_right_logical3A_2301 {offsets = [2], sizes = [1], strides = [1]} : vector<16xi32> to vector<1xi32>
        %squeeze3A_2333 = vector.extract %slice3A_2332[0] : i32 from vector<1xi32>
        %mul3A_2334 = arith.constant 128 : i32
        %mul3A_2335 = arith.muli %squeeze3A_2333, %mul3A_2334 : i32
        %multiple_of3A_2336 = tpu.assume_multiple %mul3A_2335, 128 : i32
        %dma_start3A_2337 = arith.constant 340 : i32
        %dma_start3A_2338 = arith.constant 0 : i32
        %dma_start3A_2339 = tpu.memref_slice %arg6[%dma_start3A_2337, %dma_start3A_2338] : memref<640x128xf32, #tpu.memory_space<vmem>> -> memref<10x128xf32, #tpu.memory_space<vmem>>
        %dma_start3A_2340 = arith.constant 0 : i32
        %dma_start3A_2341 = tpu.memref_slice %arg2[%dma_start3A_2340, %multiple_of3A_2336] : memref<10x1000001xf32, #tpu.memory_space<hbm>> -> memref<10x128xf32, #tpu.memory_space<hbm>>
        %dma_start3A_2342 = arith.constant 340 : i32
        %dma_start3A_2343 = arith.constant 0 : i32
        %dma_start3A_2344 = tpu.memref_slice %arg6[%dma_start3A_2342, %dma_start3A_2343] : memref<640x128xf32, #tpu.memory_space<vmem>> -> memref<10x128xf32, #tpu.memory_space<vmem>>
        %dma_start3A_2345 = arith.constant 0 : i32
        %dma_start3A_2346 = tpu.memref_slice %arg2[%dma_start3A_2345, %multiple_of3A_2336] : memref<10x1000001xf32, #tpu.memory_space<hbm>> -> memref<10x128xf32, #tpu.memory_space<hbm>>
        tpu.enqueue_dma source(%dma_start3A_2346 : memref<10x128xf32, #tpu.memory_space<hbm>>) target(%dma_start3A_2344 : memref<10x128xf32, #tpu.memory_space<vmem>>) target_semaphore(%arg11 : memref<!tpu.dma_semaphore, #tpu.memory_space<semaphore_mem>>)
        %slice3A_2347 = vector.extract_strided_slice %shift_right_logical3A_2301 {offsets = [3], sizes = [1], strides = [1]} : vector<16xi32> to vector<1xi32>
        %squeeze3A_2348 = vector.extract %slice3A_2347[0] : i32 from vector<1xi32>
        %mul3A_2349 = arith.constant 128 : i32
        %mul3A_2350 = arith.muli %squeeze3A_2348, %mul3A_2349 : i32
        %multiple_of3A_2351 = tpu.assume_multiple %mul3A_2350, 128 : i32
        %dma_start3A_2352 = arith.constant 350 : i32
        %dma_start3A_2353 = arith.constant 0 : i32
        %dma_start3A_2354 = tpu.memref_slice %arg6[%dma_start3A_2352, %dma_start3A_2353] : memref<640x128xf32, #tpu.memory_space<vmem>> -> memref<10x128xf32, #tpu.memory_space<vmem>>
        %dma_start3A_2355 = arith.constant 0 : i32
        %dma_start3A_2356 = tpu.memref_slice %arg2[%dma_start3A_2355, %multiple_of3A_2351] : memref<10x1000001xf32, #tpu.memory_space<hbm>> -> memref<10x128xf32, #tpu.memory_space<hbm>>
        %dma_start3A_2357 = arith.constant 350 : i32
        %dma_start3A_2358 = arith.constant 0 : i32
        %dma_start3A_2359 = tpu.memref_slice %arg6[%dma_start3A_2357, %dma_start3A_2358] : memref<640x128xf32, #tpu.memory_space<vmem>> -> memref<10x128xf32, #tpu.memory_space<vmem>>
        %dma_start3A_2360 = arith.constant 0 : i32
        %dma_start3A_2361 = tpu.memref_slice %arg2[%dma_start3A_2360, %multiple_of3A_2351] : memref<10x1000001xf32, #tpu.memory_space<hbm>> -> memref<10x128xf32, #tpu.memory_space<hbm>>
        tpu.enqueue_dma source(%dma_start3A_2361 : memref<10x128xf32, #tpu.memory_space<hbm>>) target(%dma_start3A_2359 : memref<10x128xf32, #tpu.memory_space<vmem>>) target_semaphore(%arg11 : memref<!tpu.dma_semaphore, #tpu.memory_space<semaphore_mem>>)
        %slice3A_2362 = vector.extract_strided_slice %shift_right_logical3A_2301 {offsets = [4], sizes = [1], strides = [1]} : vector<16xi32> to vector<1xi32>
        %squeeze3A_2363 = vector.extract %slice3A_2362[0] : i32 from vector<1xi32>
        %mul3A_2364 = arith.constant 128 : i32
        %mul3A_2365 = arith.muli %squeeze3A_2363, %mul3A_2364 : i32
        %multiple_of3A_2366 = tpu.assume_multiple %mul3A_2365, 128 : i32
        %dma_start3A_2367 = arith.constant 360 : i32
        %dma_start3A_2368 = arith.constant 0 : i32
        %dma_start3A_2369 = tpu.memref_slice %arg6[%dma_start3A_2367, %dma_start3A_2368] : memref<640x128xf32, #tpu.memory_space<vmem>> -> memref<10x128xf32, #tpu.memory_space<vmem>>
        %dma_start3A_2370 = arith.constant 0 : i32
        %dma_start3A_2371 = tpu.memref_slice %arg2[%dma_start3A_2370, %multiple_of3A_2366] : memref<10x1000001xf32, #tpu.memory_space<hbm>> -> memref<10x128xf32, #tpu.memory_space<hbm>>
        %dma_start3A_2372 = arith.constant 360 : i32
        %dma_start3A_2373 = arith.constant 0 : i32
        %dma_start3A_2374 = tpu.memref_slice %arg6[%dma_start3A_2372, %dma_start3A_2373] : memref<640x128xf32, #tpu.memory_space<vmem>> -> memref<10x128xf32, #tpu.memory_space<vmem>>
        %dma_start3A_2375 = arith.constant 0 : i32
        %dma_start3A_2376 = tpu.memref_slice %arg2[%dma_start3A_2375, %multiple_of3A_2366] : memref<10x1000001xf32, #tpu.memory_space<hbm>> -> memref<10x128xf32, #tpu.memory_space<hbm>>
        tpu.enqueue_dma source(%dma_start3A_2376 : memref<10x128xf32, #tpu.memory_space<hbm>>) target(%dma_start3A_2374 : memref<10x128xf32, #tpu.memory_space<vmem>>) target_semaphore(%arg11 : memref<!tpu.dma_semaphore, #tpu.memory_space<semaphore_mem>>)
        %slice3A_2377 = vector.extract_strided_slice %shift_right_logical3A_2301 {offsets = [5], sizes = [1], strides = [1]} : vector<16xi32> to vector<1xi32>
        %squeeze3A_2378 = vector.extract %slice3A_2377[0] : i32 from vector<1xi32>
        %mul3A_2379 = arith.constant 128 : i32
        %mul3A_2380 = arith.muli %squeeze3A_2378, %mul3A_2379 : i32
        %multiple_of3A_2381 = tpu.assume_multiple %mul3A_2380, 128 : i32
        %dma_start3A_2382 = arith.constant 370 : i32
        %dma_start3A_2383 = arith.constant 0 : i32
        %dma_start3A_2384 = tpu.memref_slice %arg6[%dma_start3A_2382, %dma_start3A_2383] : memref<640x128xf32, #tpu.memory_space<vmem>> -> memref<10x128xf32, #tpu.memory_space<vmem>>
        %dma_start3A_2385 = arith.constant 0 : i32
        %dma_start3A_2386 = tpu.memref_slice %arg2[%dma_start3A_2385, %multiple_of3A_2381] : memref<10x1000001xf32, #tpu.memory_space<hbm>> -> memref<10x128xf32, #tpu.memory_space<hbm>>
        %dma_start3A_2387 = arith.constant 370 : i32
        %dma_start3A_2388 = arith.constant 0 : i32
        %dma_start3A_2389 = tpu.memref_slice %arg6[%dma_start3A_2387, %dma_start3A_2388] : memref<640x128xf32, #tpu.memory_space<vmem>> -> memref<10x128xf32, #tpu.memory_space<vmem>>
        %dma_start3A_2390 = arith.constant 0 : i32
        %dma_start3A_2391 = tpu.memref_slice %arg2[%dma_start3A_2390, %multiple_of3A_2381] : memref<10x1000001xf32, #tpu.memory_space<hbm>> -> memref<10x128xf32, #tpu.memory_space<hbm>>
        tpu.enqueue_dma source(%dma_start3A_2391 : memref<10x128xf32, #tpu.memory_space<hbm>>) target(%dma_start3A_2389 : memref<10x128xf32, #tpu.memory_space<vmem>>) target_semaphore(%arg11 : memref<!tpu.dma_semaphore, #tpu.memory_space<semaphore_mem>>)
        %slice3A_2392 = vector.extract_strided_slice %shift_right_logical3A_2301 {offsets = [6], sizes = [1], strides = [1]} : vector<16xi32> to vector<1xi32>
        %squeeze3A_2393 = vector.extract %slice3A_2392[0] : i32 from vector<1xi32>
        %mul3A_2394 = arith.constant 128 : i32
        %mul3A_2395 = arith.muli %squeeze3A_2393, %mul3A_2394 : i32
        %multiple_of3A_2396 = tpu.assume_multiple %mul3A_2395, 128 : i32
        %dma_start3A_2397 = arith.constant 380 : i32
        %dma_start3A_2398 = arith.constant 0 : i32
        %dma_start3A_2399 = tpu.memref_slice %arg6[%dma_start3A_2397, %dma_start3A_2398] : memref<640x128xf32, #tpu.memory_space<vmem>> -> memref<10x128xf32, #tpu.memory_space<vmem>>
        %dma_start3A_2400 = arith.constant 0 : i32
        %dma_start3A_2401 = tpu.memref_slice %arg2[%dma_start3A_2400, %multiple_of3A_2396] : memref<10x1000001xf32, #tpu.memory_space<hbm>> -> memref<10x128xf32, #tpu.memory_space<hbm>>
        %dma_start3A_2402 = arith.constant 380 : i32
        %dma_start3A_2403 = arith.constant 0 : i32
        %dma_start3A_2404 = tpu.memref_slice %arg6[%dma_start3A_2402, %dma_start3A_2403] : memref<640x128xf32, #tpu.memory_space<vmem>> -> memref<10x128xf32, #tpu.memory_space<vmem>>
        %dma_start3A_2405 = arith.constant 0 : i32
        %dma_start3A_2406 = tpu.memref_slice %arg2[%dma_start3A_2405, %multiple_of3A_2396] : memref<10x1000001xf32, #tpu.memory_space<hbm>> -> memref<10x128xf32, #tpu.memory_space<hbm>>
        tpu.enqueue_dma source(%dma_start3A_2406 : memref<10x128xf32, #tpu.memory_space<hbm>>) target(%dma_start3A_2404 : memref<10x128xf32, #tpu.memory_space<vmem>>) target_semaphore(%arg11 : memref<!tpu.dma_semaphore, #tpu.memory_space<semaphore_mem>>)
        %slice3A_2407 = vector.extract_strided_slice %shift_right_logical3A_2301 {offsets = [7], sizes = [1], strides = [1]} : vector<16xi32> to vector<1xi32>
        %squeeze3A_2408 = vector.extract %slice3A_2407[0] : i32 from vector<1xi32>
        %mul3A_2409 = arith.constant 128 : i32
        %mul3A_2410 = arith.muli %squeeze3A_2408, %mul3A_2409 : i32
        %multiple_of3A_2411 = tpu.assume_multiple %mul3A_2410, 128 : i32
        %dma_start3A_2412 = arith.constant 390 : i32
        %dma_start3A_2413 = arith.constant 0 : i32
        %dma_start3A_2414 = tpu.memref_slice %arg6[%dma_start3A_2412, %dma_start3A_2413] : memref<640x128xf32, #tpu.memory_space<vmem>> -> memref<10x128xf32, #tpu.memory_space<vmem>>
        %dma_start3A_2415 = arith.constant 0 : i32
        %dma_start3A_2416 = tpu.memref_slice %arg2[%dma_start3A_2415, %multiple_of3A_2411] : memref<10x1000001xf32, #tpu.memory_space<hbm>> -> memref<10x128xf32, #tpu.memory_space<hbm>>
        %dma_start3A_2417 = arith.constant 390 : i32
        %dma_start3A_2418 = arith.constant 0 : i32
        %dma_start3A_2419 = tpu.memref_slice %arg6[%dma_start3A_2417, %dma_start3A_2418] : memref<640x128xf32, #tpu.memory_space<vmem>> -> memref<10x128xf32, #tpu.memory_space<vmem>>
        %dma_start3A_2420 = arith.constant 0 : i32
        %dma_start3A_2421 = tpu.memref_slice %arg2[%dma_start3A_2420, %multiple_of3A_2411] : memref<10x1000001xf32, #tpu.memory_space<hbm>> -> memref<10x128xf32, #tpu.memory_space<hbm>>
        tpu.enqueue_dma source(%dma_start3A_2421 : memref<10x128xf32, #tpu.memory_space<hbm>>) target(%dma_start3A_2419 : memref<10x128xf32, #tpu.memory_space<vmem>>) target_semaphore(%arg11 : memref<!tpu.dma_semaphore, #tpu.memory_space<semaphore_mem>>)
        %slice3A_2422 = vector.extract_strided_slice %shift_right_logical3A_2301 {offsets = [8], sizes = [1], strides = [1]} : vector<16xi32> to vector<1xi32>
        %squeeze3A_2423 = vector.extract %slice3A_2422[0] : i32 from vector<1xi32>
        %mul3A_2424 = arith.constant 128 : i32
        %mul3A_2425 = arith.muli %squeeze3A_2423, %mul3A_2424 : i32
        %multiple_of3A_2426 = tpu.assume_multiple %mul3A_2425, 128 : i32
        %dma_start3A_2427 = arith.constant 400 : i32
        %dma_start3A_2428 = arith.constant 0 : i32
        %dma_start3A_2429 = tpu.memref_slice %arg6[%dma_start3A_2427, %dma_start3A_2428] : memref<640x128xf32, #tpu.memory_space<vmem>> -> memref<10x128xf32, #tpu.memory_space<vmem>>
        %dma_start3A_2430 = arith.constant 0 : i32
        %dma_start3A_2431 = tpu.memref_slice %arg2[%dma_start3A_2430, %multiple_of3A_2426] : memref<10x1000001xf32, #tpu.memory_space<hbm>> -> memref<10x128xf32, #tpu.memory_space<hbm>>
        %dma_start3A_2432 = arith.constant 400 : i32
        %dma_start3A_2433 = arith.constant 0 : i32
        %dma_start3A_2434 = tpu.memref_slice %arg6[%dma_start3A_2432, %dma_start3A_2433] : memref<640x128xf32, #tpu.memory_space<vmem>> -> memref<10x128xf32, #tpu.memory_space<vmem>>
        %dma_start3A_2435 = arith.constant 0 : i32
        %dma_start3A_2436 = tpu.memref_slice %arg2[%dma_start3A_2435, %multiple_of3A_2426] : memref<10x1000001xf32, #tpu.memory_space<hbm>> -> memref<10x128xf32, #tpu.memory_space<hbm>>
        tpu.enqueue_dma source(%dma_start3A_2436 : memref<10x128xf32, #tpu.memory_space<hbm>>) target(%dma_start3A_2434 : memref<10x128xf32, #tpu.memory_space<vmem>>) target_semaphore(%arg11 : memref<!tpu.dma_semaphore, #tpu.memory_space<semaphore_mem>>)
        %slice3A_2437 = vector.extract_strided_slice %shift_right_logical3A_2301 {offsets = [9], sizes = [1], strides = [1]} : vector<16xi32> to vector<1xi32>
        %squeeze3A_2438 = vector.extract %slice3A_2437[0] : i32 from vector<1xi32>
        %mul3A_2439 = arith.constant 128 : i32
        %mul3A_2440 = arith.muli %squeeze3A_2438, %mul3A_2439 : i32
        %multiple_of3A_2441 = tpu.assume_multiple %mul3A_2440, 128 : i32
        %dma_start3A_2442 = arith.constant 410 : i32
        %dma_start3A_2443 = arith.constant 0 : i32
        %dma_start3A_2444 = tpu.memref_slice %arg6[%dma_start3A_2442, %dma_start3A_2443] : memref<640x128xf32, #tpu.memory_space<vmem>> -> memref<10x128xf32, #tpu.memory_space<vmem>>
        %dma_start3A_2445 = arith.constant 0 : i32
        %dma_start3A_2446 = tpu.memref_slice %arg2[%dma_start3A_2445, %multiple_of3A_2441] : memref<10x1000001xf32, #tpu.memory_space<hbm>> -> memref<10x128xf32, #tpu.memory_space<hbm>>
        %dma_start3A_2447 = arith.constant 410 : i32
        %dma_start3A_2448 = arith.constant 0 : i32
        %dma_start3A_2449 = tpu.memref_slice %arg6[%dma_start3A_2447, %dma_start3A_2448] : memref<640x128xf32, #tpu.memory_space<vmem>> -> memref<10x128xf32, #tpu.memory_space<vmem>>
        %dma_start3A_2450 = arith.constant 0 : i32
        %dma_start3A_2451 = tpu.memref_slice %arg2[%dma_start3A_2450, %multiple_of3A_2441] : memref<10x1000001xf32, #tpu.memory_space<hbm>> -> memref<10x128xf32, #tpu.memory_space<hbm>>
        tpu.enqueue_dma source(%dma_start3A_2451 : memref<10x128xf32, #tpu.memory_space<hbm>>) target(%dma_start3A_2449 : memref<10x128xf32, #tpu.memory_space<vmem>>) target_semaphore(%arg11 : memref<!tpu.dma_semaphore, #tpu.memory_space<semaphore_mem>>)
        %slice3A_2452 = vector.extract_strided_slice %shift_right_logical3A_2301 {offsets = [10], sizes = [1], strides = [1]} : vector<16xi32> to vector<1xi32>
        %squeeze3A_2453 = vector.extract %slice3A_2452[0] : i32 from vector<1xi32>
        %mul3A_2454 = arith.constant 128 : i32
        %mul3A_2455 = arith.muli %squeeze3A_2453, %mul3A_2454 : i32
        %multiple_of3A_2456 = tpu.assume_multiple %mul3A_2455, 128 : i32
        %dma_start3A_2457 = arith.constant 420 : i32
        %dma_start3A_2458 = arith.constant 0 : i32
        %dma_start3A_2459 = tpu.memref_slice %arg6[%dma_start3A_2457, %dma_start3A_2458] : memref<640x128xf32, #tpu.memory_space<vmem>> -> memref<10x128xf32, #tpu.memory_space<vmem>>
        %dma_start3A_2460 = arith.constant 0 : i32
        %dma_start3A_2461 = tpu.memref_slice %arg2[%dma_start3A_2460, %multiple_of3A_2456] : memref<10x1000001xf32, #tpu.memory_space<hbm>> -> memref<10x128xf32, #tpu.memory_space<hbm>>
        %dma_start3A_2462 = arith.constant 420 : i32
        %dma_start3A_2463 = arith.constant 0 : i32
        %dma_start3A_2464 = tpu.memref_slice %arg6[%dma_start3A_2462, %dma_start3A_2463] : memref<640x128xf32, #tpu.memory_space<vmem>> -> memref<10x128xf32, #tpu.memory_space<vmem>>
        %dma_start3A_2465 = arith.constant 0 : i32
        %dma_start3A_2466 = tpu.memref_slice %arg2[%dma_start3A_2465, %multiple_of3A_2456] : memref<10x1000001xf32, #tpu.memory_space<hbm>> -> memref<10x128xf32, #tpu.memory_space<hbm>>
        tpu.enqueue_dma source(%dma_start3A_2466 : memref<10x128xf32, #tpu.memory_space<hbm>>) target(%dma_start3A_2464 : memref<10x128xf32, #tpu.memory_space<vmem>>) target_semaphore(%arg11 : memref<!tpu.dma_semaphore, #tpu.memory_space<semaphore_mem>>)
        %slice3A_2467 = vector.extract_strided_slice %shift_right_logical3A_2301 {offsets = [11], sizes = [1], strides = [1]} : vector<16xi32> to vector<1xi32>
        %squeeze3A_2468 = vector.extract %slice3A_2467[0] : i32 from vector<1xi32>
        %mul3A_2469 = arith.constant 128 : i32
        %mul3A_2470 = arith.muli %squeeze3A_2468, %mul3A_2469 : i32
        %multiple_of3A_2471 = tpu.assume_multiple %mul3A_2470, 128 : i32
        %dma_start3A_2472 = arith.constant 430 : i32
        %dma_start3A_2473 = arith.constant 0 : i32
        %dma_start3A_2474 = tpu.memref_slice %arg6[%dma_start3A_2472, %dma_start3A_2473] : memref<640x128xf32, #tpu.memory_space<vmem>> -> memref<10x128xf32, #tpu.memory_space<vmem>>
        %dma_start3A_2475 = arith.constant 0 : i32
        %dma_start3A_2476 = tpu.memref_slice %arg2[%dma_start3A_2475, %multiple_of3A_2471] : memref<10x1000001xf32, #tpu.memory_space<hbm>> -> memref<10x128xf32, #tpu.memory_space<hbm>>
        %dma_start3A_2477 = arith.constant 430 : i32
        %dma_start3A_2478 = arith.constant 0 : i32
        %dma_start3A_2479 = tpu.memref_slice %arg6[%dma_start3A_2477, %dma_start3A_2478] : memref<640x128xf32, #tpu.memory_space<vmem>> -> memref<10x128xf32, #tpu.memory_space<vmem>>
        %dma_start3A_2480 = arith.constant 0 : i32
        %dma_start3A_2481 = tpu.memref_slice %arg2[%dma_start3A_2480, %multiple_of3A_2471] : memref<10x1000001xf32, #tpu.memory_space<hbm>> -> memref<10x128xf32, #tpu.memory_space<hbm>>
        tpu.enqueue_dma source(%dma_start3A_2481 : memref<10x128xf32, #tpu.memory_space<hbm>>) target(%dma_start3A_2479 : memref<10x128xf32, #tpu.memory_space<vmem>>) target_semaphore(%arg11 : memref<!tpu.dma_semaphore, #tpu.memory_space<semaphore_mem>>)
        %slice3A_2482 = vector.extract_strided_slice %shift_right_logical3A_2301 {offsets = [12], sizes = [1], strides = [1]} : vector<16xi32> to vector<1xi32>
        %squeeze3A_2483 = vector.extract %slice3A_2482[0] : i32 from vector<1xi32>
        %mul3A_2484 = arith.constant 128 : i32
        %mul3A_2485 = arith.muli %squeeze3A_2483, %mul3A_2484 : i32
        %multiple_of3A_2486 = tpu.assume_multiple %mul3A_2485, 128 : i32
        %dma_start3A_2487 = arith.constant 440 : i32
        %dma_start3A_2488 = arith.constant 0 : i32
        %dma_start3A_2489 = tpu.memref_slice %arg6[%dma_start3A_2487, %dma_start3A_2488] : memref<640x128xf32, #tpu.memory_space<vmem>> -> memref<10x128xf32, #tpu.memory_space<vmem>>
        %dma_start3A_2490 = arith.constant 0 : i32
        %dma_start3A_2491 = tpu.memref_slice %arg2[%dma_start3A_2490, %multiple_of3A_2486] : memref<10x1000001xf32, #tpu.memory_space<hbm>> -> memref<10x128xf32, #tpu.memory_space<hbm>>
        %dma_start3A_2492 = arith.constant 440 : i32
        %dma_start3A_2493 = arith.constant 0 : i32
        %dma_start3A_2494 = tpu.memref_slice %arg6[%dma_start3A_2492, %dma_start3A_2493] : memref<640x128xf32, #tpu.memory_space<vmem>> -> memref<10x128xf32, #tpu.memory_space<vmem>>
        %dma_start3A_2495 = arith.constant 0 : i32
        %dma_start3A_2496 = tpu.memref_slice %arg2[%dma_start3A_2495, %multiple_of3A_2486] : memref<10x1000001xf32, #tpu.memory_space<hbm>> -> memref<10x128xf32, #tpu.memory_space<hbm>>
        tpu.enqueue_dma source(%dma_start3A_2496 : memref<10x128xf32, #tpu.memory_space<hbm>>) target(%dma_start3A_2494 : memref<10x128xf32, #tpu.memory_space<vmem>>) target_semaphore(%arg11 : memref<!tpu.dma_semaphore, #tpu.memory_space<semaphore_mem>>)
        %slice3A_2497 = vector.extract_strided_slice %shift_right_logical3A_2301 {offsets = [13], sizes = [1], strides = [1]} : vector<16xi32> to vector<1xi32>
        %squeeze3A_2498 = vector.extract %slice3A_2497[0] : i32 from vector<1xi32>
        %mul3A_2499 = arith.constant 128 : i32
        %mul3A_2500 = arith.muli %squeeze3A_2498, %mul3A_2499 : i32
        %multiple_of3A_2501 = tpu.assume_multiple %mul3A_2500, 128 : i32
        %dma_start3A_2502 = arith.constant 450 : i32
        %dma_start3A_2503 = arith.constant 0 : i32
        %dma_start3A_2504 = tpu.memref_slice %arg6[%dma_start3A_2502, %dma_start3A_2503] : memref<640x128xf32, #tpu.memory_space<vmem>> -> memref<10x128xf32, #tpu.memory_space<vmem>>
        %dma_start3A_2505 = arith.constant 0 : i32
        %dma_start3A_2506 = tpu.memref_slice %arg2[%dma_start3A_2505, %multiple_of3A_2501] : memref<10x1000001xf32, #tpu.memory_space<hbm>> -> memref<10x128xf32, #tpu.memory_space<hbm>>
        %dma_start3A_2507 = arith.constant 450 : i32
        %dma_start3A_2508 = arith.constant 0 : i32
        %dma_start3A_2509 = tpu.memref_slice %arg6[%dma_start3A_2507, %dma_start3A_2508] : memref<640x128xf32, #tpu.memory_space<vmem>> -> memref<10x128xf32, #tpu.memory_space<vmem>>
        %dma_start3A_2510 = arith.constant 0 : i32
        %dma_start3A_2511 = tpu.memref_slice %arg2[%dma_start3A_2510, %multiple_of3A_2501] : memref<10x1000001xf32, #tpu.memory_space<hbm>> -> memref<10x128xf32, #tpu.memory_space<hbm>>
        tpu.enqueue_dma source(%dma_start3A_2511 : memref<10x128xf32, #tpu.memory_space<hbm>>) target(%dma_start3A_2509 : memref<10x128xf32, #tpu.memory_space<vmem>>) target_semaphore(%arg11 : memref<!tpu.dma_semaphore, #tpu.memory_space<semaphore_mem>>)
        %slice3A_2512 = vector.extract_strided_slice %shift_right_logical3A_2301 {offsets = [14], sizes = [1], strides = [1]} : vector<16xi32> to vector<1xi32>
        %squeeze3A_2513 = vector.extract %slice3A_2512[0] : i32 from vector<1xi32>
        %mul3A_2514 = arith.constant 128 : i32
        %mul3A_2515 = arith.muli %squeeze3A_2513, %mul3A_2514 : i32
        %multiple_of3A_2516 = tpu.assume_multiple %mul3A_2515, 128 : i32
        %dma_start3A_2517 = arith.constant 460 : i32
        %dma_start3A_2518 = arith.constant 0 : i32
        %dma_start3A_2519 = tpu.memref_slice %arg6[%dma_start3A_2517, %dma_start3A_2518] : memref<640x128xf32, #tpu.memory_space<vmem>> -> memref<10x128xf32, #tpu.memory_space<vmem>>
        %dma_start3A_2520 = arith.constant 0 : i32
        %dma_start3A_2521 = tpu.memref_slice %arg2[%dma_start3A_2520, %multiple_of3A_2516] : memref<10x1000001xf32, #tpu.memory_space<hbm>> -> memref<10x128xf32, #tpu.memory_space<hbm>>
        %dma_start3A_2522 = arith.constant 460 : i32
        %dma_start3A_2523 = arith.constant 0 : i32
        %dma_start3A_2524 = tpu.memref_slice %arg6[%dma_start3A_2522, %dma_start3A_2523] : memref<640x128xf32, #tpu.memory_space<vmem>> -> memref<10x128xf32, #tpu.memory_space<vmem>>
        %dma_start3A_2525 = arith.constant 0 : i32
        %dma_start3A_2526 = tpu.memref_slice %arg2[%dma_start3A_2525, %multiple_of3A_2516] : memref<10x1000001xf32, #tpu.memory_space<hbm>> -> memref<10x128xf32, #tpu.memory_space<hbm>>
        tpu.enqueue_dma source(%dma_start3A_2526 : memref<10x128xf32, #tpu.memory_space<hbm>>) target(%dma_start3A_2524 : memref<10x128xf32, #tpu.memory_space<vmem>>) target_semaphore(%arg11 : memref<!tpu.dma_semaphore, #tpu.memory_space<semaphore_mem>>)
        %slice3A_2527 = vector.extract_strided_slice %shift_right_logical3A_2301 {offsets = [15], sizes = [1], strides = [1]} : vector<16xi32> to vector<1xi32>
        %squeeze3A_2528 = vector.extract %slice3A_2527[0] : i32 from vector<1xi32>
        %mul3A_2529 = arith.constant 128 : i32
        %mul3A_2530 = arith.muli %squeeze3A_2528, %mul3A_2529 : i32
        %multiple_of3A_2531 = tpu.assume_multiple %mul3A_2530, 128 : i32
        %dma_start3A_2532 = arith.constant 470 : i32
        %dma_start3A_2533 = arith.constant 0 : i32
        %dma_start3A_2534 = tpu.memref_slice %arg6[%dma_start3A_2532, %dma_start3A_2533] : memref<640x128xf32, #tpu.memory_space<vmem>> -> memref<10x128xf32, #tpu.memory_space<vmem>>
        %dma_start3A_2535 = arith.constant 0 : i32
        %dma_start3A_2536 = tpu.memref_slice %arg2[%dma_start3A_2535, %multiple_of3A_2531] : memref<10x1000001xf32, #tpu.memory_space<hbm>> -> memref<10x128xf32, #tpu.memory_space<hbm>>
        %dma_start3A_2537 = arith.constant 470 : i32
        %dma_start3A_2538 = arith.constant 0 : i32
        %dma_start3A_2539 = tpu.memref_slice %arg6[%dma_start3A_2537, %dma_start3A_2538] : memref<640x128xf32, #tpu.memory_space<vmem>> -> memref<10x128xf32, #tpu.memory_space<vmem>>
        %dma_start3A_2540 = arith.constant 0 : i32
        %dma_start3A_2541 = tpu.memref_slice %arg2[%dma_start3A_2540, %multiple_of3A_2531] : memref<10x1000001xf32, #tpu.memory_space<hbm>> -> memref<10x128xf32, #tpu.memory_space<hbm>>
        tpu.enqueue_dma source(%dma_start3A_2541 : memref<10x128xf32, #tpu.memory_space<hbm>>) target(%dma_start3A_2539 : memref<10x128xf32, #tpu.memory_space<vmem>>) target_semaphore(%arg11 : memref<!tpu.dma_semaphore, #tpu.memory_space<semaphore_mem>>)
      } else {
      }
      %mul3A_1913 = arith.constant 16 : i32
      %mul3A_1914 = arith.muli %add3A_1903, %mul3A_1913 : i32
      %get3A_1915 = arith.index_cast %mul3A_1914 : i32 to index
      %get3A_1916 = tpu.vector_load %arg5[%get3A_1915] {strides = array<i32>} : memref<512xi32, #tpu.memory_space<vmem>>, vector<16xi32>,
      %shift_right_logical3A_1917 = arith.constant 7 : i32
      %shift_right_logical3A_1918 = vector.broadcast %shift_right_logical3A_1917 : i32 to vector<16xi32>
      %shift_right_logical3A_1919 = arith.shrui %get3A_1916, %shift_right_logical3A_1918 : vector<16xi32>
      %slice3A_1920 = vector.extract_strided_slice %shift_right_logical3A_1919 {offsets = [0], sizes = [1], strides = [1]} : vector<16xi32> to vector<1xi32>
      %squeeze3A_1921 = vector.extract %slice3A_1920[0] : i32 from vector<1xi32>
      %mul3A_1922 = arith.constant 128 : i32
      %mul3A_1923 = arith.muli %squeeze3A_1921, %mul3A_1922 : i32
      %multiple_of3A_1924 = tpu.assume_multiple %mul3A_1923, 128 : i32
      %dma_wait3A_1925 = arith.constant 480 : i32
      %dma_wait3A_1926 = arith.constant 0 : i32
      %dma_wait3A_1927 = tpu.memref_slice %arg6[%dma_wait3A_1925, %dma_wait3A_1926] : memref<640x128xf32, #tpu.memory_space<vmem>> -> memref<10x128xf32, #tpu.memory_space<vmem>>
      %dma_wait3A_1928 = arith.constant 0 : i32
      %dma_wait3A_1929 = tpu.memref_slice %arg2[%dma_wait3A_1928, %multiple_of3A_1924] : memref<10x1000001xf32, #tpu.memory_space<hbm>> -> memref<10x128xf32, #tpu.memory_space<hbm>>
      %dma_wait3A_1930 = arith.constant 480 : i32
      %dma_wait3A_1931 = arith.constant 0 : i32
      %dma_wait3A_1932 = tpu.memref_slice %arg6[%dma_wait3A_1930, %dma_wait3A_1931] : memref<640x128xf32, #tpu.memory_space<vmem>> -> memref<10x128xf32, #tpu.memory_space<vmem>>
      %dma_wait3A_1933 = arith.constant 0 : i32
      %dma_wait3A_1934 = tpu.memref_slice %arg2[%dma_wait3A_1933, %multiple_of3A_1924] : memref<10x1000001xf32, #tpu.memory_space<hbm>> -> memref<10x128xf32, #tpu.memory_space<hbm>>
      tpu.wait_dma2 semaphore(%arg12 : memref<!tpu.dma_semaphore, #tpu.memory_space<semaphore_mem>>) src(%dma_wait3A_1934 : memref<10x128xf32, #tpu.memory_space<hbm>>) dst(%dma_wait3A_1932 : memref<10x128xf32, #tpu.memory_space<vmem>>)
      %slice3A_1935 = vector.extract_strided_slice %shift_right_logical3A_1919 {offsets = [1], sizes = [1], strides = [1]} : vector<16xi32> to vector<1xi32>
      %squeeze3A_1936 = vector.extract %slice3A_1935[0] : i32 from vector<1xi32>
      %mul3A_1937 = arith.constant 128 : i32
      %mul3A_1938 = arith.muli %squeeze3A_1936, %mul3A_1937 : i32
      %multiple_of3A_1939 = tpu.assume_multiple %mul3A_1938, 128 : i32
      %dma_wait3A_1940 = arith.constant 490 : i32
      %dma_wait3A_1941 = arith.constant 0 : i32
      %dma_wait3A_1942 = tpu.memref_slice %arg6[%dma_wait3A_1940, %dma_wait3A_1941] : memref<640x128xf32, #tpu.memory_space<vmem>> -> memref<10x128xf32, #tpu.memory_space<vmem>>
      %dma_wait3A_1943 = arith.constant 0 : i32
      %dma_wait3A_1944 = tpu.memref_slice %arg2[%dma_wait3A_1943, %multiple_of3A_1939] : memref<10x1000001xf32, #tpu.memory_space<hbm>> -> memref<10x128xf32, #tpu.memory_space<hbm>>
      %dma_wait3A_1945 = arith.constant 490 : i32
      %dma_wait3A_1946 = arith.constant 0 : i32
      %dma_wait3A_1947 = tpu.memref_slice %arg6[%dma_wait3A_1945, %dma_wait3A_1946] : memref<640x128xf32, #tpu.memory_space<vmem>> -> memref<10x128xf32, #tpu.memory_space<vmem>>
      %dma_wait3A_1948 = arith.constant 0 : i32
      %dma_wait3A_1949 = tpu.memref_slice %arg2[%dma_wait3A_1948, %multiple_of3A_1939] : memref<10x1000001xf32, #tpu.memory_space<hbm>> -> memref<10x128xf32, #tpu.memory_space<hbm>>
      tpu.wait_dma2 semaphore(%arg12 : memref<!tpu.dma_semaphore, #tpu.memory_space<semaphore_mem>>) src(%dma_wait3A_1949 : memref<10x128xf32, #tpu.memory_space<hbm>>) dst(%dma_wait3A_1947 : memref<10x128xf32, #tpu.memory_space<vmem>>)
      %slice3A_1950 = vector.extract_strided_slice %shift_right_logical3A_1919 {offsets = [2], sizes = [1], strides = [1]} : vector<16xi32> to vector<1xi32>
      %squeeze3A_1951 = vector.extract %slice3A_1950[0] : i32 from vector<1xi32>
      %mul3A_1952 = arith.constant 128 : i32
      %mul3A_1953 = arith.muli %squeeze3A_1951, %mul3A_1952 : i32
      %multiple_of3A_1954 = tpu.assume_multiple %mul3A_1953, 128 : i32
      %dma_wait3A_1955 = arith.constant 500 : i32
      %dma_wait3A_1956 = arith.constant 0 : i32
      %dma_wait3A_1957 = tpu.memref_slice %arg6[%dma_wait3A_1955, %dma_wait3A_1956] : memref<640x128xf32, #tpu.memory_space<vmem>> -> memref<10x128xf32, #tpu.memory_space<vmem>>
      %dma_wait3A_1958 = arith.constant 0 : i32
      %dma_wait3A_1959 = tpu.memref_slice %arg2[%dma_wait3A_1958, %multiple_of3A_1954] : memref<10x1000001xf32, #tpu.memory_space<hbm>> -> memref<10x128xf32, #tpu.memory_space<hbm>>
      %dma_wait3A_1960 = arith.constant 500 : i32
      %dma_wait3A_1961 = arith.constant 0 : i32
      %dma_wait3A_1962 = tpu.memref_slice %arg6[%dma_wait3A_1960, %dma_wait3A_1961] : memref<640x128xf32, #tpu.memory_space<vmem>> -> memref<10x128xf32, #tpu.memory_space<vmem>>
      %dma_wait3A_1963 = arith.constant 0 : i32
      %dma_wait3A_1964 = tpu.memref_slice %arg2[%dma_wait3A_1963, %multiple_of3A_1954] : memref<10x1000001xf32, #tpu.memory_space<hbm>> -> memref<10x128xf32, #tpu.memory_space<hbm>>
      tpu.wait_dma2 semaphore(%arg12 : memref<!tpu.dma_semaphore, #tpu.memory_space<semaphore_mem>>) src(%dma_wait3A_1964 : memref<10x128xf32, #tpu.memory_space<hbm>>) dst(%dma_wait3A_1962 : memref<10x128xf32, #tpu.memory_space<vmem>>)
      %slice3A_1965 = vector.extract_strided_slice %shift_right_logical3A_1919 {offsets = [3], sizes = [1], strides = [1]} : vector<16xi32> to vector<1xi32>
      %squeeze3A_1966 = vector.extract %slice3A_1965[0] : i32 from vector<1xi32>
      %mul3A_1967 = arith.constant 128 : i32
      %mul3A_1968 = arith.muli %squeeze3A_1966, %mul3A_1967 : i32
      %multiple_of3A_1969 = tpu.assume_multiple %mul3A_1968, 128 : i32
      %dma_wait3A_1970 = arith.constant 510 : i32
      %dma_wait3A_1971 = arith.constant 0 : i32
      %dma_wait3A_1972 = tpu.memref_slice %arg6[%dma_wait3A_1970, %dma_wait3A_1971] : memref<640x128xf32, #tpu.memory_space<vmem>> -> memref<10x128xf32, #tpu.memory_space<vmem>>
      %dma_wait3A_1973 = arith.constant 0 : i32
      %dma_wait3A_1974 = tpu.memref_slice %arg2[%dma_wait3A_1973, %multiple_of3A_1969] : memref<10x1000001xf32, #tpu.memory_space<hbm>> -> memref<10x128xf32, #tpu.memory_space<hbm>>
      %dma_wait3A_1975 = arith.constant 510 : i32
      %dma_wait3A_1976 = arith.constant 0 : i32
      %dma_wait3A_1977 = tpu.memref_slice %arg6[%dma_wait3A_1975, %dma_wait3A_1976] : memref<640x128xf32, #tpu.memory_space<vmem>> -> memref<10x128xf32, #tpu.memory_space<vmem>>
      %dma_wait3A_1978 = arith.constant 0 : i32
      %dma_wait3A_1979 = tpu.memref_slice %arg2[%dma_wait3A_1978, %multiple_of3A_1969] : memref<10x1000001xf32, #tpu.memory_space<hbm>> -> memref<10x128xf32, #tpu.memory_space<hbm>>
      tpu.wait_dma2 semaphore(%arg12 : memref<!tpu.dma_semaphore, #tpu.memory_space<semaphore_mem>>) src(%dma_wait3A_1979 : memref<10x128xf32, #tpu.memory_space<hbm>>) dst(%dma_wait3A_1977 : memref<10x128xf32, #tpu.memory_space<vmem>>)
      %slice3A_1980 = vector.extract_strided_slice %shift_right_logical3A_1919 {offsets = [4], sizes = [1], strides = [1]} : vector<16xi32> to vector<1xi32>
      %squeeze3A_1981 = vector.extract %slice3A_1980[0] : i32 from vector<1xi32>
      %mul3A_1982 = arith.constant 128 : i32
      %mul3A_1983 = arith.muli %squeeze3A_1981, %mul3A_1982 : i32
      %multiple_of3A_1984 = tpu.assume_multiple %mul3A_1983, 128 : i32
      %dma_wait3A_1985 = arith.constant 520 : i32
      %dma_wait3A_1986 = arith.constant 0 : i32
      %dma_wait3A_1987 = tpu.memref_slice %arg6[%dma_wait3A_1985, %dma_wait3A_1986] : memref<640x128xf32, #tpu.memory_space<vmem>> -> memref<10x128xf32, #tpu.memory_space<vmem>>
      %dma_wait3A_1988 = arith.constant 0 : i32
      %dma_wait3A_1989 = tpu.memref_slice %arg2[%dma_wait3A_1988, %multiple_of3A_1984] : memref<10x1000001xf32, #tpu.memory_space<hbm>> -> memref<10x128xf32, #tpu.memory_space<hbm>>
      %dma_wait3A_1990 = arith.constant 520 : i32
      %dma_wait3A_1991 = arith.constant 0 : i32
      %dma_wait3A_1992 = tpu.memref_slice %arg6[%dma_wait3A_1990, %dma_wait3A_1991] : memref<640x128xf32, #tpu.memory_space<vmem>> -> memref<10x128xf32, #tpu.memory_space<vmem>>
      %dma_wait3A_1993 = arith.constant 0 : i32
      %dma_wait3A_1994 = tpu.memref_slice %arg2[%dma_wait3A_1993, %multiple_of3A_1984] : memref<10x1000001xf32, #tpu.memory_space<hbm>> -> memref<10x128xf32, #tpu.memory_space<hbm>>
      tpu.wait_dma2 semaphore(%arg12 : memref<!tpu.dma_semaphore, #tpu.memory_space<semaphore_mem>>) src(%dma_wait3A_1994 : memref<10x128xf32, #tpu.memory_space<hbm>>) dst(%dma_wait3A_1992 : memref<10x128xf32, #tpu.memory_space<vmem>>)
      %slice3A_1995 = vector.extract_strided_slice %shift_right_logical3A_1919 {offsets = [5], sizes = [1], strides = [1]} : vector<16xi32> to vector<1xi32>
      %squeeze3A_1996 = vector.extract %slice3A_1995[0] : i32 from vector<1xi32>
      %mul3A_1997 = arith.constant 128 : i32
      %mul3A_1998 = arith.muli %squeeze3A_1996, %mul3A_1997 : i32
      %multiple_of3A_1999 = tpu.assume_multiple %mul3A_1998, 128 : i32
      %dma_wait3A_2000 = arith.constant 530 : i32
      %dma_wait3A_2001 = arith.constant 0 : i32
      %dma_wait3A_2002 = tpu.memref_slice %arg6[%dma_wait3A_2000, %dma_wait3A_2001] : memref<640x128xf32, #tpu.memory_space<vmem>> -> memref<10x128xf32, #tpu.memory_space<vmem>>
      %dma_wait3A_2003 = arith.constant 0 : i32
      %dma_wait3A_2004 = tpu.memref_slice %arg2[%dma_wait3A_2003, %multiple_of3A_1999] : memref<10x1000001xf32, #tpu.memory_space<hbm>> -> memref<10x128xf32, #tpu.memory_space<hbm>>
      %dma_wait3A_2005 = arith.constant 530 : i32
      %dma_wait3A_2006 = arith.constant 0 : i32
      %dma_wait3A_2007 = tpu.memref_slice %arg6[%dma_wait3A_2005, %dma_wait3A_2006] : memref<640x128xf32, #tpu.memory_space<vmem>> -> memref<10x128xf32, #tpu.memory_space<vmem>>
      %dma_wait3A_2008 = arith.constant 0 : i32
      %dma_wait3A_2009 = tpu.memref_slice %arg2[%dma_wait3A_2008, %multiple_of3A_1999] : memref<10x1000001xf32, #tpu.memory_space<hbm>> -> memref<10x128xf32, #tpu.memory_space<hbm>>
      tpu.wait_dma2 semaphore(%arg12 : memref<!tpu.dma_semaphore, #tpu.memory_space<semaphore_mem>>) src(%dma_wait3A_2009 : memref<10x128xf32, #tpu.memory_space<hbm>>) dst(%dma_wait3A_2007 : memref<10x128xf32, #tpu.memory_space<vmem>>)
      %slice3A_2010 = vector.extract_strided_slice %shift_right_logical3A_1919 {offsets = [6], sizes = [1], strides = [1]} : vector<16xi32> to vector<1xi32>
      %squeeze3A_2011 = vector.extract %slice3A_2010[0] : i32 from vector<1xi32>
      %mul3A_2012 = arith.constant 128 : i32
      %mul3A_2013 = arith.muli %squeeze3A_2011, %mul3A_2012 : i32
      %multiple_of3A_2014 = tpu.assume_multiple %mul3A_2013, 128 : i32
      %dma_wait3A_2015 = arith.constant 540 : i32
      %dma_wait3A_2016 = arith.constant 0 : i32
      %dma_wait3A_2017 = tpu.memref_slice %arg6[%dma_wait3A_2015, %dma_wait3A_2016] : memref<640x128xf32, #tpu.memory_space<vmem>> -> memref<10x128xf32, #tpu.memory_space<vmem>>
      %dma_wait3A_2018 = arith.constant 0 : i32
      %dma_wait3A_2019 = tpu.memref_slice %arg2[%dma_wait3A_2018, %multiple_of3A_2014] : memref<10x1000001xf32, #tpu.memory_space<hbm>> -> memref<10x128xf32, #tpu.memory_space<hbm>>
      %dma_wait3A_2020 = arith.constant 540 : i32
      %dma_wait3A_2021 = arith.constant 0 : i32
      %dma_wait3A_2022 = tpu.memref_slice %arg6[%dma_wait3A_2020, %dma_wait3A_2021] : memref<640x128xf32, #tpu.memory_space<vmem>> -> memref<10x128xf32, #tpu.memory_space<vmem>>
      %dma_wait3A_2023 = arith.constant 0 : i32
      %dma_wait3A_2024 = tpu.memref_slice %arg2[%dma_wait3A_2023, %multiple_of3A_2014] : memref<10x1000001xf32, #tpu.memory_space<hbm>> -> memref<10x128xf32, #tpu.memory_space<hbm>>
      tpu.wait_dma2 semaphore(%arg12 : memref<!tpu.dma_semaphore, #tpu.memory_space<semaphore_mem>>) src(%dma_wait3A_2024 : memref<10x128xf32, #tpu.memory_space<hbm>>) dst(%dma_wait3A_2022 : memref<10x128xf32, #tpu.memory_space<vmem>>)
      %slice3A_2025 = vector.extract_strided_slice %shift_right_logical3A_1919 {offsets = [7], sizes = [1], strides = [1]} : vector<16xi32> to vector<1xi32>
      %squeeze3A_2026 = vector.extract %slice3A_2025[0] : i32 from vector<1xi32>
      %mul3A_2027 = arith.constant 128 : i32
      %mul3A_2028 = arith.muli %squeeze3A_2026, %mul3A_2027 : i32
      %multiple_of3A_2029 = tpu.assume_multiple %mul3A_2028, 128 : i32
      %dma_wait3A_2030 = arith.constant 550 : i32
      %dma_wait3A_2031 = arith.constant 0 : i32
      %dma_wait3A_2032 = tpu.memref_slice %arg6[%dma_wait3A_2030, %dma_wait3A_2031] : memref<640x128xf32, #tpu.memory_space<vmem>> -> memref<10x128xf32, #tpu.memory_space<vmem>>
      %dma_wait3A_2033 = arith.constant 0 : i32
      %dma_wait3A_2034 = tpu.memref_slice %arg2[%dma_wait3A_2033, %multiple_of3A_2029] : memref<10x1000001xf32, #tpu.memory_space<hbm>> -> memref<10x128xf32, #tpu.memory_space<hbm>>
      %dma_wait3A_2035 = arith.constant 550 : i32
      %dma_wait3A_2036 = arith.constant 0 : i32
      %dma_wait3A_2037 = tpu.memref_slice %arg6[%dma_wait3A_2035, %dma_wait3A_2036] : memref<640x128xf32, #tpu.memory_space<vmem>> -> memref<10x128xf32, #tpu.memory_space<vmem>>
      %dma_wait3A_2038 = arith.constant 0 : i32
      %dma_wait3A_2039 = tpu.memref_slice %arg2[%dma_wait3A_2038, %multiple_of3A_2029] : memref<10x1000001xf32, #tpu.memory_space<hbm>> -> memref<10x128xf32, #tpu.memory_space<hbm>>
      tpu.wait_dma2 semaphore(%arg12 : memref<!tpu.dma_semaphore, #tpu.memory_space<semaphore_mem>>) src(%dma_wait3A_2039 : memref<10x128xf32, #tpu.memory_space<hbm>>) dst(%dma_wait3A_2037 : memref<10x128xf32, #tpu.memory_space<vmem>>)
      %slice3A_2040 = vector.extract_strided_slice %shift_right_logical3A_1919 {offsets = [8], sizes = [1], strides = [1]} : vector<16xi32> to vector<1xi32>
      %squeeze3A_2041 = vector.extract %slice3A_2040[0] : i32 from vector<1xi32>
      %mul3A_2042 = arith.constant 128 : i32
      %mul3A_2043 = arith.muli %squeeze3A_2041, %mul3A_2042 : i32
      %multiple_of3A_2044 = tpu.assume_multiple %mul3A_2043, 128 : i32
      %dma_wait3A_2045 = arith.constant 560 : i32
      %dma_wait3A_2046 = arith.constant 0 : i32
      %dma_wait3A_2047 = tpu.memref_slice %arg6[%dma_wait3A_2045, %dma_wait3A_2046] : memref<640x128xf32, #tpu.memory_space<vmem>> -> memref<10x128xf32, #tpu.memory_space<vmem>>
      %dma_wait3A_2048 = arith.constant 0 : i32
      %dma_wait3A_2049 = tpu.memref_slice %arg2[%dma_wait3A_2048, %multiple_of3A_2044] : memref<10x1000001xf32, #tpu.memory_space<hbm>> -> memref<10x128xf32, #tpu.memory_space<hbm>>
      %dma_wait3A_2050 = arith.constant 560 : i32
      %dma_wait3A_2051 = arith.constant 0 : i32
      %dma_wait3A_2052 = tpu.memref_slice %arg6[%dma_wait3A_2050, %dma_wait3A_2051] : memref<640x128xf32, #tpu.memory_space<vmem>> -> memref<10x128xf32, #tpu.memory_space<vmem>>
      %dma_wait3A_2053 = arith.constant 0 : i32
      %dma_wait3A_2054 = tpu.memref_slice %arg2[%dma_wait3A_2053, %multiple_of3A_2044] : memref<10x1000001xf32, #tpu.memory_space<hbm>> -> memref<10x128xf32, #tpu.memory_space<hbm>>
      tpu.wait_dma2 semaphore(%arg12 : memref<!tpu.dma_semaphore, #tpu.memory_space<semaphore_mem>>) src(%dma_wait3A_2054 : memref<10x128xf32, #tpu.memory_space<hbm>>) dst(%dma_wait3A_2052 : memref<10x128xf32, #tpu.memory_space<vmem>>)
      %slice3A_2055 = vector.extract_strided_slice %shift_right_logical3A_1919 {offsets = [9], sizes = [1], strides = [1]} : vector<16xi32> to vector<1xi32>
      %squeeze3A_2056 = vector.extract %slice3A_2055[0] : i32 from vector<1xi32>
      %mul3A_2057 = arith.constant 128 : i32
      %mul3A_2058 = arith.muli %squeeze3A_2056, %mul3A_2057 : i32
      %multiple_of3A_2059 = tpu.assume_multiple %mul3A_2058, 128 : i32
      %dma_wait3A_2060 = arith.constant 570 : i32
      %dma_wait3A_2061 = arith.constant 0 : i32
      %dma_wait3A_2062 = tpu.memref_slice %arg6[%dma_wait3A_2060, %dma_wait3A_2061] : memref<640x128xf32, #tpu.memory_space<vmem>> -> memref<10x128xf32, #tpu.memory_space<vmem>>
      %dma_wait3A_2063 = arith.constant 0 : i32
      %dma_wait3A_2064 = tpu.memref_slice %arg2[%dma_wait3A_2063, %multiple_of3A_2059] : memref<10x1000001xf32, #tpu.memory_space<hbm>> -> memref<10x128xf32, #tpu.memory_space<hbm>>
      %dma_wait3A_2065 = arith.constant 570 : i32
      %dma_wait3A_2066 = arith.constant 0 : i32
      %dma_wait3A_2067 = tpu.memref_slice %arg6[%dma_wait3A_2065, %dma_wait3A_2066] : memref<640x128xf32, #tpu.memory_space<vmem>> -> memref<10x128xf32, #tpu.memory_space<vmem>>
      %dma_wait3A_2068 = arith.constant 0 : i32
      %dma_wait3A_2069 = tpu.memref_slice %arg2[%dma_wait3A_2068, %multiple_of3A_2059] : memref<10x1000001xf32, #tpu.memory_space<hbm>> -> memref<10x128xf32, #tpu.memory_space<hbm>>
      tpu.wait_dma2 semaphore(%arg12 : memref<!tpu.dma_semaphore, #tpu.memory_space<semaphore_mem>>) src(%dma_wait3A_2069 : memref<10x128xf32, #tpu.memory_space<hbm>>) dst(%dma_wait3A_2067 : memref<10x128xf32, #tpu.memory_space<vmem>>)
      %slice3A_2070 = vector.extract_strided_slice %shift_right_logical3A_1919 {offsets = [10], sizes = [1], strides = [1]} : vector<16xi32> to vector<1xi32>
      %squeeze3A_2071 = vector.extract %slice3A_2070[0] : i32 from vector<1xi32>
      %mul3A_2072 = arith.constant 128 : i32
      %mul3A_2073 = arith.muli %squeeze3A_2071, %mul3A_2072 : i32
      %multiple_of3A_2074 = tpu.assume_multiple %mul3A_2073, 128 : i32
      %dma_wait3A_2075 = arith.constant 580 : i32
      %dma_wait3A_2076 = arith.constant 0 : i32
      %dma_wait3A_2077 = tpu.memref_slice %arg6[%dma_wait3A_2075, %dma_wait3A_2076] : memref<640x128xf32, #tpu.memory_space<vmem>> -> memref<10x128xf32, #tpu.memory_space<vmem>>
      %dma_wait3A_2078 = arith.constant 0 : i32
      %dma_wait3A_2079 = tpu.memref_slice %arg2[%dma_wait3A_2078, %multiple_of3A_2074] : memref<10x1000001xf32, #tpu.memory_space<hbm>> -> memref<10x128xf32, #tpu.memory_space<hbm>>
      %dma_wait3A_2080 = arith.constant 580 : i32
      %dma_wait3A_2081 = arith.constant 0 : i32
      %dma_wait3A_2082 = tpu.memref_slice %arg6[%dma_wait3A_2080, %dma_wait3A_2081] : memref<640x128xf32, #tpu.memory_space<vmem>> -> memref<10x128xf32, #tpu.memory_space<vmem>>
      %dma_wait3A_2083 = arith.constant 0 : i32
      %dma_wait3A_2084 = tpu.memref_slice %arg2[%dma_wait3A_2083, %multiple_of3A_2074] : memref<10x1000001xf32, #tpu.memory_space<hbm>> -> memref<10x128xf32, #tpu.memory_space<hbm>>
      tpu.wait_dma2 semaphore(%arg12 : memref<!tpu.dma_semaphore, #tpu.memory_space<semaphore_mem>>) src(%dma_wait3A_2084 : memref<10x128xf32, #tpu.memory_space<hbm>>) dst(%dma_wait3A_2082 : memref<10x128xf32, #tpu.memory_space<vmem>>)
      %slice3A_2085 = vector.extract_strided_slice %shift_right_logical3A_1919 {offsets = [11], sizes = [1], strides = [1]} : vector<16xi32> to vector<1xi32>
      %squeeze3A_2086 = vector.extract %slice3A_2085[0] : i32 from vector<1xi32>
      %mul3A_2087 = arith.constant 128 : i32
      %mul3A_2088 = arith.muli %squeeze3A_2086, %mul3A_2087 : i32
      %multiple_of3A_2089 = tpu.assume_multiple %mul3A_2088, 128 : i32
      %dma_wait3A_2090 = arith.constant 590 : i32
      %dma_wait3A_2091 = arith.constant 0 : i32
      %dma_wait3A_2092 = tpu.memref_slice %arg6[%dma_wait3A_2090, %dma_wait3A_2091] : memref<640x128xf32, #tpu.memory_space<vmem>> -> memref<10x128xf32, #tpu.memory_space<vmem>>
      %dma_wait3A_2093 = arith.constant 0 : i32
      %dma_wait3A_2094 = tpu.memref_slice %arg2[%dma_wait3A_2093, %multiple_of3A_2089] : memref<10x1000001xf32, #tpu.memory_space<hbm>> -> memref<10x128xf32, #tpu.memory_space<hbm>>
      %dma_wait3A_2095 = arith.constant 590 : i32
      %dma_wait3A_2096 = arith.constant 0 : i32
      %dma_wait3A_2097 = tpu.memref_slice %arg6[%dma_wait3A_2095, %dma_wait3A_2096] : memref<640x128xf32, #tpu.memory_space<vmem>> -> memref<10x128xf32, #tpu.memory_space<vmem>>
      %dma_wait3A_2098 = arith.constant 0 : i32
      %dma_wait3A_2099 = tpu.memref_slice %arg2[%dma_wait3A_2098, %multiple_of3A_2089] : memref<10x1000001xf32, #tpu.memory_space<hbm>> -> memref<10x128xf32, #tpu.memory_space<hbm>>
      tpu.wait_dma2 semaphore(%arg12 : memref<!tpu.dma_semaphore, #tpu.memory_space<semaphore_mem>>) src(%dma_wait3A_2099 : memref<10x128xf32, #tpu.memory_space<hbm>>) dst(%dma_wait3A_2097 : memref<10x128xf32, #tpu.memory_space<vmem>>)
      %slice3A_2100 = vector.extract_strided_slice %shift_right_logical3A_1919 {offsets = [12], sizes = [1], strides = [1]} : vector<16xi32> to vector<1xi32>
      %squeeze3A_2101 = vector.extract %slice3A_2100[0] : i32 from vector<1xi32>
      %mul3A_2102 = arith.constant 128 : i32
      %mul3A_2103 = arith.muli %squeeze3A_2101, %mul3A_2102 : i32
      %multiple_of3A_2104 = tpu.assume_multiple %mul3A_2103, 128 : i32
      %dma_wait3A_2105 = arith.constant 600 : i32
      %dma_wait3A_2106 = arith.constant 0 : i32
      %dma_wait3A_2107 = tpu.memref_slice %arg6[%dma_wait3A_2105, %dma_wait3A_2106] : memref<640x128xf32, #tpu.memory_space<vmem>> -> memref<10x128xf32, #tpu.memory_space<vmem>>
      %dma_wait3A_2108 = arith.constant 0 : i32
      %dma_wait3A_2109 = tpu.memref_slice %arg2[%dma_wait3A_2108, %multiple_of3A_2104] : memref<10x1000001xf32, #tpu.memory_space<hbm>> -> memref<10x128xf32, #tpu.memory_space<hbm>>
      %dma_wait3A_2110 = arith.constant 600 : i32
      %dma_wait3A_2111 = arith.constant 0 : i32
      %dma_wait3A_2112 = tpu.memref_slice %arg6[%dma_wait3A_2110, %dma_wait3A_2111] : memref<640x128xf32, #tpu.memory_space<vmem>> -> memref<10x128xf32, #tpu.memory_space<vmem>>
      %dma_wait3A_2113 = arith.constant 0 : i32
      %dma_wait3A_2114 = tpu.memref_slice %arg2[%dma_wait3A_2113, %multiple_of3A_2104] : memref<10x1000001xf32, #tpu.memory_space<hbm>> -> memref<10x128xf32, #tpu.memory_space<hbm>>
      tpu.wait_dma2 semaphore(%arg12 : memref<!tpu.dma_semaphore, #tpu.memory_space<semaphore_mem>>) src(%dma_wait3A_2114 : memref<10x128xf32, #tpu.memory_space<hbm>>) dst(%dma_wait3A_2112 : memref<10x128xf32, #tpu.memory_space<vmem>>)
      %slice3A_2115 = vector.extract_strided_slice %shift_right_logical3A_1919 {offsets = [13], sizes = [1], strides = [1]} : vector<16xi32> to vector<1xi32>
      %squeeze3A_2116 = vector.extract %slice3A_2115[0] : i32 from vector<1xi32>
      %mul3A_2117 = arith.constant 128 : i32
      %mul3A_2118 = arith.muli %squeeze3A_2116, %mul3A_2117 : i32
      %multiple_of3A_2119 = tpu.assume_multiple %mul3A_2118, 128 : i32
      %dma_wait3A_2120 = arith.constant 610 : i32
      %dma_wait3A_2121 = arith.constant 0 : i32
      %dma_wait3A_2122 = tpu.memref_slice %arg6[%dma_wait3A_2120, %dma_wait3A_2121] : memref<640x128xf32, #tpu.memory_space<vmem>> -> memref<10x128xf32, #tpu.memory_space<vmem>>
      %dma_wait3A_2123 = arith.constant 0 : i32
      %dma_wait3A_2124 = tpu.memref_slice %arg2[%dma_wait3A_2123, %multiple_of3A_2119] : memref<10x1000001xf32, #tpu.memory_space<hbm>> -> memref<10x128xf32, #tpu.memory_space<hbm>>
      %dma_wait3A_2125 = arith.constant 610 : i32
      %dma_wait3A_2126 = arith.constant 0 : i32
      %dma_wait3A_2127 = tpu.memref_slice %arg6[%dma_wait3A_2125, %dma_wait3A_2126] : memref<640x128xf32, #tpu.memory_space<vmem>> -> memref<10x128xf32, #tpu.memory_space<vmem>>
      %dma_wait3A_2128 = arith.constant 0 : i32
      %dma_wait3A_2129 = tpu.memref_slice %arg2[%dma_wait3A_2128, %multiple_of3A_2119] : memref<10x1000001xf32, #tpu.memory_space<hbm>> -> memref<10x128xf32, #tpu.memory_space<hbm>>
      tpu.wait_dma2 semaphore(%arg12 : memref<!tpu.dma_semaphore, #tpu.memory_space<semaphore_mem>>) src(%dma_wait3A_2129 : memref<10x128xf32, #tpu.memory_space<hbm>>) dst(%dma_wait3A_2127 : memref<10x128xf32, #tpu.memory_space<vmem>>)
      %slice3A_2130 = vector.extract_strided_slice %shift_right_logical3A_1919 {offsets = [14], sizes = [1], strides = [1]} : vector<16xi32> to vector<1xi32>
      %squeeze3A_2131 = vector.extract %slice3A_2130[0] : i32 from vector<1xi32>
      %mul3A_2132 = arith.constant 128 : i32
      %mul3A_2133 = arith.muli %squeeze3A_2131, %mul3A_2132 : i32
      %multiple_of3A_2134 = tpu.assume_multiple %mul3A_2133, 128 : i32
      %dma_wait3A_2135 = arith.constant 620 : i32
      %dma_wait3A_2136 = arith.constant 0 : i32
      %dma_wait3A_2137 = tpu.memref_slice %arg6[%dma_wait3A_2135, %dma_wait3A_2136] : memref<640x128xf32, #tpu.memory_space<vmem>> -> memref<10x128xf32, #tpu.memory_space<vmem>>
      %dma_wait3A_2138 = arith.constant 0 : i32
      %dma_wait3A_2139 = tpu.memref_slice %arg2[%dma_wait3A_2138, %multiple_of3A_2134] : memref<10x1000001xf32, #tpu.memory_space<hbm>> -> memref<10x128xf32, #tpu.memory_space<hbm>>
      %dma_wait3A_2140 = arith.constant 620 : i32
      %dma_wait3A_2141 = arith.constant 0 : i32
      %dma_wait3A_2142 = tpu.memref_slice %arg6[%dma_wait3A_2140, %dma_wait3A_2141] : memref<640x128xf32, #tpu.memory_space<vmem>> -> memref<10x128xf32, #tpu.memory_space<vmem>>
      %dma_wait3A_2143 = arith.constant 0 : i32
      %dma_wait3A_2144 = tpu.memref_slice %arg2[%dma_wait3A_2143, %multiple_of3A_2134] : memref<10x1000001xf32, #tpu.memory_space<hbm>> -> memref<10x128xf32, #tpu.memory_space<hbm>>
      tpu.wait_dma2 semaphore(%arg12 : memref<!tpu.dma_semaphore, #tpu.memory_space<semaphore_mem>>) src(%dma_wait3A_2144 : memref<10x128xf32, #tpu.memory_space<hbm>>) dst(%dma_wait3A_2142 : memref<10x128xf32, #tpu.memory_space<vmem>>)
      %slice3A_2145 = vector.extract_strided_slice %shift_right_logical3A_1919 {offsets = [15], sizes = [1], strides = [1]} : vector<16xi32> to vector<1xi32>
      %squeeze3A_2146 = vector.extract %slice3A_2145[0] : i32 from vector<1xi32>
      %mul3A_2147 = arith.constant 128 : i32
      %mul3A_2148 = arith.muli %squeeze3A_2146, %mul3A_2147 : i32
      %multiple_of3A_2149 = tpu.assume_multiple %mul3A_2148, 128 : i32
      %dma_wait3A_2150 = arith.constant 630 : i32
      %dma_wait3A_2151 = arith.constant 0 : i32
      %dma_wait3A_2152 = tpu.memref_slice %arg6[%dma_wait3A_2150, %dma_wait3A_2151] : memref<640x128xf32, #tpu.memory_space<vmem>> -> memref<10x128xf32, #tpu.memory_space<vmem>>
      %dma_wait3A_2153 = arith.constant 0 : i32
      %dma_wait3A_2154 = tpu.memref_slice %arg2[%dma_wait3A_2153, %multiple_of3A_2149] : memref<10x1000001xf32, #tpu.memory_space<hbm>> -> memref<10x128xf32, #tpu.memory_space<hbm>>
      %dma_wait3A_2155 = arith.constant 630 : i32
      %dma_wait3A_2156 = arith.constant 0 : i32
      %dma_wait3A_2157 = tpu.memref_slice %arg6[%dma_wait3A_2155, %dma_wait3A_2156] : memref<640x128xf32, #tpu.memory_space<vmem>> -> memref<10x128xf32, #tpu.memory_space<vmem>>
      %dma_wait3A_2158 = arith.constant 0 : i32
      %dma_wait3A_2159 = tpu.memref_slice %arg2[%dma_wait3A_2158, %multiple_of3A_2149] : memref<10x1000001xf32, #tpu.memory_space<hbm>> -> memref<10x128xf32, #tpu.memory_space<hbm>>
      tpu.wait_dma2 semaphore(%arg12 : memref<!tpu.dma_semaphore, #tpu.memory_space<semaphore_mem>>) src(%dma_wait3A_2159 : memref<10x128xf32, #tpu.memory_space<hbm>>) dst(%dma_wait3A_2157 : memref<10x128xf32, #tpu.memory_space<vmem>>)
      %mul3A_2160 = arith.constant 16 : i32
      %mul3A_2161 = arith.muli %add3A_1903, %mul3A_2160 : i32
      %get3A_2162 = arith.index_cast %mul3A_2161 : i32 to index
      %get3A_2163 = tpu.vector_load %arg5[%get3A_2162] {strides = array<i32>} : memref<512xi32, #tpu.memory_space<vmem>>, vector<16xi32>,
      %and3A_2164 = arith.constant 127 : i32
      %and3A_2165 = vector.broadcast %and3A_2164 : i32 to vector<16xi32>
      %and3A_2166 = arith.andi %get3A_2163, %and3A_2165 : vector<16xi32>
      %mul3A_2167 = arith.constant 16 : i32
      %mul3A_2168 = arith.muli %add3A_1903, %mul3A_2167 : i32
      %add3A_2169 = vector.broadcast %mul3A_2168 : i32 to vector<16xi32>
      %add3A_2170 = arith.addi %add3A_2169, %iota3A : vector<16xi32>
      %mul3A_2171 = arith.constant 10 : i32
      %mul3A_2172 = vector.broadcast %mul3A_2171 : i32 to vector<16xi32>
      %mul3A_2173 = arith.muli %iota3A, %mul3A_2172 : vector<16xi32>
      %add3A_2174 = arith.constant 480 : i32
      %add3A_2175 = vector.broadcast %add3A_2174 : i32 to vector<16xi32>
      %add3A_2176 = arith.addi %add3A_2175, %mul3A_2173 : vector<16xi32>
      %add3A_2177 = arith.constant 0 : i32
      %add3A_2178 = vector.broadcast %add3A_2177 : i32 to vector<16xi32>
      %add3A_2179 = arith.addi %add3A_2176, %add3A_2178 : vector<16xi32>
      %gather3A_2180 = tpu.vector_load_idx %arg6[%add3A_2179, %and3A_2166] : memref<640x128xf32, #tpu.memory_space<vmem>>[vector<16xi32>, vector<16xi32>], vector<16xf32>,
      %broadcast_in_dim3A_2181 = arith.constant 0 : i32
      %broadcast_in_dim3A_2182 = vector.broadcast %broadcast_in_dim3A_2181 : i32 to vector<16xi32>
      tpu.vector_store_idx %arg7[%broadcast_in_dim3A_2182, %add3A_2170], %gather3A_2180 : memref<10x512xf32, #tpu.memory_space<vmem>>[vector<16xi32>, vector<16xi32>], vector<16xf32>,
      %mul3A_2183 = arith.constant 10 : i32
      %mul3A_2184 = vector.broadcast %mul3A_2183 : i32 to vector<16xi32>
      %mul3A_2185 = arith.muli %iota3A, %mul3A_2184 : vector<16xi32>
      %add3A_2186 = arith.constant 480 : i32
      %add3A_2187 = vector.broadcast %add3A_2186 : i32 to vector<16xi32>
      %add3A_2188 = arith.addi %add3A_2187, %mul3A_2185 : vector<16xi32>
      %add3A_2189 = arith.constant 1 : i32
      %add3A_2190 = vector.broadcast %add3A_2189 : i32 to vector<16xi32>
      %add3A_2191 = arith.addi %add3A_2188, %add3A_2190 : vector<16xi32>
      %gather3A_2192 = tpu.vector_load_idx %arg6[%add3A_2191, %and3A_2166] : memref<640x128xf32, #tpu.memory_space<vmem>>[vector<16xi32>, vector<16xi32>], vector<16xf32>,
      %broadcast_in_dim3A_2193 = arith.constant 1 : i32
      %broadcast_in_dim3A_2194 = vector.broadcast %broadcast_in_dim3A_2193 : i32 to vector<16xi32>
      tpu.vector_store_idx %arg7[%broadcast_in_dim3A_2194, %add3A_2170], %gather3A_2192 : memref<10x512xf32, #tpu.memory_space<vmem>>[vector<16xi32>, vector<16xi32>], vector<16xf32>,
      %mul3A_2195 = arith.constant 10 : i32
      %mul3A_2196 = vector.broadcast %mul3A_2195 : i32 to vector<16xi32>
      %mul3A_2197 = arith.muli %iota3A, %mul3A_2196 : vector<16xi32>
      %add3A_2198 = arith.constant 480 : i32
      %add3A_2199 = vector.broadcast %add3A_2198 : i32 to vector<16xi32>
      %add3A_2200 = arith.addi %add3A_2199, %mul3A_2197 : vector<16xi32>
      %add3A_2201 = arith.constant 2 : i32
      %add3A_2202 = vector.broadcast %add3A_2201 : i32 to vector<16xi32>
      %add3A_2203 = arith.addi %add3A_2200, %add3A_2202 : vector<16xi32>
      %gather3A_2204 = tpu.vector_load_idx %arg6[%add3A_2203, %and3A_2166] : memref<640x128xf32, #tpu.memory_space<vmem>>[vector<16xi32>, vector<16xi32>], vector<16xf32>,
      %broadcast_in_dim3A_2205 = arith.constant 2 : i32
      %broadcast_in_dim3A_2206 = vector.broadcast %broadcast_in_dim3A_2205 : i32 to vector<16xi32>
      tpu.vector_store_idx %arg7[%broadcast_in_dim3A_2206, %add3A_2170], %gather3A_2204 : memref<10x512xf32, #tpu.memory_space<vmem>>[vector<16xi32>, vector<16xi32>], vector<16xf32>,
      %mul3A_2207 = arith.constant 10 : i32
      %mul3A_2208 = vector.broadcast %mul3A_2207 : i32 to vector<16xi32>
      %mul3A_2209 = arith.muli %iota3A, %mul3A_2208 : vector<16xi32>
      %add3A_2210 = arith.constant 480 : i32
      %add3A_2211 = vector.broadcast %add3A_2210 : i32 to vector<16xi32>
      %add3A_2212 = arith.addi %add3A_2211, %mul3A_2209 : vector<16xi32>
      %add3A_2213 = arith.constant 3 : i32
      %add3A_2214 = vector.broadcast %add3A_2213 : i32 to vector<16xi32>
      %add3A_2215 = arith.addi %add3A_2212, %add3A_2214 : vector<16xi32>
      %gather3A_2216 = tpu.vector_load_idx %arg6[%add3A_2215, %and3A_2166] : memref<640x128xf32, #tpu.memory_space<vmem>>[vector<16xi32>, vector<16xi32>], vector<16xf32>,
      %broadcast_in_dim3A_2217 = arith.constant 3 : i32
      %broadcast_in_dim3A_2218 = vector.broadcast %broadcast_in_dim3A_2217 : i32 to vector<16xi32>
      tpu.vector_store_idx %arg7[%broadcast_in_dim3A_2218, %add3A_2170], %gather3A_2216 : memref<10x512xf32, #tpu.memory_space<vmem>>[vector<16xi32>, vector<16xi32>], vector<16xf32>,
      %mul3A_2219 = arith.constant 10 : i32
      %mul3A_2220 = vector.broadcast %mul3A_2219 : i32 to vector<16xi32>
      %mul3A_2221 = arith.muli %iota3A, %mul3A_2220 : vector<16xi32>
      %add3A_2222 = arith.constant 480 : i32
      %add3A_2223 = vector.broadcast %add3A_2222 : i32 to vector<16xi32>
      %add3A_2224 = arith.addi %add3A_2223, %mul3A_2221 : vector<16xi32>
      %add3A_2225 = arith.constant 4 : i32
      %add3A_2226 = vector.broadcast %add3A_2225 : i32 to vector<16xi32>
      %add3A_2227 = arith.addi %add3A_2224, %add3A_2226 : vector<16xi32>
      %gather3A_2228 = tpu.vector_load_idx %arg6[%add3A_2227, %and3A_2166] : memref<640x128xf32, #tpu.memory_space<vmem>>[vector<16xi32>, vector<16xi32>], vector<16xf32>,
      %broadcast_in_dim3A_2229 = arith.constant 4 : i32
      %broadcast_in_dim3A_2230 = vector.broadcast %broadcast_in_dim3A_2229 : i32 to vector<16xi32>
      tpu.vector_store_idx %arg7[%broadcast_in_dim3A_2230, %add3A_2170], %gather3A_2228 : memref<10x512xf32, #tpu.memory_space<vmem>>[vector<16xi32>, vector<16xi32>], vector<16xf32>,
      %mul3A_2231 = arith.constant 10 : i32
      %mul3A_2232 = vector.broadcast %mul3A_2231 : i32 to vector<16xi32>
      %mul3A_2233 = arith.muli %iota3A, %mul3A_2232 : vector<16xi32>
      %add3A_2234 = arith.constant 480 : i32
      %add3A_2235 = vector.broadcast %add3A_2234 : i32 to vector<16xi32>
      %add3A_2236 = arith.addi %add3A_2235, %mul3A_2233 : vector<16xi32>
      %add3A_2237 = arith.constant 5 : i32
      %add3A_2238 = vector.broadcast %add3A_2237 : i32 to vector<16xi32>
      %add3A_2239 = arith.addi %add3A_2236, %add3A_2238 : vector<16xi32>
      %gather3A_2240 = tpu.vector_load_idx %arg6[%add3A_2239, %and3A_2166] : memref<640x128xf32, #tpu.memory_space<vmem>>[vector<16xi32>, vector<16xi32>], vector<16xf32>,
      %broadcast_in_dim3A_2241 = arith.constant 5 : i32
      %broadcast_in_dim3A_2242 = vector.broadcast %broadcast_in_dim3A_2241 : i32 to vector<16xi32>
      tpu.vector_store_idx %arg7[%broadcast_in_dim3A_2242, %add3A_2170], %gather3A_2240 : memref<10x512xf32, #tpu.memory_space<vmem>>[vector<16xi32>, vector<16xi32>], vector<16xf32>,
      %mul3A_2243 = arith.constant 10 : i32
      %mul3A_2244 = vector.broadcast %mul3A_2243 : i32 to vector<16xi32>
      %mul3A_2245 = arith.muli %iota3A, %mul3A_2244 : vector<16xi32>
      %add3A_2246 = arith.constant 480 : i32
      %add3A_2247 = vector.broadcast %add3A_2246 : i32 to vector<16xi32>
      %add3A_2248 = arith.addi %add3A_2247, %mul3A_2245 : vector<16xi32>
      %add3A_2249 = arith.constant 6 : i32
      %add3A_2250 = vector.broadcast %add3A_2249 : i32 to vector<16xi32>
      %add3A_2251 = arith.addi %add3A_2248, %add3A_2250 : vector<16xi32>
      %gather3A_2252 = tpu.vector_load_idx %arg6[%add3A_2251, %and3A_2166] : memref<640x128xf32, #tpu.memory_space<vmem>>[vector<16xi32>, vector<16xi32>], vector<16xf32>,
      %broadcast_in_dim3A_2253 = arith.constant 6 : i32
      %broadcast_in_dim3A_2254 = vector.broadcast %broadcast_in_dim3A_2253 : i32 to vector<16xi32>
      tpu.vector_store_idx %arg7[%broadcast_in_dim3A_2254, %add3A_2170], %gather3A_2252 : memref<10x512xf32, #tpu.memory_space<vmem>>[vector<16xi32>, vector<16xi32>], vector<16xf32>,
      %mul3A_2255 = arith.constant 10 : i32
      %mul3A_2256 = vector.broadcast %mul3A_2255 : i32 to vector<16xi32>
      %mul3A_2257 = arith.muli %iota3A, %mul3A_2256 : vector<16xi32>
      %add3A_2258 = arith.constant 480 : i32
      %add3A_2259 = vector.broadcast %add3A_2258 : i32 to vector<16xi32>
      %add3A_2260 = arith.addi %add3A_2259, %mul3A_2257 : vector<16xi32>
      %add3A_2261 = arith.constant 7 : i32
      %add3A_2262 = vector.broadcast %add3A_2261 : i32 to vector<16xi32>
      %add3A_2263 = arith.addi %add3A_2260, %add3A_2262 : vector<16xi32>
      %gather3A_2264 = tpu.vector_load_idx %arg6[%add3A_2263, %and3A_2166] : memref<640x128xf32, #tpu.memory_space<vmem>>[vector<16xi32>, vector<16xi32>], vector<16xf32>,
      %broadcast_in_dim3A_2265 = arith.constant 7 : i32
      %broadcast_in_dim3A_2266 = vector.broadcast %broadcast_in_dim3A_2265 : i32 to vector<16xi32>
      tpu.vector_store_idx %arg7[%broadcast_in_dim3A_2266, %add3A_2170], %gather3A_2264 : memref<10x512xf32, #tpu.memory_space<vmem>>[vector<16xi32>, vector<16xi32>], vector<16xf32>,
      %mul3A_2267 = arith.constant 10 : i32
      %mul3A_2268 = vector.broadcast %mul3A_2267 : i32 to vector<16xi32>
      %mul3A_2269 = arith.muli %iota3A, %mul3A_2268 : vector<16xi32>
      %add3A_2270 = arith.constant 480 : i32
      %add3A_2271 = vector.broadcast %add3A_2270 : i32 to vector<16xi32>
      %add3A_2272 = arith.addi %add3A_2271, %mul3A_2269 : vector<16xi32>
      %add3A_2273 = arith.constant 8 : i32
      %add3A_2274 = vector.broadcast %add3A_2273 : i32 to vector<16xi32>
      %add3A_2275 = arith.addi %add3A_2272, %add3A_2274 : vector<16xi32>
      %gather3A_2276 = tpu.vector_load_idx %arg6[%add3A_2275, %and3A_2166] : memref<640x128xf32, #tpu.memory_space<vmem>>[vector<16xi32>, vector<16xi32>], vector<16xf32>,
      %broadcast_in_dim3A_2277 = arith.constant 8 : i32
      %broadcast_in_dim3A_2278 = vector.broadcast %broadcast_in_dim3A_2277 : i32 to vector<16xi32>
      tpu.vector_store_idx %arg7[%broadcast_in_dim3A_2278, %add3A_2170], %gather3A_2276 : memref<10x512xf32, #tpu.memory_space<vmem>>[vector<16xi32>, vector<16xi32>], vector<16xf32>,
      %mul3A_2279 = arith.constant 10 : i32
      %mul3A_2280 = vector.broadcast %mul3A_2279 : i32 to vector<16xi32>
      %mul3A_2281 = arith.muli %iota3A, %mul3A_2280 : vector<16xi32>
      %add3A_2282 = arith.constant 480 : i32
      %add3A_2283 = vector.broadcast %add3A_2282 : i32 to vector<16xi32>
      %add3A_2284 = arith.addi %add3A_2283, %mul3A_2281 : vector<16xi32>
      %add3A_2285 = arith.constant 9 : i32
      %add3A_2286 = vector.broadcast %add3A_2285 : i32 to vector<16xi32>
      %add3A_2287 = arith.addi %add3A_2284, %add3A_2286 : vector<16xi32>
      %gather3A_2288 = tpu.vector_load_idx %arg6[%add3A_2287, %and3A_2166] : memref<640x128xf32, #tpu.memory_space<vmem>>[vector<16xi32>, vector<16xi32>], vector<16xf32>,
      %broadcast_in_dim3A_2289 = arith.constant 9 : i32
      %broadcast_in_dim3A_2290 = vector.broadcast %broadcast_in_dim3A_2289 : i32 to vector<16xi32>
      tpu.vector_store_idx %arg7[%broadcast_in_dim3A_2290, %add3A_2170], %gather3A_2288 : memref<10x512xf32, #tpu.memory_space<vmem>>[vector<16xi32>, vector<16xi32>], vector<16xf32>,
    }
    %scan3A_738 = arith.constant 8 : i32
    "tpu.region"() ({
      %run_scoped3A = tpu.sem_alloc : memref<!tpu.dma_semaphore, #tpu.memory_space<semaphore_mem>>
      %dma_start3A_739 = arith.constant 0 : i32
      %dma_start3A_740 = tpu.memref_slice %arg4[%dma_start3A_739, %mul3A_2] : memref<10x16384xf32, #tpu.memory_space<hbm>> -> memref<10x512xf32, #tpu.memory_space<hbm>>
      %dma_start3A_741 = arith.constant 0 : i32
      %dma_start3A_742 = tpu.memref_slice %arg4[%dma_start3A_741, %mul3A_2] : memref<10x16384xf32, #tpu.memory_space<hbm>> -> memref<10x512xf32, #tpu.memory_space<hbm>>
      tpu.enqueue_dma source(%arg7 : memref<10x512xf32, #tpu.memory_space<vmem>>) target(%dma_start3A_742 : memref<10x512xf32, #tpu.memory_space<hbm>>) target_semaphore(%run_scoped3A : memref<!tpu.dma_semaphore, #tpu.memory_space<semaphore_mem>>)
      %dma_wait3A_743 = arith.constant 0 : i32
      %dma_wait3A_744 = tpu.memref_slice %arg4[%dma_wait3A_743, %mul3A_2] : memref<10x16384xf32, #tpu.memory_space<hbm>> -> memref<10x512xf32, #tpu.memory_space<hbm>>
      %dma_wait3A_745 = arith.constant 0 : i32
      %dma_wait3A_746 = tpu.memref_slice %arg4[%dma_wait3A_745, %mul3A_2] : memref<10x16384xf32, #tpu.memory_space<hbm>> -> memref<10x512xf32, #tpu.memory_space<hbm>>
      tpu.wait_dma2 semaphore(%run_scoped3A : memref<!tpu.dma_semaphore, #tpu.memory_space<semaphore_mem>>) src(%arg7 : memref<10x512xf32, #tpu.memory_space<vmem>>) dst(%dma_wait3A_746 : memref<10x512xf32, #tpu.memory_space<hbm>>)
      tpu.yield
    }) : () -> ()
    return
  }
}

module attributes {stable_mosaic.version = 14 : i64} {
  func.func @_pre_body(%arg0: i32, %arg1: memref<1x2048xf32, #tpu.memory_space<vmem>>, %arg2: memref<1x2048xf32, #tpu.memory_space<vmem>>, %arg3: memref<20x10xf32, #tpu.memory_space<vmem>>, %arg4: memref<20x10xf32, #tpu.memory_space<vmem>>, %arg5: memref<10x64xf32, #tpu.memory_space<vmem>>, %arg6: memref<10x64xf32, #tpu.memory_space<vmem>>, %arg7: memref<64x1xf32, #tpu.memory_space<vmem>>, %arg8: memref<64x2048xf32, #tpu.memory_space<vmem>>) attributes {dimension_semantics = [#tpu.dimension_semantics<arbitrary>], iteration_bounds = array<i64: 8>, scalar_prefetch = 0 : i64, scratch_operands = 0 : i64, tpu.core_type = #tpu.core_type<tc>, window_params = [{transform_indices = @transform_0, window_bounds = array<i64: 1, 2048>}, {transform_indices = @transform_1, window_bounds = array<i64: 1, 2048>}, {pipeline_mode = #tpu.pipeline_mode<synchronous>, transform_indices = @transform_2, window_bounds = array<i64: 20, 10>}, {pipeline_mode = #tpu.pipeline_mode<synchronous>, transform_indices = @transform_3, window_bounds = array<i64: 20, 10>}, {pipeline_mode = #tpu.pipeline_mode<synchronous>, transform_indices = @transform_4, window_bounds = array<i64: 10, 64>}, {pipeline_mode = #tpu.pipeline_mode<synchronous>, transform_indices = @transform_5, window_bounds = array<i64: 10, 64>}, {pipeline_mode = #tpu.pipeline_mode<synchronous>, transform_indices = @transform_6, window_bounds = array<i64: 64, 1>}, {transform_indices = @transform_7, window_bounds = array<i64: 64, 2048>}]} {
    %get3A = arith.constant 0 : index
    %get3A_0 = arith.constant 0 : index
    %get3A_1 = vector.load %arg1[%get3A, %get3A_0] : memref<1x2048xf32, #tpu.memory_space<vmem>>, vector<1x2048xf32>
    %mul3A = arith.constant 2.000000e+01 : f32
    %mul3A_2 = vector.broadcast %mul3A : f32 to vector<1x2048xf32>
    %mul3A_3 = arith.mulf %get3A_1, %mul3A_2 : vector<1x2048xf32>
    %floor3A = math.floor %mul3A_3 : vector<1x2048xf32>
    %convert_element_type3A = arith.fptosi %floor3A : vector<1x2048xf32> to vector<1x2048xi32>
    %jit3A = arith.constant 0 : i32
    %jit3A_4 = arith.constant 19 : i32
    %max3A = vector.broadcast %jit3A : i32 to vector<1x2048xi32>
    %max3A_5 = arith.maxsi %max3A, %convert_element_type3A : vector<1x2048xi32>
    %min3A = vector.broadcast %jit3A_4 : i32 to vector<1x2048xi32>
    %min3A_6 = arith.minsi %min3A, %max3A_5 : vector<1x2048xi32>
    %get3A_7 = arith.constant 0 : index
    %get3A_8 = arith.constant 0 : index
    %get3A_9 = vector.load %arg2[%get3A_7, %get3A_8] : memref<1x2048xf32, #tpu.memory_space<vmem>>, vector<1x2048xf32>
    %mul3A_10 = arith.constant 2.000000e+01 : f32
    %mul3A_11 = vector.broadcast %mul3A_10 : f32 to vector<1x2048xf32>
    %mul3A_12 = arith.mulf %get3A_9, %mul3A_11 : vector<1x2048xf32>
    %floor3A_13 = math.floor %mul3A_12 : vector<1x2048xf32>
    %convert_element_type3A_14 = arith.fptosi %floor3A_13 : vector<1x2048xf32> to vector<1x2048xi32>
    %jit3A_15 = arith.constant 0 : i32
    %jit3A_16 = arith.constant 19 : i32
    %max3A_17 = vector.broadcast %jit3A_15 : i32 to vector<1x2048xi32>
    %max3A_18 = arith.maxsi %max3A_17, %convert_element_type3A_14 : vector<1x2048xi32>
    %min3A_19 = vector.broadcast %jit3A_16 : i32 to vector<1x2048xi32>
    %min3A_20 = arith.minsi %min3A_19, %max3A_18 : vector<1x2048xi32>
    %iota3A = tpu.iota {dimensions = array<i32: 0>} : vector<20x1xi32>
    %eq3A = vector.broadcast %min3A_6 : vector<1x2048xi32> to vector<20x2048xi32>
    %eq3A_21 = vector.broadcast %iota3A : vector<20x1xi32> to vector<20x2048xi32>
    %eq3A_22 = arith.cmpi eq, %eq3A, %eq3A_21 : vector<20x2048xi32>
    %convert_element_type3A_23 = arith.extui %eq3A_22 : vector<20x2048xi1> to vector<20x2048xi32>
    %convert_element_type3A_24 = arith.sitofp %convert_element_type3A_23 : vector<20x2048xi32> to vector<20x2048xf32>
    %eq3A_25 = vector.broadcast %min3A_20 : vector<1x2048xi32> to vector<20x2048xi32>
    %eq3A_26 = vector.broadcast %iota3A : vector<20x1xi32> to vector<20x2048xi32>
    %eq3A_27 = arith.cmpi eq, %eq3A_25, %eq3A_26 : vector<20x2048xi32>
    %convert_element_type3A_28 = arith.extui %eq3A_27 : vector<20x2048xi1> to vector<20x2048xi32>
    %convert_element_type3A_29 = arith.sitofp %convert_element_type3A_28 : vector<20x2048xi32> to vector<20x2048xf32>
    %get3A_30 = arith.constant 0 : index
    %get3A_31 = arith.constant 0 : index
    %get3A_32 = vector.load %arg3[%get3A_30, %get3A_31] : memref<20x10xf32, #tpu.memory_space<vmem>>, vector<20x10xf32>
    %dot_general3A = arith.constant dense<0.000000e+00> : vector<10x2048xf32>
    %dot_general3A_33 = tpu.matmul %get3A_32, %convert_element_type3A_24, %dot_general3A {dimension_numbers = #tpu.dot_dimension_numbers<[0], [0], [1], [1], [0, 1, 1, 1], [], []>, transpose_lhs_hint = false} : vector<20x10xf32>, vector<20x2048xf32>, vector<10x2048xf32> -> vector<10x2048xf32>
    %get3A_34 = arith.constant 0 : index
    %get3A_35 = arith.constant 0 : index
    %get3A_36 = vector.load %arg4[%get3A_34, %get3A_35] : memref<20x10xf32, #tpu.memory_space<vmem>>, vector<20x10xf32>
    %dot_general3A_37 = arith.constant dense<0.000000e+00> : vector<10x2048xf32>
    %dot_general3A_38 = tpu.matmul %get3A_36, %convert_element_type3A_29, %dot_general3A_37 {dimension_numbers = #tpu.dot_dimension_numbers<[0], [0], [1], [1], [0, 1, 1, 1], [], []>, transpose_lhs_hint = false} : vector<20x10xf32>, vector<20x2048xf32>, vector<10x2048xf32> -> vector<10x2048xf32>
    %get3A_39 = arith.constant 0 : index
    %get3A_40 = arith.constant 0 : index
    %get3A_41 = vector.load %arg5[%get3A_39, %get3A_40] : memref<10x64xf32, #tpu.memory_space<vmem>>, vector<10x64xf32>
    %dot_general3A_42 = arith.constant dense<0.000000e+00> : vector<64x2048xf32>
    %dot_general3A_43 = tpu.matmul %get3A_41, %dot_general3A_33, %dot_general3A_42 {dimension_numbers = #tpu.dot_dimension_numbers<[0], [0], [1], [1], [0, 1, 1, 1], [], []>, transpose_lhs_hint = false} : vector<10x64xf32>, vector<10x2048xf32>, vector<64x2048xf32> -> vector<64x2048xf32>
    %get3A_44 = arith.constant 0 : index
    %get3A_45 = arith.constant 0 : index
    %get3A_46 = vector.load %arg6[%get3A_44, %get3A_45] : memref<10x64xf32, #tpu.memory_space<vmem>>, vector<10x64xf32>
    %dot_general3A_47 = arith.constant dense<0.000000e+00> : vector<64x2048xf32>
    %dot_general3A_48 = tpu.matmul %get3A_46, %dot_general3A_38, %dot_general3A_47 {dimension_numbers = #tpu.dot_dimension_numbers<[0], [0], [1], [1], [0, 1, 1, 1], [], []>, transpose_lhs_hint = false} : vector<10x64xf32>, vector<10x2048xf32>, vector<64x2048xf32> -> vector<64x2048xf32>
    %add3A = arith.addf %dot_general3A_43, %dot_general3A_48 : vector<64x2048xf32>
    %get3A_49 = arith.constant 0 : index
    %get3A_50 = arith.constant 0 : index
    %get3A_51 = vector.load %arg7[%get3A_49, %get3A_50] : memref<64x1xf32, #tpu.memory_space<vmem>>, vector<64x1xf32>
    %add3A_52 = vector.broadcast %get3A_51 : vector<64x1xf32> to vector<64x2048xf32>
    %add3A_53 = arith.addf %add3A, %add3A_52 : vector<64x2048xf32>
    %swap3A = arith.constant 0 : index
    %swap3A_54 = arith.constant 0 : index
    %swap3A_55 = vector.load %arg8[%swap3A, %swap3A_54] : memref<64x2048xf32, #tpu.memory_space<vmem>>, vector<64x2048xf32>
    tpu.vector_store %arg8[%swap3A, %swap3A_54], %add3A_53 {strides = array<i32>} : memref<64x2048xf32, #tpu.memory_space<vmem>>, vector<64x2048xf32>,
    return
  }
  func.func @transform_0(%arg0: i32) -> (i32, i32) {
    %c0_i32 = arith.constant 0 : i32
    %c0_i32_0 = arith.constant 0 : i32
    return %c0_i32, %arg0 : i32, i32
  }
  func.func @transform_1(%arg0: i32) -> (i32, i32) {
    %c0_i32 = arith.constant 0 : i32
    %c0_i32_0 = arith.constant 0 : i32
    return %c0_i32, %arg0 : i32, i32
  }
  func.func @transform_2(%arg0: i32) -> (i32, i32) {
    %c0_i32 = arith.constant 0 : i32
    %c0_i32_0 = arith.constant 0 : i32
    %c0_i32_1 = arith.constant 0 : i32
    return %c0_i32, %c0_i32_0 : i32, i32
  }
  func.func @transform_3(%arg0: i32) -> (i32, i32) {
    %c0_i32 = arith.constant 0 : i32
    %c0_i32_0 = arith.constant 0 : i32
    %c0_i32_1 = arith.constant 0 : i32
    return %c0_i32, %c0_i32_0 : i32, i32
  }
  func.func @transform_4(%arg0: i32) -> (i32, i32) {
    %c0_i32 = arith.constant 0 : i32
    %c0_i32_0 = arith.constant 0 : i32
    %c0_i32_1 = arith.constant 0 : i32
    return %c0_i32, %c0_i32_0 : i32, i32
  }
  func.func @transform_5(%arg0: i32) -> (i32, i32) {
    %c0_i32 = arith.constant 0 : i32
    %c0_i32_0 = arith.constant 0 : i32
    %c0_i32_1 = arith.constant 0 : i32
    return %c0_i32, %c0_i32_0 : i32, i32
  }
  func.func @transform_6(%arg0: i32) -> (i32, i32) {
    %c0_i32 = arith.constant 0 : i32
    %c0_i32_0 = arith.constant 0 : i32
    %c0_i32_1 = arith.constant 0 : i32
    return %c0_i32, %c0_i32_0 : i32, i32
  }
  func.func @transform_7(%arg0: i32) -> (i32, i32) {
    %c0_i32 = arith.constant 0 : i32
    %c0_i32_0 = arith.constant 0 : i32
    return %c0_i32, %arg0 : i32, i32
  }
}

module attributes {stable_mosaic.version = 14 : i64} {
  func.func @_post_body(%arg0: i32, %arg1: memref<10x8192xf32, #tpu.memory_space<vmem>>, %arg2: memref<64x8192xf32, #tpu.memory_space<vmem>>, %arg3: memref<10x64xf32, #tpu.memory_space<vmem>>, %arg4: memref<64x32xf32, #tpu.memory_space<vmem>>, %arg5: memref<32x1xf32, #tpu.memory_space<vmem>>, %arg6: memref<32x8192xf32, #tpu.memory_space<vmem>>) attributes {dimension_semantics = [#tpu.dimension_semantics<arbitrary>], iteration_bounds = array<i64: 2>, scalar_prefetch = 0 : i64, scratch_operands = 0 : i64, tpu.core_type = #tpu.core_type<tc>, window_params = [{transform_indices = @transform_0, window_bounds = array<i64: 10, 8192>}, {transform_indices = @transform_1, window_bounds = array<i64: 64, 8192>}, {pipeline_mode = #tpu.pipeline_mode<synchronous>, transform_indices = @transform_2, window_bounds = array<i64: 10, 64>}, {pipeline_mode = #tpu.pipeline_mode<synchronous>, transform_indices = @transform_3, window_bounds = array<i64: 64, 32>}, {pipeline_mode = #tpu.pipeline_mode<synchronous>, transform_indices = @transform_4, window_bounds = array<i64: 32, 1>}, {transform_indices = @transform_5, window_bounds = array<i64: 32, 8192>}]} {
    %get3A = arith.constant 0 : index
    %get3A_0 = arith.constant 0 : index
    %get3A_1 = vector.load %arg3[%get3A, %get3A_0] : memref<10x64xf32, #tpu.memory_space<vmem>>, vector<10x64xf32>
    %get3A_2 = arith.constant 0 : index
    %get3A_3 = arith.constant 0 : index
    %get3A_4 = vector.load %arg1[%get3A_2, %get3A_3] : memref<10x8192xf32, #tpu.memory_space<vmem>>, vector<10x8192xf32>
    %dot_general3A = arith.constant dense<0.000000e+00> : vector<64x8192xf32>
    %dot_general3A_5 = tpu.matmul %get3A_1, %get3A_4, %dot_general3A {dimension_numbers = #tpu.dot_dimension_numbers<[0], [0], [1], [1], [0, 1, 1, 1], [], []>, transpose_lhs_hint = false} : vector<10x64xf32>, vector<10x8192xf32>, vector<64x8192xf32> -> vector<64x8192xf32>
    %get3A_6 = arith.constant 0 : index
    %get3A_7 = arith.constant 0 : index
    %get3A_8 = vector.load %arg2[%get3A_6, %get3A_7] : memref<64x8192xf32, #tpu.memory_space<vmem>>, vector<64x8192xf32>
    %add3A = arith.addf %dot_general3A_5, %get3A_8 : vector<64x8192xf32>
    %max3A = arith.constant 0.000000e+00 : f32
    %max3A_9 = vector.broadcast %max3A : f32 to vector<64x8192xf32>
    %max3A_10 = arith.maximumf %add3A, %max3A_9 : vector<64x8192xf32>
    %get3A_11 = arith.constant 0 : index
    %get3A_12 = arith.constant 0 : index
    %get3A_13 = vector.load %arg4[%get3A_11, %get3A_12] : memref<64x32xf32, #tpu.memory_space<vmem>>, vector<64x32xf32>
    %dot_general3A_14 = arith.constant dense<0.000000e+00> : vector<32x8192xf32>
    %dot_general3A_15 = tpu.matmul %get3A_13, %max3A_10, %dot_general3A_14 {dimension_numbers = #tpu.dot_dimension_numbers<[0], [0], [1], [1], [0, 1, 1, 1], [], []>, transpose_lhs_hint = false} : vector<64x32xf32>, vector<64x8192xf32>, vector<32x8192xf32> -> vector<32x8192xf32>
    %get3A_16 = arith.constant 0 : index
    %get3A_17 = arith.constant 0 : index
    %get3A_18 = vector.load %arg5[%get3A_16, %get3A_17] : memref<32x1xf32, #tpu.memory_space<vmem>>, vector<32x1xf32>
    %add3A_19 = vector.broadcast %get3A_18 : vector<32x1xf32> to vector<32x8192xf32>
    %add3A_20 = arith.addf %dot_general3A_15, %add3A_19 : vector<32x8192xf32>
    %swap3A = arith.constant 0 : index
    %swap3A_21 = arith.constant 0 : index
    %swap3A_22 = vector.load %arg6[%swap3A, %swap3A_21] : memref<32x8192xf32, #tpu.memory_space<vmem>>, vector<32x8192xf32>
    tpu.vector_store %arg6[%swap3A, %swap3A_21], %add3A_20 {strides = array<i32>} : memref<32x8192xf32, #tpu.memory_space<vmem>>, vector<32x8192xf32>,
    return
  }
  func.func @transform_0(%arg0: i32) -> (i32, i32) {
    %c0_i32 = arith.constant 0 : i32
    %c0_i32_0 = arith.constant 0 : i32
    return %c0_i32, %arg0 : i32, i32
  }
  func.func @transform_1(%arg0: i32) -> (i32, i32) {
    %c0_i32 = arith.constant 0 : i32
    %c0_i32_0 = arith.constant 0 : i32
    return %c0_i32, %arg0 : i32, i32
  }
  func.func @transform_2(%arg0: i32) -> (i32, i32) {
    %c0_i32 = arith.constant 0 : i32
    %c0_i32_0 = arith.constant 0 : i32
    %c0_i32_1 = arith.constant 0 : i32
    return %c0_i32, %c0_i32_0 : i32, i32
  }
  func.func @transform_3(%arg0: i32) -> (i32, i32) {
    %c0_i32 = arith.constant 0 : i32
    %c0_i32_0 = arith.constant 0 : i32
    %c0_i32_1 = arith.constant 0 : i32
    return %c0_i32, %c0_i32_0 : i32, i32
  }
  func.func @transform_4(%arg0: i32) -> (i32, i32) {
    %c0_i32 = arith.constant 0 : i32
    %c0_i32_0 = arith.constant 0 : i32
    %c0_i32_1 = arith.constant 0 : i32
    return %c0_i32, %c0_i32_0 : i32, i32
  }
  func.func @transform_5(%arg0: i32) -> (i32, i32) {
    %c0_i32 = arith.constant 0 : i32
    %c0_i32_0 = arith.constant 0 : i32
    return %c0_i32, %arg0 : i32, i32
  }
}

</mosaic_0001>

<sc_bundles>
// kernel: kernel.5.cloned.1.call-start
scs
__scs_entry_jumppad:
0x0: {  	(pc) =	sbr.rel $0x88, $3  }
0x1: {  	(tag) =	ssettag $0x0;
	lr =	simm.s32 $0x1  }
0x2: {  	[smem:$0x3F97] =	sst lr;
	_ =	strace $0xD0000000  }
0x3: {  	_ = 	snop  }
0x4: {  	_ = 	snop  }
0x5: {  	_ = 	snop  }
0x6: {  	_ = 	snop  }
0x7: {  	_ = 	snop  }
__scs_overlays_trampoline_lowered:
0x8: {  	[smem:$0x3FA6] =	sst s0  }
0x9: {  	[smem:$0x3FA7] =	sst s1  }
0xa: {  	[smem:$0x3FA8] =	sst s2  }
0xb: {  	[smem:$0x3FA9] =	sst s3  }
0xc: {  	[smem:$0x3FAA] =	sst s4  }
0xd: {  	[smem:$0x3FAB] =	sst s5  }
0xe: {  	[smem:$0x3FAC] =	sst s6  }
0xf: {  	[smem:$0x3FAD] =	sst s7  }
0x10: {  	[smem:$0x3FAE] =	sst s8  }
0x11: {  	[smem:$0x3FAF] =	sst s9;
	s0 =	simm.s32 @!p0 $0x0  }
0x12: {  	s1 =	sld [smem:$0x3F95];
	s0 =	simm.s32 @p0 $0x1  }
0x13: {  	[smem:$0x3FB0] =	sst s0;
	s0 =	simm.s32 @!p1 $0x0  }
0x14: {  	s2 =	sld [smem:$0x3F94];
	s0 =	simm.s32 @p1 $0x1  }
0x15: {  	[smem:$0x3FB1] =	sst s0;
	s0 =	simm.s32 @!p2 $0x0  }
0x16: {  	s3 =	sld [smem:$0x3FDB];
	s0 =	simm.s32 @p2 $0x1  }
0x17: {  	s4 =	simm.s32 $0x1BF5;
	[smem:$0x3FB3] =	sst s0  }
0x18: {  	s0 =	sld [smem:$0x3F96];
	_ =	swait.ge [sflag:s4], $0x0  }
0x19: {  	s7 =	sld [smem:$0x3F97]  }
0x1a: {  	s8 =	sadd.s32 $0xFFFFE003, lr  }
0x1b: {  	s9 =	sadd.s32 $0xFFFFFEF7, lr;
	s5 =	simm.s32 $0xFFFFFFFF;
	p2 =	slt.u32 s8, $0xFFFFF086  }
0x1c: {  	p1 =	slt.u32 s9, $0xF7A;
	s5 =	simm.s32 @!p2 $0x0  }
0x1d: {  	s5 =	simm.s32 @p1 $0x1;
	p0 =	seq.s32 s7, s2  }
0x1e: {  	s7 =	smul.u32 @!p0 $0xF7A, s2;
	p2 =	seq.s32 @!p0 s5, $0x0  }
0x1f: {  	s9 =	smul.u32 $0xF7A, s1;
	s8 =	simm.s32 @!p0 $0x1BF5;
	p2 =	por !p2, p0  }
0x20: {  	[sflag:s8] =	ssyncset.s32 @!p0 $0xFFFFF086;
	s6 =	sadd.s32 @!p0 s3, s7;
	s7 =	simm.s32 @!p0 $0x108  }
0x21: {  	s3 =	sadd.s32 s3, s9;
	s6 =	sadd.s32 @!p0 $0x88, s6;
	s7 =	simm.s32 @p2 $0x1082  }
0x22: {  	[simem:s7], [sflag:s8] =	dma.local @!p0 [hbm:s6], $0xF7A  }
0x23: {  	s9 =	sor.u32 $0xD0000000, s2;
	s6 =	simm.s32 $0x108;
	_ =	swait.ge @!p0 [sflag:s8], $0x0  }
0x24: {  	s3 =	sadd.s32 $0x88, s3;
	s6 =	simm.s32 @!p1 $0x1082;
	[sflag:s4] =	ssyncset.s32 $0xFFFFF086  }
0x25: {  	[simem:s6], [sflag:s4] =	dma.local [hbm:s3], $0xF7A  }
0x26: {  	[smem:$0x3F97] =	sst s1;
	(tag) =	ssettag s2;
	_ =	strace s9  }
0x27: {  	s1 =	sld [smem:$0x3FA7]  }
0x28: {  	s2 =	sld [smem:$0x3FA8]  }
0x29: {  	s4 =	sld [smem:$0x3FAA]  }
0x2a: {  	p0 =	seq.s32 s5, $0x0;
	s5 =	sld [smem:$0x3FAB]  }
0x2b: {  	s6 =	sld [smem:$0x3FAC]  }
0x2c: {  	s7 =	sld [smem:$0x3FAD]  }
0x2d: {  	s3 =	simm.s32 $0x108;
	s8 =	sld [smem:$0x3FAE]  }
0x2e: {  	s3 =	simm.s32 @!p0 $0x1082;
	s9 =	sld [smem:$0x3FAF]  }
0x2f: {  	lr =	sadd.s32 s0, s3;
	s0 =	sld [smem:$0x3FA6]  }
0x30: {  	s3 =	sld [smem:$0x3FA9]  }
0x31: {  	[smem:$0x3FB2] =	sst s10  }
0x32: {  	s10 =	sld [smem:$0x3FB0];
	_ =	sdelay $0x3  }
0x33: {  	p0 =	seq.s32 s10, $0x1;
	s10 =	sld [smem:$0x3FB2];
	_ =	sdelay $0x3  }
0x34: {  	[smem:$0x3FB2] =	sst s10  }
0x35: {  	s10 =	sld [smem:$0x3FB1];
	_ =	sdelay $0x3  }
0x36: {  	p1 =	seq.s32 s10, $0x1;
	s10 =	sld [smem:$0x3FB2];
	_ =	sdelay $0x3  }
0x37: {  	[smem:$0x3FB2] =	sst s10  }
0x38: {  	s10 =	sld [smem:$0x3FB3]  }
0x39: {  	_ = 	snop;
	(pc) =	sbr.ind lr, $3  }
0x3a: {  	_ = 	snop  }
0x3b: {  	_ = 	snop  }
0x3c: {  	p2 =	seq.s32 s10, $0x1;
	s10 =	sld [smem:$0x3FB2]  }
0x3d: {  	_ =	shalt  }
0x3e: {  	_ =	shalt  }
0x3f: {  	_ =	shalt  }
0x40: {  	_ =	shalt  }
0x41: {  	_ =	shalt  }
0x42: {  	_ =	shalt  }
0x43: {  	_ =	shalt  }
0x44: {  	_ =	shalt  }
0x45: {  	_ =	shalt  }
0x46: {  	_ =	shalt  }
0x47: {  	_ =	shalt  }
0x48: {  	_ =	shalt  }
0x49: {  	_ =	shalt  }
0x4a: {  	_ =	shalt  }
0x4b: {  	_ =	shalt  }
0x4c: {  	_ =	shalt  }
0x4d: {  	_ =	shalt  }
0x4e: {  	_ =	shalt  }
0x4f: {  	_ =	shalt  }
0x50: {  	_ =	shalt  }
0x51: {  	_ =	shalt  }
0x52: {  	_ =	shalt  }
0x53: {  	_ =	shalt  }
0x54: {  	_ =	shalt  }
0x55: {  	_ =	shalt  }
0x56: {  	_ =	shalt  }
0x57: {  	_ =	shalt  }
0x58: {  	_ =	shalt  }
0x59: {  	_ =	shalt  }
0x5a: {  	_ =	shalt  }
0x5b: {  	_ =	shalt  }
0x5c: {  	_ =	shalt  }
0x5d: {  	_ =	shalt  }
0x5e: {  	_ =	shalt  }
0x5f: {  	_ =	shalt  }
0x60: {  	_ =	shalt  }
0x61: {  	_ =	shalt  }
0x62: {  	_ =	shalt  }
0x63: {  	_ =	shalt  }
0x64: {  	_ =	shalt  }
0x65: {  	_ =	shalt  }
0x66: {  	_ =	shalt  }
0x67: {  	_ =	shalt  }
0x68: {  	_ =	shalt  }
0x69: {  	_ =	shalt  }
0x6a: {  	_ =	shalt  }
0x6b: {  	_ =	shalt  }
0x6c: {  	_ =	shalt  }
0x6d: {  	_ =	shalt  }
0x6e: {  	_ =	shalt  }
0x6f: {  	_ =	shalt  }
0x70: {  	_ =	shalt  }
0x71: {  	_ =	shalt  }
0x72: {  	_ =	shalt  }
0x73: {  	_ =	shalt  }
0x74: {  	_ =	shalt  }
0x75: {  	_ =	shalt  }
0x76: {  	_ =	shalt  }
0x77: {  	_ =	shalt  }
0x78: {  	_ =	shalt  }
0x79: {  	_ =	shalt  }
0x7a: {  	_ =	shalt  }
0x7b: {  	_ =	shalt  }
0x7c: {  	_ =	shalt  }
0x7d: {  	_ =	shalt  }
0x7e: {  	_ =	shalt  }
0x7f: {  	_ =	shalt  }
0x80: {  	_ =	shalt  }
0x81: {  	_ =	shalt  }
0x82: {  	_ =	shalt  }
0x83: {  	_ =	shalt  }
0x84: {  	_ =	shalt  }
0x85: {  	_ =	shalt  }
0x86: {  	_ =	shalt  }
0x87: {  	_ =	shalt  }
.Lfunc_end0:
.L_simem_size_0:
called_computation_lowered:
.L_overlay_start_0:
0x88: {  	s2 =	sld [smem:$0x3FD9]  }
0x89: {  	s3 =	sld [smem:$0x3FFE];
	_ =	sdelay $0x1  }
0x8a: {  	s1 =	srdreg.scid  }
0x8b: {  	s0 =	sand.u32 $0x1, s1  }
0x8c: {  	s18 =	sshll.u32 s0, $0xA;
	s2 =	sadd.s32 s3, s2  }
0x8d: {  	s2 =	sadd.s32 s2, s18  }
0x8e: {  	[smem:$0x3FBE] =	sst s2  }
0x8f: {  	_ = 	snop  }
0x90: {  	s2 =	sld [smem:$0x3FC9]  }
0x91: {  	s19 =	sld [smem:$0x3FC6]  }
0x92: {  	s4 =	sld [smem:$0x3FD0];
	(tm) =	ssettm $0x1  }
0x93: {  	s5 =	sld [smem:$0x3FFB];
	_ =	sdelay $0x3  }
0x94: {  	_ =	strace s5  }
0x95: {  	s5 =	sld [smem:$0x3FFC];
	_ =	sdelay $0x3  }
0x96: {  	_ =	strace s5  }
0x97: {  	s5 =	sld [smem:$0x3FFD];
	_ =	sdelay $0x3  }
0x98: {  	_ =	strace s5  }
0x99: {  	_ =	strace $0x8FFFFFFF  }
0x9a: {  	s20 =	sld [smem:$0x3FDB];
	_ =	sdelay $0x1  }
0x9b: {  	s6 =	simm.s32 $_scs_section_size  }
0x9c: {  	s7 =	simm.s32 $_size__tile_overlayer_lowered;
	s8 =	simm.s32 $_tile_overlayer_lowered  }
0x9d: {  	s23 =	simm.s32 $0x1BFF;
	s22 =	sshll.u32 s8, $0x1;
	s5 =	sadd.s32 s6, s20  }
0x9e: {  	s9 =	simm.s32 $0x0;
	s21 =	sshll.u32 s7, $0x1;
	s7 =	sadd.s32 s22, s5  }
0x9f: {  	[timem:s9], [sflag:s23] =	dma.local [hbm:s7], s21  }
0xa0: {  	_ =	swait.ge [sflag:s23], s21  }
0xa1: {  	s6 =	ssub.s32 $0x0, s21;
	[sflag:s23] =	ssyncset.done $0x0  }
0xa2: {  	[sflag:s23] =	ssyncadd.s32 s6;
	_ =	sdelay $0x1  }
0xa3: {  	s24 =	simm.s32 $0x1B8B  }
0xa4: {  	_ =	swait.ge [sflag:s24], $0x1  }
0xa5: {  	[sflag:s24] =	ssyncset.done $0x0  }
0xa6: {  	s25 =	simm.s32 $0x1B8E;
	[sflag:s24] =	ssyncadd.s32 $0xFFFFFFFF  }
0xa7: {  	s26 =	simm.s32 $execute0_lowered;
	[smem:$0x3FD2] =	sst s25  }
0xa8: {  	s6 =	sshll.u32 s26, $0x1;
	_ =	strace $0x80000046;
	[dreg:$0x1] =	wrdreg $0xFFFFFFFF  }
0xa9: {  	s28 =	simm.s32 $_size_execute0_lowered;
	s5 =	sadd.s32 s5, s6;
	[dreg:$0x0] =	wrdreg $0x0  }
0xaa: {  	s6 =	sshll.u32 s28, $0x1;
	[dreg:$0x2] =	wrdreg s5  }
0xab: {  	[dreg:$0x3] =	wrdreg s6  }
0xac: {  	[dreg:$0x4] =	wrdreg $0xC0  }
0xad: {  	_ =	task [dreg:s9], $0x5FFFF  }
0xae: {  	[dreg:$0x1] =	wrdreg $0xFFFFFFFF  }
0xaf: {  	[dreg:$0x0] =	wrdreg $0x60  }
0xb0: {  	[dreg:$0x2] =	wrdreg s19  }
0xb1: {  	[dreg:$0x3] =	wrdreg s2  }
0xb2: {  	[dreg:$0x4] =	wrdreg s4  }
0xb3: {  	[dreg:$0x5] =	wrdreg $0x9  }
0xb4: {  	_ =	task.clear_ibuf [dreg:s9], $0x6FFFF;
	_ =	strace $0x90000046  }
0xb5: {  	s29 =	simm.s32 $0x9;
	_ =	strace $0x80000048  }
0xb6: {  	_ =	swait.ge [sflag:s29], $0x1  }
0xb7: {  	[sflag:s29] =	ssyncadd.s32 $0xFFFFFFFF  }
0xb8: {  	_ =	strace $0x90000048  }
0xb9: {  	_ =	sfence  }
0xba: {  	s30 =	sld [smem:$0x0];
	_ =	sdelay $0x2  }
0xbb: {  	s31 =	sshll.u32 s1, $0xD;
	s1 =	sshrl.u32 s1, $0x2  }
0xbc: {  	s3 =	sand.u32 $0x4000, s31;
	s1 =	sadd.s32 s1, s30  }
0xbd: {  	s0 =	sor.u32 s3, s0;
	s1 =	sshll.u32 s1, $0x11  }
0xbe: {  	s0 =	sor.u32 s1, s0  }
0xbf: {  	s0 =	sadd.s32 $0x8F2B, s0  }
0xc0: {  	[sflag:s0] =	ssyncadd.remote.s32 $0x1  }
0xc1: {  	_ =	sfence.sel $0xFFFF  }
0xc2: {  	[dreg:$0x0] =	wrdreg $0xFFFFFFFF;
	(pc) =	sbr.abs _section_cstart, $3  }
0xc3: {  	[dreg:$0x1] =	wrdreg $0xFFFFFFFF  }
0xc4: {  	_ =	task.clear_ibuf [dreg:s9], $0x2FFFF;
	_ =	strace $0x9FFFFFFF  }
0xc5: {  	(tm) =	ssettm $0x7FFFFFFF  }
tec
execute0_lowered:
.L_overlay_start_1:
0x0: {  	(tag) =	ssettag $0x1  }
0x1: {  	s1 =	rddreg [dreg:$0x0]  }
0x2: {  	s0 =	rddreg [dreg:$0x1]  }
0x3: {  	s2 =	rddreg [dreg:$0x2];
	s3 =	srdreg.scid;
	v0 =	vlaneseq.u32  }
0x4: {  	s5 =	stileid.u32;
	s8 =	simm.s32 $0x200;
	s9 =	simm.s32 $0x11500;
	v1 =	vmul.u32 $0x500, v0  }
0x5: {  	s13 =	simm.s32 $0x11900;
	s10 =	simm.s32 $0x11A00;
	s11 =	simm.s32 $0x11E00  }
0x6: {  	s12 =	simm.s32 $0x11F00;
	s14 =	simm.s32 $0x12300;
	s15 =	simm.s32 $0x12400;
	v2 =	vor.u32 $0x80, v1;
	v3 =	vadd.s32 $0x100, v1;
	v4 =	vadd.s32 $0x180, v1  }
0x7: {  	s16 =	simm.s32 $0x12800;
	s17 =	simm.s32 $0x12900;
	s18 =	simm.s32 $0x12D00;
	v5 =	vadd.s32 $0x200, v1;
	v6 =	vadd.s32 $0x280, v1;
	v7 =	vadd.s32 $0x300, v1  }
0x8: {  	s19 =	simm.s32 $0x12E00;
	s20 =	simm.s32 $0x13200;
	s21 =	simm.s32 $0x13300;
	v8 =	vadd.s32 $0x380, v1;
	v9 =	vadd.s32 $0x400, v1;
	v10 =	vadd.s32 $0x480, v1  }
0x9: {  	s22 =	simm.s32 $0x13700;
	s23 =	simm.s32 $0x13800;
	s28 =	simm.s32 $0x2;
	v11 =	vadd.s32 $0x5000, v1;
	v12 =	vadd.s32 $0x5080, v1;
	v13 =	vadd.s32 $0x5100, v1  }
0xa: {  	s29 =	simm.s32 $0x14200;
	s30 =	simm.s32 $0x3;
	s31 =	simm.s32 $0x4;
	v14 =	vadd.s32 $0x5180, v1;
	v15 =	vadd.s32 $0x5200, v1;
	v16 =	vadd.s32 $0x5280, v1  }
0xb: {  	s4 =	sand.u32 $0x1, s3;
	s3 =	simm.s32 $0x0;
	s5 =	sshll.u32 s5, $0xA;
	v17 =	vadd.s32 $0x5300, v1;
	v18 =	vadd.s32 $0x5380, v1;
	v19 =	vadd.s32 $0x5400, v1  }
0xc: {  	s6 =	sshll.u32 s4, $0x9;
	[smem:$0x7FF] =	sst s3;
	s4 =	ssub.s32 $0x2, s4;
	v20 =	vadd.s32 $0x5480, v1;
	v21 =	vadd.s32 $0xA000, v1;
	v22 =	vadd.s32 $0xA080, v1  }
0xd: {  	s5 =	sor.u32 s6, s5;
	_ =	strace $0x80000047;
	s24 =	sshrl.u32 s4, $0x1;
	v23 =	vadd.s32 $0xA100, v1;
	v24 =	vadd.s32 $0xA180, v1;
	v25 =	vadd.s32 $0xA200, v1  }
.Ltmp0:
0xe: {  	s6 =	simm.s32 $0x1000;
	v26 =	vadd.s32 $0xA280, v1;
	v27 =	vadd.s32 $0xA300, v1;
	v28 =	vadd.s32 $0xA380, v1;
	s7 =	sshrl.u32 s5, $0x3;
	(pc) =	sbr.rel .LBB2_1-.Ltmp0, $4  }
0xf: {  	v29 =	vadd.s32 $0xA400, v1;
	v30 =	vadd.s32 $0xA480, v1;
	v31 =	vadd.s32 $0xF000, v1;
	s4 =	ssub.s32 s4, s24;
	s25 =	sadd.s32 s2, s5;
	s24 =	simm.s32 $0x13C00  }
0x10: {  	v32 =	vadd.s32 $0xF080, v1;
	v33 =	vadd.s32 $0xF100, v1;
	v34 =	vadd.s32 $0xF180, v1;
	s5 =	simm.s32 $0x0;
	s0 =	sadd.s32 s0, s7;
	[dreg:$0x5] =	wrdreg s25  }
0x11: {  	v35 =	vadd.s32 $0xF200, v1;
	v36 =	vadd.s32 $0xF280, v1;
	v37 =	vadd.s32 $0xF300, v1;
	s26 =	smax.u32 s4, $0x1;
	s25 =	simm.s32 $0x13D00;
	[dreg:$0x4] =	wrdreg s0  }
0x12: {  	v38 =	vadd.s32 $0xF380, v1;
	v39 =	vadd.s32 $0xF400, v1;
	v40 =	vadd.s32 $0xF480, v1;
	[dreg:$0x6] =	wrdreg s26;
	s26 =	simm.s32 $0x14100;
	s0 =	simm.s32 $0x5  }
.LBB2_9:
0x13: {  	s2 =	rddreg [dreg:$0x5];
	s4 =	simm.s32 $0x20000  }
0x14: {  	[hbm4b:s2+s6] =	stream.strided.scatter [tilespmem:s29], [sflag:$0x6], $0x2000, s4, s6, $0x38;
	[tilespmem:$0x16200] =	vst v63  }
0x15: {  	s4 =	simm.s32 $0x6  }
0x16: {  	_ =	swait.ge [sflag:s4], $0x2000  }
0x17: {  	s5 =	rddreg [dreg:$0x7]  }
0x18: {  	s7 =	rddreg [dreg:$0x6];
	s5 =	sadd.s32 $0x1, s5  }
0x19: {  	p0 =	sne.s32 s5, s7  }
.Ltmp1:
0x1a: {  	_ = 	snop;
	(pc) =	sbr.rel @!p0 .LBB2_10-.Ltmp1, $3  }
0x1b: {  	_ =	sdelay $0x1  }
0x1c: {  	[sflag:s4] =	ssyncset.done $0x0  }
0x1d: {  	[sflag:s4] =	ssyncadd.s32 $0xFFFFE000  }
.LBB2_1:
0x1e: {  	[dreg:$0x7] =	wrdreg s5  }
0x1f: {  	s2 =	rddreg [dreg:$0x4];
	s5 =	simm.s32 $0x1  }
0x20: {  	[tilespmem:s3], [sflag:$0x1] =	stream.linear.gather [hbm4b:s2+s3], $0x200, $0x38;
	[tilespmem:$0x16200] =	vst v63  }
0x21: {  	_ =	swait.ge [sflag:s5], $0x200  }
0x22: {  	[sflag:s5] =	ssyncset.done $0x0  }
0x23: {  	[sflag:s5] =	ssyncadd.s32 $0xFFFFFE00  }
0x24: {  	v41 =	vld [tilespmem:$0x0];
	_ =	sdelay $0x4  }
0x25: {  	v41 =	vshrl.u32 v41, $0x7  }
0x26: {  	v41 =	vshll.u32 v41, $0x7  }
0x27: {  	(v2sf) =	vpush v41, $0x0;
	_ =	sdelay $0x5  }
0x28: {  	(v2sf) =	vpush v41, $0x1;
	_ =	sdelay $0x3  }
0x29: {  	(v2sf) =	vpush v41, $0x2;
	_ =	sdelay $0x4  }
0x2a: {  	s7 =	spop (v2sf)  }
0x2b: {  	s2 =	sand.u32 $0x1FFFFF80, s7  }
0x2c: {  	(v2sf) =	vpush v41, $0x3;
	s2 =	sadd.s32 s1, s2  }
0x2d: {  	[tilespmem:s8], [sflag:$0x2] =	stream.linear.gather [hbm4b:s2+s3], $0x400, $0x38;
	[tilespmem:$0x16200] =	vst v63  }
0x2e: {  	s4 =	simm.s32 $0x600;
	s2 =	sadd.s32 $0xF4280, s2  }
0x2f: {  	[tilespmem:s4], [sflag:$0x2] =	stream.linear.gather [hbm4b:s2+s3], $0x100, $0x38;
	[tilespmem:$0x16200] =	vst v63  }
0x30: {  	s4 =	spop (v2sf)  }
0x31: {  	s2 =	sand.u32 $0x1FFFFF80, s4  }
0x32: {  	s5 =	simm.s32 $0x700;
	(v2sf) =	vpush v41, $0x4;
	s2 =	sadd.s32 s1, s2  }
0x33: {  	[tilespmem:s5], [sflag:$0x2] =	stream.linear.gather [hbm4b:s2+s3], $0x400, $0x38;
	[tilespmem:$0x16200] =	vst v63  }
0x34: {  	s7 =	simm.s32 $0xB00;
	s2 =	sadd.s32 $0xF4280, s2;
	s5 =	spop (v2sf)  }
0x35: {  	[tilespmem:s7], [sflag:$0x2] =	stream.linear.gather [hbm4b:s2+s3], $0x100, $0x38;
	[tilespmem:$0x16200] =	vst v63  }
0x36: {  	(v2sf) =	vpush v41, $0x5;
	s2 =	sand.u32 $0x1FFFFF80, s5  }
0x37: {  	s7 =	simm.s32 $0xC00;
	s2 =	sadd.s32 s1, s2  }
0x38: {  	[tilespmem:s7], [sflag:$0x2] =	stream.linear.gather [hbm4b:s2+s3], $0x400, $0x38;
	[tilespmem:$0x16200] =	vst v63  }
0x39: {  	s2 =	sadd.s32 $0xF4280, s2  }
0x3a: {  	[tilespmem:s6], [sflag:$0x2] =	stream.linear.gather [hbm4b:s2+s3], $0x100, $0x38;
	[tilespmem:$0x16200] =	vst v63  }
0x3b: {  	s4 =	spop (v2sf)  }
0x3c: {  	s2 =	sand.u32 $0x1FFFFF80, s4  }
0x3d: {  	s5 =	simm.s32 $0x1100;
	(v2sf) =	vpush v41, $0x6;
	s2 =	sadd.s32 s1, s2  }
0x3e: {  	[tilespmem:s5], [sflag:$0x2] =	stream.linear.gather [hbm4b:s2+s3], $0x400, $0x38;
	[tilespmem:$0x16200] =	vst v63  }
0x3f: {  	s7 =	simm.s32 $0x1500;
	s2 =	sadd.s32 $0xF4280, s2  }
0x40: {  	[tilespmem:s7], [sflag:$0x2] =	stream.linear.gather [hbm4b:s2+s3], $0x100, $0x38;
	[tilespmem:$0x16200] =	vst v63  }
0x41: {  	s4 =	spop (v2sf)  }
0x42: {  	s2 =	sand.u32 $0x1FFFFF80, s4  }
0x43: {  	s5 =	simm.s32 $0x1600;
	(v2sf) =	vpush v41, $0x7;
	s2 =	sadd.s32 s1, s2  }
0x44: {  	[tilespmem:s5], [sflag:$0x2] =	stream.linear.gather [hbm4b:s2+s3], $0x400, $0x38;
	[tilespmem:$0x16200] =	vst v63  }
0x45: {  	s7 =	simm.s32 $0x1A00;
	s2 =	sadd.s32 $0xF4280, s2;
	s4 =	spop (v2sf)  }
0x46: {  	[tilespmem:s7], [sflag:$0x2] =	stream.linear.gather [hbm4b:s2+s3], $0x100, $0x38;
	[tilespmem:$0x16200] =	vst v63  }
0x47: {  	(v2sf) =	vpush v41, $0x8;
	s2 =	sand.u32 $0x1FFFFF80, s4  }
0x48: {  	s5 =	simm.s32 $0x1B00;
	s2 =	sadd.s32 s1, s2  }
0x49: {  	[tilespmem:s5], [sflag:$0x2] =	stream.linear.gather [hbm4b:s2+s3], $0x400, $0x38;
	[tilespmem:$0x16200] =	vst v63  }
0x4a: {  	s7 =	simm.s32 $0x1F00;
	s2 =	sadd.s32 $0xF4280, s2  }
0x4b: {  	[tilespmem:s7], [sflag:$0x2] =	stream.linear.gather [hbm4b:s2+s3], $0x100, $0x38;
	[tilespmem:$0x16200] =	vst v63  }
0x4c: {  	s4 =	spop (v2sf)  }
0x4d: {  	s2 =	sand.u32 $0x1FFFFF80, s4  }
0x4e: {  	s5 =	simm.s32 $0x2000;
	(v2sf) =	vpush v41, $0x9;
	s2 =	sadd.s32 s1, s2  }
0x4f: {  	[tilespmem:s5], [sflag:$0x2] =	stream.linear.gather [hbm4b:s2+s3], $0x400, $0x38;
	[tilespmem:$0x16200] =	vst v63  }
0x50: {  	s7 =	simm.s32 $0x2400;
	s2 =	sadd.s32 $0xF4280, s2  }
0x51: {  	[tilespmem:s7], [sflag:$0x2] =	stream.linear.gather [hbm4b:s2+s3], $0x100, $0x38;
	[tilespmem:$0x16200] =	vst v63  }
0x52: {  	s4 =	spop (v2sf)  }
0x53: {  	s2 =	sand.u32 $0x1FFFFF80, s4  }
0x54: {  	s5 =	simm.s32 $0x2500;
	(v2sf) =	vpush v41, $0xA;
	s2 =	sadd.s32 s1, s2  }
0x55: {  	[tilespmem:s5], [sflag:$0x2] =	stream.linear.gather [hbm4b:s2+s3], $0x400, $0x38;
	[tilespmem:$0x16200] =	vst v63  }
0x56: {  	s7 =	simm.s32 $0x2900;
	s2 =	sadd.s32 $0xF4280, s2;
	s4 =	spop (v2sf)  }
0x57: {  	[tilespmem:s7], [sflag:$0x2] =	stream.linear.gather [hbm4b:s2+s3], $0x100, $0x38;
	[tilespmem:$0x16200] =	vst v63  }
0x58: {  	(v2sf) =	vpush v41, $0xB;
	s2 =	sand.u32 $0x1FFFFF80, s4  }
0x59: {  	s5 =	simm.s32 $0x2A00;
	s2 =	sadd.s32 s1, s2  }
0x5a: {  	[tilespmem:s5], [sflag:$0x2] =	stream.linear.gather [hbm4b:s2+s3], $0x400, $0x38;
	[tilespmem:$0x16200] =	vst v63  }
0x5b: {  	s7 =	simm.s32 $0x2E00;
	s2 =	sadd.s32 $0xF4280, s2  }
0x5c: {  	[tilespmem:s7], [sflag:$0x2] =	stream.linear.gather [hbm4b:s2+s3], $0x100, $0x38;
	[tilespmem:$0x16200] =	vst v63  }
0x5d: {  	s4 =	spop (v2sf)  }
0x5e: {  	s2 =	sand.u32 $0x1FFFFF80, s4  }
0x5f: {  	s5 =	simm.s32 $0x2F00;
	(v2sf) =	vpush v41, $0xC;
	s2 =	sadd.s32 s1, s2  }
0x60: {  	[tilespmem:s5], [sflag:$0x2] =	stream.linear.gather [hbm4b:s2+s3], $0x400, $0x38;
	[tilespmem:$0x16200] =	vst v63  }
0x61: {  	s7 =	simm.s32 $0x3300;
	s2 =	sadd.s32 $0xF4280, s2  }
0x62: {  	[tilespmem:s7], [sflag:$0x2] =	stream.linear.gather [hbm4b:s2+s3], $0x100, $0x38;
	[tilespmem:$0x16200] =	vst v63  }
0x63: {  	s4 =	spop (v2sf)  }
0x64: {  	s2 =	sand.u32 $0x1FFFFF80, s4  }
0x65: {  	s5 =	simm.s32 $0x3400;
	(v2sf) =	vpush v41, $0xD;
	s2 =	sadd.s32 s1, s2  }
0x66: {  	[tilespmem:s5], [sflag:$0x2] =	stream.linear.gather [hbm4b:s2+s3], $0x400, $0x38;
	[tilespmem:$0x16200] =	vst v63  }
0x67: {  	s7 =	simm.s32 $0x3800;
	s2 =	sadd.s32 $0xF4280, s2;
	s4 =	spop (v2sf)  }
0x68: {  	[tilespmem:s7], [sflag:$0x2] =	stream.linear.gather [hbm4b:s2+s3], $0x100, $0x38;
	[tilespmem:$0x16200] =	vst v63  }
0x69: {  	(v2sf) =	vpush v41, $0xE;
	s2 =	sand.u32 $0x1FFFFF80, s4  }
0x6a: {  	s5 =	simm.s32 $0x3900;
	s2 =	sadd.s32 s1, s2  }
0x6b: {  	[tilespmem:s5], [sflag:$0x2] =	stream.linear.gather [hbm4b:s2+s3], $0x400, $0x38;
	[tilespmem:$0x16200] =	vst v63  }
0x6c: {  	s7 =	simm.s32 $0x3D00;
	s2 =	sadd.s32 $0xF4280, s2  }
0x6d: {  	[tilespmem:s7], [sflag:$0x2] =	stream.linear.gather [hbm4b:s2+s3], $0x100, $0x38;
	[tilespmem:$0x16200] =	vst v63  }
0x6e: {  	s4 =	spop (v2sf)  }
0x6f: {  	s2 =	sand.u32 $0x1FFFFF80, s4  }
0x70: {  	s5 =	simm.s32 $0x3E00;
	(v2sf) =	vpush v41, $0xF;
	s2 =	sadd.s32 s1, s2  }
0x71: {  	[tilespmem:s5], [sflag:$0x2] =	stream.linear.gather [hbm4b:s2+s3], $0x400, $0x38;
	[tilespmem:$0x16200] =	vst v63  }
0x72: {  	s7 =	simm.s32 $0x4200;
	s2 =	sadd.s32 $0xF4280, s2  }
0x73: {  	[tilespmem:s7], [sflag:$0x2] =	stream.linear.gather [hbm4b:s2+s3], $0x100, $0x38;
	[tilespmem:$0x16200] =	vst v63  }
0x74: {  	s4 =	spop (v2sf)  }
0x75: {  	s2 =	sand.u32 $0x1FFFFF80, s4  }
0x76: {  	s5 =	simm.s32 $0x4300;
	s2 =	sadd.s32 s1, s2  }
0x77: {  	[tilespmem:s5], [sflag:$0x2] =	stream.linear.gather [hbm4b:s2+s3], $0x400, $0x38;
	[tilespmem:$0x16200] =	vst v63  }
0x78: {  	s7 =	simm.s32 $0x4700;
	s2 =	sadd.s32 $0xF4280, s2;
	s4 =	spop (v2sf)  }
0x79: {  	[tilespmem:s7], [sflag:$0x2] =	stream.linear.gather [hbm4b:s2+s3], $0x100, $0x38;
	[tilespmem:$0x16200] =	vst v63  }
0x7a: {  	s2 =	sand.u32 $0x1FFFFF80, s4  }
0x7b: {  	s5 =	simm.s32 $0x4800;
	s2 =	sadd.s32 s1, s2  }
0x7c: {  	[tilespmem:s5], [sflag:$0x2] =	stream.linear.gather [hbm4b:s2+s3], $0x400, $0x38;
	[tilespmem:$0x16200] =	vst v63  }
0x7d: {  	s7 =	simm.s32 $0x4C00;
	s2 =	sadd.s32 $0xF4280, s2  }
0x7e: {  	[tilespmem:s7], [sflag:$0x2] =	stream.linear.gather [hbm4b:s2+s3], $0x100, $0x38;
	[tilespmem:$0x16200] =	vst v63  }
0x7f: {  	s4 =	spop (v2sf)  }
0x80: {  	s2 =	sand.u32 $0x1FFFFF80, s4  }
0x81: {  	s5 =	simm.s32 $0x4D00;
	s2 =	sadd.s32 s1, s2  }
0x82: {  	[tilespmem:s5], [sflag:$0x2] =	stream.linear.gather [hbm4b:s2+s3], $0x400, $0x38;
	[tilespmem:$0x16200] =	vst v63  }
0x83: {  	s7 =	simm.s32 $0x5100;
	s2 =	sadd.s32 $0xF4280, s2  }
0x84: {  	[tilespmem:s7], [sflag:$0x2] =	stream.linear.gather [hbm4b:s2+s3], $0x100, $0x38;
	[tilespmem:$0x16200] =	vst v63  }
0x85: {  	v62 =	vld [tilespmem:$0x10];
	_ =	sdelay $0x4  }
0x86: {  	v41 =	vshrl.u32 v62, $0x7  }
0x87: {  	v41 =	vshll.u32 v41, $0x7  }
0x88: {  	(v2sf) =	vpush v41, $0x0;
	_ =	sdelay $0x3  }
0x89: {  	(v2sf) =	vpush v41, $0x1;
	_ =	sdelay $0x4  }
0x8a: {  	(v2sf) =	vpush v41, $0x2;
	_ =	sdelay $0x5  }
0x8b: {  	s4 =	spop (v2sf)  }
0x8c: {  	(v2sf) =	vpush v41, $0x3;
	s2 =	sand.u32 $0x1FFFFF80, s4  }
0x8d: {  	s5 =	simm.s32 $0x5200;
	s2 =	sadd.s32 s1, s2  }
0x8e: {  	[tilespmem:s5], [sflag:$0x3] =	stream.linear.gather [hbm4b:s2+s3], $0x400, $0x38;
	[tilespmem:$0x16200] =	vst v63  }
0x8f: {  	s7 =	simm.s32 $0x5600;
	s4 =	spop (v2sf);
	s2 =	sadd.s32 $0xF4280, s2  }
0x90: {  	(v2sf) =	vpush v41, $0x4;
	[tilespmem:s7], [sflag:$0x3] =	stream.linear.gather [hbm4b:s2+s3], $0x100, $0x38;
	[tilespmem:$0x16200] =	vst v63  }
0x91: {  	s2 =	sand.u32 $0x1FFFFF80, s4  }
0x92: {  	s5 =	simm.s32 $0x5700;
	s2 =	sadd.s32 s1, s2  }
0x93: {  	[tilespmem:s5], [sflag:$0x3] =	stream.linear.gather [hbm4b:s2+s3], $0x400, $0x38;
	[tilespmem:$0x16200] =	vst v63  }
0x94: {  	s7 =	simm.s32 $0x5B00;
	s4 =	spop (v2sf);
	s2 =	sadd.s32 $0xF4280, s2  }
0x95: {  	(v2sf) =	vpush v41, $0x5;
	[tilespmem:s7], [sflag:$0x3] =	stream.linear.gather [hbm4b:s2+s3], $0x100, $0x38;
	[tilespmem:$0x16200] =	vst v63  }
0x96: {  	s2 =	sand.u32 $0x1FFFFF80, s4  }
0x97: {  	s5 =	simm.s32 $0x5C00;
	s2 =	sadd.s32 s1, s2  }
0x98: {  	[tilespmem:s5], [sflag:$0x3] =	stream.linear.gather [hbm4b:s2+s3], $0x400, $0x38;
	[tilespmem:$0x16200] =	vst v63  }
0x99: {  	s7 =	simm.s32 $0x6000;
	s2 =	sadd.s32 $0xF4280, s2  }
0x9a: {  	[tilespmem:s7], [sflag:$0x3] =	stream.linear.gather [hbm4b:s2+s3], $0x100, $0x38;
	[tilespmem:$0x16200] =	vst v63  }
0x9b: {  	s4 =	spop (v2sf)  }
0x9c: {  	(v2sf) =	vpush v41, $0x6;
	s2 =	sand.u32 $0x1FFFFF80, s4  }
0x9d: {  	s5 =	simm.s32 $0x6100;
	s2 =	sadd.s32 s1, s2  }
0x9e: {  	[tilespmem:s5], [sflag:$0x3] =	stream.linear.gather [hbm4b:s2+s3], $0x400, $0x38;
	[tilespmem:$0x16200] =	vst v63  }
0x9f: {  	s7 =	simm.s32 $0x6500;
	s4 =	spop (v2sf);
	s2 =	sadd.s32 $0xF4280, s2  }
0xa0: {  	(v2sf) =	vpush v41, $0x7;
	[tilespmem:s7], [sflag:$0x3] =	stream.linear.gather [hbm4b:s2+s3], $0x100, $0x38;
	[tilespmem:$0x16200] =	vst v63  }
0xa1: {  	s2 =	sand.u32 $0x1FFFFF80, s4  }
0xa2: {  	s5 =	simm.s32 $0x6600;
	s2 =	sadd.s32 s1, s2  }
0xa3: {  	[tilespmem:s5], [sflag:$0x3] =	stream.linear.gather [hbm4b:s2+s3], $0x400, $0x38;
	[tilespmem:$0x16200] =	vst v63  }
0xa4: {  	s7 =	simm.s32 $0x6A00;
	s4 =	spop (v2sf);
	s2 =	sadd.s32 $0xF4280, s2  }
0xa5: {  	(v2sf) =	vpush v41, $0x8;
	[tilespmem:s7], [sflag:$0x3] =	stream.linear.gather [hbm4b:s2+s3], $0x100, $0x38;
	[tilespmem:$0x16200] =	vst v63  }
0xa6: {  	s2 =	sand.u32 $0x1FFFFF80, s4  }
0xa7: {  	s5 =	simm.s32 $0x6B00;
	s2 =	sadd.s32 s1, s2  }
0xa8: {  	[tilespmem:s5], [sflag:$0x3] =	stream.linear.gather [hbm4b:s2+s3], $0x400, $0x38;
	[tilespmem:$0x16200] =	vst v63  }
0xa9: {  	s7 =	simm.s32 $0x6F00;
	s2 =	sadd.s32 $0xF4280, s2  }
0xaa: {  	[tilespmem:s7], [sflag:$0x3] =	stream.linear.gather [hbm4b:s2+s3], $0x100, $0x38;
	[tilespmem:$0x16200] =	vst v63  }
0xab: {  	s4 =	spop (v2sf)  }
0xac: {  	(v2sf) =	vpush v41, $0x9;
	s2 =	sand.u32 $0x1FFFFF80, s4  }
0xad: {  	s5 =	simm.s32 $0x7000;
	s2 =	sadd.s32 s1, s2  }
0xae: {  	[tilespmem:s5], [sflag:$0x3] =	stream.linear.gather [hbm4b:s2+s3], $0x400, $0x38;
	[tilespmem:$0x16200] =	vst v63  }
0xaf: {  	s7 =	simm.s32 $0x7400;
	s4 =	spop (v2sf);
	s2 =	sadd.s32 $0xF4280, s2  }
0xb0: {  	(v2sf) =	vpush v41, $0xA;
	[tilespmem:s7], [sflag:$0x3] =	stream.linear.gather [hbm4b:s2+s3], $0x100, $0x38;
	[tilespmem:$0x16200] =	vst v63  }
0xb1: {  	s2 =	sand.u32 $0x1FFFFF80, s4  }
0xb2: {  	s5 =	simm.s32 $0x7500;
	s2 =	sadd.s32 s1, s2  }
0xb3: {  	[tilespmem:s5], [sflag:$0x3] =	stream.linear.gather [hbm4b:s2+s3], $0x400, $0x38;
	[tilespmem:$0x16200] =	vst v63  }
0xb4: {  	s7 =	simm.s32 $0x7900;
	s4 =	spop (v2sf);
	s2 =	sadd.s32 $0xF4280, s2  }
0xb5: {  	(v2sf) =	vpush v41, $0xB;
	[tilespmem:s7], [sflag:$0x3] =	stream.linear.gather [hbm4b:s2+s3], $0x100, $0x38;
	[tilespmem:$0x16200] =	vst v63  }
0xb6: {  	s2 =	sand.u32 $0x1FFFFF80, s4  }
0xb7: {  	s5 =	simm.s32 $0x7A00;
	s2 =	sadd.s32 s1, s2  }
0xb8: {  	[tilespmem:s5], [sflag:$0x3] =	stream.linear.gather [hbm4b:s2+s3], $0x400, $0x38;
	[tilespmem:$0x16200] =	vst v63  }
0xb9: {  	s7 =	simm.s32 $0x7E00;
	s2 =	sadd.s32 $0xF4280, s2  }
0xba: {  	[tilespmem:s7], [sflag:$0x3] =	stream.linear.gather [hbm4b:s2+s3], $0x100, $0x38;
	[tilespmem:$0x16200] =	vst v63  }
0xbb: {  	s4 =	spop (v2sf)  }
0xbc: {  	(v2sf) =	vpush v41, $0xC;
	s2 =	sand.u32 $0x1FFFFF80, s4  }
0xbd: {  	s5 =	simm.s32 $0x7F00;
	s2 =	sadd.s32 s1, s2  }
0xbe: {  	[tilespmem:s5], [sflag:$0x3] =	stream.linear.gather [hbm4b:s2+s3], $0x400, $0x38;
	[tilespmem:$0x16200] =	vst v63  }
0xbf: {  	s7 =	simm.s32 $0x8300;
	s4 =	spop (v2sf);
	s2 =	sadd.s32 $0xF4280, s2  }
0xc0: {  	(v2sf) =	vpush v41, $0xD;
	[tilespmem:s7], [sflag:$0x3] =	stream.linear.gather [hbm4b:s2+s3], $0x100, $0x38;
	[tilespmem:$0x16200] =	vst v63  }
0xc1: {  	s2 =	sand.u32 $0x1FFFFF80, s4  }
0xc2: {  	s5 =	simm.s32 $0x8400;
	s2 =	sadd.s32 s1, s2  }
0xc3: {  	[tilespmem:s5], [sflag:$0x3] =	stream.linear.gather [hbm4b:s2+s3], $0x400, $0x38;
	[tilespmem:$0x16200] =	vst v63  }
0xc4: {  	s7 =	simm.s32 $0x8800;
	s4 =	spop (v2sf);
	s2 =	sadd.s32 $0xF4280, s2  }
0xc5: {  	(v2sf) =	vpush v41, $0xE;
	[tilespmem:s7], [sflag:$0x3] =	stream.linear.gather [hbm4b:s2+s3], $0x100, $0x38;
	[tilespmem:$0x16200] =	vst v63  }
0xc6: {  	s2 =	sand.u32 $0x1FFFFF80, s4  }
0xc7: {  	s5 =	simm.s32 $0x8900;
	s2 =	sadd.s32 s1, s2  }
0xc8: {  	[tilespmem:s5], [sflag:$0x3] =	stream.linear.gather [hbm4b:s2+s3], $0x400, $0x38;
	[tilespmem:$0x16200] =	vst v63  }
0xc9: {  	s7 =	simm.s32 $0x8D00;
	s2 =	sadd.s32 $0xF4280, s2  }
0xca: {  	[tilespmem:s7], [sflag:$0x3] =	stream.linear.gather [hbm4b:s2+s3], $0x100, $0x38;
	[tilespmem:$0x16200] =	vst v63  }
0xcb: {  	s4 =	spop (v2sf)  }
0xcc: {  	(v2sf) =	vpush v41, $0xF;
	s2 =	sand.u32 $0x1FFFFF80, s4  }
0xcd: {  	s5 =	simm.s32 $0x8E00;
	s2 =	sadd.s32 s1, s2  }
0xce: {  	[tilespmem:s5], [sflag:$0x3] =	stream.linear.gather [hbm4b:s2+s3], $0x400, $0x38;
	[tilespmem:$0x16200] =	vst v63  }
0xcf: {  	s7 =	simm.s32 $0x9200;
	s4 =	spop (v2sf);
	s2 =	sadd.s32 $0xF4280, s2  }
0xd0: {  	[tilespmem:s7], [sflag:$0x3] =	stream.linear.gather [hbm4b:s2+s3], $0x100, $0x38;
	[tilespmem:$0x16200] =	vst v63  }
0xd1: {  	s2 =	sand.u32 $0x1FFFFF80, s4  }
0xd2: {  	s5 =	simm.s32 $0x9300;
	s2 =	sadd.s32 s1, s2  }
0xd3: {  	[tilespmem:s5], [sflag:$0x3] =	stream.linear.gather [hbm4b:s2+s3], $0x400, $0x38;
	[tilespmem:$0x16200] =	vst v63  }
0xd4: {  	s7 =	simm.s32 $0x9700;
	s4 =	spop (v2sf);
	s2 =	sadd.s32 $0xF4280, s2  }
0xd5: {  	[tilespmem:s7], [sflag:$0x3] =	stream.linear.gather [hbm4b:s2+s3], $0x100, $0x38;
	[tilespmem:$0x16200] =	vst v63  }
0xd6: {  	s2 =	sand.u32 $0x1FFFFF80, s4  }
0xd7: {  	s5 =	simm.s32 $0x9800;
	s2 =	sadd.s32 s1, s2  }
0xd8: {  	[tilespmem:s5], [sflag:$0x3] =	stream.linear.gather [hbm4b:s2+s3], $0x400, $0x38;
	[tilespmem:$0x16200] =	vst v63  }
0xd9: {  	s7 =	simm.s32 $0x9C00;
	s2 =	sadd.s32 $0xF4280, s2  }
0xda: {  	[tilespmem:s7], [sflag:$0x3] =	stream.linear.gather [hbm4b:s2+s3], $0x100, $0x38;
	[tilespmem:$0x16200] =	vst v63  }
0xdb: {  	s4 =	spop (v2sf)  }
0xdc: {  	s2 =	sand.u32 $0x1FFFFF80, s4  }
0xdd: {  	s5 =	simm.s32 $0x9D00;
	s2 =	sadd.s32 s1, s2  }
0xde: {  	[tilespmem:s5], [sflag:$0x3] =	stream.linear.gather [hbm4b:s2+s3], $0x400, $0x38;
	[tilespmem:$0x16200] =	vst v63  }
0xdf: {  	s7 =	simm.s32 $0xA100;
	s2 =	sadd.s32 $0xF4280, s2  }
0xe0: {  	[tilespmem:s7], [sflag:$0x3] =	stream.linear.gather [hbm4b:s2+s3], $0x100, $0x38;
	[tilespmem:$0x16200] =	vst v63  }
0xe1: {  	v63 =	vld [tilespmem:$0x20];
	_ =	sdelay $0x4  }
0xe2: {  	v41 =	vshrl.u32 v63, $0x7  }
0xe3: {  	v41 =	vshll.u32 v41, $0x7  }
0xe4: {  	(v2sf) =	vpush v41, $0x0;
	_ =	sdelay $0x2  }
0xe5: {  	(v2sf) =	vpush v41, $0x1;
	_ =	sdelay $0x3  }
0xe6: {  	(v2sf) =	vpush v41, $0x2;
	_ =	sdelay $0x7  }
0xe7: {  	s4 =	spop (v2sf);
	(v2sf) =	vpush v41, $0x3;
	_ =	sdelay $0x1  }
0xe8: {  	s2 =	sand.u32 $0x1FFFFF80, s4  }
0xe9: {  	s5 =	simm.s32 $0xA200;
	s4 =	spop (v2sf);
	(v2sf) =	vpush v41, $0x4;
	s2 =	sadd.s32 s1, s2  }
0xea: {  	[tilespmem:s5], [sflag:$0x4] =	stream.linear.gather [hbm4b:s2+s3], $0x400, $0x38;
	[tilespmem:$0x16200] =	vst v63  }
0xeb: {  	s7 =	simm.s32 $0xA600;
	s2 =	sadd.s32 $0xF4280, s2  }
0xec: {  	[tilespmem:s7], [sflag:$0x4] =	stream.linear.gather [hbm4b:s2+s3], $0x100, $0x38;
	[tilespmem:$0x16200] =	vst v63  }
0xed: {  	s2 =	sand.u32 $0x1FFFFF80, s4;
	s4 =	spop (v2sf);
	(v2sf) =	vpush v41, $0x5  }
0xee: {  	s5 =	simm.s32 $0xA700;
	s2 =	sadd.s32 s1, s2  }
0xef: {  	[tilespmem:s5], [sflag:$0x4] =	stream.linear.gather [hbm4b:s2+s3], $0x400, $0x38;
	[tilespmem:$0x16200] =	vst v63  }
0xf0: {  	s7 =	simm.s32 $0xAB00;
	s2 =	sadd.s32 $0xF4280, s2  }
0xf1: {  	[tilespmem:s7], [sflag:$0x4] =	stream.linear.gather [hbm4b:s2+s3], $0x100, $0x38;
	[tilespmem:$0x16200] =	vst v63  }
0xf2: {  	s2 =	sand.u32 $0x1FFFFF80, s4  }
0xf3: {  	s5 =	simm.s32 $0xAC00;
	s2 =	sadd.s32 s1, s2  }
0xf4: {  	[tilespmem:s5], [sflag:$0x4] =	stream.linear.gather [hbm4b:s2+s3], $0x400, $0x38;
	[tilespmem:$0x16200] =	vst v63  }
0xf5: {  	s7 =	simm.s32 $0xB000;
	s2 =	sadd.s32 $0xF4280, s2;
	s4 =	spop (v2sf);
	(v2sf) =	vpush v41, $0x6  }
0xf6: {  	[tilespmem:s7], [sflag:$0x4] =	stream.linear.gather [hbm4b:s2+s3], $0x100, $0x38;
	[tilespmem:$0x16200] =	vst v63  }
0xf7: {  	s2 =	sand.u32 $0x1FFFFF80, s4  }
0xf8: {  	s5 =	simm.s32 $0xB100;
	s4 =	spop (v2sf);
	(v2sf) =	vpush v41, $0x7;
	s2 =	sadd.s32 s1, s2  }
0xf9: {  	[tilespmem:s5], [sflag:$0x4] =	stream.linear.gather [hbm4b:s2+s3], $0x400, $0x38;
	[tilespmem:$0x16200] =	vst v63  }
0xfa: {  	s7 =	simm.s32 $0xB500;
	s2 =	sadd.s32 $0xF4280, s2  }
0xfb: {  	[tilespmem:s7], [sflag:$0x4] =	stream.linear.gather [hbm4b:s2+s3], $0x100, $0x38;
	[tilespmem:$0x16200] =	vst v63  }
0xfc: {  	s2 =	sand.u32 $0x1FFFFF80, s4;
	s4 =	spop (v2sf);
	(v2sf) =	vpush v41, $0x8  }
0xfd: {  	s5 =	simm.s32 $0xB600;
	s2 =	sadd.s32 s1, s2  }
0xfe: {  	[tilespmem:s5], [sflag:$0x4] =	stream.linear.gather [hbm4b:s2+s3], $0x400, $0x38;
	[tilespmem:$0x16200] =	vst v63  }
0xff: {  	s7 =	simm.s32 $0xBA00;
	s2 =	sadd.s32 $0xF4280, s2  }
0x100: {  	[tilespmem:s7], [sflag:$0x4] =	stream.linear.gather [hbm4b:s2+s3], $0x100, $0x38;
	[tilespmem:$0x16200] =	vst v63  }
0x101: {  	s2 =	sand.u32 $0x1FFFFF80, s4  }
0x102: {  	s5 =	simm.s32 $0xBB00;
	s2 =	sadd.s32 s1, s2  }
0x103: {  	[tilespmem:s5], [sflag:$0x4] =	stream.linear.gather [hbm4b:s2+s3], $0x400, $0x38;
	[tilespmem:$0x16200] =	vst v63  }
0x104: {  	s7 =	simm.s32 $0xBF00;
	s2 =	sadd.s32 $0xF4280, s2;
	s4 =	spop (v2sf);
	(v2sf) =	vpush v41, $0x9  }
0x105: {  	[tilespmem:s7], [sflag:$0x4] =	stream.linear.gather [hbm4b:s2+s3], $0x100, $0x38;
	[tilespmem:$0x16200] =	vst v63  }
0x106: {  	s2 =	sand.u32 $0x1FFFFF80, s4  }
0x107: {  	s5 =	simm.s32 $0xC000;
	s4 =	spop (v2sf);
	(v2sf) =	vpush v41, $0xA;
	s2 =	sadd.s32 s1, s2  }
0x108: {  	[tilespmem:s5], [sflag:$0x4] =	stream.linear.gather [hbm4b:s2+s3], $0x400, $0x38;
	[tilespmem:$0x16200] =	vst v63  }
0x109: {  	s7 =	simm.s32 $0xC400;
	s2 =	sadd.s32 $0xF4280, s2  }
0x10a: {  	[tilespmem:s7], [sflag:$0x4] =	stream.linear.gather [hbm4b:s2+s3], $0x100, $0x38;
	[tilespmem:$0x16200] =	vst v63  }
0x10b: {  	s2 =	sand.u32 $0x1FFFFF80, s4;
	s4 =	spop (v2sf);
	(v2sf) =	vpush v41, $0xB  }
0x10c: {  	s5 =	simm.s32 $0xC500;
	s2 =	sadd.s32 s1, s2  }
0x10d: {  	[tilespmem:s5], [sflag:$0x4] =	stream.linear.gather [hbm4b:s2+s3], $0x400, $0x38;
	[tilespmem:$0x16200] =	vst v63  }
0x10e: {  	s7 =	simm.s32 $0xC900;
	s2 =	sadd.s32 $0xF4280, s2  }
0x10f: {  	[tilespmem:s7], [sflag:$0x4] =	stream.linear.gather [hbm4b:s2+s3], $0x100, $0x38;
	[tilespmem:$0x16200] =	vst v63  }
0x110: {  	s2 =	sand.u32 $0x1FFFFF80, s4  }
0x111: {  	s5 =	simm.s32 $0xCA00;
	s2 =	sadd.s32 s1, s2  }
0x112: {  	[tilespmem:s5], [sflag:$0x4] =	stream.linear.gather [hbm4b:s2+s3], $0x400, $0x38;
	[tilespmem:$0x16200] =	vst v63  }
0x113: {  	s7 =	simm.s32 $0xCE00;
	s2 =	sadd.s32 $0xF4280, s2;
	s4 =	spop (v2sf);
	(v2sf) =	vpush v41, $0xC  }
0x114: {  	[tilespmem:s7], [sflag:$0x4] =	stream.linear.gather [hbm4b:s2+s3], $0x100, $0x38;
	[tilespmem:$0x16200] =	vst v63  }
0x115: {  	s2 =	sand.u32 $0x1FFFFF80, s4  }
0x116: {  	s5 =	simm.s32 $0xCF00;
	s4 =	spop (v2sf);
	(v2sf) =	vpush v41, $0xD;
	s2 =	sadd.s32 s1, s2  }
0x117: {  	[tilespmem:s5], [sflag:$0x4] =	stream.linear.gather [hbm4b:s2+s3], $0x400, $0x38;
	[tilespmem:$0x16200] =	vst v63  }
0x118: {  	s7 =	simm.s32 $0xD300;
	s2 =	sadd.s32 $0xF4280, s2  }
0x119: {  	[tilespmem:s7], [sflag:$0x4] =	stream.linear.gather [hbm4b:s2+s3], $0x100, $0x38;
	[tilespmem:$0x16200] =	vst v63  }
0x11a: {  	s2 =	sand.u32 $0x1FFFFF80, s4;
	s4 =	spop (v2sf);
	(v2sf) =	vpush v41, $0xE  }
0x11b: {  	s5 =	simm.s32 $0xD400;
	s2 =	sadd.s32 s1, s2  }
0x11c: {  	[tilespmem:s5], [sflag:$0x4] =	stream.linear.gather [hbm4b:s2+s3], $0x400, $0x38;
	[tilespmem:$0x16200] =	vst v63  }
0x11d: {  	s7 =	simm.s32 $0xD800;
	s2 =	sadd.s32 $0xF4280, s2  }
0x11e: {  	[tilespmem:s7], [sflag:$0x4] =	stream.linear.gather [hbm4b:s2+s3], $0x100, $0x38;
	[tilespmem:$0x16200] =	vst v63  }
0x11f: {  	s2 =	sand.u32 $0x1FFFFF80, s4  }
0x120: {  	s5 =	simm.s32 $0xD900;
	s2 =	sadd.s32 s1, s2  }
0x121: {  	[tilespmem:s5], [sflag:$0x4] =	stream.linear.gather [hbm4b:s2+s3], $0x400, $0x38;
	[tilespmem:$0x16200] =	vst v63  }
0x122: {  	s7 =	simm.s32 $0xDD00;
	s2 =	sadd.s32 $0xF4280, s2;
	s4 =	spop (v2sf);
	(v2sf) =	vpush v41, $0xF  }
0x123: {  	[tilespmem:s7], [sflag:$0x4] =	stream.linear.gather [hbm4b:s2+s3], $0x100, $0x38;
	[tilespmem:$0x16200] =	vst v63  }
0x124: {  	s2 =	sand.u32 $0x1FFFFF80, s4  }
0x125: {  	s5 =	simm.s32 $0xDE00;
	s4 =	spop (v2sf);
	s2 =	sadd.s32 s1, s2  }
0x126: {  	[tilespmem:s5], [sflag:$0x4] =	stream.linear.gather [hbm4b:s2+s3], $0x400, $0x38;
	[tilespmem:$0x16200] =	vst v63  }
0x127: {  	s7 =	simm.s32 $0xE200;
	s4 =	sand.u32 $0x1FFFFF80, s4;
	s2 =	sadd.s32 $0xF4280, s2  }
0x128: {  	[tilespmem:s7], [sflag:$0x4] =	stream.linear.gather [hbm4b:s2+s3], $0x100, $0x38;
	[tilespmem:$0x16200] =	vst v63  }
0x129: {  	s5 =	simm.s32 $0xE300;
	s2 =	sadd.s32 s1, s4;
	s4 =	spop (v2sf)  }
0x12a: {  	[tilespmem:s5], [sflag:$0x4] =	stream.linear.gather [hbm4b:s2+s3], $0x400, $0x38;
	[tilespmem:$0x16200] =	vst v63  }
0x12b: {  	s7 =	simm.s32 $0xE700;
	s4 =	sand.u32 $0x1FFFFF80, s4;
	s2 =	sadd.s32 $0xF4280, s2  }
0x12c: {  	[tilespmem:s7], [sflag:$0x4] =	stream.linear.gather [hbm4b:s2+s3], $0x100, $0x38;
	[tilespmem:$0x16200] =	vst v63  }
0x12d: {  	s5 =	simm.s32 $0xE800;
	s2 =	sadd.s32 s1, s4  }
0x12e: {  	[tilespmem:s5], [sflag:$0x4] =	stream.linear.gather [hbm4b:s2+s3], $0x400, $0x38;
	[tilespmem:$0x16200] =	vst v63  }
0x12f: {  	s7 =	simm.s32 $0xEC00;
	s2 =	sadd.s32 $0xF4280, s2  }
0x130: {  	[tilespmem:s7], [sflag:$0x4] =	stream.linear.gather [hbm4b:s2+s3], $0x100, $0x38;
	[tilespmem:$0x16200] =	vst v63  }
0x131: {  	s4 =	spop (v2sf)  }
0x132: {  	s2 =	sand.u32 $0x1FFFFF80, s4  }
.Ltmp2:
0x133: {  	s5 =	simm.s32 $0xED00;
	s2 =	sadd.s32 s1, s2;
	(pc) =	sbr.rel .LBB2_2-.Ltmp2, $4  }
0x134: {  	[tilespmem:s5], [sflag:$0x4] =	stream.linear.gather [hbm4b:s2+s3], $0x400, $0x38;
	[tilespmem:$0x16200] =	vst v63  }
0x135: {  	s7 =	simm.s32 $0xF100;
	s2 =	sadd.s32 $0xF4280, s2  }
0x136: {  	[tilespmem:s7], [sflag:$0x4] =	stream.linear.gather [hbm4b:s2+s3], $0x100, $0x38;
	[tilespmem:$0x16200] =	vst v63  }
0x137: {  	s4 =	simm.s32 $0x0;
	s2 =	simm.s32 $0x30  }
.LBB2_8:
0x138: {  	_ =	swait.ge [sflag:s0], $0x500  }
0x139: {  	[sflag:s0] =	ssyncset.done $0x0  }
0x13a: {  	[sflag:s0] =	ssyncadd.s32 $0xFFFFFB00  }
0x13b: {  	_ =	swait.ge [sflag:s0], $0x500  }
0x13c: {  	[sflag:s0] =	ssyncset.done $0x0  }
0x13d: {  	[sflag:s0] =	ssyncadd.s32 $0xFFFFFB00  }
0x13e: {  	_ =	swait.ge [sflag:s0], $0x500  }
0x13f: {  	[sflag:s0] =	ssyncset.done $0x0  }
0x140: {  	[sflag:s0] =	ssyncadd.s32 $0xFFFFFB00  }
0x141: {  	_ =	swait.ge [sflag:s0], $0x500  }
0x142: {  	[sflag:s0] =	ssyncset.done $0x0  }
0x143: {  	[sflag:s0] =	ssyncadd.s32 $0xFFFFFB00  }
0x144: {  	_ =	swait.ge [sflag:s0], $0x500  }
0x145: {  	[sflag:s0] =	ssyncset.done $0x0  }
0x146: {  	[sflag:s0] =	ssyncadd.s32 $0xFFFFFB00  }
0x147: {  	_ =	swait.ge [sflag:s0], $0x500  }
0x148: {  	[sflag:s0] =	ssyncset.done $0x0  }
0x149: {  	[sflag:s0] =	ssyncadd.s32 $0xFFFFFB00  }
0x14a: {  	_ =	swait.ge [sflag:s0], $0x500  }
0x14b: {  	[sflag:s0] =	ssyncset.done $0x0  }
0x14c: {  	[sflag:s0] =	ssyncadd.s32 $0xFFFFFB00  }
0x14d: {  	_ =	swait.ge [sflag:s0], $0x500  }
0x14e: {  	[sflag:s0] =	ssyncset.done $0x0  }
0x14f: {  	[sflag:s0] =	ssyncadd.s32 $0xFFFFFB00  }
0x150: {  	_ =	swait.ge [sflag:s0], $0x500  }
0x151: {  	[sflag:s0] =	ssyncset.done $0x0  }
0x152: {  	[sflag:s0] =	ssyncadd.s32 $0xFFFFFB00  }
0x153: {  	_ =	swait.ge [sflag:s0], $0x500  }
0x154: {  	[sflag:s0] =	ssyncset.done $0x0  }
0x155: {  	[sflag:s0] =	ssyncadd.s32 $0xFFFFFB00  }
0x156: {  	_ =	swait.ge [sflag:s0], $0x500  }
0x157: {  	[sflag:s0] =	ssyncset.done $0x0  }
0x158: {  	[sflag:s0] =	ssyncadd.s32 $0xFFFFFB00  }
0x159: {  	_ =	swait.ge [sflag:s0], $0x500  }
0x15a: {  	[sflag:s0] =	ssyncset.done $0x0  }
0x15b: {  	[sflag:s0] =	ssyncadd.s32 $0xFFFFFB00  }
0x15c: {  	_ =	swait.ge [sflag:s0], $0x500  }
0x15d: {  	[sflag:s0] =	ssyncset.done $0x0  }
0x15e: {  	[sflag:s0] =	ssyncadd.s32 $0xFFFFFB00  }
0x15f: {  	_ =	swait.ge [sflag:s0], $0x500  }
0x160: {  	[sflag:s0] =	ssyncset.done $0x0  }
0x161: {  	[sflag:s0] =	ssyncadd.s32 $0xFFFFFB00  }
0x162: {  	_ =	swait.ge [sflag:s0], $0x500  }
0x163: {  	[sflag:s0] =	ssyncset.done $0x0  }
0x164: {  	[sflag:s0] =	ssyncadd.s32 $0xFFFFFB00  }
0x165: {  	_ =	swait.ge [sflag:s0], $0x500  }
0x166: {  	[sflag:s0] =	ssyncset.done $0x0  }
0x167: {  	[sflag:s0] =	ssyncadd.s32 $0xFFFFFB00  }
0x168: {  	v41 =	vld [tilespmem:s2+$0x0];
	_ =	sdelay $0x4  }
0x169: {  	v41 =	vand.u32 $0x7F, v41  }
0x16a: {  	v42 =	vor.u32 v31, v41  }
0x16b: {  	s5 =	sadd.s32 $0x30, s4  }
0x16c: {  	v43 =	vmov s5  }
0x16d: {  	v44 =	vor.u32 s5, v0;
	v43 =	vshll.u32 v43, $0x3  }
0x16e: {  	v44 =	vand.u32 $0x7F, v44;
	v45 =	vand.u32 $0x7FFFFC00, v43  }
0x16f: {  	v45 =	vor.u32 v44, v45;
	v42 =	vld.idx.msk [tilespmem:v42+s8+$0x0], $0xffff  }
0x170: {  	v46 =	vor.u32 v32, v41;
	_ =	sdelay $0x3  }
0x171: {  	[tilespmem:v45+s29+$0x0] =	vst.idx.msk $0xffff, v42  }
0x172: {  	v48 =	vor.u32 $0x80, v45;
	v42 =	vld.idx.msk [tilespmem:v46+s8+$0x0], $0xffff  }
0x173: {  	v47 =	vor.u32 v33, v41;
	_ =	sdelay $0x3  }
0x174: {  	[tilespmem:v48+s29+$0x0] =	vst.idx.msk $0xffff, v42  }
0x175: {  	v49 =	vor.u32 $0x100, v45;
	v42 =	vld.idx.msk [tilespmem:v47+s8+$0x0], $0xffff  }
0x176: {  	v50 =	vor.u32 v34, v41;
	_ =	sdelay $0x3  }
0x177: {  	[tilespmem:v49+s29+$0x0] =	vst.idx.msk $0xffff, v42  }
0x178: {  	v51 =	vor.u32 $0x180, v45;
	v42 =	vld.idx.msk [tilespmem:v50+s8+$0x0], $0xffff  }
0x179: {  	v52 =	vor.u32 v35, v41;
	_ =	sdelay $0x3  }
0x17a: {  	[tilespmem:v51+s29+$0x0] =	vst.idx.msk $0xffff, v42  }
0x17b: {  	v53 =	vor.u32 $0x200, v45;
	v42 =	vld.idx.msk [tilespmem:v52+s8+$0x0], $0xffff  }
0x17c: {  	v54 =	vor.u32 v36, v41;
	_ =	sdelay $0x3  }
0x17d: {  	[tilespmem:v53+s29+$0x0] =	vst.idx.msk $0xffff, v42  }
0x17e: {  	v55 =	vor.u32 $0x280, v45;
	v42 =	vld.idx.msk [tilespmem:v54+s8+$0x0], $0xffff  }
0x17f: {  	v56 =	vor.u32 v37, v41;
	_ =	sdelay $0x3  }
0x180: {  	[tilespmem:v55+s29+$0x0] =	vst.idx.msk $0xffff, v42  }
0x181: {  	v57 =	vor.u32 $0x300, v45;
	v42 =	vld.idx.msk [tilespmem:v56+s8+$0x0], $0xffff  }
0x182: {  	v58 =	vor.u32 v38, v41;
	_ =	sdelay $0x3  }
0x183: {  	v59 =	vor.u32 v44, v43;
	[tilespmem:v57+s29+$0x0] =	vst.idx.msk $0xffff, v42  }
0x184: {  	v42 =	vor.u32 $0x380, v59;
	v60 =	vld.idx.msk [tilespmem:v58+s8+$0x0], $0xffff  }
0x185: {  	v61 =	vor.u32 v39, v41;
	_ =	sdelay $0x3  }
0x186: {  	[tilespmem:v42+s29+$0x0] =	vst.idx.msk $0xffff, v60  }
0x187: {  	v62 =	vadd.s32 $0x1000, v45;
	v42 =	vld.idx.msk [tilespmem:v61+s8+$0x0], $0xffff  }
0x188: {  	v41 =	vor.u32 v40, v41;
	_ =	sdelay $0x3  }
0x189: {  	s4 =	sadd.s32 $0x40, s4;
	[tilespmem:v62+s29+$0x0] =	vst.idx.msk $0xffff, v42  }
0x18a: {  	p0 =	sne.s32 s4, $0x200;
	v63 =	vadd.s32 $0x1080, v45;
	v41 =	vld.idx.msk [tilespmem:v41+s8+$0x0], $0xffff  }
.Ltmp3:
0x18b: {  	_ = 	snop;
	(pc) =	sbr.rel @!p0 .LBB2_9-.Ltmp3, $2  }
0x18c: {  	_ =	sdelay $0x2  }
0x18d: {  	s2 =	sadd.s32 $0x40, s2;
	[tilespmem:v63+s29+$0x0] =	vst.idx.msk $0xffff, v41  }
.LBB2_2:
0x18e: {  	v41 =	vld [tilespmem:s2+$0x0];
	_ =	sdelay $0x4  }
0x18f: {  	v41 =	vshrl.u32 v41, $0x7  }
0x190: {  	v41 =	vshll.u32 v41, $0x7  }
0x191: {  	(v2sf) =	vpush v41, $0x0;
	_ =	sdelay $0x5  }
0x192: {  	(v2sf) =	vpush v41, $0x1;
	_ =	sdelay $0x5  }
0x193: {  	(v2sf) =	vpush v41, $0x2;
	_ =	sdelay $0x2  }
0x194: {  	s5 =	spop (v2sf)  }
0x195: {  	s5 =	sand.u32 $0x1FFFFF80, s5  }
0x196: {  	s7 =	simm.s32 $0xF200;
	s5 =	sadd.s32 s1, s5  }
0x197: {  	(v2sf) =	vpush v41, $0x3;
	[tilespmem:s7], [sflag:$0x5] =	stream.linear.gather [hbm4b:s5+s3], $0x400, $0x38;
	[tilespmem:$0x16200] =	vst v63  }
0x198: {  	s5 =	sadd.s32 $0xF4280, s5;
	s7 =	simm.s32 $0xF600  }
0x199: {  	[tilespmem:s7], [sflag:$0x5] =	stream.linear.gather [hbm4b:s5+s3], $0x100, $0x38;
	[tilespmem:$0x16200] =	vst v63  }
0x19a: {  	s7 =	spop (v2sf)  }
0x19b: {  	s5 =	sand.u32 $0x1FFFFF80, s7  }
0x19c: {  	s7 =	simm.s32 $0xF700;
	s5 =	sadd.s32 s1, s5  }
0x19d: {  	(v2sf) =	vpush v41, $0x4;
	[tilespmem:s7], [sflag:$0x5] =	stream.linear.gather [hbm4b:s5+s3], $0x400, $0x38;
	[tilespmem:$0x16200] =	vst v63  }
0x19e: {  	s5 =	sadd.s32 $0xF4280, s5;
	s7 =	simm.s32 $0xFB00  }
0x19f: {  	[tilespmem:s7], [sflag:$0x5] =	stream.linear.gather [hbm4b:s5+s3], $0x100, $0x38;
	[tilespmem:$0x16200] =	vst v63  }
0x1a0: {  	s7 =	spop (v2sf)  }
0x1a1: {  	s5 =	sand.u32 $0x1FFFFF80, s7  }
0x1a2: {  	s7 =	simm.s32 $0xFC00;
	s5 =	sadd.s32 s1, s5  }
0x1a3: {  	(v2sf) =	vpush v41, $0x5;
	[tilespmem:s7], [sflag:$0x5] =	stream.linear.gather [hbm4b:s5+s3], $0x400, $0x38;
	[tilespmem:$0x16200] =	vst v63  }
0x1a4: {  	s5 =	sadd.s32 $0xF4280, s5;
	s7 =	simm.s32 $0x10000  }
0x1a5: {  	[tilespmem:s7], [sflag:$0x5] =	stream.linear.gather [hbm4b:s5+s3], $0x100, $0x38;
	[tilespmem:$0x16200] =	vst v63  }
0x1a6: {  	s7 =	spop (v2sf)  }
0x1a7: {  	s5 =	sand.u32 $0x1FFFFF80, s7  }
0x1a8: {  	s7 =	simm.s32 $0x10100;
	s5 =	sadd.s32 s1, s5  }
0x1a9: {  	(v2sf) =	vpush v41, $0x6;
	[tilespmem:s7], [sflag:$0x5] =	stream.linear.gather [hbm4b:s5+s3], $0x400, $0x38;
	[tilespmem:$0x16200] =	vst v63  }
0x1aa: {  	s5 =	sadd.s32 $0xF4280, s5;
	s7 =	simm.s32 $0x10500  }
0x1ab: {  	[tilespmem:s7], [sflag:$0x5] =	stream.linear.gather [hbm4b:s5+s3], $0x100, $0x38;
	[tilespmem:$0x16200] =	vst v63  }
0x1ac: {  	s7 =	spop (v2sf)  }
0x1ad: {  	s5 =	sand.u32 $0x1FFFFF80, s7  }
0x1ae: {  	s7 =	simm.s32 $0x10600;
	s5 =	sadd.s32 s1, s5  }
0x1af: {  	(v2sf) =	vpush v41, $0x7;
	[tilespmem:s7], [sflag:$0x5] =	stream.linear.gather [hbm4b:s5+s3], $0x400, $0x38;
	[tilespmem:$0x16200] =	vst v63  }
0x1b0: {  	s5 =	sadd.s32 $0xF4280, s5;
	s7 =	simm.s32 $0x10A00  }
0x1b1: {  	[tilespmem:s7], [sflag:$0x5] =	stream.linear.gather [hbm4b:s5+s3], $0x100, $0x38;
	[tilespmem:$0x16200] =	vst v63  }
0x1b2: {  	s7 =	spop (v2sf)  }
0x1b3: {  	s5 =	sand.u32 $0x1FFFFF80, s7  }
0x1b4: {  	s7 =	simm.s32 $0x10B00;
	s5 =	sadd.s32 s1, s5  }
0x1b5: {  	(v2sf) =	vpush v41, $0x8;
	[tilespmem:s7], [sflag:$0x5] =	stream.linear.gather [hbm4b:s5+s3], $0x400, $0x38;
	[tilespmem:$0x16200] =	vst v63  }
0x1b6: {  	s5 =	sadd.s32 $0xF4280, s5;
	s7 =	simm.s32 $0x10F00  }
0x1b7: {  	[tilespmem:s7], [sflag:$0x5] =	stream.linear.gather [hbm4b:s5+s3], $0x100, $0x38;
	[tilespmem:$0x16200] =	vst v63  }
0x1b8: {  	s7 =	spop (v2sf)  }
0x1b9: {  	s5 =	sand.u32 $0x1FFFFF80, s7  }
0x1ba: {  	s7 =	simm.s32 $0x11000;
	s5 =	sadd.s32 s1, s5  }
0x1bb: {  	(v2sf) =	vpush v41, $0x9;
	[tilespmem:s7], [sflag:$0x5] =	stream.linear.gather [hbm4b:s5+s3], $0x400, $0x38;
	[tilespmem:$0x16200] =	vst v63  }
0x1bc: {  	s5 =	sadd.s32 $0xF4280, s5;
	s7 =	simm.s32 $0x11400  }
0x1bd: {  	[tilespmem:s7], [sflag:$0x5] =	stream.linear.gather [hbm4b:s5+s3], $0x100, $0x38;
	[tilespmem:$0x16200] =	vst v63  }
0x1be: {  	s7 =	spop (v2sf)  }
0x1bf: {  	s5 =	sand.u32 $0x1FFFFF80, s7  }
0x1c0: {  	s5 =	sadd.s32 s1, s5  }
0x1c1: {  	(v2sf) =	vpush v41, $0xA;
	[tilespmem:s9], [sflag:$0x5] =	stream.linear.gather [hbm4b:s5+s3], $0x400, $0x38;
	[tilespmem:$0x16200] =	vst v63  }
0x1c2: {  	s5 =	sadd.s32 $0xF4280, s5  }
0x1c3: {  	[tilespmem:s13], [sflag:$0x5] =	stream.linear.gather [hbm4b:s5+s3], $0x100, $0x38;
	[tilespmem:$0x16200] =	vst v63  }
0x1c4: {  	s7 =	spop (v2sf)  }
0x1c5: {  	s5 =	sand.u32 $0x1FFFFF80, s7  }
0x1c6: {  	s5 =	sadd.s32 s1, s5  }
0x1c7: {  	(v2sf) =	vpush v41, $0xB;
	[tilespmem:s10], [sflag:$0x5] =	stream.linear.gather [hbm4b:s5+s3], $0x400, $0x38;
	[tilespmem:$0x16200] =	vst v63  }
0x1c8: {  	s5 =	sadd.s32 $0xF4280, s5  }
0x1c9: {  	[tilespmem:s11], [sflag:$0x5] =	stream.linear.gather [hbm4b:s5+s3], $0x100, $0x38;
	[tilespmem:$0x16200] =	vst v63  }
0x1ca: {  	s7 =	spop (v2sf)  }
0x1cb: {  	s5 =	sand.u32 $0x1FFFFF80, s7  }
0x1cc: {  	s5 =	sadd.s32 s1, s5  }
0x1cd: {  	(v2sf) =	vpush v41, $0xC;
	[tilespmem:s12], [sflag:$0x5] =	stream.linear.gather [hbm4b:s5+s3], $0x400, $0x38;
	[tilespmem:$0x16200] =	vst v63  }
0x1ce: {  	s5 =	sadd.s32 $0xF4280, s5  }
0x1cf: {  	[tilespmem:s14], [sflag:$0x5] =	stream.linear.gather [hbm4b:s5+s3], $0x100, $0x38;
	[tilespmem:$0x16200] =	vst v63  }
0x1d0: {  	s7 =	spop (v2sf)  }
0x1d1: {  	s5 =	sand.u32 $0x1FFFFF80, s7  }
0x1d2: {  	s5 =	sadd.s32 s1, s5  }
0x1d3: {  	(v2sf) =	vpush v41, $0xD;
	[tilespmem:s15], [sflag:$0x5] =	stream.linear.gather [hbm4b:s5+s3], $0x400, $0x38;
	[tilespmem:$0x16200] =	vst v63  }
0x1d4: {  	s5 =	sadd.s32 $0xF4280, s5  }
0x1d5: {  	[tilespmem:s16], [sflag:$0x5] =	stream.linear.gather [hbm4b:s5+s3], $0x100, $0x38;
	[tilespmem:$0x16200] =	vst v63  }
0x1d6: {  	s7 =	spop (v2sf)  }
0x1d7: {  	s5 =	sand.u32 $0x1FFFFF80, s7  }
0x1d8: {  	s5 =	sadd.s32 s1, s5  }
0x1d9: {  	(v2sf) =	vpush v41, $0xE;
	[tilespmem:s17], [sflag:$0x5] =	stream.linear.gather [hbm4b:s5+s3], $0x400, $0x38;
	[tilespmem:$0x16200] =	vst v63  }
0x1da: {  	s5 =	sadd.s32 $0xF4280, s5  }
0x1db: {  	[tilespmem:s18], [sflag:$0x5] =	stream.linear.gather [hbm4b:s5+s3], $0x100, $0x38;
	[tilespmem:$0x16200] =	vst v63  }
0x1dc: {  	s7 =	spop (v2sf)  }
0x1dd: {  	s5 =	sand.u32 $0x1FFFFF80, s7  }
0x1de: {  	s5 =	sadd.s32 s1, s5  }
0x1df: {  	(v2sf) =	vpush v41, $0xF;
	[tilespmem:s19], [sflag:$0x5] =	stream.linear.gather [hbm4b:s5+s3], $0x400, $0x38;
	[tilespmem:$0x16200] =	vst v63  }
0x1e0: {  	s5 =	sadd.s32 $0xF4280, s5  }
0x1e1: {  	[tilespmem:s20], [sflag:$0x5] =	stream.linear.gather [hbm4b:s5+s3], $0x100, $0x38;
	[tilespmem:$0x16200] =	vst v63  }
0x1e2: {  	s7 =	spop (v2sf)  }
0x1e3: {  	s5 =	sand.u32 $0x1FFFFF80, s7  }
0x1e4: {  	s5 =	sadd.s32 s1, s5  }
0x1e5: {  	[tilespmem:s21], [sflag:$0x5] =	stream.linear.gather [hbm4b:s5+s3], $0x400, $0x38;
	[tilespmem:$0x16200] =	vst v63  }
0x1e6: {  	s5 =	sadd.s32 $0xF4280, s5  }
0x1e7: {  	[tilespmem:s22], [sflag:$0x5] =	stream.linear.gather [hbm4b:s5+s3], $0x100, $0x38;
	[tilespmem:$0x16200] =	vst v63  }
0x1e8: {  	s7 =	spop (v2sf)  }
0x1e9: {  	s5 =	sand.u32 $0x1FFFFF80, s7  }
0x1ea: {  	s5 =	sadd.s32 s1, s5  }
0x1eb: {  	[tilespmem:s23], [sflag:$0x5] =	stream.linear.gather [hbm4b:s5+s3], $0x400, $0x38;
	[tilespmem:$0x16200] =	vst v63  }
0x1ec: {  	s5 =	sadd.s32 $0xF4280, s5  }
0x1ed: {  	[tilespmem:s24], [sflag:$0x5] =	stream.linear.gather [hbm4b:s5+s3], $0x100, $0x38;
	[tilespmem:$0x16200] =	vst v63  }
0x1ee: {  	s7 =	spop (v2sf)  }
0x1ef: {  	s5 =	sand.u32 $0x1FFFFF80, s7  }
0x1f0: {  	s5 =	sadd.s32 s1, s5  }
0x1f1: {  	[tilespmem:s25], [sflag:$0x5] =	stream.linear.gather [hbm4b:s5+s3], $0x400, $0x38;
	[tilespmem:$0x16200] =	vst v63  }
0x1f2: {  	s5 =	sadd.s32 $0xF4280, s5  }
0x1f3: {  	[tilespmem:s26], [sflag:$0x5] =	stream.linear.gather [hbm4b:s5+s3], $0x100, $0x38;
	[tilespmem:$0x16200] =	vst v63  }
0x1f4: {  	_ =	swait.ge [sflag:s28], $0x500  }
0x1f5: {  	[sflag:s28] =	ssyncset.done $0x0  }
0x1f6: {  	[sflag:s28] =	ssyncadd.s32 $0xFFFFFB00  }
0x1f7: {  	_ =	swait.ge [sflag:s28], $0x500  }
0x1f8: {  	[sflag:s28] =	ssyncset.done $0x0  }
0x1f9: {  	[sflag:s28] =	ssyncadd.s32 $0xFFFFFB00  }
0x1fa: {  	_ =	swait.ge [sflag:s28], $0x500  }
0x1fb: {  	[sflag:s28] =	ssyncset.done $0x0  }
0x1fc: {  	[sflag:s28] =	ssyncadd.s32 $0xFFFFFB00  }
0x1fd: {  	_ =	swait.ge [sflag:s28], $0x500  }
0x1fe: {  	[sflag:s28] =	ssyncset.done $0x0  }
0x1ff: {  	[sflag:s28] =	ssyncadd.s32 $0xFFFFFB00  }
0x200: {  	_ =	swait.ge [sflag:s28], $0x500  }
0x201: {  	[sflag:s28] =	ssyncset.done $0x0  }
0x202: {  	[sflag:s28] =	ssyncadd.s32 $0xFFFFFB00  }
0x203: {  	_ =	swait.ge [sflag:s28], $0x500  }
0x204: {  	[sflag:s28] =	ssyncset.done $0x0  }
0x205: {  	[sflag:s28] =	ssyncadd.s32 $0xFFFFFB00  }
0x206: {  	_ =	swait.ge [sflag:s28], $0x500  }
0x207: {  	[sflag:s28] =	ssyncset.done $0x0  }
0x208: {  	[sflag:s28] =	ssyncadd.s32 $0xFFFFFB00  }
0x209: {  	_ =	swait.ge [sflag:s28], $0x500  }
0x20a: {  	[sflag:s28] =	ssyncset.done $0x0  }
0x20b: {  	[sflag:s28] =	ssyncadd.s32 $0xFFFFFB00  }
0x20c: {  	_ =	swait.ge [sflag:s28], $0x500  }
0x20d: {  	[sflag:s28] =	ssyncset.done $0x0  }
0x20e: {  	[sflag:s28] =	ssyncadd.s32 $0xFFFFFB00  }
0x20f: {  	_ =	swait.ge [sflag:s28], $0x500  }
0x210: {  	[sflag:s28] =	ssyncset.done $0x0  }
0x211: {  	[sflag:s28] =	ssyncadd.s32 $0xFFFFFB00  }
0x212: {  	_ =	swait.ge [sflag:s28], $0x500  }
0x213: {  	[sflag:s28] =	ssyncset.done $0x0  }
0x214: {  	[sflag:s28] =	ssyncadd.s32 $0xFFFFFB00  }
0x215: {  	_ =	swait.ge [sflag:s28], $0x500  }
0x216: {  	[sflag:s28] =	ssyncset.done $0x0  }
0x217: {  	[sflag:s28] =	ssyncadd.s32 $0xFFFFFB00  }
0x218: {  	_ =	swait.ge [sflag:s28], $0x500  }
0x219: {  	[sflag:s28] =	ssyncset.done $0x0  }
0x21a: {  	[sflag:s28] =	ssyncadd.s32 $0xFFFFFB00  }
0x21b: {  	_ =	swait.ge [sflag:s28], $0x500  }
0x21c: {  	[sflag:s28] =	ssyncset.done $0x0  }
0x21d: {  	[sflag:s28] =	ssyncadd.s32 $0xFFFFFB00  }
0x21e: {  	_ =	swait.ge [sflag:s28], $0x500  }
0x21f: {  	[sflag:s28] =	ssyncset.done $0x0  }
0x220: {  	[sflag:s28] =	ssyncadd.s32 $0xFFFFFB00  }
0x221: {  	_ =	swait.ge [sflag:s28], $0x500  }
0x222: {  	[sflag:s28] =	ssyncset.done $0x0  }
0x223: {  	[sflag:s28] =	ssyncadd.s32 $0xFFFFFB00  }
0x224: {  	v48 =	vld [tilespmem:s2+$0xFFFFFFD0];
	_ =	sdelay $0x4  }
0x225: {  	v41 =	vand.u32 $0x7F, v48  }
0x226: {  	v42 =	vor.u32 v1, v41;
	_ =	sdelay $0x1  }
0x227: {  	v43 =	vmov s4  }
0x228: {  	v44 =	vor.u32 s4, v0;
	v43 =	vshll.u32 v43, $0x3  }
0x229: {  	v44 =	vand.u32 $0x4F, v44;
	v45 =	vand.u32 $0xC00, v43  }
0x22a: {  	v45 =	vor.u32 v44, v45;
	v42 =	vld.idx.msk [tilespmem:v42+s8+$0x0], $0xffff  }
0x22b: {  	v46 =	vor.u32 v2, v41;
	_ =	sdelay $0x3  }
0x22c: {  	[tilespmem:v45+s29+$0x0] =	vst.idx.msk $0xffff, v42  }
0x22d: {  	v49 =	vor.u32 $0x80, v45;
	v42 =	vld.idx.msk [tilespmem:v46+s8+$0x0], $0xffff  }
0x22e: {  	v47 =	vor.u32 v3, v41;
	_ =	sdelay $0x3  }
0x22f: {  	[tilespmem:v49+s29+$0x0] =	vst.idx.msk $0xffff, v42  }
0x230: {  	v50 =	vor.u32 $0x100, v45;
	v42 =	vld.idx.msk [tilespmem:v47+s8+$0x0], $0xffff  }
0x231: {  	v51 =	vor.u32 v4, v41;
	_ =	sdelay $0x3  }
0x232: {  	[tilespmem:v50+s29+$0x0] =	vst.idx.msk $0xffff, v42  }
0x233: {  	v52 =	vor.u32 $0x180, v45;
	v42 =	vld.idx.msk [tilespmem:v51+s8+$0x0], $0xffff  }
0x234: {  	v53 =	vor.u32 v5, v41;
	_ =	sdelay $0x3  }
0x235: {  	v54 =	vor.u32 v43, v44;
	[tilespmem:v52+s29+$0x0] =	vst.idx.msk $0xffff, v42  }
0x236: {  	v44 =	vor.u32 $0x200, v54;
	v55 =	vld.idx.msk [tilespmem:v53+s8+$0x0], $0xffff  }
0x237: {  	v56 =	vor.u32 v6, v41;
	_ =	sdelay $0x3  }
0x238: {  	[tilespmem:v44+s29+$0x0] =	vst.idx.msk $0xffff, v55  }
0x239: {  	v57 =	vor.u32 $0x280, v54;
	v43 =	vld.idx.msk [tilespmem:v56+s8+$0x0], $0xffff  }
0x23a: {  	v58 =	vor.u32 v7, v41;
	_ =	sdelay $0x3  }
0x23b: {  	[tilespmem:v57+s29+$0x0] =	vst.idx.msk $0xffff, v43  }
0x23c: {  	v59 =	vor.u32 $0x300, v54;
	v43 =	vld.idx.msk [tilespmem:v58+s8+$0x0], $0xffff  }
0x23d: {  	v60 =	vor.u32 v8, v41;
	_ =	sdelay $0x3  }
0x23e: {  	[tilespmem:v59+s29+$0x0] =	vst.idx.msk $0xffff, v43  }
0x23f: {  	v42 =	vor.u32 $0x380, v54;
	v43 =	vld.idx.msk [tilespmem:v60+s8+$0x0], $0xffff  }
0x240: {  	v61 =	vor.u32 v9, v41;
	_ =	sdelay $0x3  }
0x241: {  	[tilespmem:v42+s29+$0x0] =	vst.idx.msk $0xffff, v43  }
0x242: {  	v62 =	vor.u32 $0x1000, v45;
	v42 =	vld.idx.msk [tilespmem:v61+s8+$0x0], $0xffff  }
0x243: {  	v41 =	vor.u32 v10, v41;
	_ =	sdelay $0x3  }
0x244: {  	[tilespmem:v62+s29+$0x0] =	vst.idx.msk $0xffff, v42  }
0x245: {  	p0 =	seq.s32 s4, $0x1C0;
	v63 =	vor.u32 $0x1080, v45;
	v41 =	vld.idx.msk [tilespmem:v41+s8+$0x0], $0xffff  }
.Ltmp4:
0x246: {  	_ = 	snop;
	(pc) =	sbr.rel @p0 .LBB2_4-.Ltmp4, $2  }
0x247: {  	_ =	sdelay $0x2  }
0x248: {  	[tilespmem:v63+s29+$0x0] =	vst.idx.msk $0xffff, v41  }
0x249: {  	v41 =	vld [tilespmem:s2+$0x10];
	_ =	sdelay $0x4  }
0x24a: {  	v41 =	vshrl.u32 v41, $0x7  }
0x24b: {  	v41 =	vshll.u32 v41, $0x7  }
0x24c: {  	(v2sf) =	vpush v41, $0x0;
	_ =	sdelay $0x5  }
0x24d: {  	(v2sf) =	vpush v41, $0x1;
	_ =	sdelay $0x3  }
0x24e: {  	(v2sf) =	vpush v41, $0x2;
	_ =	sdelay $0x4  }
0x24f: {  	s5 =	spop (v2sf)  }
0x250: {  	s5 =	sand.u32 $0x1FFFFF80, s5  }
0x251: {  	(v2sf) =	vpush v41, $0x3;
	s5 =	sadd.s32 s1, s5  }
0x252: {  	[tilespmem:s8], [sflag:$0x2] =	stream.linear.gather [hbm4b:s5+s3], $0x400, $0x38;
	[tilespmem:$0x16200] =	vst v63  }
0x253: {  	s6 =	simm.s32 $0x600;
	s5 =	sadd.s32 $0xF4280, s5  }
0x254: {  	[tilespmem:s6], [sflag:$0x2] =	stream.linear.gather [hbm4b:s5+s3], $0x100, $0x38;
	[tilespmem:$0x16200] =	vst v63  }
0x255: {  	s6 =	spop (v2sf)  }
0x256: {  	s5 =	sand.u32 $0x1FFFFF80, s6  }
0x257: {  	s7 =	simm.s32 $0x700;
	(v2sf) =	vpush v41, $0x4;
	s5 =	sadd.s32 s1, s5  }
0x258: {  	[tilespmem:s7], [sflag:$0x2] =	stream.linear.gather [hbm4b:s5+s3], $0x400, $0x38;
	[tilespmem:$0x16200] =	vst v63  }
0x259: {  	s6 =	spop (v2sf);
	s5 =	sadd.s32 $0xF4280, s5;
	s7 =	simm.s32 $0xB00  }
0x25a: {  	[tilespmem:s7], [sflag:$0x2] =	stream.linear.gather [hbm4b:s5+s3], $0x100, $0x38;
	[tilespmem:$0x16200] =	vst v63  }
0x25b: {  	s5 =	sand.u32 $0x1FFFFF80, s6  }
0x25c: {  	s7 =	simm.s32 $0xC00;
	s5 =	sadd.s32 s1, s5  }
0x25d: {  	(v2sf) =	vpush v41, $0x5;
	[tilespmem:s7], [sflag:$0x2] =	stream.linear.gather [hbm4b:s5+s3], $0x400, $0x38;
	[tilespmem:$0x16200] =	vst v63  }
0x25e: {  	s6 =	simm.s32 $0x1000;
	s5 =	sadd.s32 $0xF4280, s5  }
0x25f: {  	[tilespmem:s6], [sflag:$0x2] =	stream.linear.gather [hbm4b:s5+s3], $0x100, $0x38;
	[tilespmem:$0x16200] =	vst v63  }
0x260: {  	s7 =	spop (v2sf)  }
0x261: {  	s5 =	sand.u32 $0x1FFFFF80, s7  }
0x262: {  	s7 =	simm.s32 $0x1100;
	s5 =	sadd.s32 s1, s5  }
0x263: {  	(v2sf) =	vpush v41, $0x6;
	[tilespmem:s7], [sflag:$0x2] =	stream.linear.gather [hbm4b:s5+s3], $0x400, $0x38;
	[tilespmem:$0x16200] =	vst v63  }
0x264: {  	s5 =	sadd.s32 $0xF4280, s5;
	s7 =	simm.s32 $0x1500  }
0x265: {  	[tilespmem:s7], [sflag:$0x2] =	stream.linear.gather [hbm4b:s5+s3], $0x100, $0x38;
	[tilespmem:$0x16200] =	vst v63  }
0x266: {  	s7 =	spop (v2sf)  }
0x267: {  	s5 =	sand.u32 $0x1FFFFF80, s7  }
0x268: {  	s7 =	simm.s32 $0x1600;
	s5 =	sadd.s32 s1, s5  }
0x269: {  	(v2sf) =	vpush v41, $0x7;
	[tilespmem:s7], [sflag:$0x2] =	stream.linear.gather [hbm4b:s5+s3], $0x400, $0x38;
	[tilespmem:$0x16200] =	vst v63  }
0x26a: {  	s5 =	sadd.s32 $0xF4280, s5;
	s7 =	simm.s32 $0x1A00  }
0x26b: {  	[tilespmem:s7], [sflag:$0x2] =	stream.linear.gather [hbm4b:s5+s3], $0x100, $0x38;
	[tilespmem:$0x16200] =	vst v63  }
0x26c: {  	s7 =	spop (v2sf)  }
0x26d: {  	s5 =	sand.u32 $0x1FFFFF80, s7  }
0x26e: {  	s7 =	simm.s32 $0x1B00;
	s5 =	sadd.s32 s1, s5  }
0x26f: {  	(v2sf) =	vpush v41, $0x8;
	[tilespmem:s7], [sflag:$0x2] =	stream.linear.gather [hbm4b:s5+s3], $0x400, $0x38;
	[tilespmem:$0x16200] =	vst v63  }
0x270: {  	s5 =	sadd.s32 $0xF4280, s5;
	s7 =	simm.s32 $0x1F00  }
0x271: {  	[tilespmem:s7], [sflag:$0x2] =	stream.linear.gather [hbm4b:s5+s3], $0x100, $0x38;
	[tilespmem:$0x16200] =	vst v63  }
0x272: {  	s7 =	spop (v2sf)  }
0x273: {  	s5 =	sand.u32 $0x1FFFFF80, s7  }
0x274: {  	s7 =	simm.s32 $0x2000;
	s5 =	sadd.s32 s1, s5  }
0x275: {  	(v2sf) =	vpush v41, $0x9;
	[tilespmem:s7], [sflag:$0x2] =	stream.linear.gather [hbm4b:s5+s3], $0x400, $0x38;
	[tilespmem:$0x16200] =	vst v63  }
0x276: {  	s5 =	sadd.s32 $0xF4280, s5;
	s7 =	simm.s32 $0x2400  }
0x277: {  	[tilespmem:s7], [sflag:$0x2] =	stream.linear.gather [hbm4b:s5+s3], $0x100, $0x38;
	[tilespmem:$0x16200] =	vst v63  }
0x278: {  	s7 =	spop (v2sf)  }
0x279: {  	s5 =	sand.u32 $0x1FFFFF80, s7  }
0x27a: {  	s7 =	simm.s32 $0x2500;
	s5 =	sadd.s32 s1, s5  }
0x27b: {  	(v2sf) =	vpush v41, $0xA;
	[tilespmem:s7], [sflag:$0x2] =	stream.linear.gather [hbm4b:s5+s3], $0x400, $0x38;
	[tilespmem:$0x16200] =	vst v63  }
0x27c: {  	s5 =	sadd.s32 $0xF4280, s5;
	s7 =	simm.s32 $0x2900  }
0x27d: {  	[tilespmem:s7], [sflag:$0x2] =	stream.linear.gather [hbm4b:s5+s3], $0x100, $0x38;
	[tilespmem:$0x16200] =	vst v63  }
0x27e: {  	s7 =	spop (v2sf)  }
0x27f: {  	s5 =	sand.u32 $0x1FFFFF80, s7  }
0x280: {  	s7 =	simm.s32 $0x2A00;
	s5 =	sadd.s32 s1, s5  }
0x281: {  	(v2sf) =	vpush v41, $0xB;
	[tilespmem:s7], [sflag:$0x2] =	stream.linear.gather [hbm4b:s5+s3], $0x400, $0x38;
	[tilespmem:$0x16200] =	vst v63  }
0x282: {  	s5 =	sadd.s32 $0xF4280, s5;
	s7 =	simm.s32 $0x2E00  }
0x283: {  	[tilespmem:s7], [sflag:$0x2] =	stream.linear.gather [hbm4b:s5+s3], $0x100, $0x38;
	[tilespmem:$0x16200] =	vst v63  }
0x284: {  	s7 =	spop (v2sf)  }
0x285: {  	s5 =	sand.u32 $0x1FFFFF80, s7  }
0x286: {  	s7 =	simm.s32 $0x2F00;
	s5 =	sadd.s32 s1, s5  }
0x287: {  	(v2sf) =	vpush v41, $0xC;
	[tilespmem:s7], [sflag:$0x2] =	stream.linear.gather [hbm4b:s5+s3], $0x400, $0x38;
	[tilespmem:$0x16200] =	vst v63  }
0x288: {  	s5 =	sadd.s32 $0xF4280, s5;
	s7 =	simm.s32 $0x3300  }
0x289: {  	[tilespmem:s7], [sflag:$0x2] =	stream.linear.gather [hbm4b:s5+s3], $0x100, $0x38;
	[tilespmem:$0x16200] =	vst v63  }
0x28a: {  	s7 =	spop (v2sf)  }
0x28b: {  	s5 =	sand.u32 $0x1FFFFF80, s7  }
0x28c: {  	s7 =	simm.s32 $0x3400;
	s5 =	sadd.s32 s1, s5  }
0x28d: {  	(v2sf) =	vpush v41, $0xD;
	[tilespmem:s7], [sflag:$0x2] =	stream.linear.gather [hbm4b:s5+s3], $0x400, $0x38;
	[tilespmem:$0x16200] =	vst v63  }
0x28e: {  	s5 =	sadd.s32 $0xF4280, s5;
	s7 =	simm.s32 $0x3800  }
0x28f: {  	[tilespmem:s7], [sflag:$0x2] =	stream.linear.gather [hbm4b:s5+s3], $0x100, $0x38;
	[tilespmem:$0x16200] =	vst v63  }
0x290: {  	s7 =	spop (v2sf)  }
0x291: {  	s5 =	sand.u32 $0x1FFFFF80, s7  }
0x292: {  	s7 =	simm.s32 $0x3900;
	s5 =	sadd.s32 s1, s5  }
0x293: {  	(v2sf) =	vpush v41, $0xE;
	[tilespmem:s7], [sflag:$0x2] =	stream.linear.gather [hbm4b:s5+s3], $0x400, $0x38;
	[tilespmem:$0x16200] =	vst v63  }
0x294: {  	s5 =	sadd.s32 $0xF4280, s5;
	s7 =	simm.s32 $0x3D00  }
0x295: {  	[tilespmem:s7], [sflag:$0x2] =	stream.linear.gather [hbm4b:s5+s3], $0x100, $0x38;
	[tilespmem:$0x16200] =	vst v63  }
0x296: {  	s7 =	spop (v2sf)  }
0x297: {  	s5 =	sand.u32 $0x1FFFFF80, s7  }
0x298: {  	s7 =	simm.s32 $0x3E00;
	s5 =	sadd.s32 s1, s5  }
0x299: {  	(v2sf) =	vpush v41, $0xF;
	[tilespmem:s7], [sflag:$0x2] =	stream.linear.gather [hbm4b:s5+s3], $0x400, $0x38;
	[tilespmem:$0x16200] =	vst v63  }
0x29a: {  	s5 =	sadd.s32 $0xF4280, s5;
	s7 =	simm.s32 $0x4200  }
0x29b: {  	[tilespmem:s7], [sflag:$0x2] =	stream.linear.gather [hbm4b:s5+s3], $0x100, $0x38;
	[tilespmem:$0x16200] =	vst v63  }
0x29c: {  	s7 =	spop (v2sf)  }
0x29d: {  	s5 =	sand.u32 $0x1FFFFF80, s7  }
0x29e: {  	s7 =	simm.s32 $0x4300;
	s5 =	sadd.s32 s1, s5  }
0x29f: {  	[tilespmem:s7], [sflag:$0x2] =	stream.linear.gather [hbm4b:s5+s3], $0x400, $0x38;
	[tilespmem:$0x16200] =	vst v63  }
0x2a0: {  	s5 =	sadd.s32 $0xF4280, s5;
	s7 =	simm.s32 $0x4700  }
0x2a1: {  	[tilespmem:s7], [sflag:$0x2] =	stream.linear.gather [hbm4b:s5+s3], $0x100, $0x38;
	[tilespmem:$0x16200] =	vst v63  }
0x2a2: {  	s7 =	spop (v2sf)  }
0x2a3: {  	s5 =	sand.u32 $0x1FFFFF80, s7  }
0x2a4: {  	s7 =	simm.s32 $0x4800;
	s5 =	sadd.s32 s1, s5  }
0x2a5: {  	[tilespmem:s7], [sflag:$0x2] =	stream.linear.gather [hbm4b:s5+s3], $0x400, $0x38;
	[tilespmem:$0x16200] =	vst v63  }
0x2a6: {  	s5 =	sadd.s32 $0xF4280, s5;
	s7 =	simm.s32 $0x4C00  }
0x2a7: {  	[tilespmem:s7], [sflag:$0x2] =	stream.linear.gather [hbm4b:s5+s3], $0x100, $0x38;
	[tilespmem:$0x16200] =	vst v63  }
0x2a8: {  	s7 =	spop (v2sf)  }
0x2a9: {  	s5 =	sand.u32 $0x1FFFFF80, s7  }
0x2aa: {  	s7 =	simm.s32 $0x4D00;
	s5 =	sadd.s32 s1, s5  }
0x2ab: {  	[tilespmem:s7], [sflag:$0x2] =	stream.linear.gather [hbm4b:s5+s3], $0x400, $0x38;
	[tilespmem:$0x16200] =	vst v63  }
0x2ac: {  	s5 =	sadd.s32 $0xF4280, s5;
	s7 =	simm.s32 $0x5100  }
0x2ad: {  	[tilespmem:s7], [sflag:$0x2] =	stream.linear.gather [hbm4b:s5+s3], $0x100, $0x38;
	[tilespmem:$0x16200] =	vst v63  }
.LBB2_4:
0x2ae: {  	_ =	swait.ge [sflag:s30], $0x500  }
0x2af: {  	[sflag:s30] =	ssyncset.done $0x0  }
0x2b0: {  	[sflag:s30] =	ssyncadd.s32 $0xFFFFFB00  }
0x2b1: {  	_ =	swait.ge [sflag:s30], $0x500  }
0x2b2: {  	[sflag:s30] =	ssyncset.done $0x0  }
0x2b3: {  	[sflag:s30] =	ssyncadd.s32 $0xFFFFFB00  }
0x2b4: {  	_ =	swait.ge [sflag:s30], $0x500  }
0x2b5: {  	[sflag:s30] =	ssyncset.done $0x0  }
0x2b6: {  	[sflag:s30] =	ssyncadd.s32 $0xFFFFFB00  }
0x2b7: {  	_ =	swait.ge [sflag:s30], $0x500  }
0x2b8: {  	[sflag:s30] =	ssyncset.done $0x0  }
0x2b9: {  	[sflag:s30] =	ssyncadd.s32 $0xFFFFFB00  }
0x2ba: {  	_ =	swait.ge [sflag:s30], $0x500  }
0x2bb: {  	[sflag:s30] =	ssyncset.done $0x0  }
0x2bc: {  	[sflag:s30] =	ssyncadd.s32 $0xFFFFFB00  }
0x2bd: {  	_ =	swait.ge [sflag:s30], $0x500  }
0x2be: {  	[sflag:s30] =	ssyncset.done $0x0  }
0x2bf: {  	[sflag:s30] =	ssyncadd.s32 $0xFFFFFB00  }
0x2c0: {  	_ =	swait.ge [sflag:s30], $0x500  }
0x2c1: {  	[sflag:s30] =	ssyncset.done $0x0  }
0x2c2: {  	[sflag:s30] =	ssyncadd.s32 $0xFFFFFB00  }
0x2c3: {  	_ =	swait.ge [sflag:s30], $0x500  }
0x2c4: {  	[sflag:s30] =	ssyncset.done $0x0  }
0x2c5: {  	[sflag:s30] =	ssyncadd.s32 $0xFFFFFB00  }
0x2c6: {  	_ =	swait.ge [sflag:s30], $0x500  }
0x2c7: {  	[sflag:s30] =	ssyncset.done $0x0  }
0x2c8: {  	[sflag:s30] =	ssyncadd.s32 $0xFFFFFB00  }
0x2c9: {  	_ =	swait.ge [sflag:s30], $0x500  }
0x2ca: {  	[sflag:s30] =	ssyncset.done $0x0  }
0x2cb: {  	[sflag:s30] =	ssyncadd.s32 $0xFFFFFB00  }
0x2cc: {  	_ =	swait.ge [sflag:s30], $0x500  }
0x2cd: {  	[sflag:s30] =	ssyncset.done $0x0  }
0x2ce: {  	[sflag:s30] =	ssyncadd.s32 $0xFFFFFB00  }
0x2cf: {  	_ =	swait.ge [sflag:s30], $0x500  }
0x2d0: {  	[sflag:s30] =	ssyncset.done $0x0  }
0x2d1: {  	[sflag:s30] =	ssyncadd.s32 $0xFFFFFB00  }
0x2d2: {  	_ =	swait.ge [sflag:s30], $0x500  }
0x2d3: {  	[sflag:s30] =	ssyncset.done $0x0  }
0x2d4: {  	[sflag:s30] =	ssyncadd.s32 $0xFFFFFB00  }
0x2d5: {  	_ =	swait.ge [sflag:s30], $0x500  }
0x2d6: {  	[sflag:s30] =	ssyncset.done $0x0  }
0x2d7: {  	[sflag:s30] =	ssyncadd.s32 $0xFFFFFB00  }
0x2d8: {  	_ =	swait.ge [sflag:s30], $0x500  }
0x2d9: {  	[sflag:s30] =	ssyncset.done $0x0  }
0x2da: {  	[sflag:s30] =	ssyncadd.s32 $0xFFFFFB00  }
0x2db: {  	_ =	swait.ge [sflag:s30], $0x500  }
0x2dc: {  	[sflag:s30] =	ssyncset.done $0x0  }
0x2dd: {  	[sflag:s30] =	ssyncadd.s32 $0xFFFFFB00  }
0x2de: {  	v41 =	vld [tilespmem:s2+$0xFFFFFFE0];
	_ =	sdelay $0x4  }
0x2df: {  	v41 =	vand.u32 $0x7F, v41  }
0x2e0: {  	v42 =	vor.u32 v11, v41  }
0x2e1: {  	s5 =	sadd.s32 $0x10, s4  }
0x2e2: {  	v43 =	vmov s5  }
0x2e3: {  	v44 =	vor.u32 s5, v0;
	v43 =	vshll.u32 v43, $0x3  }
0x2e4: {  	v44 =	vand.u32 $0x5F, v44;
	v45 =	vand.u32 $0xC00, v43  }
0x2e5: {  	v45 =	vor.u32 v44, v45;
	v42 =	vld.idx.msk [tilespmem:v42+s8+$0x0], $0xffff  }
0x2e6: {  	v46 =	vor.u32 v12, v41;
	_ =	sdelay $0x3  }
0x2e7: {  	[tilespmem:v45+s29+$0x0] =	vst.idx.msk $0xffff, v42  }
0x2e8: {  	v49 =	vor.u32 $0x80, v45;
	v42 =	vld.idx.msk [tilespmem:v46+s8+$0x0], $0xffff  }
0x2e9: {  	v47 =	vor.u32 v13, v41;
	_ =	sdelay $0x3  }
0x2ea: {  	[tilespmem:v49+s29+$0x0] =	vst.idx.msk $0xffff, v42  }
0x2eb: {  	v50 =	vor.u32 $0x100, v45;
	v42 =	vld.idx.msk [tilespmem:v47+s8+$0x0], $0xffff  }
0x2ec: {  	v51 =	vor.u32 v14, v41;
	_ =	sdelay $0x3  }
0x2ed: {  	[tilespmem:v50+s29+$0x0] =	vst.idx.msk $0xffff, v42  }
0x2ee: {  	v52 =	vor.u32 $0x180, v45;
	v42 =	vld.idx.msk [tilespmem:v51+s8+$0x0], $0xffff  }
0x2ef: {  	v53 =	vor.u32 v15, v41;
	_ =	sdelay $0x3  }
0x2f0: {  	[tilespmem:v52+s29+$0x0] =	vst.idx.msk $0xffff, v42  }
0x2f1: {  	v54 =	vor.u32 $0x200, v45;
	v42 =	vld.idx.msk [tilespmem:v53+s8+$0x0], $0xffff  }
0x2f2: {  	v55 =	vor.u32 v16, v41;
	_ =	sdelay $0x3  }
0x2f3: {  	v56 =	vor.u32 v43, v44;
	[tilespmem:v54+s29+$0x0] =	vst.idx.msk $0xffff, v42  }
0x2f4: {  	v44 =	vor.u32 $0x280, v56;
	v57 =	vld.idx.msk [tilespmem:v55+s8+$0x0], $0xffff  }
0x2f5: {  	v58 =	vor.u32 v17, v41;
	_ =	sdelay $0x3  }
0x2f6: {  	[tilespmem:v44+s29+$0x0] =	vst.idx.msk $0xffff, v57  }
0x2f7: {  	v59 =	vor.u32 $0x300, v45;
	v43 =	vld.idx.msk [tilespmem:v58+s8+$0x0], $0xffff  }
0x2f8: {  	v60 =	vor.u32 v18, v41;
	_ =	sdelay $0x3  }
0x2f9: {  	[tilespmem:v59+s29+$0x0] =	vst.idx.msk $0xffff, v43  }
0x2fa: {  	v42 =	vor.u32 $0x380, v56;
	v43 =	vld.idx.msk [tilespmem:v60+s8+$0x0], $0xffff  }
0x2fb: {  	v61 =	vor.u32 v19, v41;
	_ =	sdelay $0x3  }
0x2fc: {  	[tilespmem:v42+s29+$0x0] =	vst.idx.msk $0xffff, v43  }
0x2fd: {  	v62 =	vor.u32 $0x1000, v45;
	v42 =	vld.idx.msk [tilespmem:v61+s8+$0x0], $0xffff  }
0x2fe: {  	v41 =	vor.u32 v20, v41;
	_ =	sdelay $0x3  }
0x2ff: {  	[tilespmem:v62+s29+$0x0] =	vst.idx.msk $0xffff, v42  }
0x300: {  	v63 =	vor.u32 $0x1080, v45;
	v41 =	vld.idx.msk [tilespmem:v41+s8+$0x0], $0xffff  }
.Ltmp5:
0x301: {  	_ = 	snop;
	(pc) =	sbr.rel @p0 .LBB2_6-.Ltmp5, $2  }
0x302: {  	_ =	sdelay $0x2  }
0x303: {  	[tilespmem:v63+s29+$0x0] =	vst.idx.msk $0xffff, v41  }
0x304: {  	v41 =	vld [tilespmem:s2+$0x20];
	_ =	sdelay $0x4  }
0x305: {  	v41 =	vshrl.u32 v41, $0x7  }
0x306: {  	v41 =	vshll.u32 v41, $0x7  }
0x307: {  	(v2sf) =	vpush v41, $0x0;
	_ =	sdelay $0x5  }
0x308: {  	(v2sf) =	vpush v41, $0x1;
	_ =	sdelay $0x5  }
0x309: {  	(v2sf) =	vpush v41, $0x2;
	_ =	sdelay $0x2  }
0x30a: {  	s5 =	spop (v2sf)  }
0x30b: {  	s5 =	sand.u32 $0x1FFFFF80, s5  }
0x30c: {  	s7 =	simm.s32 $0x5200;
	s5 =	sadd.s32 s1, s5  }
0x30d: {  	(v2sf) =	vpush v41, $0x3;
	[tilespmem:s7], [sflag:$0x3] =	stream.linear.gather [hbm4b:s5+s3], $0x400, $0x38;
	[tilespmem:$0x16200] =	vst v63  }
0x30e: {  	s5 =	sadd.s32 $0xF4280, s5;
	s7 =	simm.s32 $0x5600  }
0x30f: {  	[tilespmem:s7], [sflag:$0x3] =	stream.linear.gather [hbm4b:s5+s3], $0x100, $0x38;
	[tilespmem:$0x16200] =	vst v63  }
0x310: {  	s7 =	spop (v2sf)  }
0x311: {  	s5 =	sand.u32 $0x1FFFFF80, s7  }
0x312: {  	s7 =	simm.s32 $0x5700;
	s5 =	sadd.s32 s1, s5  }
0x313: {  	(v2sf) =	vpush v41, $0x4;
	[tilespmem:s7], [sflag:$0x3] =	stream.linear.gather [hbm4b:s5+s3], $0x400, $0x38;
	[tilespmem:$0x16200] =	vst v63  }
0x314: {  	s5 =	sadd.s32 $0xF4280, s5;
	s7 =	simm.s32 $0x5B00  }
0x315: {  	[tilespmem:s7], [sflag:$0x3] =	stream.linear.gather [hbm4b:s5+s3], $0x100, $0x38;
	[tilespmem:$0x16200] =	vst v63  }
0x316: {  	s7 =	spop (v2sf)  }
0x317: {  	s5 =	sand.u32 $0x1FFFFF80, s7  }
0x318: {  	s7 =	simm.s32 $0x5C00;
	s5 =	sadd.s32 s1, s5  }
0x319: {  	(v2sf) =	vpush v41, $0x5;
	[tilespmem:s7], [sflag:$0x3] =	stream.linear.gather [hbm4b:s5+s3], $0x400, $0x38;
	[tilespmem:$0x16200] =	vst v63  }
0x31a: {  	s5 =	sadd.s32 $0xF4280, s5;
	s7 =	simm.s32 $0x6000  }
0x31b: {  	[tilespmem:s7], [sflag:$0x3] =	stream.linear.gather [hbm4b:s5+s3], $0x100, $0x38;
	[tilespmem:$0x16200] =	vst v63  }
0x31c: {  	s7 =	spop (v2sf)  }
0x31d: {  	s5 =	sand.u32 $0x1FFFFF80, s7  }
0x31e: {  	s7 =	simm.s32 $0x6100;
	s5 =	sadd.s32 s1, s5  }
0x31f: {  	(v2sf) =	vpush v41, $0x6;
	[tilespmem:s7], [sflag:$0x3] =	stream.linear.gather [hbm4b:s5+s3], $0x400, $0x38;
	[tilespmem:$0x16200] =	vst v63  }
0x320: {  	s5 =	sadd.s32 $0xF4280, s5;
	s7 =	simm.s32 $0x6500  }
0x321: {  	[tilespmem:s7], [sflag:$0x3] =	stream.linear.gather [hbm4b:s5+s3], $0x100, $0x38;
	[tilespmem:$0x16200] =	vst v63  }
0x322: {  	s7 =	spop (v2sf)  }
0x323: {  	s5 =	sand.u32 $0x1FFFFF80, s7  }
0x324: {  	s7 =	simm.s32 $0x6600;
	s5 =	sadd.s32 s1, s5  }
0x325: {  	(v2sf) =	vpush v41, $0x7;
	[tilespmem:s7], [sflag:$0x3] =	stream.linear.gather [hbm4b:s5+s3], $0x400, $0x38;
	[tilespmem:$0x16200] =	vst v63  }
0x326: {  	s5 =	sadd.s32 $0xF4280, s5;
	s7 =	simm.s32 $0x6A00  }
0x327: {  	[tilespmem:s7], [sflag:$0x3] =	stream.linear.gather [hbm4b:s5+s3], $0x100, $0x38;
	[tilespmem:$0x16200] =	vst v63  }
0x328: {  	s7 =	spop (v2sf)  }
0x329: {  	s5 =	sand.u32 $0x1FFFFF80, s7  }
0x32a: {  	s7 =	simm.s32 $0x6B00;
	s5 =	sadd.s32 s1, s5  }
0x32b: {  	(v2sf) =	vpush v41, $0x8;
	[tilespmem:s7], [sflag:$0x3] =	stream.linear.gather [hbm4b:s5+s3], $0x400, $0x38;
	[tilespmem:$0x16200] =	vst v63  }
0x32c: {  	s5 =	sadd.s32 $0xF4280, s5;
	s7 =	simm.s32 $0x6F00  }
0x32d: {  	[tilespmem:s7], [sflag:$0x3] =	stream.linear.gather [hbm4b:s5+s3], $0x100, $0x38;
	[tilespmem:$0x16200] =	vst v63  }
0x32e: {  	s7 =	spop (v2sf)  }
0x32f: {  	s5 =	sand.u32 $0x1FFFFF80, s7  }
0x330: {  	s7 =	simm.s32 $0x7000;
	s5 =	sadd.s32 s1, s5  }
0x331: {  	(v2sf) =	vpush v41, $0x9;
	[tilespmem:s7], [sflag:$0x3] =	stream.linear.gather [hbm4b:s5+s3], $0x400, $0x38;
	[tilespmem:$0x16200] =	vst v63  }
0x332: {  	s5 =	sadd.s32 $0xF4280, s5;
	s7 =	simm.s32 $0x7400  }
0x333: {  	[tilespmem:s7], [sflag:$0x3] =	stream.linear.gather [hbm4b:s5+s3], $0x100, $0x38;
	[tilespmem:$0x16200] =	vst v63  }
0x334: {  	s7 =	spop (v2sf)  }
0x335: {  	s5 =	sand.u32 $0x1FFFFF80, s7  }
0x336: {  	s7 =	simm.s32 $0x7500;
	s5 =	sadd.s32 s1, s5  }
0x337: {  	(v2sf) =	vpush v41, $0xA;
	[tilespmem:s7], [sflag:$0x3] =	stream.linear.gather [hbm4b:s5+s3], $0x400, $0x38;
	[tilespmem:$0x16200] =	vst v63  }
0x338: {  	s5 =	sadd.s32 $0xF4280, s5;
	s7 =	simm.s32 $0x7900  }
0x339: {  	[tilespmem:s7], [sflag:$0x3] =	stream.linear.gather [hbm4b:s5+s3], $0x100, $0x38;
	[tilespmem:$0x16200] =	vst v63  }
0x33a: {  	s7 =	spop (v2sf)  }
0x33b: {  	s5 =	sand.u32 $0x1FFFFF80, s7  }
0x33c: {  	s7 =	simm.s32 $0x7A00;
	s5 =	sadd.s32 s1, s5  }
0x33d: {  	(v2sf) =	vpush v41, $0xB;
	[tilespmem:s7], [sflag:$0x3] =	stream.linear.gather [hbm4b:s5+s3], $0x400, $0x38;
	[tilespmem:$0x16200] =	vst v63  }
0x33e: {  	s5 =	sadd.s32 $0xF4280, s5;
	s7 =	simm.s32 $0x7E00  }
0x33f: {  	[tilespmem:s7], [sflag:$0x3] =	stream.linear.gather [hbm4b:s5+s3], $0x100, $0x38;
	[tilespmem:$0x16200] =	vst v63  }
0x340: {  	s7 =	spop (v2sf)  }
0x341: {  	s5 =	sand.u32 $0x1FFFFF80, s7  }
0x342: {  	s7 =	simm.s32 $0x7F00;
	s5 =	sadd.s32 s1, s5  }
0x343: {  	(v2sf) =	vpush v41, $0xC;
	[tilespmem:s7], [sflag:$0x3] =	stream.linear.gather [hbm4b:s5+s3], $0x400, $0x38;
	[tilespmem:$0x16200] =	vst v63  }
0x344: {  	s5 =	sadd.s32 $0xF4280, s5;
	s7 =	simm.s32 $0x8300  }
0x345: {  	[tilespmem:s7], [sflag:$0x3] =	stream.linear.gather [hbm4b:s5+s3], $0x100, $0x38;
	[tilespmem:$0x16200] =	vst v63  }
0x346: {  	s7 =	spop (v2sf)  }
0x347: {  	s5 =	sand.u32 $0x1FFFFF80, s7  }
0x348: {  	s7 =	simm.s32 $0x8400;
	s5 =	sadd.s32 s1, s5  }
0x349: {  	(v2sf) =	vpush v41, $0xD;
	[tilespmem:s7], [sflag:$0x3] =	stream.linear.gather [hbm4b:s5+s3], $0x400, $0x38;
	[tilespmem:$0x16200] =	vst v63  }
0x34a: {  	s5 =	sadd.s32 $0xF4280, s5;
	s7 =	simm.s32 $0x8800  }
0x34b: {  	[tilespmem:s7], [sflag:$0x3] =	stream.linear.gather [hbm4b:s5+s3], $0x100, $0x38;
	[tilespmem:$0x16200] =	vst v63  }
0x34c: {  	s7 =	spop (v2sf)  }
0x34d: {  	s5 =	sand.u32 $0x1FFFFF80, s7  }
0x34e: {  	s7 =	simm.s32 $0x8900;
	s5 =	sadd.s32 s1, s5  }
0x34f: {  	(v2sf) =	vpush v41, $0xE;
	[tilespmem:s7], [sflag:$0x3] =	stream.linear.gather [hbm4b:s5+s3], $0x400, $0x38;
	[tilespmem:$0x16200] =	vst v63  }
0x350: {  	s5 =	sadd.s32 $0xF4280, s5;
	s7 =	simm.s32 $0x8D00  }
0x351: {  	[tilespmem:s7], [sflag:$0x3] =	stream.linear.gather [hbm4b:s5+s3], $0x100, $0x38;
	[tilespmem:$0x16200] =	vst v63  }
0x352: {  	s7 =	spop (v2sf)  }
0x353: {  	s5 =	sand.u32 $0x1FFFFF80, s7  }
0x354: {  	s7 =	simm.s32 $0x8E00;
	s5 =	sadd.s32 s1, s5  }
0x355: {  	(v2sf) =	vpush v41, $0xF;
	[tilespmem:s7], [sflag:$0x3] =	stream.linear.gather [hbm4b:s5+s3], $0x400, $0x38;
	[tilespmem:$0x16200] =	vst v63  }
0x356: {  	s5 =	sadd.s32 $0xF4280, s5;
	s7 =	simm.s32 $0x9200  }
0x357: {  	[tilespmem:s7], [sflag:$0x3] =	stream.linear.gather [hbm4b:s5+s3], $0x100, $0x38;
	[tilespmem:$0x16200] =	vst v63  }
0x358: {  	s7 =	spop (v2sf)  }
0x359: {  	s5 =	sand.u32 $0x1FFFFF80, s7  }
0x35a: {  	s7 =	simm.s32 $0x9300;
	s5 =	sadd.s32 s1, s5  }
0x35b: {  	[tilespmem:s7], [sflag:$0x3] =	stream.linear.gather [hbm4b:s5+s3], $0x400, $0x38;
	[tilespmem:$0x16200] =	vst v63  }
0x35c: {  	s5 =	sadd.s32 $0xF4280, s5;
	s7 =	simm.s32 $0x9700  }
0x35d: {  	[tilespmem:s7], [sflag:$0x3] =	stream.linear.gather [hbm4b:s5+s3], $0x100, $0x38;
	[tilespmem:$0x16200] =	vst v63  }
0x35e: {  	s7 =	spop (v2sf)  }
0x35f: {  	s5 =	sand.u32 $0x1FFFFF80, s7  }
0x360: {  	s7 =	simm.s32 $0x9800;
	s5 =	sadd.s32 s1, s5  }
0x361: {  	[tilespmem:s7], [sflag:$0x3] =	stream.linear.gather [hbm4b:s5+s3], $0x400, $0x38;
	[tilespmem:$0x16200] =	vst v63  }
0x362: {  	s5 =	sadd.s32 $0xF4280, s5;
	s7 =	simm.s32 $0x9C00  }
0x363: {  	[tilespmem:s7], [sflag:$0x3] =	stream.linear.gather [hbm4b:s5+s3], $0x100, $0x38;
	[tilespmem:$0x16200] =	vst v63  }
0x364: {  	s7 =	spop (v2sf)  }
0x365: {  	s5 =	sand.u32 $0x1FFFFF80, s7  }
0x366: {  	s7 =	simm.s32 $0x9D00;
	s5 =	sadd.s32 s1, s5  }
0x367: {  	[tilespmem:s7], [sflag:$0x3] =	stream.linear.gather [hbm4b:s5+s3], $0x400, $0x38;
	[tilespmem:$0x16200] =	vst v63  }
0x368: {  	s5 =	sadd.s32 $0xF4280, s5;
	s7 =	simm.s32 $0xA100  }
0x369: {  	[tilespmem:s7], [sflag:$0x3] =	stream.linear.gather [hbm4b:s5+s3], $0x100, $0x38;
	[tilespmem:$0x16200] =	vst v63  }
.LBB2_6:
0x36a: {  	_ =	swait.ge [sflag:s31], $0x500  }
0x36b: {  	[sflag:s31] =	ssyncset.done $0x0  }
0x36c: {  	[sflag:s31] =	ssyncadd.s32 $0xFFFFFB00  }
0x36d: {  	_ =	swait.ge [sflag:s31], $0x500  }
0x36e: {  	[sflag:s31] =	ssyncset.done $0x0  }
0x36f: {  	[sflag:s31] =	ssyncadd.s32 $0xFFFFFB00  }
0x370: {  	_ =	swait.ge [sflag:s31], $0x500  }
0x371: {  	[sflag:s31] =	ssyncset.done $0x0  }
0x372: {  	[sflag:s31] =	ssyncadd.s32 $0xFFFFFB00  }
0x373: {  	_ =	swait.ge [sflag:s31], $0x500  }
0x374: {  	[sflag:s31] =	ssyncset.done $0x0  }
0x375: {  	[sflag:s31] =	ssyncadd.s32 $0xFFFFFB00  }
0x376: {  	_ =	swait.ge [sflag:s31], $0x500  }
0x377: {  	[sflag:s31] =	ssyncset.done $0x0  }
0x378: {  	[sflag:s31] =	ssyncadd.s32 $0xFFFFFB00  }
0x379: {  	_ =	swait.ge [sflag:s31], $0x500  }
0x37a: {  	[sflag:s31] =	ssyncset.done $0x0  }
0x37b: {  	[sflag:s31] =	ssyncadd.s32 $0xFFFFFB00  }
0x37c: {  	_ =	swait.ge [sflag:s31], $0x500  }
0x37d: {  	[sflag:s31] =	ssyncset.done $0x0  }
0x37e: {  	[sflag:s31] =	ssyncadd.s32 $0xFFFFFB00  }
0x37f: {  	_ =	swait.ge [sflag:s31], $0x500  }
0x380: {  	[sflag:s31] =	ssyncset.done $0x0  }
0x381: {  	[sflag:s31] =	ssyncadd.s32 $0xFFFFFB00  }
0x382: {  	_ =	swait.ge [sflag:s31], $0x500  }
0x383: {  	[sflag:s31] =	ssyncset.done $0x0  }
0x384: {  	[sflag:s31] =	ssyncadd.s32 $0xFFFFFB00  }
0x385: {  	_ =	swait.ge [sflag:s31], $0x500  }
0x386: {  	[sflag:s31] =	ssyncset.done $0x0  }
0x387: {  	[sflag:s31] =	ssyncadd.s32 $0xFFFFFB00  }
0x388: {  	_ =	swait.ge [sflag:s31], $0x500  }
0x389: {  	[sflag:s31] =	ssyncset.done $0x0  }
0x38a: {  	[sflag:s31] =	ssyncadd.s32 $0xFFFFFB00  }
0x38b: {  	_ =	swait.ge [sflag:s31], $0x500  }
0x38c: {  	[sflag:s31] =	ssyncset.done $0x0  }
0x38d: {  	[sflag:s31] =	ssyncadd.s32 $0xFFFFFB00  }
0x38e: {  	_ =	swait.ge [sflag:s31], $0x500  }
0x38f: {  	[sflag:s31] =	ssyncset.done $0x0  }
0x390: {  	[sflag:s31] =	ssyncadd.s32 $0xFFFFFB00  }
0x391: {  	_ =	swait.ge [sflag:s31], $0x500  }
0x392: {  	[sflag:s31] =	ssyncset.done $0x0  }
0x393: {  	[sflag:s31] =	ssyncadd.s32 $0xFFFFFB00  }
0x394: {  	_ =	swait.ge [sflag:s31], $0x500  }
0x395: {  	[sflag:s31] =	ssyncset.done $0x0  }
0x396: {  	[sflag:s31] =	ssyncadd.s32 $0xFFFFFB00  }
0x397: {  	_ =	swait.ge [sflag:s31], $0x500  }
0x398: {  	[sflag:s31] =	ssyncset.done $0x0  }
0x399: {  	[sflag:s31] =	ssyncadd.s32 $0xFFFFFB00  }
0x39a: {  	v41 =	vld [tilespmem:s2+$0xFFFFFFF0];
	_ =	sdelay $0x4  }
0x39b: {  	v41 =	vand.u32 $0x7F, v41  }
0x39c: {  	v42 =	vor.u32 v21, v41  }
0x39d: {  	s5 =	sadd.s32 $0x20, s4  }
0x39e: {  	v43 =	vmov s5  }
0x39f: {  	v44 =	vor.u32 s5, v0;
	v43 =	vshll.u32 v43, $0x3  }
0x3a0: {  	v44 =	vand.u32 $0x6F, v44;
	v45 =	vand.u32 $0xC00, v43  }
0x3a1: {  	v45 =	vor.u32 v44, v45;
	v42 =	vld.idx.msk [tilespmem:v42+s8+$0x0], $0xffff  }
0x3a2: {  	v46 =	vor.u32 v22, v41;
	_ =	sdelay $0x3  }
0x3a3: {  	[tilespmem:v45+s29+$0x0] =	vst.idx.msk $0xffff, v42  }
0x3a4: {  	v49 =	vor.u32 $0x80, v45;
	v42 =	vld.idx.msk [tilespmem:v46+s8+$0x0], $0xffff  }
0x3a5: {  	v47 =	vor.u32 v23, v41;
	_ =	sdelay $0x3  }
0x3a6: {  	[tilespmem:v49+s29+$0x0] =	vst.idx.msk $0xffff, v42  }
0x3a7: {  	v50 =	vor.u32 $0x100, v45;
	v42 =	vld.idx.msk [tilespmem:v47+s8+$0x0], $0xffff  }
0x3a8: {  	v51 =	vor.u32 v24, v41;
	_ =	sdelay $0x3  }
0x3a9: {  	[tilespmem:v50+s29+$0x0] =	vst.idx.msk $0xffff, v42  }
0x3aa: {  	v52 =	vor.u32 $0x180, v45;
	v42 =	vld.idx.msk [tilespmem:v51+s8+$0x0], $0xffff  }
0x3ab: {  	v53 =	vor.u32 v25, v41;
	_ =	sdelay $0x3  }
0x3ac: {  	[tilespmem:v52+s29+$0x0] =	vst.idx.msk $0xffff, v42  }
0x3ad: {  	v54 =	vor.u32 $0x200, v45;
	v42 =	vld.idx.msk [tilespmem:v53+s8+$0x0], $0xffff  }
0x3ae: {  	v55 =	vor.u32 v26, v41;
	_ =	sdelay $0x3  }
0x3af: {  	[tilespmem:v54+s29+$0x0] =	vst.idx.msk $0xffff, v42  }
0x3b0: {  	v56 =	vor.u32 $0x280, v45;
	v42 =	vld.idx.msk [tilespmem:v55+s8+$0x0], $0xffff  }
0x3b1: {  	v57 =	vor.u32 v27, v41;
	_ =	sdelay $0x3  }
0x3b2: {  	v58 =	vor.u32 v43, v44;
	[tilespmem:v56+s29+$0x0] =	vst.idx.msk $0xffff, v42  }
0x3b3: {  	v44 =	vor.u32 $0x300, v58;
	v59 =	vld.idx.msk [tilespmem:v57+s8+$0x0], $0xffff  }
0x3b4: {  	v60 =	vor.u32 v28, v41;
	_ =	sdelay $0x3  }
0x3b5: {  	[tilespmem:v44+s29+$0x0] =	vst.idx.msk $0xffff, v59  }
0x3b6: {  	v42 =	vor.u32 $0x380, v58;
	v43 =	vld.idx.msk [tilespmem:v60+s8+$0x0], $0xffff  }
0x3b7: {  	v61 =	vor.u32 v29, v41;
	_ =	sdelay $0x3  }
0x3b8: {  	[tilespmem:v42+s29+$0x0] =	vst.idx.msk $0xffff, v43  }
0x3b9: {  	v62 =	vor.u32 $0x1000, v45;
	v42 =	vld.idx.msk [tilespmem:v61+s8+$0x0], $0xffff  }
0x3ba: {  	v41 =	vor.u32 v30, v41;
	_ =	sdelay $0x3  }
0x3bb: {  	[tilespmem:v62+s29+$0x0] =	vst.idx.msk $0xffff, v42  }
0x3bc: {  	v63 =	vor.u32 $0x1080, v45;
	v41 =	vld.idx.msk [tilespmem:v41+s8+$0x0], $0xffff  }
.Ltmp6:
0x3bd: {  	_ = 	snop;
	(pc) =	sbr.rel @p0 .LBB2_8-.Ltmp6, $2  }
0x3be: {  	_ =	sdelay $0x2  }
0x3bf: {  	[tilespmem:v63+s29+$0x0] =	vst.idx.msk $0xffff, v41  }
0x3c0: {  	v41 =	vld [tilespmem:s2+$0x30];
	_ =	sdelay $0x4  }
0x3c1: {  	v41 =	vshrl.u32 v41, $0x7  }
0x3c2: {  	v41 =	vshll.u32 v41, $0x7  }
0x3c3: {  	(v2sf) =	vpush v41, $0x0;
	_ =	sdelay $0x5  }
0x3c4: {  	(v2sf) =	vpush v41, $0x1;
	_ =	sdelay $0x5  }
0x3c5: {  	(v2sf) =	vpush v41, $0x2;
	_ =	sdelay $0x2  }
0x3c6: {  	s5 =	spop (v2sf)  }
0x3c7: {  	s5 =	sand.u32 $0x1FFFFF80, s5  }
0x3c8: {  	s7 =	simm.s32 $0xA200;
	s5 =	sadd.s32 s1, s5  }
0x3c9: {  	(v2sf) =	vpush v41, $0x3;
	[tilespmem:s7], [sflag:$0x4] =	stream.linear.gather [hbm4b:s5+s3], $0x400, $0x38;
	[tilespmem:$0x16200] =	vst v63  }
0x3ca: {  	s5 =	sadd.s32 $0xF4280, s5;
	s7 =	simm.s32 $0xA600  }
0x3cb: {  	[tilespmem:s7], [sflag:$0x4] =	stream.linear.gather [hbm4b:s5+s3], $0x100, $0x38;
	[tilespmem:$0x16200] =	vst v63  }
0x3cc: {  	s7 =	spop (v2sf)  }
0x3cd: {  	s5 =	sand.u32 $0x1FFFFF80, s7  }
0x3ce: {  	s7 =	simm.s32 $0xA700;
	s5 =	sadd.s32 s1, s5  }
0x3cf: {  	(v2sf) =	vpush v41, $0x4;
	[tilespmem:s7], [sflag:$0x4] =	stream.linear.gather [hbm4b:s5+s3], $0x400, $0x38;
	[tilespmem:$0x16200] =	vst v63  }
0x3d0: {  	s5 =	sadd.s32 $0xF4280, s5;
	s7 =	simm.s32 $0xAB00  }
0x3d1: {  	[tilespmem:s7], [sflag:$0x4] =	stream.linear.gather [hbm4b:s5+s3], $0x100, $0x38;
	[tilespmem:$0x16200] =	vst v63  }
0x3d2: {  	s7 =	spop (v2sf)  }
0x3d3: {  	s5 =	sand.u32 $0x1FFFFF80, s7  }
0x3d4: {  	s7 =	simm.s32 $0xAC00;
	s5 =	sadd.s32 s1, s5  }
0x3d5: {  	(v2sf) =	vpush v41, $0x5;
	[tilespmem:s7], [sflag:$0x4] =	stream.linear.gather [hbm4b:s5+s3], $0x400, $0x38;
	[tilespmem:$0x16200] =	vst v63  }
0x3d6: {  	s5 =	sadd.s32 $0xF4280, s5;
	s7 =	simm.s32 $0xB000  }
0x3d7: {  	[tilespmem:s7], [sflag:$0x4] =	stream.linear.gather [hbm4b:s5+s3], $0x100, $0x38;
	[tilespmem:$0x16200] =	vst v63  }
0x3d8: {  	s7 =	spop (v2sf)  }
0x3d9: {  	s5 =	sand.u32 $0x1FFFFF80, s7  }
0x3da: {  	s7 =	simm.s32 $0xB100;
	s5 =	sadd.s32 s1, s5  }
0x3db: {  	(v2sf) =	vpush v41, $0x6;
	[tilespmem:s7], [sflag:$0x4] =	stream.linear.gather [hbm4b:s5+s3], $0x400, $0x38;
	[tilespmem:$0x16200] =	vst v63  }
0x3dc: {  	s5 =	sadd.s32 $0xF4280, s5;
	s7 =	simm.s32 $0xB500  }
0x3dd: {  	[tilespmem:s7], [sflag:$0x4] =	stream.linear.gather [hbm4b:s5+s3], $0x100, $0x38;
	[tilespmem:$0x16200] =	vst v63  }
0x3de: {  	s7 =	spop (v2sf)  }
0x3df: {  	s5 =	sand.u32 $0x1FFFFF80, s7  }
0x3e0: {  	s7 =	simm.s32 $0xB600;
	s5 =	sadd.s32 s1, s5  }
0x3e1: {  	(v2sf) =	vpush v41, $0x7;
	[tilespmem:s7], [sflag:$0x4] =	stream.linear.gather [hbm4b:s5+s3], $0x400, $0x38;
	[tilespmem:$0x16200] =	vst v63  }
0x3e2: {  	s5 =	sadd.s32 $0xF4280, s5;
	s7 =	simm.s32 $0xBA00  }
0x3e3: {  	[tilespmem:s7], [sflag:$0x4] =	stream.linear.gather [hbm4b:s5+s3], $0x100, $0x38;
	[tilespmem:$0x16200] =	vst v63  }
0x3e4: {  	s7 =	spop (v2sf)  }
0x3e5: {  	s5 =	sand.u32 $0x1FFFFF80, s7  }
0x3e6: {  	s7 =	simm.s32 $0xBB00;
	s5 =	sadd.s32 s1, s5  }
0x3e7: {  	(v2sf) =	vpush v41, $0x8;
	[tilespmem:s7], [sflag:$0x4] =	stream.linear.gather [hbm4b:s5+s3], $0x400, $0x38;
	[tilespmem:$0x16200] =	vst v63  }
0x3e8: {  	s5 =	sadd.s32 $0xF4280, s5;
	s7 =	simm.s32 $0xBF00  }
0x3e9: {  	[tilespmem:s7], [sflag:$0x4] =	stream.linear.gather [hbm4b:s5+s3], $0x100, $0x38;
	[tilespmem:$0x16200] =	vst v63  }
0x3ea: {  	s7 =	spop (v2sf)  }
0x3eb: {  	s5 =	sand.u32 $0x1FFFFF80, s7  }
0x3ec: {  	s7 =	simm.s32 $0xC000;
	s5 =	sadd.s32 s1, s5  }
0x3ed: {  	(v2sf) =	vpush v41, $0x9;
	[tilespmem:s7], [sflag:$0x4] =	stream.linear.gather [hbm4b:s5+s3], $0x400, $0x38;
	[tilespmem:$0x16200] =	vst v63  }
0x3ee: {  	s5 =	sadd.s32 $0xF4280, s5;
	s7 =	simm.s32 $0xC400  }
0x3ef: {  	[tilespmem:s7], [sflag:$0x4] =	stream.linear.gather [hbm4b:s5+s3], $0x100, $0x38;
	[tilespmem:$0x16200] =	vst v63  }
0x3f0: {  	s7 =	spop (v2sf)  }
0x3f1: {  	s5 =	sand.u32 $0x1FFFFF80, s7  }
0x3f2: {  	s7 =	simm.s32 $0xC500;
	s5 =	sadd.s32 s1, s5  }
0x3f3: {  	(v2sf) =	vpush v41, $0xA;
	[tilespmem:s7], [sflag:$0x4] =	stream.linear.gather [hbm4b:s5+s3], $0x400, $0x38;
	[tilespmem:$0x16200] =	vst v63  }
0x3f4: {  	s5 =	sadd.s32 $0xF4280, s5;
	s7 =	simm.s32 $0xC900  }
0x3f5: {  	[tilespmem:s7], [sflag:$0x4] =	stream.linear.gather [hbm4b:s5+s3], $0x100, $0x38;
	[tilespmem:$0x16200] =	vst v63  }
0x3f6: {  	s7 =	spop (v2sf)  }
0x3f7: {  	s5 =	sand.u32 $0x1FFFFF80, s7  }
0x3f8: {  	s7 =	simm.s32 $0xCA00;
	s5 =	sadd.s32 s1, s5  }
0x3f9: {  	(v2sf) =	vpush v41, $0xB;
	[tilespmem:s7], [sflag:$0x4] =	stream.linear.gather [hbm4b:s5+s3], $0x400, $0x38;
	[tilespmem:$0x16200] =	vst v63  }
0x3fa: {  	s5 =	sadd.s32 $0xF4280, s5;
	s7 =	simm.s32 $0xCE00  }
0x3fb: {  	[tilespmem:s7], [sflag:$0x4] =	stream.linear.gather [hbm4b:s5+s3], $0x100, $0x38;
	[tilespmem:$0x16200] =	vst v63  }
0x3fc: {  	s7 =	spop (v2sf)  }
0x3fd: {  	s5 =	sand.u32 $0x1FFFFF80, s7  }
0x3fe: {  	s7 =	simm.s32 $0xCF00;
	s5 =	sadd.s32 s1, s5  }
0x3ff: {  	(v2sf) =	vpush v41, $0xC;
	[tilespmem:s7], [sflag:$0x4] =	stream.linear.gather [hbm4b:s5+s3], $0x400, $0x38;
	[tilespmem:$0x16200] =	vst v63  }
0x400: {  	s5 =	sadd.s32 $0xF4280, s5;
	s7 =	simm.s32 $0xD300  }
0x401: {  	[tilespmem:s7], [sflag:$0x4] =	stream.linear.gather [hbm4b:s5+s3], $0x100, $0x38;
	[tilespmem:$0x16200] =	vst v63  }
0x402: {  	s7 =	spop (v2sf)  }
0x403: {  	s5 =	sand.u32 $0x1FFFFF80, s7  }
0x404: {  	s7 =	simm.s32 $0xD400;
	s5 =	sadd.s32 s1, s5  }
0x405: {  	(v2sf) =	vpush v41, $0xD;
	[tilespmem:s7], [sflag:$0x4] =	stream.linear.gather [hbm4b:s5+s3], $0x400, $0x38;
	[tilespmem:$0x16200] =	vst v63  }
0x406: {  	s5 =	sadd.s32 $0xF4280, s5;
	s7 =	simm.s32 $0xD800  }
0x407: {  	[tilespmem:s7], [sflag:$0x4] =	stream.linear.gather [hbm4b:s5+s3], $0x100, $0x38;
	[tilespmem:$0x16200] =	vst v63  }
0x408: {  	s7 =	spop (v2sf)  }
0x409: {  	s5 =	sand.u32 $0x1FFFFF80, s7  }
0x40a: {  	s7 =	simm.s32 $0xD900;
	s5 =	sadd.s32 s1, s5  }
0x40b: {  	(v2sf) =	vpush v41, $0xE;
	[tilespmem:s7], [sflag:$0x4] =	stream.linear.gather [hbm4b:s5+s3], $0x400, $0x38;
	[tilespmem:$0x16200] =	vst v63  }
0x40c: {  	s5 =	sadd.s32 $0xF4280, s5;
	s7 =	simm.s32 $0xDD00  }
0x40d: {  	[tilespmem:s7], [sflag:$0x4] =	stream.linear.gather [hbm4b:s5+s3], $0x100, $0x38;
	[tilespmem:$0x16200] =	vst v63  }
0x40e: {  	s7 =	spop (v2sf)  }
0x40f: {  	s5 =	sand.u32 $0x1FFFFF80, s7  }
0x410: {  	s7 =	simm.s32 $0xDE00;
	s5 =	sadd.s32 s1, s5  }
0x411: {  	(v2sf) =	vpush v41, $0xF;
	[tilespmem:s7], [sflag:$0x4] =	stream.linear.gather [hbm4b:s5+s3], $0x400, $0x38;
	[tilespmem:$0x16200] =	vst v63  }
0x412: {  	s5 =	sadd.s32 $0xF4280, s5;
	s7 =	simm.s32 $0xE200  }
0x413: {  	[tilespmem:s7], [sflag:$0x4] =	stream.linear.gather [hbm4b:s5+s3], $0x100, $0x38;
	[tilespmem:$0x16200] =	vst v63  }
0x414: {  	s7 =	spop (v2sf)  }
0x415: {  	s5 =	sand.u32 $0x1FFFFF80, s7  }
0x416: {  	s7 =	simm.s32 $0xE300;
	s5 =	sadd.s32 s1, s5  }
0x417: {  	[tilespmem:s7], [sflag:$0x4] =	stream.linear.gather [hbm4b:s5+s3], $0x400, $0x38;
	[tilespmem:$0x16200] =	vst v63  }
0x418: {  	s5 =	sadd.s32 $0xF4280, s5;
	s7 =	simm.s32 $0xE700  }
0x419: {  	[tilespmem:s7], [sflag:$0x4] =	stream.linear.gather [hbm4b:s5+s3], $0x100, $0x38;
	[tilespmem:$0x16200] =	vst v63  }
0x41a: {  	s7 =	spop (v2sf)  }
0x41b: {  	s5 =	sand.u32 $0x1FFFFF80, s7  }
0x41c: {  	s7 =	simm.s32 $0xE800;
	s5 =	sadd.s32 s1, s5  }
0x41d: {  	[tilespmem:s7], [sflag:$0x4] =	stream.linear.gather [hbm4b:s5+s3], $0x400, $0x38;
	[tilespmem:$0x16200] =	vst v63  }
0x41e: {  	s5 =	sadd.s32 $0xF4280, s5;
	s7 =	simm.s32 $0xEC00  }
0x41f: {  	[tilespmem:s7], [sflag:$0x4] =	stream.linear.gather [hbm4b:s5+s3], $0x100, $0x38;
	[tilespmem:$0x16200] =	vst v63  }
0x420: {  	s7 =	spop (v2sf)  }
.Ltmp7:
0x421: {  	s5 =	sand.u32 $0x1FFFFF80, s7;
	(pc) =	sbr.rel .LBB2_8-.Ltmp7, $4  }
0x422: {  	s7 =	simm.s32 $0xED00;
	s5 =	sadd.s32 s1, s5  }
0x423: {  	[tilespmem:s7], [sflag:$0x4] =	stream.linear.gather [hbm4b:s5+s3], $0x400, $0x38;
	[tilespmem:$0x16200] =	vst v63  }
0x424: {  	s5 =	sadd.s32 $0xF4280, s5;
	s7 =	simm.s32 $0xF100  }
0x425: {  	[tilespmem:s7], [sflag:$0x4] =	stream.linear.gather [hbm4b:s5+s3], $0x100, $0x38;
	[tilespmem:$0x16200] =	vst v63  }
.LBB2_10:
0x426: {  	_ =	sfence.sel $0x180000  }
0x427: {  	[bflag:$0x0] =	sbarrier.arrive $0xFFFF  }
0x428: {  	_ =	strace $0x90000047  }
0x429: {  	s0 =	stileid.u32;
	[bflag:$0x2] =	sbarrier.arrive $0xFFFF  }
0x42a: {  	p0 =	sne.s32 s0, $0x0;
	s0 =	rddreg [dreg:$0x3]  }
0x42b: {  	s0 =	sadd.s32 @!p0 $0x100000, s0  }
0x42c: {  	[sflag:s0] =	ssyncadd.tile.s32 @!p0 $0x1;
	_ =	shalt  }
.Lfunc_end2:
_tile_overlayer_lowered:
.L_overlay_start_2:
0x42d: {  	(tag) =	ssettag $0x2  }
0x42e: {  	s0 =	rddreg [dreg:$0x0];
	s2 =	stileid.u32  }
0x42f: {  	s1 =	rddreg [dreg:$0x1];
	p0 =	sne.s32 s2, $0x0  }
0x430: {  	s3 =	rddreg [dreg:$0x2];
	[bflag:$0x3] =	sbarrier.arrive $0xFFFF;
	s2 =	simm.s32 @!p0 $0x1C06  }
0x431: {  	[timem:s3], [sflag:s2] =	dma.local @!p0 [hbm:s0], s1  }
0x432: {  	s0 =	simm.s32 @!p0 $0x6  }
0x433: {  	_ =	swait.ge @!p0 [sflag:s0], s1  }
0x434: {  	s1 =	ssub.s32 @!p0 $0x0, s1;
	[sflag:s0] =	ssyncset.done @!p0 $0x0  }
0x435: {  	[sflag:s0] =	ssyncadd.s32 @!p0 s1  }
0x436: {  	[bflag:$0x3] =	sbarrier.arrive $0xFFFF  }
0x437: {  	_ =	shalt  }

</sc_bundles>
